<compile_context>
chip_gen: v7x
topology: tpu7x:2x2x1
jax: 0.10.2.dev20260603
libtpu: 0.0.44.dev20260713+nightly
codegen_flags: <defaults>
</compile_context>

<pallas_src>
import functools

import jax
import jax.numpy as jnp
from jax import lax
from jax.experimental import pallas as pl
from jax.experimental.pallas import tpu as pltpu, tpu_sc as plsc

B = 2048
X_SIZE = 128
H_SIZE = 128
OUT_SIZE = 128
NUM_EMB = 16
NC, NS, L = 2, 16, 16
NW = NC * NS
TPW = B // NW
CPW = TPW // L


def _worker_id():
    return 2 * lax.axis_index("s") + lax.axis_index("c")


def _count_body(idx_hbm, cnt_hbm, idx_v, cnt_v):
    b = _worker_id()
    lane = lax.broadcasted_iota(jnp.int32, (L,), 0)
    pltpu.sync_copy(idx_hbm.at[pl.ds(b * TPW, TPW)], idx_v)
    cnt = jnp.zeros((L,), jnp.int32)
    for ci in range(CPW):
        chunk = idx_v[pl.ds(ci * L, L)]
        for e in range(NUM_EMB):
            pc = plsc.all_reduce_population_count(chunk == e)
            cnt = cnt + jnp.where(lane == e, pc, 0)
    cnt_v[...] = cnt
    pltpu.sync_copy(cnt_v, cnt_hbm.at[b])


def _dispatch_body(idx_hbm, cnt_hbm, x_hbm, dst_hbm, offs_hbm, xs_hbm,
                   idx_v, cnt_all, scan_v, dst_v, offs_v, x_v, sem):
    b = _worker_id()
    base_tok = b * TPW
    lane = lax.broadcasted_iota(jnp.int32, (L,), 0)
    x_dma = pltpu.async_copy(x_hbm.at[pl.ds(base_tok, TPW)], x_v, sem)
    pltpu.sync_copy(idx_hbm.at[pl.ds(base_tok, TPW)], idx_v)
    pltpu.sync_copy(cnt_hbm, cnt_all)
    tot = jnp.zeros((L,), jnp.int32)
    pre = jnp.zeros((L,), jnp.int32)
    for bb in range(NW):
        row = cnt_all[bb]
        tot = tot + row
        pre = pre + jnp.where(bb < b, row, 0)
    incl = tot
    for k in (1, 2, 4, 8):
        scan_v[...] = incl
        sh = plsc.load_gather(scan_v, [jnp.abs(lane - k)])
        incl = incl + jnp.where(lane >= k, sh, 0)
    excl = incl - tot
    base = excl + pre
    offs_v[...] = excl
    pltpu.sync_copy(offs_v, offs_hbm)
    x_dma.wait()
    dmas = []
    for ci in range(CPW):
        chunk = idx_v[pl.ds(ci * L, L)]
        rank = jnp.zeros((L,), jnp.int32)
        for k in range(1, L):
            shifted = plsc.load_gather(
                idx_v, [jnp.abs(lane - k) + ci * L])
            rank = rank + jnp.where((lane >= k) & (shifted == chunk), 1, 0)
        scan_v[...] = base
        selb = plsc.load_gather(scan_v, [chunk])
        dst_c = selb + rank
        dst_v[pl.ds(ci * L, L)] = dst_c
        dmas.append(pltpu.async_copy(
            x_v.at[pl.ds(ci * L, L)], xs_hbm.at[dst_c], sem))
        for e in range(NUM_EMB):
            pc = plsc.all_reduce_population_count(chunk == e)
            base = base + jnp.where(lane == e, pc, 0)
    pltpu.sync_copy(dst_v, dst_hbm.at[pl.ds(base_tok, TPW)])
    for d in dmas:
        d.wait()


def _unsort_body(dst_hbm, ys_hbm, out_hbm, dst_v, y_v, sem):
    b = _worker_id()
    base_tok = b * TPW
    pltpu.sync_copy(dst_hbm.at[pl.ds(base_tok, TPW)], dst_v)
    pltpu.async_copy(ys_hbm.at[dst_v], y_v, sem).wait()
    pltpu.sync_copy(y_v, out_hbm.at[pl.ds(base_tok, TPW)])


@functools.cache
def _sc_kernels():
    mesh = plsc.VectorSubcoreMesh(core_axis_name="c", subcore_axis_name="s",
                                  num_cores=NC, num_subcores=NS)
    params = pltpu.CompilerParams(needs_layout_passes=False)
    count = pl.kernel(
        _count_body,
        out_type=jax.ShapeDtypeStruct((NW, NUM_EMB), jnp.int32),
        mesh=mesh,
        scratch_types=[pltpu.VMEM((TPW,), jnp.int32),
                       pltpu.VMEM((NUM_EMB,), jnp.int32)],
        compiler_params=params,
    )
    dispatch = pl.kernel(
        _dispatch_body,
        out_type=[
            jax.ShapeDtypeStruct((B,), jnp.int32),
            jax.ShapeDtypeStruct((NUM_EMB,), jnp.int32),
            jax.ShapeDtypeStruct((B, X_SIZE), jnp.float32),
        ],
        mesh=mesh,
        scratch_types=[
            pltpu.VMEM((TPW,), jnp.int32),
            pltpu.VMEM((NW, NUM_EMB), jnp.int32),
            pltpu.VMEM((NUM_EMB,), jnp.int32),
            pltpu.VMEM((TPW,), jnp.int32),
            pltpu.VMEM((NUM_EMB,), jnp.int32),
            pltpu.VMEM((TPW, X_SIZE), jnp.float32),
            pltpu.SemaphoreType.DMA,
        ],
        compiler_params=params,
    )
    unsort = pl.kernel(
        _unsort_body,
        out_type=jax.ShapeDtypeStruct((B, OUT_SIZE), jnp.float32),
        mesh=mesh,
        scratch_types=[
            pltpu.VMEM((TPW,), jnp.int32),
            pltpu.VMEM((TPW, OUT_SIZE), jnp.float32),
            pltpu.SemaphoreType.DMA,
        ],
        compiler_params=params,
    )
    return count, dispatch, unsort


def _tc_body2(offs_ref, xs_ref, dst_ref, w1_ref, b1_ref, w2_ref, b2_ref,
              out_ref, ys_ref):
    i = pl.program_id(0)
    nrows = B // NUM_EMB

    @pl.when(i < NUM_EMB)
    def _compute():
        _mlp_tile(i, offs_ref, xs_ref, w1_ref, b1_ref, w2_ref, b2_ref, ys_ref)

    @pl.when(i >= NUM_EMB)
    def _permute():
        dcol = jnp.transpose(dst_ref[0], (1, 0))
        cols = lax.broadcasted_iota(jnp.int32, (nrows, B), 1)
        p = (dcol == cols).astype(jnp.bfloat16)
        ysb = ys_ref[...].astype(jnp.bfloat16)
        out_ref[...] = lax.dot_general(
            p, ysb, (((1,), (0,)), ((), ())),
            preferred_element_type=jnp.float32)


def _mlp_tile(t, offs_ref, xs_ref, w1_ref, b1_ref, w2_ref, b2_ref, ys_ref):
    nrows = B // NUM_EMB
    row0 = t * nrows
    e_lo = jnp.int32(0)
    e_hi = jnp.int32(0)
    for i in range(NUM_EMB):
        o = offs_ref[i]
        e_lo += jnp.where(o <= row0, 1, 0)
        e_hi += jnp.where(o < row0 + nrows, 1, 0)
    e_lo -= 1
    e_hi -= 1
    xb = xs_ref[...].astype(jnp.bfloat16)
    ys_ref[pl.ds(row0, nrows), :] = jnp.zeros((nrows, OUT_SIZE), jnp.float32)
    rowid = lax.broadcasted_iota(jnp.int32, (nrows, 1), 0)

    def span(e, _):
        s = offs_ref[e]
        nxt = offs_ref[jnp.minimum(e + 1, NUM_EMB - 1)]
        end = jnp.where(e == NUM_EMB - 1, B, nxt)
        rmask = (rowid >= s - row0) & (rowid < end - row0)
        w1e = w1_ref[e].astype(jnp.bfloat16)
        h = lax.dot_general(xb, w1e, (((1,), (1,)), ((), ())),
                            preferred_element_type=jnp.float32)
        h = jnp.maximum(h + b1_ref[e], 0.0).astype(jnp.bfloat16)
        w2e = w2_ref[e].astype(jnp.bfloat16)
        y = lax.dot_general(h, w2e, (((1,), (1,)), ((), ())),
                            preferred_element_type=jnp.float32)
        y = y + b2_ref[e]
        ys_ref[pl.ds(row0, nrows), :] += jnp.where(rmask, y, 0.0)
        return 0

    lax.fori_loop(e_lo, e_hi + 1, span, 0)


def _tc_mlp(offs, xs, dst3, W1b, b1r, W2b, b2r):
    nrows = B // NUM_EMB
    return pl.pallas_call(
        _tc_body2,
        grid=(2 * NUM_EMB,),
        in_specs=[
            pl.BlockSpec(memory_space=pltpu.SMEM),
            pl.BlockSpec((nrows, X_SIZE),
                         lambda i: (jnp.minimum(i, NUM_EMB - 1), 0)),
            pl.BlockSpec((1, 1, nrows),
                         lambda i: (jnp.maximum(i - NUM_EMB, 0), 0, 0)),
            pl.BlockSpec((NUM_EMB, H_SIZE, X_SIZE), lambda i: (0, 0, 0)),
            pl.BlockSpec((NUM_EMB, 1, H_SIZE), lambda i: (0, 0, 0)),
            pl.BlockSpec((NUM_EMB, OUT_SIZE, H_SIZE), lambda i: (0, 0, 0)),
            pl.BlockSpec((NUM_EMB, 1, OUT_SIZE), lambda i: (0, 0, 0)),
        ],
        out_specs=pl.BlockSpec((nrows, OUT_SIZE),
                               lambda i: (jnp.maximum(i - NUM_EMB, 0), 0)),
        out_shape=jax.ShapeDtypeStruct((B, OUT_SIZE), jnp.float32),
        scratch_shapes=[pltpu.VMEM((B, OUT_SIZE), jnp.float32)],
    )(offs, xs, dst3, W1b, b1r, W2b, b2r)


@jax.jit
def _run(emb_idx, x, W1, b1, W2, b2):
    count, dispatch, unsort = _sc_kernels()
    del unsort
    cnt = count(emb_idx)
    dst, offs, xs = dispatch(emb_idx, cnt, x)
    return _tc_mlp(offs, xs, dst.reshape(NUM_EMB, 1, B // NUM_EMB),
                   W1, b1.reshape(NUM_EMB, 1, H_SIZE),
                   W2, b2.reshape(NUM_EMB, 1, OUT_SIZE))


def kernel(quant_fn, x, emb_idx, W1, b1, W2, b2):
    del quant_fn
    return _run(emb_idx, x, W1, b1, W2, b2)

# --- scband reference (transcript-rebuilt; emitter-appended) ---
"""Pipeline reference for scband-batch-decoder-25340307047174 (READ-ONLY COPY).

The authoritative reference and input builder live on the scoring server;
editing this copy changes nothing except your own understanding.
"""

import jax, jax.numpy as jnp
import numpy as np

B = 2048
X_SIZE = 128
H_SIZE = 128
OUT_SIZE = 128
NUM_EMB = 16
EMBED_DIM = X_SIZE * H_SIZE + H_SIZE + H_SIZE * OUT_SIZE + OUT_SIZE  # 33024


def setup_inputs(seed: int = 0) -> dict:
    key = jax.random.key(seed)
    ks = jax.random.split(key, 8)
    quant_fn = jax.random.normal(ks[0], (B, EMBED_DIM), dtype=jnp.float32)
    x = jax.random.normal(ks[1], (B, X_SIZE), dtype=jnp.float32)
    emb_idx = jax.random.randint(ks[2], (B,), 0, NUM_EMB, dtype=jnp.int32)
    # Learned per-expert MLP parameters (nn.Linear convention: weight [out, in])
    W1 = jax.random.normal(ks[3], (NUM_EMB, H_SIZE, X_SIZE), dtype=jnp.float32) * (1.0 / np.sqrt(X_SIZE))
    b1 = jnp.zeros((NUM_EMB, H_SIZE), dtype=jnp.float32)
    W2 = jax.random.normal(ks[4], (NUM_EMB, OUT_SIZE, H_SIZE), dtype=jnp.float32) * (1.0 / np.sqrt(H_SIZE))
    b2 = jnp.zeros((NUM_EMB, OUT_SIZE), dtype=jnp.float32)
    return {"quant_fn": quant_fn, "x": x, "emb_idx": emb_idx,
            "W1": W1, "b1": b1, "W2": W2, "b2": b2}


def reference(quant_fn, x, emb_idx, W1, b1, W2, b2):
    # Faithful translation. Note: in the original torch code the codebook-weight
    # injection loop rebinds a local variable `p` and therefore does NOT mutate the
    # expert networks' parameters; quant_fn has no effect on the output.
    # The effective computation is: result[i] = net[emb_idx[i]](x[i]) with each
    # net being Linear(x,h) -> ReLU -> Linear(h,out). The per-unique-expert
    # batching + concat + argsort-restore in the torch code is exactly equivalent
    # to this per-token formulation.
    _ = quant_fn  # unused, kept for faithfulness
    w1 = jnp.take(W1, emb_idx, axis=0)            # [B, H, X]
    bb1 = jnp.take(b1, emb_idx, axis=0)           # [B, H]
    h = jax.nn.relu(jnp.einsum('bi,bhi->bh', x, w1) + bb1)
    w2 = jnp.take(W2, emb_idx, axis=0)            # [B, O, H]
    bb2 = jnp.take(b2, emb_idx, axis=0)           # [B, O]
    out = jnp.einsum('bh,boh->bo', h, w2) + bb2   # [B, O]
    return out

if __name__ == "__main__":
    import jax
    _d = setup_inputs()
    print(jax.jit(kernel)(*tuple(_d.values())))

</pallas_src>

<mosaic_0001>
#map = affine_map<(d0, d1) -> (0)>
#map1 = affine_map<(d0, d1) -> (0, 0)>
module attributes {stable_mosaic.version = 14 : i64} {
  func.func @_count_body(%arg0: i32, %arg1: i32, %arg2: memref<2048xi32, #tpu.memory_space<hbm>>, %arg3: memref<32x16xi32, #tpu.memory_space<hbm>>, %arg4: memref<64xi32, #tpu.memory_space<vmem>>, %arg5: memref<16xi32, #tpu.memory_space<vmem>>) attributes {dimension_semantics = [#tpu.dimension_semantics<core_parallel>, #tpu.dimension_semantics<subcore_parallel>], iteration_bounds = array<i64: 2, 16>, scalar_prefetch = 0 : i64, scratch_operands = 2 : i64, tpu.core_type = #tpu.core_type<sc_vector_subcore>, window_params = [{transform_indices = #map}, {transform_indices = #map1}]} {
    %mul3A = arith.constant 2 : i32
    %mul3A_0 = arith.muli %mul3A, %arg1 : i32
    %add3A = arith.addi %mul3A_0, %arg0 : i32
    %iota3A = tpu.iota {dimensions = array<i32: 0>} : vector<16xi32>
    %mul3A_1 = arith.constant 64 : i32
    %mul3A_2 = arith.muli %add3A, %mul3A_1 : i32
    "tpu.region"() ({
      %run_scoped3A = tpu.sem_alloc : memref<!tpu.dma_semaphore, #tpu.memory_space<semaphore_mem>>
      %dma_start3A = tpu.memref_slice %arg2[%mul3A_2] : memref<2048xi32, #tpu.memory_space<hbm>> -> memref<64xi32, #tpu.memory_space<hbm>>
      %dma_start3A_712 = tpu.memref_slice %arg2[%mul3A_2] : memref<2048xi32, #tpu.memory_space<hbm>> -> memref<64xi32, #tpu.memory_space<hbm>>
      tpu.enqueue_dma source(%dma_start3A_712 : memref<64xi32, #tpu.memory_space<hbm>>) target(%arg4 : memref<64xi32, #tpu.memory_space<vmem>>) target_semaphore(%run_scoped3A : memref<!tpu.dma_semaphore, #tpu.memory_space<semaphore_mem>>)
      %dma_wait3A = tpu.memref_slice %arg2[%mul3A_2] : memref<2048xi32, #tpu.memory_space<hbm>> -> memref<64xi32, #tpu.memory_space<hbm>>
      %dma_wait3A_713 = tpu.memref_slice %arg2[%mul3A_2] : memref<2048xi32, #tpu.memory_space<hbm>> -> memref<64xi32, #tpu.memory_space<hbm>>
      tpu.wait_dma2 semaphore(%run_scoped3A : memref<!tpu.dma_semaphore, #tpu.memory_space<semaphore_mem>>) src(%dma_wait3A_713 : memref<64xi32, #tpu.memory_space<hbm>>) dst(%arg4 : memref<64xi32, #tpu.memory_space<vmem>>)
      tpu.yield
    }) : () -> ()
    %broadcast_in_dim3A = arith.constant 0 : i32
    %broadcast_in_dim3A_3 = vector.broadcast %broadcast_in_dim3A : i32 to vector<16xi32>
    %get3A = arith.constant 0 : index
    %get3A_4 = tpu.vector_load %arg4[%get3A] {strides = array<i32>} : memref<64xi32, #tpu.memory_space<vmem>>, vector<16xi32>,
    %eq3A = arith.constant 0 : i32
    %eq3A_5 = vector.broadcast %eq3A : i32 to vector<16xi32>
    %eq3A_6 = arith.cmpi eq, %get3A_4, %eq3A_5 : vector<16xi32>
    %all_reduce_population_count3A = tpu.all_reduce %eq3A_6 {dim = 0 : i64, kind = #tpu.reduction_kind<sum>} : vector<16xi1> -> vector<16xi32>
    %eq3A_7 = arith.constant 0 : i32
    %eq3A_8 = vector.broadcast %eq3A_7 : i32 to vector<16xi32>
    %eq3A_9 = arith.cmpi eq, %iota3A, %eq3A_8 : vector<16xi32>
    %jit3A = arith.constant 0 : i32
    %broadcast_in_dim3A_10 = vector.broadcast %jit3A : i32 to vector<16xi32>
    %select_n3A = arith.select %eq3A_9, %all_reduce_population_count3A, %broadcast_in_dim3A_10 : vector<16xi1>, vector<16xi32>
    %add3A_11 = arith.addi %broadcast_in_dim3A_3, %select_n3A : vector<16xi32>
    %eq3A_12 = arith.constant 1 : i32
    %eq3A_13 = vector.broadcast %eq3A_12 : i32 to vector<16xi32>
    %eq3A_14 = arith.cmpi eq, %get3A_4, %eq3A_13 : vector<16xi32>
    %all_reduce_population_count3A_15 = tpu.all_reduce %eq3A_14 {dim = 0 : i64, kind = #tpu.reduction_kind<sum>} : vector<16xi1> -> vector<16xi32>
    %eq3A_16 = arith.constant 1 : i32
    %eq3A_17 = vector.broadcast %eq3A_16 : i32 to vector<16xi32>
    %eq3A_18 = arith.cmpi eq, %iota3A, %eq3A_17 : vector<16xi32>
    %jit3A_19 = arith.constant 0 : i32
    %broadcast_in_dim3A_20 = vector.broadcast %jit3A_19 : i32 to vector<16xi32>
    %select_n3A_21 = arith.select %eq3A_18, %all_reduce_population_count3A_15, %broadcast_in_dim3A_20 : vector<16xi1>, vector<16xi32>
    %add3A_22 = arith.addi %add3A_11, %select_n3A_21 : vector<16xi32>
    %eq3A_23 = arith.constant 2 : i32
    %eq3A_24 = vector.broadcast %eq3A_23 : i32 to vector<16xi32>
    %eq3A_25 = arith.cmpi eq, %get3A_4, %eq3A_24 : vector<16xi32>
    %all_reduce_population_count3A_26 = tpu.all_reduce %eq3A_25 {dim = 0 : i64, kind = #tpu.reduction_kind<sum>} : vector<16xi1> -> vector<16xi32>
    %eq3A_27 = arith.constant 2 : i32
    %eq3A_28 = vector.broadcast %eq3A_27 : i32 to vector<16xi32>
    %eq3A_29 = arith.cmpi eq, %iota3A, %eq3A_28 : vector<16xi32>
    %jit3A_30 = arith.constant 0 : i32
    %broadcast_in_dim3A_31 = vector.broadcast %jit3A_30 : i32 to vector<16xi32>
    %select_n3A_32 = arith.select %eq3A_29, %all_reduce_population_count3A_26, %broadcast_in_dim3A_31 : vector<16xi1>, vector<16xi32>
    %add3A_33 = arith.addi %add3A_22, %select_n3A_32 : vector<16xi32>
    %eq3A_34 = arith.constant 3 : i32
    %eq3A_35 = vector.broadcast %eq3A_34 : i32 to vector<16xi32>
    %eq3A_36 = arith.cmpi eq, %get3A_4, %eq3A_35 : vector<16xi32>
    %all_reduce_population_count3A_37 = tpu.all_reduce %eq3A_36 {dim = 0 : i64, kind = #tpu.reduction_kind<sum>} : vector<16xi1> -> vector<16xi32>
    %eq3A_38 = arith.constant 3 : i32
    %eq3A_39 = vector.broadcast %eq3A_38 : i32 to vector<16xi32>
    %eq3A_40 = arith.cmpi eq, %iota3A, %eq3A_39 : vector<16xi32>
    %jit3A_41 = arith.constant 0 : i32
    %broadcast_in_dim3A_42 = vector.broadcast %jit3A_41 : i32 to vector<16xi32>
    %select_n3A_43 = arith.select %eq3A_40, %all_reduce_population_count3A_37, %broadcast_in_dim3A_42 : vector<16xi1>, vector<16xi32>
    %add3A_44 = arith.addi %add3A_33, %select_n3A_43 : vector<16xi32>
    %eq3A_45 = arith.constant 4 : i32
    %eq3A_46 = vector.broadcast %eq3A_45 : i32 to vector<16xi32>
    %eq3A_47 = arith.cmpi eq, %get3A_4, %eq3A_46 : vector<16xi32>
    %all_reduce_population_count3A_48 = tpu.all_reduce %eq3A_47 {dim = 0 : i64, kind = #tpu.reduction_kind<sum>} : vector<16xi1> -> vector<16xi32>
    %eq3A_49 = arith.constant 4 : i32
    %eq3A_50 = vector.broadcast %eq3A_49 : i32 to vector<16xi32>
    %eq3A_51 = arith.cmpi eq, %iota3A, %eq3A_50 : vector<16xi32>
    %jit3A_52 = arith.constant 0 : i32
    %broadcast_in_dim3A_53 = vector.broadcast %jit3A_52 : i32 to vector<16xi32>
    %select_n3A_54 = arith.select %eq3A_51, %all_reduce_population_count3A_48, %broadcast_in_dim3A_53 : vector<16xi1>, vector<16xi32>
    %add3A_55 = arith.addi %add3A_44, %select_n3A_54 : vector<16xi32>
    %eq3A_56 = arith.constant 5 : i32
    %eq3A_57 = vector.broadcast %eq3A_56 : i32 to vector<16xi32>
    %eq3A_58 = arith.cmpi eq, %get3A_4, %eq3A_57 : vector<16xi32>
    %all_reduce_population_count3A_59 = tpu.all_reduce %eq3A_58 {dim = 0 : i64, kind = #tpu.reduction_kind<sum>} : vector<16xi1> -> vector<16xi32>
    %eq3A_60 = arith.constant 5 : i32
    %eq3A_61 = vector.broadcast %eq3A_60 : i32 to vector<16xi32>
    %eq3A_62 = arith.cmpi eq, %iota3A, %eq3A_61 : vector<16xi32>
    %jit3A_63 = arith.constant 0 : i32
    %broadcast_in_dim3A_64 = vector.broadcast %jit3A_63 : i32 to vector<16xi32>
    %select_n3A_65 = arith.select %eq3A_62, %all_reduce_population_count3A_59, %broadcast_in_dim3A_64 : vector<16xi1>, vector<16xi32>
    %add3A_66 = arith.addi %add3A_55, %select_n3A_65 : vector<16xi32>
    %eq3A_67 = arith.constant 6 : i32
    %eq3A_68 = vector.broadcast %eq3A_67 : i32 to vector<16xi32>
    %eq3A_69 = arith.cmpi eq, %get3A_4, %eq3A_68 : vector<16xi32>
    %all_reduce_population_count3A_70 = tpu.all_reduce %eq3A_69 {dim = 0 : i64, kind = #tpu.reduction_kind<sum>} : vector<16xi1> -> vector<16xi32>
    %eq3A_71 = arith.constant 6 : i32
    %eq3A_72 = vector.broadcast %eq3A_71 : i32 to vector<16xi32>
    %eq3A_73 = arith.cmpi eq, %iota3A, %eq3A_72 : vector<16xi32>
    %jit3A_74 = arith.constant 0 : i32
    %broadcast_in_dim3A_75 = vector.broadcast %jit3A_74 : i32 to vector<16xi32>
    %select_n3A_76 = arith.select %eq3A_73, %all_reduce_population_count3A_70, %broadcast_in_dim3A_75 : vector<16xi1>, vector<16xi32>
    %add3A_77 = arith.addi %add3A_66, %select_n3A_76 : vector<16xi32>
    %eq3A_78 = arith.constant 7 : i32
    %eq3A_79 = vector.broadcast %eq3A_78 : i32 to vector<16xi32>
    %eq3A_80 = arith.cmpi eq, %get3A_4, %eq3A_79 : vector<16xi32>
    %all_reduce_population_count3A_81 = tpu.all_reduce %eq3A_80 {dim = 0 : i64, kind = #tpu.reduction_kind<sum>} : vector<16xi1> -> vector<16xi32>
    %eq3A_82 = arith.constant 7 : i32
    %eq3A_83 = vector.broadcast %eq3A_82 : i32 to vector<16xi32>
    %eq3A_84 = arith.cmpi eq, %iota3A, %eq3A_83 : vector<16xi32>
    %jit3A_85 = arith.constant 0 : i32
    %broadcast_in_dim3A_86 = vector.broadcast %jit3A_85 : i32 to vector<16xi32>
    %select_n3A_87 = arith.select %eq3A_84, %all_reduce_population_count3A_81, %broadcast_in_dim3A_86 : vector<16xi1>, vector<16xi32>
    %add3A_88 = arith.addi %add3A_77, %select_n3A_87 : vector<16xi32>
    %eq3A_89 = arith.constant 8 : i32
    %eq3A_90 = vector.broadcast %eq3A_89 : i32 to vector<16xi32>
    %eq3A_91 = arith.cmpi eq, %get3A_4, %eq3A_90 : vector<16xi32>
    %all_reduce_population_count3A_92 = tpu.all_reduce %eq3A_91 {dim = 0 : i64, kind = #tpu.reduction_kind<sum>} : vector<16xi1> -> vector<16xi32>
    %eq3A_93 = arith.constant 8 : i32
    %eq3A_94 = vector.broadcast %eq3A_93 : i32 to vector<16xi32>
    %eq3A_95 = arith.cmpi eq, %iota3A, %eq3A_94 : vector<16xi32>
    %jit3A_96 = arith.constant 0 : i32
    %broadcast_in_dim3A_97 = vector.broadcast %jit3A_96 : i32 to vector<16xi32>
    %select_n3A_98 = arith.select %eq3A_95, %all_reduce_population_count3A_92, %broadcast_in_dim3A_97 : vector<16xi1>, vector<16xi32>
    %add3A_99 = arith.addi %add3A_88, %select_n3A_98 : vector<16xi32>
    %eq3A_100 = arith.constant 9 : i32
    %eq3A_101 = vector.broadcast %eq3A_100 : i32 to vector<16xi32>
    %eq3A_102 = arith.cmpi eq, %get3A_4, %eq3A_101 : vector<16xi32>
    %all_reduce_population_count3A_103 = tpu.all_reduce %eq3A_102 {dim = 0 : i64, kind = #tpu.reduction_kind<sum>} : vector<16xi1> -> vector<16xi32>
    %eq3A_104 = arith.constant 9 : i32
    %eq3A_105 = vector.broadcast %eq3A_104 : i32 to vector<16xi32>
    %eq3A_106 = arith.cmpi eq, %iota3A, %eq3A_105 : vector<16xi32>
    %jit3A_107 = arith.constant 0 : i32
    %broadcast_in_dim3A_108 = vector.broadcast %jit3A_107 : i32 to vector<16xi32>
    %select_n3A_109 = arith.select %eq3A_106, %all_reduce_population_count3A_103, %broadcast_in_dim3A_108 : vector<16xi1>, vector<16xi32>
    %add3A_110 = arith.addi %add3A_99, %select_n3A_109 : vector<16xi32>
    %eq3A_111 = arith.constant 10 : i32
    %eq3A_112 = vector.broadcast %eq3A_111 : i32 to vector<16xi32>
    %eq3A_113 = arith.cmpi eq, %get3A_4, %eq3A_112 : vector<16xi32>
    %all_reduce_population_count3A_114 = tpu.all_reduce %eq3A_113 {dim = 0 : i64, kind = #tpu.reduction_kind<sum>} : vector<16xi1> -> vector<16xi32>
    %eq3A_115 = arith.constant 10 : i32
    %eq3A_116 = vector.broadcast %eq3A_115 : i32 to vector<16xi32>
    %eq3A_117 = arith.cmpi eq, %iota3A, %eq3A_116 : vector<16xi32>
    %jit3A_118 = arith.constant 0 : i32
    %broadcast_in_dim3A_119 = vector.broadcast %jit3A_118 : i32 to vector<16xi32>
    %select_n3A_120 = arith.select %eq3A_117, %all_reduce_population_count3A_114, %broadcast_in_dim3A_119 : vector<16xi1>, vector<16xi32>
    %add3A_121 = arith.addi %add3A_110, %select_n3A_120 : vector<16xi32>
    %eq3A_122 = arith.constant 11 : i32
    %eq3A_123 = vector.broadcast %eq3A_122 : i32 to vector<16xi32>
    %eq3A_124 = arith.cmpi eq, %get3A_4, %eq3A_123 : vector<16xi32>
    %all_reduce_population_count3A_125 = tpu.all_reduce %eq3A_124 {dim = 0 : i64, kind = #tpu.reduction_kind<sum>} : vector<16xi1> -> vector<16xi32>
    %eq3A_126 = arith.constant 11 : i32
    %eq3A_127 = vector.broadcast %eq3A_126 : i32 to vector<16xi32>
    %eq3A_128 = arith.cmpi eq, %iota3A, %eq3A_127 : vector<16xi32>
    %jit3A_129 = arith.constant 0 : i32
    %broadcast_in_dim3A_130 = vector.broadcast %jit3A_129 : i32 to vector<16xi32>
    %select_n3A_131 = arith.select %eq3A_128, %all_reduce_population_count3A_125, %broadcast_in_dim3A_130 : vector<16xi1>, vector<16xi32>
    %add3A_132 = arith.addi %add3A_121, %select_n3A_131 : vector<16xi32>
    %eq3A_133 = arith.constant 12 : i32
    %eq3A_134 = vector.broadcast %eq3A_133 : i32 to vector<16xi32>
    %eq3A_135 = arith.cmpi eq, %get3A_4, %eq3A_134 : vector<16xi32>
    %all_reduce_population_count3A_136 = tpu.all_reduce %eq3A_135 {dim = 0 : i64, kind = #tpu.reduction_kind<sum>} : vector<16xi1> -> vector<16xi32>
    %eq3A_137 = arith.constant 12 : i32
    %eq3A_138 = vector.broadcast %eq3A_137 : i32 to vector<16xi32>
    %eq3A_139 = arith.cmpi eq, %iota3A, %eq3A_138 : vector<16xi32>
    %jit3A_140 = arith.constant 0 : i32
    %broadcast_in_dim3A_141 = vector.broadcast %jit3A_140 : i32 to vector<16xi32>
    %select_n3A_142 = arith.select %eq3A_139, %all_reduce_population_count3A_136, %broadcast_in_dim3A_141 : vector<16xi1>, vector<16xi32>
    %add3A_143 = arith.addi %add3A_132, %select_n3A_142 : vector<16xi32>
    %eq3A_144 = arith.constant 13 : i32
    %eq3A_145 = vector.broadcast %eq3A_144 : i32 to vector<16xi32>
    %eq3A_146 = arith.cmpi eq, %get3A_4, %eq3A_145 : vector<16xi32>
    %all_reduce_population_count3A_147 = tpu.all_reduce %eq3A_146 {dim = 0 : i64, kind = #tpu.reduction_kind<sum>} : vector<16xi1> -> vector<16xi32>
    %eq3A_148 = arith.constant 13 : i32
    %eq3A_149 = vector.broadcast %eq3A_148 : i32 to vector<16xi32>
    %eq3A_150 = arith.cmpi eq, %iota3A, %eq3A_149 : vector<16xi32>
    %jit3A_151 = arith.constant 0 : i32
    %broadcast_in_dim3A_152 = vector.broadcast %jit3A_151 : i32 to vector<16xi32>
    %select_n3A_153 = arith.select %eq3A_150, %all_reduce_population_count3A_147, %broadcast_in_dim3A_152 : vector<16xi1>, vector<16xi32>
    %add3A_154 = arith.addi %add3A_143, %select_n3A_153 : vector<16xi32>
    %eq3A_155 = arith.constant 14 : i32
    %eq3A_156 = vector.broadcast %eq3A_155 : i32 to vector<16xi32>
    %eq3A_157 = arith.cmpi eq, %get3A_4, %eq3A_156 : vector<16xi32>
    %all_reduce_population_count3A_158 = tpu.all_reduce %eq3A_157 {dim = 0 : i64, kind = #tpu.reduction_kind<sum>} : vector<16xi1> -> vector<16xi32>
    %eq3A_159 = arith.constant 14 : i32
    %eq3A_160 = vector.broadcast %eq3A_159 : i32 to vector<16xi32>
    %eq3A_161 = arith.cmpi eq, %iota3A, %eq3A_160 : vector<16xi32>
    %jit3A_162 = arith.constant 0 : i32
    %broadcast_in_dim3A_163 = vector.broadcast %jit3A_162 : i32 to vector<16xi32>
    %select_n3A_164 = arith.select %eq3A_161, %all_reduce_population_count3A_158, %broadcast_in_dim3A_163 : vector<16xi1>, vector<16xi32>
    %add3A_165 = arith.addi %add3A_154, %select_n3A_164 : vector<16xi32>
    %eq3A_166 = arith.constant 15 : i32
    %eq3A_167 = vector.broadcast %eq3A_166 : i32 to vector<16xi32>
    %eq3A_168 = arith.cmpi eq, %get3A_4, %eq3A_167 : vector<16xi32>
    %all_reduce_population_count3A_169 = tpu.all_reduce %eq3A_168 {dim = 0 : i64, kind = #tpu.reduction_kind<sum>} : vector<16xi1> -> vector<16xi32>
    %eq3A_170 = arith.constant 15 : i32
    %eq3A_171 = vector.broadcast %eq3A_170 : i32 to vector<16xi32>
    %eq3A_172 = arith.cmpi eq, %iota3A, %eq3A_171 : vector<16xi32>
    %jit3A_173 = arith.constant 0 : i32
    %broadcast_in_dim3A_174 = vector.broadcast %jit3A_173 : i32 to vector<16xi32>
    %select_n3A_175 = arith.select %eq3A_172, %all_reduce_population_count3A_169, %broadcast_in_dim3A_174 : vector<16xi1>, vector<16xi32>
    %add3A_176 = arith.addi %add3A_165, %select_n3A_175 : vector<16xi32>
    %get3A_177 = arith.constant 16 : index
    %get3A_178 = tpu.vector_load %arg4[%get3A_177] {strides = array<i32>} : memref<64xi32, #tpu.memory_space<vmem>>, vector<16xi32>,
    %eq3A_179 = arith.constant 0 : i32
    %eq3A_180 = vector.broadcast %eq3A_179 : i32 to vector<16xi32>
    %eq3A_181 = arith.cmpi eq, %get3A_178, %eq3A_180 : vector<16xi32>
    %all_reduce_population_count3A_182 = tpu.all_reduce %eq3A_181 {dim = 0 : i64, kind = #tpu.reduction_kind<sum>} : vector<16xi1> -> vector<16xi32>
    %eq3A_183 = arith.constant 0 : i32
    %eq3A_184 = vector.broadcast %eq3A_183 : i32 to vector<16xi32>
    %eq3A_185 = arith.cmpi eq, %iota3A, %eq3A_184 : vector<16xi32>
    %jit3A_186 = arith.constant 0 : i32
    %broadcast_in_dim3A_187 = vector.broadcast %jit3A_186 : i32 to vector<16xi32>
    %select_n3A_188 = arith.select %eq3A_185, %all_reduce_population_count3A_182, %broadcast_in_dim3A_187 : vector<16xi1>, vector<16xi32>
    %add3A_189 = arith.addi %add3A_176, %select_n3A_188 : vector<16xi32>
    %eq3A_190 = arith.constant 1 : i32
    %eq3A_191 = vector.broadcast %eq3A_190 : i32 to vector<16xi32>
    %eq3A_192 = arith.cmpi eq, %get3A_178, %eq3A_191 : vector<16xi32>
    %all_reduce_population_count3A_193 = tpu.all_reduce %eq3A_192 {dim = 0 : i64, kind = #tpu.reduction_kind<sum>} : vector<16xi1> -> vector<16xi32>
    %eq3A_194 = arith.constant 1 : i32
    %eq3A_195 = vector.broadcast %eq3A_194 : i32 to vector<16xi32>
    %eq3A_196 = arith.cmpi eq, %iota3A, %eq3A_195 : vector<16xi32>
    %jit3A_197 = arith.constant 0 : i32
    %broadcast_in_dim3A_198 = vector.broadcast %jit3A_197 : i32 to vector<16xi32>
    %select_n3A_199 = arith.select %eq3A_196, %all_reduce_population_count3A_193, %broadcast_in_dim3A_198 : vector<16xi1>, vector<16xi32>
    %add3A_200 = arith.addi %add3A_189, %select_n3A_199 : vector<16xi32>
    %eq3A_201 = arith.constant 2 : i32
    %eq3A_202 = vector.broadcast %eq3A_201 : i32 to vector<16xi32>
    %eq3A_203 = arith.cmpi eq, %get3A_178, %eq3A_202 : vector<16xi32>
    %all_reduce_population_count3A_204 = tpu.all_reduce %eq3A_203 {dim = 0 : i64, kind = #tpu.reduction_kind<sum>} : vector<16xi1> -> vector<16xi32>
    %eq3A_205 = arith.constant 2 : i32
    %eq3A_206 = vector.broadcast %eq3A_205 : i32 to vector<16xi32>
    %eq3A_207 = arith.cmpi eq, %iota3A, %eq3A_206 : vector<16xi32>
    %jit3A_208 = arith.constant 0 : i32
    %broadcast_in_dim3A_209 = vector.broadcast %jit3A_208 : i32 to vector<16xi32>
    %select_n3A_210 = arith.select %eq3A_207, %all_reduce_population_count3A_204, %broadcast_in_dim3A_209 : vector<16xi1>, vector<16xi32>
    %add3A_211 = arith.addi %add3A_200, %select_n3A_210 : vector<16xi32>
    %eq3A_212 = arith.constant 3 : i32
    %eq3A_213 = vector.broadcast %eq3A_212 : i32 to vector<16xi32>
    %eq3A_214 = arith.cmpi eq, %get3A_178, %eq3A_213 : vector<16xi32>
    %all_reduce_population_count3A_215 = tpu.all_reduce %eq3A_214 {dim = 0 : i64, kind = #tpu.reduction_kind<sum>} : vector<16xi1> -> vector<16xi32>
    %eq3A_216 = arith.constant 3 : i32
    %eq3A_217 = vector.broadcast %eq3A_216 : i32 to vector<16xi32>
    %eq3A_218 = arith.cmpi eq, %iota3A, %eq3A_217 : vector<16xi32>
    %jit3A_219 = arith.constant 0 : i32
    %broadcast_in_dim3A_220 = vector.broadcast %jit3A_219 : i32 to vector<16xi32>
    %select_n3A_221 = arith.select %eq3A_218, %all_reduce_population_count3A_215, %broadcast_in_dim3A_220 : vector<16xi1>, vector<16xi32>
    %add3A_222 = arith.addi %add3A_211, %select_n3A_221 : vector<16xi32>
    %eq3A_223 = arith.constant 4 : i32
    %eq3A_224 = vector.broadcast %eq3A_223 : i32 to vector<16xi32>
    %eq3A_225 = arith.cmpi eq, %get3A_178, %eq3A_224 : vector<16xi32>
    %all_reduce_population_count3A_226 = tpu.all_reduce %eq3A_225 {dim = 0 : i64, kind = #tpu.reduction_kind<sum>} : vector<16xi1> -> vector<16xi32>
    %eq3A_227 = arith.constant 4 : i32
    %eq3A_228 = vector.broadcast %eq3A_227 : i32 to vector<16xi32>
    %eq3A_229 = arith.cmpi eq, %iota3A, %eq3A_228 : vector<16xi32>
    %jit3A_230 = arith.constant 0 : i32
    %broadcast_in_dim3A_231 = vector.broadcast %jit3A_230 : i32 to vector<16xi32>
    %select_n3A_232 = arith.select %eq3A_229, %all_reduce_population_count3A_226, %broadcast_in_dim3A_231 : vector<16xi1>, vector<16xi32>
    %add3A_233 = arith.addi %add3A_222, %select_n3A_232 : vector<16xi32>
    %eq3A_234 = arith.constant 5 : i32
    %eq3A_235 = vector.broadcast %eq3A_234 : i32 to vector<16xi32>
    %eq3A_236 = arith.cmpi eq, %get3A_178, %eq3A_235 : vector<16xi32>
    %all_reduce_population_count3A_237 = tpu.all_reduce %eq3A_236 {dim = 0 : i64, kind = #tpu.reduction_kind<sum>} : vector<16xi1> -> vector<16xi32>
    %eq3A_238 = arith.constant 5 : i32
    %eq3A_239 = vector.broadcast %eq3A_238 : i32 to vector<16xi32>
    %eq3A_240 = arith.cmpi eq, %iota3A, %eq3A_239 : vector<16xi32>
    %jit3A_241 = arith.constant 0 : i32
    %broadcast_in_dim3A_242 = vector.broadcast %jit3A_241 : i32 to vector<16xi32>
    %select_n3A_243 = arith.select %eq3A_240, %all_reduce_population_count3A_237, %broadcast_in_dim3A_242 : vector<16xi1>, vector<16xi32>
    %add3A_244 = arith.addi %add3A_233, %select_n3A_243 : vector<16xi32>
    %eq3A_245 = arith.constant 6 : i32
    %eq3A_246 = vector.broadcast %eq3A_245 : i32 to vector<16xi32>
    %eq3A_247 = arith.cmpi eq, %get3A_178, %eq3A_246 : vector<16xi32>
    %all_reduce_population_count3A_248 = tpu.all_reduce %eq3A_247 {dim = 0 : i64, kind = #tpu.reduction_kind<sum>} : vector<16xi1> -> vector<16xi32>
    %eq3A_249 = arith.constant 6 : i32
    %eq3A_250 = vector.broadcast %eq3A_249 : i32 to vector<16xi32>
    %eq3A_251 = arith.cmpi eq, %iota3A, %eq3A_250 : vector<16xi32>
    %jit3A_252 = arith.constant 0 : i32
    %broadcast_in_dim3A_253 = vector.broadcast %jit3A_252 : i32 to vector<16xi32>
    %select_n3A_254 = arith.select %eq3A_251, %all_reduce_population_count3A_248, %broadcast_in_dim3A_253 : vector<16xi1>, vector<16xi32>
    %add3A_255 = arith.addi %add3A_244, %select_n3A_254 : vector<16xi32>
    %eq3A_256 = arith.constant 7 : i32
    %eq3A_257 = vector.broadcast %eq3A_256 : i32 to vector<16xi32>
    %eq3A_258 = arith.cmpi eq, %get3A_178, %eq3A_257 : vector<16xi32>
    %all_reduce_population_count3A_259 = tpu.all_reduce %eq3A_258 {dim = 0 : i64, kind = #tpu.reduction_kind<sum>} : vector<16xi1> -> vector<16xi32>
    %eq3A_260 = arith.constant 7 : i32
    %eq3A_261 = vector.broadcast %eq3A_260 : i32 to vector<16xi32>
    %eq3A_262 = arith.cmpi eq, %iota3A, %eq3A_261 : vector<16xi32>
    %jit3A_263 = arith.constant 0 : i32
    %broadcast_in_dim3A_264 = vector.broadcast %jit3A_263 : i32 to vector<16xi32>
    %select_n3A_265 = arith.select %eq3A_262, %all_reduce_population_count3A_259, %broadcast_in_dim3A_264 : vector<16xi1>, vector<16xi32>
    %add3A_266 = arith.addi %add3A_255, %select_n3A_265 : vector<16xi32>
    %eq3A_267 = arith.constant 8 : i32
    %eq3A_268 = vector.broadcast %eq3A_267 : i32 to vector<16xi32>
    %eq3A_269 = arith.cmpi eq, %get3A_178, %eq3A_268 : vector<16xi32>
    %all_reduce_population_count3A_270 = tpu.all_reduce %eq3A_269 {dim = 0 : i64, kind = #tpu.reduction_kind<sum>} : vector<16xi1> -> vector<16xi32>
    %eq3A_271 = arith.constant 8 : i32
    %eq3A_272 = vector.broadcast %eq3A_271 : i32 to vector<16xi32>
    %eq3A_273 = arith.cmpi eq, %iota3A, %eq3A_272 : vector<16xi32>
    %jit3A_274 = arith.constant 0 : i32
    %broadcast_in_dim3A_275 = vector.broadcast %jit3A_274 : i32 to vector<16xi32>
    %select_n3A_276 = arith.select %eq3A_273, %all_reduce_population_count3A_270, %broadcast_in_dim3A_275 : vector<16xi1>, vector<16xi32>
    %add3A_277 = arith.addi %add3A_266, %select_n3A_276 : vector<16xi32>
    %eq3A_278 = arith.constant 9 : i32
    %eq3A_279 = vector.broadcast %eq3A_278 : i32 to vector<16xi32>
    %eq3A_280 = arith.cmpi eq, %get3A_178, %eq3A_279 : vector<16xi32>
    %all_reduce_population_count3A_281 = tpu.all_reduce %eq3A_280 {dim = 0 : i64, kind = #tpu.reduction_kind<sum>} : vector<16xi1> -> vector<16xi32>
    %eq3A_282 = arith.constant 9 : i32
    %eq3A_283 = vector.broadcast %eq3A_282 : i32 to vector<16xi32>
    %eq3A_284 = arith.cmpi eq, %iota3A, %eq3A_283 : vector<16xi32>
    %jit3A_285 = arith.constant 0 : i32
    %broadcast_in_dim3A_286 = vector.broadcast %jit3A_285 : i32 to vector<16xi32>
    %select_n3A_287 = arith.select %eq3A_284, %all_reduce_population_count3A_281, %broadcast_in_dim3A_286 : vector<16xi1>, vector<16xi32>
    %add3A_288 = arith.addi %add3A_277, %select_n3A_287 : vector<16xi32>
    %eq3A_289 = arith.constant 10 : i32
    %eq3A_290 = vector.broadcast %eq3A_289 : i32 to vector<16xi32>
    %eq3A_291 = arith.cmpi eq, %get3A_178, %eq3A_290 : vector<16xi32>
    %all_reduce_population_count3A_292 = tpu.all_reduce %eq3A_291 {dim = 0 : i64, kind = #tpu.reduction_kind<sum>} : vector<16xi1> -> vector<16xi32>
    %eq3A_293 = arith.constant 10 : i32
    %eq3A_294 = vector.broadcast %eq3A_293 : i32 to vector<16xi32>
    %eq3A_295 = arith.cmpi eq, %iota3A, %eq3A_294 : vector<16xi32>
    %jit3A_296 = arith.constant 0 : i32
    %broadcast_in_dim3A_297 = vector.broadcast %jit3A_296 : i32 to vector<16xi32>
    %select_n3A_298 = arith.select %eq3A_295, %all_reduce_population_count3A_292, %broadcast_in_dim3A_297 : vector<16xi1>, vector<16xi32>
    %add3A_299 = arith.addi %add3A_288, %select_n3A_298 : vector<16xi32>
    %eq3A_300 = arith.constant 11 : i32
    %eq3A_301 = vector.broadcast %eq3A_300 : i32 to vector<16xi32>
    %eq3A_302 = arith.cmpi eq, %get3A_178, %eq3A_301 : vector<16xi32>
    %all_reduce_population_count3A_303 = tpu.all_reduce %eq3A_302 {dim = 0 : i64, kind = #tpu.reduction_kind<sum>} : vector<16xi1> -> vector<16xi32>
    %eq3A_304 = arith.constant 11 : i32
    %eq3A_305 = vector.broadcast %eq3A_304 : i32 to vector<16xi32>
    %eq3A_306 = arith.cmpi eq, %iota3A, %eq3A_305 : vector<16xi32>
    %jit3A_307 = arith.constant 0 : i32
    %broadcast_in_dim3A_308 = vector.broadcast %jit3A_307 : i32 to vector<16xi32>
    %select_n3A_309 = arith.select %eq3A_306, %all_reduce_population_count3A_303, %broadcast_in_dim3A_308 : vector<16xi1>, vector<16xi32>
    %add3A_310 = arith.addi %add3A_299, %select_n3A_309 : vector<16xi32>
    %eq3A_311 = arith.constant 12 : i32
    %eq3A_312 = vector.broadcast %eq3A_311 : i32 to vector<16xi32>
    %eq3A_313 = arith.cmpi eq, %get3A_178, %eq3A_312 : vector<16xi32>
    %all_reduce_population_count3A_314 = tpu.all_reduce %eq3A_313 {dim = 0 : i64, kind = #tpu.reduction_kind<sum>} : vector<16xi1> -> vector<16xi32>
    %eq3A_315 = arith.constant 12 : i32
    %eq3A_316 = vector.broadcast %eq3A_315 : i32 to vector<16xi32>
    %eq3A_317 = arith.cmpi eq, %iota3A, %eq3A_316 : vector<16xi32>
    %jit3A_318 = arith.constant 0 : i32
    %broadcast_in_dim3A_319 = vector.broadcast %jit3A_318 : i32 to vector<16xi32>
    %select_n3A_320 = arith.select %eq3A_317, %all_reduce_population_count3A_314, %broadcast_in_dim3A_319 : vector<16xi1>, vector<16xi32>
    %add3A_321 = arith.addi %add3A_310, %select_n3A_320 : vector<16xi32>
    %eq3A_322 = arith.constant 13 : i32
    %eq3A_323 = vector.broadcast %eq3A_322 : i32 to vector<16xi32>
    %eq3A_324 = arith.cmpi eq, %get3A_178, %eq3A_323 : vector<16xi32>
    %all_reduce_population_count3A_325 = tpu.all_reduce %eq3A_324 {dim = 0 : i64, kind = #tpu.reduction_kind<sum>} : vector<16xi1> -> vector<16xi32>
    %eq3A_326 = arith.constant 13 : i32
    %eq3A_327 = vector.broadcast %eq3A_326 : i32 to vector<16xi32>
    %eq3A_328 = arith.cmpi eq, %iota3A, %eq3A_327 : vector<16xi32>
    %jit3A_329 = arith.constant 0 : i32
    %broadcast_in_dim3A_330 = vector.broadcast %jit3A_329 : i32 to vector<16xi32>
    %select_n3A_331 = arith.select %eq3A_328, %all_reduce_population_count3A_325, %broadcast_in_dim3A_330 : vector<16xi1>, vector<16xi32>
    %add3A_332 = arith.addi %add3A_321, %select_n3A_331 : vector<16xi32>
    %eq3A_333 = arith.constant 14 : i32
    %eq3A_334 = vector.broadcast %eq3A_333 : i32 to vector<16xi32>
    %eq3A_335 = arith.cmpi eq, %get3A_178, %eq3A_334 : vector<16xi32>
    %all_reduce_population_count3A_336 = tpu.all_reduce %eq3A_335 {dim = 0 : i64, kind = #tpu.reduction_kind<sum>} : vector<16xi1> -> vector<16xi32>
    %eq3A_337 = arith.constant 14 : i32
    %eq3A_338 = vector.broadcast %eq3A_337 : i32 to vector<16xi32>
    %eq3A_339 = arith.cmpi eq, %iota3A, %eq3A_338 : vector<16xi32>
    %jit3A_340 = arith.constant 0 : i32
    %broadcast_in_dim3A_341 = vector.broadcast %jit3A_340 : i32 to vector<16xi32>
    %select_n3A_342 = arith.select %eq3A_339, %all_reduce_population_count3A_336, %broadcast_in_dim3A_341 : vector<16xi1>, vector<16xi32>
    %add3A_343 = arith.addi %add3A_332, %select_n3A_342 : vector<16xi32>
    %eq3A_344 = arith.constant 15 : i32
    %eq3A_345 = vector.broadcast %eq3A_344 : i32 to vector<16xi32>
    %eq3A_346 = arith.cmpi eq, %get3A_178, %eq3A_345 : vector<16xi32>
    %all_reduce_population_count3A_347 = tpu.all_reduce %eq3A_346 {dim = 0 : i64, kind = #tpu.reduction_kind<sum>} : vector<16xi1> -> vector<16xi32>
    %eq3A_348 = arith.constant 15 : i32
    %eq3A_349 = vector.broadcast %eq3A_348 : i32 to vector<16xi32>
    %eq3A_350 = arith.cmpi eq, %iota3A, %eq3A_349 : vector<16xi32>
    %jit3A_351 = arith.constant 0 : i32
    %broadcast_in_dim3A_352 = vector.broadcast %jit3A_351 : i32 to vector<16xi32>
    %select_n3A_353 = arith.select %eq3A_350, %all_reduce_population_count3A_347, %broadcast_in_dim3A_352 : vector<16xi1>, vector<16xi32>
    %add3A_354 = arith.addi %add3A_343, %select_n3A_353 : vector<16xi32>
    %get3A_355 = arith.constant 32 : index
    %get3A_356 = tpu.vector_load %arg4[%get3A_355] {strides = array<i32>} : memref<64xi32, #tpu.memory_space<vmem>>, vector<16xi32>,
    %eq3A_357 = arith.constant 0 : i32
    %eq3A_358 = vector.broadcast %eq3A_357 : i32 to vector<16xi32>
    %eq3A_359 = arith.cmpi eq, %get3A_356, %eq3A_358 : vector<16xi32>
    %all_reduce_population_count3A_360 = tpu.all_reduce %eq3A_359 {dim = 0 : i64, kind = #tpu.reduction_kind<sum>} : vector<16xi1> -> vector<16xi32>
    %eq3A_361 = arith.constant 0 : i32
    %eq3A_362 = vector.broadcast %eq3A_361 : i32 to vector<16xi32>
    %eq3A_363 = arith.cmpi eq, %iota3A, %eq3A_362 : vector<16xi32>
    %jit3A_364 = arith.constant 0 : i32
    %broadcast_in_dim3A_365 = vector.broadcast %jit3A_364 : i32 to vector<16xi32>
    %select_n3A_366 = arith.select %eq3A_363, %all_reduce_population_count3A_360, %broadcast_in_dim3A_365 : vector<16xi1>, vector<16xi32>
    %add3A_367 = arith.addi %add3A_354, %select_n3A_366 : vector<16xi32>
    %eq3A_368 = arith.constant 1 : i32
    %eq3A_369 = vector.broadcast %eq3A_368 : i32 to vector<16xi32>
    %eq3A_370 = arith.cmpi eq, %get3A_356, %eq3A_369 : vector<16xi32>
    %all_reduce_population_count3A_371 = tpu.all_reduce %eq3A_370 {dim = 0 : i64, kind = #tpu.reduction_kind<sum>} : vector<16xi1> -> vector<16xi32>
    %eq3A_372 = arith.constant 1 : i32
    %eq3A_373 = vector.broadcast %eq3A_372 : i32 to vector<16xi32>
    %eq3A_374 = arith.cmpi eq, %iota3A, %eq3A_373 : vector<16xi32>
    %jit3A_375 = arith.constant 0 : i32
    %broadcast_in_dim3A_376 = vector.broadcast %jit3A_375 : i32 to vector<16xi32>
    %select_n3A_377 = arith.select %eq3A_374, %all_reduce_population_count3A_371, %broadcast_in_dim3A_376 : vector<16xi1>, vector<16xi32>
    %add3A_378 = arith.addi %add3A_367, %select_n3A_377 : vector<16xi32>
    %eq3A_379 = arith.constant 2 : i32
    %eq3A_380 = vector.broadcast %eq3A_379 : i32 to vector<16xi32>
    %eq3A_381 = arith.cmpi eq, %get3A_356, %eq3A_380 : vector<16xi32>
    %all_reduce_population_count3A_382 = tpu.all_reduce %eq3A_381 {dim = 0 : i64, kind = #tpu.reduction_kind<sum>} : vector<16xi1> -> vector<16xi32>
    %eq3A_383 = arith.constant 2 : i32
    %eq3A_384 = vector.broadcast %eq3A_383 : i32 to vector<16xi32>
    %eq3A_385 = arith.cmpi eq, %iota3A, %eq3A_384 : vector<16xi32>
    %jit3A_386 = arith.constant 0 : i32
    %broadcast_in_dim3A_387 = vector.broadcast %jit3A_386 : i32 to vector<16xi32>
    %select_n3A_388 = arith.select %eq3A_385, %all_reduce_population_count3A_382, %broadcast_in_dim3A_387 : vector<16xi1>, vector<16xi32>
    %add3A_389 = arith.addi %add3A_378, %select_n3A_388 : vector<16xi32>
    %eq3A_390 = arith.constant 3 : i32
    %eq3A_391 = vector.broadcast %eq3A_390 : i32 to vector<16xi32>
    %eq3A_392 = arith.cmpi eq, %get3A_356, %eq3A_391 : vector<16xi32>
    %all_reduce_population_count3A_393 = tpu.all_reduce %eq3A_392 {dim = 0 : i64, kind = #tpu.reduction_kind<sum>} : vector<16xi1> -> vector<16xi32>
    %eq3A_394 = arith.constant 3 : i32
    %eq3A_395 = vector.broadcast %eq3A_394 : i32 to vector<16xi32>
    %eq3A_396 = arith.cmpi eq, %iota3A, %eq3A_395 : vector<16xi32>
    %jit3A_397 = arith.constant 0 : i32
    %broadcast_in_dim3A_398 = vector.broadcast %jit3A_397 : i32 to vector<16xi32>
    %select_n3A_399 = arith.select %eq3A_396, %all_reduce_population_count3A_393, %broadcast_in_dim3A_398 : vector<16xi1>, vector<16xi32>
    %add3A_400 = arith.addi %add3A_389, %select_n3A_399 : vector<16xi32>
    %eq3A_401 = arith.constant 4 : i32
    %eq3A_402 = vector.broadcast %eq3A_401 : i32 to vector<16xi32>
    %eq3A_403 = arith.cmpi eq, %get3A_356, %eq3A_402 : vector<16xi32>
    %all_reduce_population_count3A_404 = tpu.all_reduce %eq3A_403 {dim = 0 : i64, kind = #tpu.reduction_kind<sum>} : vector<16xi1> -> vector<16xi32>
    %eq3A_405 = arith.constant 4 : i32
    %eq3A_406 = vector.broadcast %eq3A_405 : i32 to vector<16xi32>
    %eq3A_407 = arith.cmpi eq, %iota3A, %eq3A_406 : vector<16xi32>
    %jit3A_408 = arith.constant 0 : i32
    %broadcast_in_dim3A_409 = vector.broadcast %jit3A_408 : i32 to vector<16xi32>
    %select_n3A_410 = arith.select %eq3A_407, %all_reduce_population_count3A_404, %broadcast_in_dim3A_409 : vector<16xi1>, vector<16xi32>
    %add3A_411 = arith.addi %add3A_400, %select_n3A_410 : vector<16xi32>
    %eq3A_412 = arith.constant 5 : i32
    %eq3A_413 = vector.broadcast %eq3A_412 : i32 to vector<16xi32>
    %eq3A_414 = arith.cmpi eq, %get3A_356, %eq3A_413 : vector<16xi32>
    %all_reduce_population_count3A_415 = tpu.all_reduce %eq3A_414 {dim = 0 : i64, kind = #tpu.reduction_kind<sum>} : vector<16xi1> -> vector<16xi32>
    %eq3A_416 = arith.constant 5 : i32
    %eq3A_417 = vector.broadcast %eq3A_416 : i32 to vector<16xi32>
    %eq3A_418 = arith.cmpi eq, %iota3A, %eq3A_417 : vector<16xi32>
    %jit3A_419 = arith.constant 0 : i32
    %broadcast_in_dim3A_420 = vector.broadcast %jit3A_419 : i32 to vector<16xi32>
    %select_n3A_421 = arith.select %eq3A_418, %all_reduce_population_count3A_415, %broadcast_in_dim3A_420 : vector<16xi1>, vector<16xi32>
    %add3A_422 = arith.addi %add3A_411, %select_n3A_421 : vector<16xi32>
    %eq3A_423 = arith.constant 6 : i32
    %eq3A_424 = vector.broadcast %eq3A_423 : i32 to vector<16xi32>
    %eq3A_425 = arith.cmpi eq, %get3A_356, %eq3A_424 : vector<16xi32>
    %all_reduce_population_count3A_426 = tpu.all_reduce %eq3A_425 {dim = 0 : i64, kind = #tpu.reduction_kind<sum>} : vector<16xi1> -> vector<16xi32>
    %eq3A_427 = arith.constant 6 : i32
    %eq3A_428 = vector.broadcast %eq3A_427 : i32 to vector<16xi32>
    %eq3A_429 = arith.cmpi eq, %iota3A, %eq3A_428 : vector<16xi32>
    %jit3A_430 = arith.constant 0 : i32
    %broadcast_in_dim3A_431 = vector.broadcast %jit3A_430 : i32 to vector<16xi32>
    %select_n3A_432 = arith.select %eq3A_429, %all_reduce_population_count3A_426, %broadcast_in_dim3A_431 : vector<16xi1>, vector<16xi32>
    %add3A_433 = arith.addi %add3A_422, %select_n3A_432 : vector<16xi32>
    %eq3A_434 = arith.constant 7 : i32
    %eq3A_435 = vector.broadcast %eq3A_434 : i32 to vector<16xi32>
    %eq3A_436 = arith.cmpi eq, %get3A_356, %eq3A_435 : vector<16xi32>
    %all_reduce_population_count3A_437 = tpu.all_reduce %eq3A_436 {dim = 0 : i64, kind = #tpu.reduction_kind<sum>} : vector<16xi1> -> vector<16xi32>
    %eq3A_438 = arith.constant 7 : i32
    %eq3A_439 = vector.broadcast %eq3A_438 : i32 to vector<16xi32>
    %eq3A_440 = arith.cmpi eq, %iota3A, %eq3A_439 : vector<16xi32>
    %jit3A_441 = arith.constant 0 : i32
    %broadcast_in_dim3A_442 = vector.broadcast %jit3A_441 : i32 to vector<16xi32>
    %select_n3A_443 = arith.select %eq3A_440, %all_reduce_population_count3A_437, %broadcast_in_dim3A_442 : vector<16xi1>, vector<16xi32>
    %add3A_444 = arith.addi %add3A_433, %select_n3A_443 : vector<16xi32>
    %eq3A_445 = arith.constant 8 : i32
    %eq3A_446 = vector.broadcast %eq3A_445 : i32 to vector<16xi32>
    %eq3A_447 = arith.cmpi eq, %get3A_356, %eq3A_446 : vector<16xi32>
    %all_reduce_population_count3A_448 = tpu.all_reduce %eq3A_447 {dim = 0 : i64, kind = #tpu.reduction_kind<sum>} : vector<16xi1> -> vector<16xi32>
    %eq3A_449 = arith.constant 8 : i32
    %eq3A_450 = vector.broadcast %eq3A_449 : i32 to vector<16xi32>
    %eq3A_451 = arith.cmpi eq, %iota3A, %eq3A_450 : vector<16xi32>
    %jit3A_452 = arith.constant 0 : i32
    %broadcast_in_dim3A_453 = vector.broadcast %jit3A_452 : i32 to vector<16xi32>
    %select_n3A_454 = arith.select %eq3A_451, %all_reduce_population_count3A_448, %broadcast_in_dim3A_453 : vector<16xi1>, vector<16xi32>
    %add3A_455 = arith.addi %add3A_444, %select_n3A_454 : vector<16xi32>
    %eq3A_456 = arith.constant 9 : i32
    %eq3A_457 = vector.broadcast %eq3A_456 : i32 to vector<16xi32>
    %eq3A_458 = arith.cmpi eq, %get3A_356, %eq3A_457 : vector<16xi32>
    %all_reduce_population_count3A_459 = tpu.all_reduce %eq3A_458 {dim = 0 : i64, kind = #tpu.reduction_kind<sum>} : vector<16xi1> -> vector<16xi32>
    %eq3A_460 = arith.constant 9 : i32
    %eq3A_461 = vector.broadcast %eq3A_460 : i32 to vector<16xi32>
    %eq3A_462 = arith.cmpi eq, %iota3A, %eq3A_461 : vector<16xi32>
    %jit3A_463 = arith.constant 0 : i32
    %broadcast_in_dim3A_464 = vector.broadcast %jit3A_463 : i32 to vector<16xi32>
    %select_n3A_465 = arith.select %eq3A_462, %all_reduce_population_count3A_459, %broadcast_in_dim3A_464 : vector<16xi1>, vector<16xi32>
    %add3A_466 = arith.addi %add3A_455, %select_n3A_465 : vector<16xi32>
    %eq3A_467 = arith.constant 10 : i32
    %eq3A_468 = vector.broadcast %eq3A_467 : i32 to vector<16xi32>
    %eq3A_469 = arith.cmpi eq, %get3A_356, %eq3A_468 : vector<16xi32>
    %all_reduce_population_count3A_470 = tpu.all_reduce %eq3A_469 {dim = 0 : i64, kind = #tpu.reduction_kind<sum>} : vector<16xi1> -> vector<16xi32>
    %eq3A_471 = arith.constant 10 : i32
    %eq3A_472 = vector.broadcast %eq3A_471 : i32 to vector<16xi32>
    %eq3A_473 = arith.cmpi eq, %iota3A, %eq3A_472 : vector<16xi32>
    %jit3A_474 = arith.constant 0 : i32
    %broadcast_in_dim3A_475 = vector.broadcast %jit3A_474 : i32 to vector<16xi32>
    %select_n3A_476 = arith.select %eq3A_473, %all_reduce_population_count3A_470, %broadcast_in_dim3A_475 : vector<16xi1>, vector<16xi32>
    %add3A_477 = arith.addi %add3A_466, %select_n3A_476 : vector<16xi32>
    %eq3A_478 = arith.constant 11 : i32
    %eq3A_479 = vector.broadcast %eq3A_478 : i32 to vector<16xi32>
    %eq3A_480 = arith.cmpi eq, %get3A_356, %eq3A_479 : vector<16xi32>
    %all_reduce_population_count3A_481 = tpu.all_reduce %eq3A_480 {dim = 0 : i64, kind = #tpu.reduction_kind<sum>} : vector<16xi1> -> vector<16xi32>
    %eq3A_482 = arith.constant 11 : i32
    %eq3A_483 = vector.broadcast %eq3A_482 : i32 to vector<16xi32>
    %eq3A_484 = arith.cmpi eq, %iota3A, %eq3A_483 : vector<16xi32>
    %jit3A_485 = arith.constant 0 : i32
    %broadcast_in_dim3A_486 = vector.broadcast %jit3A_485 : i32 to vector<16xi32>
    %select_n3A_487 = arith.select %eq3A_484, %all_reduce_population_count3A_481, %broadcast_in_dim3A_486 : vector<16xi1>, vector<16xi32>
    %add3A_488 = arith.addi %add3A_477, %select_n3A_487 : vector<16xi32>
    %eq3A_489 = arith.constant 12 : i32
    %eq3A_490 = vector.broadcast %eq3A_489 : i32 to vector<16xi32>
    %eq3A_491 = arith.cmpi eq, %get3A_356, %eq3A_490 : vector<16xi32>
    %all_reduce_population_count3A_492 = tpu.all_reduce %eq3A_491 {dim = 0 : i64, kind = #tpu.reduction_kind<sum>} : vector<16xi1> -> vector<16xi32>
    %eq3A_493 = arith.constant 12 : i32
    %eq3A_494 = vector.broadcast %eq3A_493 : i32 to vector<16xi32>
    %eq3A_495 = arith.cmpi eq, %iota3A, %eq3A_494 : vector<16xi32>
    %jit3A_496 = arith.constant 0 : i32
    %broadcast_in_dim3A_497 = vector.broadcast %jit3A_496 : i32 to vector<16xi32>
    %select_n3A_498 = arith.select %eq3A_495, %all_reduce_population_count3A_492, %broadcast_in_dim3A_497 : vector<16xi1>, vector<16xi32>
    %add3A_499 = arith.addi %add3A_488, %select_n3A_498 : vector<16xi32>
    %eq3A_500 = arith.constant 13 : i32
    %eq3A_501 = vector.broadcast %eq3A_500 : i32 to vector<16xi32>
    %eq3A_502 = arith.cmpi eq, %get3A_356, %eq3A_501 : vector<16xi32>
    %all_reduce_population_count3A_503 = tpu.all_reduce %eq3A_502 {dim = 0 : i64, kind = #tpu.reduction_kind<sum>} : vector<16xi1> -> vector<16xi32>
    %eq3A_504 = arith.constant 13 : i32
    %eq3A_505 = vector.broadcast %eq3A_504 : i32 to vector<16xi32>
    %eq3A_506 = arith.cmpi eq, %iota3A, %eq3A_505 : vector<16xi32>
    %jit3A_507 = arith.constant 0 : i32
    %broadcast_in_dim3A_508 = vector.broadcast %jit3A_507 : i32 to vector<16xi32>
    %select_n3A_509 = arith.select %eq3A_506, %all_reduce_population_count3A_503, %broadcast_in_dim3A_508 : vector<16xi1>, vector<16xi32>
    %add3A_510 = arith.addi %add3A_499, %select_n3A_509 : vector<16xi32>
    %eq3A_511 = arith.constant 14 : i32
    %eq3A_512 = vector.broadcast %eq3A_511 : i32 to vector<16xi32>
    %eq3A_513 = arith.cmpi eq, %get3A_356, %eq3A_512 : vector<16xi32>
    %all_reduce_population_count3A_514 = tpu.all_reduce %eq3A_513 {dim = 0 : i64, kind = #tpu.reduction_kind<sum>} : vector<16xi1> -> vector<16xi32>
    %eq3A_515 = arith.constant 14 : i32
    %eq3A_516 = vector.broadcast %eq3A_515 : i32 to vector<16xi32>
    %eq3A_517 = arith.cmpi eq, %iota3A, %eq3A_516 : vector<16xi32>
    %jit3A_518 = arith.constant 0 : i32
    %broadcast_in_dim3A_519 = vector.broadcast %jit3A_518 : i32 to vector<16xi32>
    %select_n3A_520 = arith.select %eq3A_517, %all_reduce_population_count3A_514, %broadcast_in_dim3A_519 : vector<16xi1>, vector<16xi32>
    %add3A_521 = arith.addi %add3A_510, %select_n3A_520 : vector<16xi32>
    %eq3A_522 = arith.constant 15 : i32
    %eq3A_523 = vector.broadcast %eq3A_522 : i32 to vector<16xi32>
    %eq3A_524 = arith.cmpi eq, %get3A_356, %eq3A_523 : vector<16xi32>
    %all_reduce_population_count3A_525 = tpu.all_reduce %eq3A_524 {dim = 0 : i64, kind = #tpu.reduction_kind<sum>} : vector<16xi1> -> vector<16xi32>
    %eq3A_526 = arith.constant 15 : i32
    %eq3A_527 = vector.broadcast %eq3A_526 : i32 to vector<16xi32>
    %eq3A_528 = arith.cmpi eq, %iota3A, %eq3A_527 : vector<16xi32>
    %jit3A_529 = arith.constant 0 : i32
    %broadcast_in_dim3A_530 = vector.broadcast %jit3A_529 : i32 to vector<16xi32>
    %select_n3A_531 = arith.select %eq3A_528, %all_reduce_population_count3A_525, %broadcast_in_dim3A_530 : vector<16xi1>, vector<16xi32>
    %add3A_532 = arith.addi %add3A_521, %select_n3A_531 : vector<16xi32>
    %get3A_533 = arith.constant 48 : index
    %get3A_534 = tpu.vector_load %arg4[%get3A_533] {strides = array<i32>} : memref<64xi32, #tpu.memory_space<vmem>>, vector<16xi32>,
    %eq3A_535 = arith.constant 0 : i32
    %eq3A_536 = vector.broadcast %eq3A_535 : i32 to vector<16xi32>
    %eq3A_537 = arith.cmpi eq, %get3A_534, %eq3A_536 : vector<16xi32>
    %all_reduce_population_count3A_538 = tpu.all_reduce %eq3A_537 {dim = 0 : i64, kind = #tpu.reduction_kind<sum>} : vector<16xi1> -> vector<16xi32>
    %eq3A_539 = arith.constant 0 : i32
    %eq3A_540 = vector.broadcast %eq3A_539 : i32 to vector<16xi32>
    %eq3A_541 = arith.cmpi eq, %iota3A, %eq3A_540 : vector<16xi32>
    %jit3A_542 = arith.constant 0 : i32
    %broadcast_in_dim3A_543 = vector.broadcast %jit3A_542 : i32 to vector<16xi32>
    %select_n3A_544 = arith.select %eq3A_541, %all_reduce_population_count3A_538, %broadcast_in_dim3A_543 : vector<16xi1>, vector<16xi32>
    %add3A_545 = arith.addi %add3A_532, %select_n3A_544 : vector<16xi32>
    %eq3A_546 = arith.constant 1 : i32
    %eq3A_547 = vector.broadcast %eq3A_546 : i32 to vector<16xi32>
    %eq3A_548 = arith.cmpi eq, %get3A_534, %eq3A_547 : vector<16xi32>
    %all_reduce_population_count3A_549 = tpu.all_reduce %eq3A_548 {dim = 0 : i64, kind = #tpu.reduction_kind<sum>} : vector<16xi1> -> vector<16xi32>
    %eq3A_550 = arith.constant 1 : i32
    %eq3A_551 = vector.broadcast %eq3A_550 : i32 to vector<16xi32>
    %eq3A_552 = arith.cmpi eq, %iota3A, %eq3A_551 : vector<16xi32>
    %jit3A_553 = arith.constant 0 : i32
    %broadcast_in_dim3A_554 = vector.broadcast %jit3A_553 : i32 to vector<16xi32>
    %select_n3A_555 = arith.select %eq3A_552, %all_reduce_population_count3A_549, %broadcast_in_dim3A_554 : vector<16xi1>, vector<16xi32>
    %add3A_556 = arith.addi %add3A_545, %select_n3A_555 : vector<16xi32>
    %eq3A_557 = arith.constant 2 : i32
    %eq3A_558 = vector.broadcast %eq3A_557 : i32 to vector<16xi32>
    %eq3A_559 = arith.cmpi eq, %get3A_534, %eq3A_558 : vector<16xi32>
    %all_reduce_population_count3A_560 = tpu.all_reduce %eq3A_559 {dim = 0 : i64, kind = #tpu.reduction_kind<sum>} : vector<16xi1> -> vector<16xi32>
    %eq3A_561 = arith.constant 2 : i32
    %eq3A_562 = vector.broadcast %eq3A_561 : i32 to vector<16xi32>
    %eq3A_563 = arith.cmpi eq, %iota3A, %eq3A_562 : vector<16xi32>
    %jit3A_564 = arith.constant 0 : i32
    %broadcast_in_dim3A_565 = vector.broadcast %jit3A_564 : i32 to vector<16xi32>
    %select_n3A_566 = arith.select %eq3A_563, %all_reduce_population_count3A_560, %broadcast_in_dim3A_565 : vector<16xi1>, vector<16xi32>
    %add3A_567 = arith.addi %add3A_556, %select_n3A_566 : vector<16xi32>
    %eq3A_568 = arith.constant 3 : i32
    %eq3A_569 = vector.broadcast %eq3A_568 : i32 to vector<16xi32>
    %eq3A_570 = arith.cmpi eq, %get3A_534, %eq3A_569 : vector<16xi32>
    %all_reduce_population_count3A_571 = tpu.all_reduce %eq3A_570 {dim = 0 : i64, kind = #tpu.reduction_kind<sum>} : vector<16xi1> -> vector<16xi32>
    %eq3A_572 = arith.constant 3 : i32
    %eq3A_573 = vector.broadcast %eq3A_572 : i32 to vector<16xi32>
    %eq3A_574 = arith.cmpi eq, %iota3A, %eq3A_573 : vector<16xi32>
    %jit3A_575 = arith.constant 0 : i32
    %broadcast_in_dim3A_576 = vector.broadcast %jit3A_575 : i32 to vector<16xi32>
    %select_n3A_577 = arith.select %eq3A_574, %all_reduce_population_count3A_571, %broadcast_in_dim3A_576 : vector<16xi1>, vector<16xi32>
    %add3A_578 = arith.addi %add3A_567, %select_n3A_577 : vector<16xi32>
    %eq3A_579 = arith.constant 4 : i32
    %eq3A_580 = vector.broadcast %eq3A_579 : i32 to vector<16xi32>
    %eq3A_581 = arith.cmpi eq, %get3A_534, %eq3A_580 : vector<16xi32>
    %all_reduce_population_count3A_582 = tpu.all_reduce %eq3A_581 {dim = 0 : i64, kind = #tpu.reduction_kind<sum>} : vector<16xi1> -> vector<16xi32>
    %eq3A_583 = arith.constant 4 : i32
    %eq3A_584 = vector.broadcast %eq3A_583 : i32 to vector<16xi32>
    %eq3A_585 = arith.cmpi eq, %iota3A, %eq3A_584 : vector<16xi32>
    %jit3A_586 = arith.constant 0 : i32
    %broadcast_in_dim3A_587 = vector.broadcast %jit3A_586 : i32 to vector<16xi32>
    %select_n3A_588 = arith.select %eq3A_585, %all_reduce_population_count3A_582, %broadcast_in_dim3A_587 : vector<16xi1>, vector<16xi32>
    %add3A_589 = arith.addi %add3A_578, %select_n3A_588 : vector<16xi32>
    %eq3A_590 = arith.constant 5 : i32
    %eq3A_591 = vector.broadcast %eq3A_590 : i32 to vector<16xi32>
    %eq3A_592 = arith.cmpi eq, %get3A_534, %eq3A_591 : vector<16xi32>
    %all_reduce_population_count3A_593 = tpu.all_reduce %eq3A_592 {dim = 0 : i64, kind = #tpu.reduction_kind<sum>} : vector<16xi1> -> vector<16xi32>
    %eq3A_594 = arith.constant 5 : i32
    %eq3A_595 = vector.broadcast %eq3A_594 : i32 to vector<16xi32>
    %eq3A_596 = arith.cmpi eq, %iota3A, %eq3A_595 : vector<16xi32>
    %jit3A_597 = arith.constant 0 : i32
    %broadcast_in_dim3A_598 = vector.broadcast %jit3A_597 : i32 to vector<16xi32>
    %select_n3A_599 = arith.select %eq3A_596, %all_reduce_population_count3A_593, %broadcast_in_dim3A_598 : vector<16xi1>, vector<16xi32>
    %add3A_600 = arith.addi %add3A_589, %select_n3A_599 : vector<16xi32>
    %eq3A_601 = arith.constant 6 : i32
    %eq3A_602 = vector.broadcast %eq3A_601 : i32 to vector<16xi32>
    %eq3A_603 = arith.cmpi eq, %get3A_534, %eq3A_602 : vector<16xi32>
    %all_reduce_population_count3A_604 = tpu.all_reduce %eq3A_603 {dim = 0 : i64, kind = #tpu.reduction_kind<sum>} : vector<16xi1> -> vector<16xi32>
    %eq3A_605 = arith.constant 6 : i32
    %eq3A_606 = vector.broadcast %eq3A_605 : i32 to vector<16xi32>
    %eq3A_607 = arith.cmpi eq, %iota3A, %eq3A_606 : vector<16xi32>
    %jit3A_608 = arith.constant 0 : i32
    %broadcast_in_dim3A_609 = vector.broadcast %jit3A_608 : i32 to vector<16xi32>
    %select_n3A_610 = arith.select %eq3A_607, %all_reduce_population_count3A_604, %broadcast_in_dim3A_609 : vector<16xi1>, vector<16xi32>
    %add3A_611 = arith.addi %add3A_600, %select_n3A_610 : vector<16xi32>
    %eq3A_612 = arith.constant 7 : i32
    %eq3A_613 = vector.broadcast %eq3A_612 : i32 to vector<16xi32>
    %eq3A_614 = arith.cmpi eq, %get3A_534, %eq3A_613 : vector<16xi32>
    %all_reduce_population_count3A_615 = tpu.all_reduce %eq3A_614 {dim = 0 : i64, kind = #tpu.reduction_kind<sum>} : vector<16xi1> -> vector<16xi32>
    %eq3A_616 = arith.constant 7 : i32
    %eq3A_617 = vector.broadcast %eq3A_616 : i32 to vector<16xi32>
    %eq3A_618 = arith.cmpi eq, %iota3A, %eq3A_617 : vector<16xi32>
    %jit3A_619 = arith.constant 0 : i32
    %broadcast_in_dim3A_620 = vector.broadcast %jit3A_619 : i32 to vector<16xi32>
    %select_n3A_621 = arith.select %eq3A_618, %all_reduce_population_count3A_615, %broadcast_in_dim3A_620 : vector<16xi1>, vector<16xi32>
    %add3A_622 = arith.addi %add3A_611, %select_n3A_621 : vector<16xi32>
    %eq3A_623 = arith.constant 8 : i32
    %eq3A_624 = vector.broadcast %eq3A_623 : i32 to vector<16xi32>
    %eq3A_625 = arith.cmpi eq, %get3A_534, %eq3A_624 : vector<16xi32>
    %all_reduce_population_count3A_626 = tpu.all_reduce %eq3A_625 {dim = 0 : i64, kind = #tpu.reduction_kind<sum>} : vector<16xi1> -> vector<16xi32>
    %eq3A_627 = arith.constant 8 : i32
    %eq3A_628 = vector.broadcast %eq3A_627 : i32 to vector<16xi32>
    %eq3A_629 = arith.cmpi eq, %iota3A, %eq3A_628 : vector<16xi32>
    %jit3A_630 = arith.constant 0 : i32
    %broadcast_in_dim3A_631 = vector.broadcast %jit3A_630 : i32 to vector<16xi32>
    %select_n3A_632 = arith.select %eq3A_629, %all_reduce_population_count3A_626, %broadcast_in_dim3A_631 : vector<16xi1>, vector<16xi32>
    %add3A_633 = arith.addi %add3A_622, %select_n3A_632 : vector<16xi32>
    %eq3A_634 = arith.constant 9 : i32
    %eq3A_635 = vector.broadcast %eq3A_634 : i32 to vector<16xi32>
    %eq3A_636 = arith.cmpi eq, %get3A_534, %eq3A_635 : vector<16xi32>
    %all_reduce_population_count3A_637 = tpu.all_reduce %eq3A_636 {dim = 0 : i64, kind = #tpu.reduction_kind<sum>} : vector<16xi1> -> vector<16xi32>
    %eq3A_638 = arith.constant 9 : i32
    %eq3A_639 = vector.broadcast %eq3A_638 : i32 to vector<16xi32>
    %eq3A_640 = arith.cmpi eq, %iota3A, %eq3A_639 : vector<16xi32>
    %jit3A_641 = arith.constant 0 : i32
    %broadcast_in_dim3A_642 = vector.broadcast %jit3A_641 : i32 to vector<16xi32>
    %select_n3A_643 = arith.select %eq3A_640, %all_reduce_population_count3A_637, %broadcast_in_dim3A_642 : vector<16xi1>, vector<16xi32>
    %add3A_644 = arith.addi %add3A_633, %select_n3A_643 : vector<16xi32>
    %eq3A_645 = arith.constant 10 : i32
    %eq3A_646 = vector.broadcast %eq3A_645 : i32 to vector<16xi32>
    %eq3A_647 = arith.cmpi eq, %get3A_534, %eq3A_646 : vector<16xi32>
    %all_reduce_population_count3A_648 = tpu.all_reduce %eq3A_647 {dim = 0 : i64, kind = #tpu.reduction_kind<sum>} : vector<16xi1> -> vector<16xi32>
    %eq3A_649 = arith.constant 10 : i32
    %eq3A_650 = vector.broadcast %eq3A_649 : i32 to vector<16xi32>
    %eq3A_651 = arith.cmpi eq, %iota3A, %eq3A_650 : vector<16xi32>
    %jit3A_652 = arith.constant 0 : i32
    %broadcast_in_dim3A_653 = vector.broadcast %jit3A_652 : i32 to vector<16xi32>
    %select_n3A_654 = arith.select %eq3A_651, %all_reduce_population_count3A_648, %broadcast_in_dim3A_653 : vector<16xi1>, vector<16xi32>
    %add3A_655 = arith.addi %add3A_644, %select_n3A_654 : vector<16xi32>
    %eq3A_656 = arith.constant 11 : i32
    %eq3A_657 = vector.broadcast %eq3A_656 : i32 to vector<16xi32>
    %eq3A_658 = arith.cmpi eq, %get3A_534, %eq3A_657 : vector<16xi32>
    %all_reduce_population_count3A_659 = tpu.all_reduce %eq3A_658 {dim = 0 : i64, kind = #tpu.reduction_kind<sum>} : vector<16xi1> -> vector<16xi32>
    %eq3A_660 = arith.constant 11 : i32
    %eq3A_661 = vector.broadcast %eq3A_660 : i32 to vector<16xi32>
    %eq3A_662 = arith.cmpi eq, %iota3A, %eq3A_661 : vector<16xi32>
    %jit3A_663 = arith.constant 0 : i32
    %broadcast_in_dim3A_664 = vector.broadcast %jit3A_663 : i32 to vector<16xi32>
    %select_n3A_665 = arith.select %eq3A_662, %all_reduce_population_count3A_659, %broadcast_in_dim3A_664 : vector<16xi1>, vector<16xi32>
    %add3A_666 = arith.addi %add3A_655, %select_n3A_665 : vector<16xi32>
    %eq3A_667 = arith.constant 12 : i32
    %eq3A_668 = vector.broadcast %eq3A_667 : i32 to vector<16xi32>
    %eq3A_669 = arith.cmpi eq, %get3A_534, %eq3A_668 : vector<16xi32>
    %all_reduce_population_count3A_670 = tpu.all_reduce %eq3A_669 {dim = 0 : i64, kind = #tpu.reduction_kind<sum>} : vector<16xi1> -> vector<16xi32>
    %eq3A_671 = arith.constant 12 : i32
    %eq3A_672 = vector.broadcast %eq3A_671 : i32 to vector<16xi32>
    %eq3A_673 = arith.cmpi eq, %iota3A, %eq3A_672 : vector<16xi32>
    %jit3A_674 = arith.constant 0 : i32
    %broadcast_in_dim3A_675 = vector.broadcast %jit3A_674 : i32 to vector<16xi32>
    %select_n3A_676 = arith.select %eq3A_673, %all_reduce_population_count3A_670, %broadcast_in_dim3A_675 : vector<16xi1>, vector<16xi32>
    %add3A_677 = arith.addi %add3A_666, %select_n3A_676 : vector<16xi32>
    %eq3A_678 = arith.constant 13 : i32
    %eq3A_679 = vector.broadcast %eq3A_678 : i32 to vector<16xi32>
    %eq3A_680 = arith.cmpi eq, %get3A_534, %eq3A_679 : vector<16xi32>
    %all_reduce_population_count3A_681 = tpu.all_reduce %eq3A_680 {dim = 0 : i64, kind = #tpu.reduction_kind<sum>} : vector<16xi1> -> vector<16xi32>
    %eq3A_682 = arith.constant 13 : i32
    %eq3A_683 = vector.broadcast %eq3A_682 : i32 to vector<16xi32>
    %eq3A_684 = arith.cmpi eq, %iota3A, %eq3A_683 : vector<16xi32>
    %jit3A_685 = arith.constant 0 : i32
    %broadcast_in_dim3A_686 = vector.broadcast %jit3A_685 : i32 to vector<16xi32>
    %select_n3A_687 = arith.select %eq3A_684, %all_reduce_population_count3A_681, %broadcast_in_dim3A_686 : vector<16xi1>, vector<16xi32>
    %add3A_688 = arith.addi %add3A_677, %select_n3A_687 : vector<16xi32>
    %eq3A_689 = arith.constant 14 : i32
    %eq3A_690 = vector.broadcast %eq3A_689 : i32 to vector<16xi32>
    %eq3A_691 = arith.cmpi eq, %get3A_534, %eq3A_690 : vector<16xi32>
    %all_reduce_population_count3A_692 = tpu.all_reduce %eq3A_691 {dim = 0 : i64, kind = #tpu.reduction_kind<sum>} : vector<16xi1> -> vector<16xi32>
    %eq3A_693 = arith.constant 14 : i32
    %eq3A_694 = vector.broadcast %eq3A_693 : i32 to vector<16xi32>
    %eq3A_695 = arith.cmpi eq, %iota3A, %eq3A_694 : vector<16xi32>
    %jit3A_696 = arith.constant 0 : i32
    %broadcast_in_dim3A_697 = vector.broadcast %jit3A_696 : i32 to vector<16xi32>
    %select_n3A_698 = arith.select %eq3A_695, %all_reduce_population_count3A_692, %broadcast_in_dim3A_697 : vector<16xi1>, vector<16xi32>
    %add3A_699 = arith.addi %add3A_688, %select_n3A_698 : vector<16xi32>
    %eq3A_700 = arith.constant 15 : i32
    %eq3A_701 = vector.broadcast %eq3A_700 : i32 to vector<16xi32>
    %eq3A_702 = arith.cmpi eq, %get3A_534, %eq3A_701 : vector<16xi32>
    %all_reduce_population_count3A_703 = tpu.all_reduce %eq3A_702 {dim = 0 : i64, kind = #tpu.reduction_kind<sum>} : vector<16xi1> -> vector<16xi32>
    %eq3A_704 = arith.constant 15 : i32
    %eq3A_705 = vector.broadcast %eq3A_704 : i32 to vector<16xi32>
    %eq3A_706 = arith.cmpi eq, %iota3A, %eq3A_705 : vector<16xi32>
    %jit3A_707 = arith.constant 0 : i32
    %broadcast_in_dim3A_708 = vector.broadcast %jit3A_707 : i32 to vector<16xi32>
    %select_n3A_709 = arith.select %eq3A_706, %all_reduce_population_count3A_703, %broadcast_in_dim3A_708 : vector<16xi1>, vector<16xi32>
    %add3A_710 = arith.addi %add3A_699, %select_n3A_709 : vector<16xi32>
    %swap3A = arith.constant 0 : index
    %swap3A_711 = tpu.vector_load %arg5[%swap3A] {strides = array<i32>} : memref<16xi32, #tpu.memory_space<vmem>>, vector<16xi32>,
    tpu.vector_store %arg5[%swap3A], %add3A_710 {strides = array<i32>} : memref<16xi32, #tpu.memory_space<vmem>>, vector<16xi32>,
    "tpu.region"() ({
      %run_scoped3A = tpu.sem_alloc : memref<!tpu.dma_semaphore, #tpu.memory_space<semaphore_mem>>
      %dma_start3A = arith.constant 0 : i32
      %dma_start3A_712 = tpu.memref_slice %arg3[%add3A, %dma_start3A] : memref<32x16xi32, #tpu.memory_space<hbm>> -> memref<1x16xi32, #tpu.memory_space<hbm>>
      %dma_start3A_713 = tpu.memref_squeeze %dma_start3A_712 : memref<1x16xi32, #tpu.memory_space<hbm>> -> memref<16xi32, #tpu.memory_space<hbm>>
      %dma_start3A_714 = arith.constant 0 : i32
      %dma_start3A_715 = tpu.memref_slice %arg3[%add3A, %dma_start3A_714] : memref<32x16xi32, #tpu.memory_space<hbm>> -> memref<1x16xi32, #tpu.memory_space<hbm>>
      %dma_start3A_716 = tpu.memref_squeeze %dma_start3A_715 : memref<1x16xi32, #tpu.memory_space<hbm>> -> memref<16xi32, #tpu.memory_space<hbm>>
      tpu.enqueue_dma source(%arg5 : memref<16xi32, #tpu.memory_space<vmem>>) target(%dma_start3A_716 : memref<16xi32, #tpu.memory_space<hbm>>) target_semaphore(%run_scoped3A : memref<!tpu.dma_semaphore, #tpu.memory_space<semaphore_mem>>)
      %dma_wait3A = arith.constant 0 : i32
      %dma_wait3A_717 = tpu.memref_slice %arg3[%add3A, %dma_wait3A] : memref<32x16xi32, #tpu.memory_space<hbm>> -> memref<1x16xi32, #tpu.memory_space<hbm>>
      %dma_wait3A_718 = tpu.memref_squeeze %dma_wait3A_717 : memref<1x16xi32, #tpu.memory_space<hbm>> -> memref<16xi32, #tpu.memory_space<hbm>>
      %dma_wait3A_719 = arith.constant 0 : i32
      %dma_wait3A_720 = tpu.memref_slice %arg3[%add3A, %dma_wait3A_719] : memref<32x16xi32, #tpu.memory_space<hbm>> -> memref<1x16xi32, #tpu.memory_space<hbm>>
      %dma_wait3A_721 = tpu.memref_squeeze %dma_wait3A_720 : memref<1x16xi32, #tpu.memory_space<hbm>> -> memref<16xi32, #tpu.memory_space<hbm>>
      tpu.wait_dma2 semaphore(%run_scoped3A : memref<!tpu.dma_semaphore, #tpu.memory_space<semaphore_mem>>) src(%arg5 : memref<16xi32, #tpu.memory_space<vmem>>) dst(%dma_wait3A_721 : memref<16xi32, #tpu.memory_space<hbm>>)
      tpu.yield
    }) : () -> ()
    return
  }
}

#map = affine_map<(d0, d1) -> (0)>
#map1 = affine_map<(d0, d1) -> (0, 0)>
module attributes {stable_mosaic.version = 14 : i64} {
  func.func @_dispatch_body(%arg0: i32, %arg1: i32, %arg2: memref<2048xi32, #tpu.memory_space<hbm>>, %arg3: memref<32x16xi32, #tpu.memory_space<hbm>>, %arg4: memref<2048x128xf32, #tpu.memory_space<hbm>>, %arg5: memref<2048xi32, #tpu.memory_space<hbm>>, %arg6: memref<16xi32, #tpu.memory_space<hbm>>, %arg7: memref<2048x128xf32, #tpu.memory_space<hbm>>, %arg8: memref<64xi32, #tpu.memory_space<vmem>>, %arg9: memref<32x16xi32, #tpu.memory_space<vmem>>, %arg10: memref<16xi32, #tpu.memory_space<vmem>>, %arg11: memref<64xi32, #tpu.memory_space<vmem>>, %arg12: memref<16xi32, #tpu.memory_space<vmem>>, %arg13: memref<64x128xf32, #tpu.memory_space<vmem>>, %arg14: memref<!tpu.dma_semaphore, #tpu.memory_space<semaphore_mem>>) attributes {dimension_semantics = [#tpu.dimension_semantics<core_parallel>, #tpu.dimension_semantics<subcore_parallel>], iteration_bounds = array<i64: 2, 16>, scalar_prefetch = 0 : i64, scratch_operands = 7 : i64, tpu.core_type = #tpu.core_type<sc_vector_subcore>, window_params = [{transform_indices = #map}, {transform_indices = #map1}, {transform_indices = #map1}, {transform_indices = #map}, {transform_indices = #map}, {transform_indices = #map1}]} {
    %mul3A = arith.constant 2 : i32
    %mul3A_0 = arith.muli %mul3A, %arg1 : i32
    %add3A = arith.addi %mul3A_0, %arg0 : i32
    %mul3A_1 = arith.constant 64 : i32
    %mul3A_2 = arith.muli %add3A, %mul3A_1 : i32
    %iota3A = tpu.iota {dimensions = array<i32: 0>} : vector<16xi32>
    %dma_start3A = arith.constant 0 : i32
    %dma_start3A_3 = tpu.memref_slice %arg4[%mul3A_2, %dma_start3A] : memref<2048x128xf32, #tpu.memory_space<hbm>> -> memref<64x128xf32, #tpu.memory_space<hbm>>
    %dma_start3A_4 = arith.constant 0 : i32
    %dma_start3A_5 = tpu.memref_slice %arg4[%mul3A_2, %dma_start3A_4] : memref<2048x128xf32, #tpu.memory_space<hbm>> -> memref<64x128xf32, #tpu.memory_space<hbm>>
    tpu.enqueue_dma source(%dma_start3A_5 : memref<64x128xf32, #tpu.memory_space<hbm>>) target(%arg13 : memref<64x128xf32, #tpu.memory_space<vmem>>) target_semaphore(%arg14 : memref<!tpu.dma_semaphore, #tpu.memory_space<semaphore_mem>>)
    "tpu.region"() ({
      %run_scoped3A = tpu.sem_alloc : memref<!tpu.dma_semaphore, #tpu.memory_space<semaphore_mem>>
      %dma_start3A_2344 = tpu.memref_slice %arg2[%mul3A_2] : memref<2048xi32, #tpu.memory_space<hbm>> -> memref<64xi32, #tpu.memory_space<hbm>>
      %dma_start3A_2345 = tpu.memref_slice %arg2[%mul3A_2] : memref<2048xi32, #tpu.memory_space<hbm>> -> memref<64xi32, #tpu.memory_space<hbm>>
      tpu.enqueue_dma source(%dma_start3A_2345 : memref<64xi32, #tpu.memory_space<hbm>>) target(%arg8 : memref<64xi32, #tpu.memory_space<vmem>>) target_semaphore(%run_scoped3A : memref<!tpu.dma_semaphore, #tpu.memory_space<semaphore_mem>>)
      %dma_wait3A_2346 = tpu.memref_slice %arg2[%mul3A_2] : memref<2048xi32, #tpu.memory_space<hbm>> -> memref<64xi32, #tpu.memory_space<hbm>>
      %dma_wait3A_2347 = tpu.memref_slice %arg2[%mul3A_2] : memref<2048xi32, #tpu.memory_space<hbm>> -> memref<64xi32, #tpu.memory_space<hbm>>
      tpu.wait_dma2 semaphore(%run_scoped3A : memref<!tpu.dma_semaphore, #tpu.memory_space<semaphore_mem>>) src(%dma_wait3A_2347 : memref<64xi32, #tpu.memory_space<hbm>>) dst(%arg8 : memref<64xi32, #tpu.memory_space<vmem>>)
      tpu.yield
    }) : () -> ()
    "tpu.region"() ({
      %run_scoped3A = tpu.sem_alloc : memref<!tpu.dma_semaphore, #tpu.memory_space<semaphore_mem>>
      tpu.enqueue_dma source(%arg3 : memref<32x16xi32, #tpu.memory_space<hbm>>) target(%arg9 : memref<32x16xi32, #tpu.memory_space<vmem>>) target_semaphore(%run_scoped3A : memref<!tpu.dma_semaphore, #tpu.memory_space<semaphore_mem>>)
      tpu.wait_dma2 semaphore(%run_scoped3A : memref<!tpu.dma_semaphore, #tpu.memory_space<semaphore_mem>>) src(%arg3 : memref<32x16xi32, #tpu.memory_space<hbm>>) dst(%arg9 : memref<32x16xi32, #tpu.memory_space<vmem>>)
      tpu.yield
    }) : () -> ()
    %broadcast_in_dim3A = arith.constant 0 : i32
    %broadcast_in_dim3A_6 = vector.broadcast %broadcast_in_dim3A : i32 to vector<16xi32>
    %broadcast_in_dim3A_7 = arith.constant 0 : i32
    %broadcast_in_dim3A_8 = vector.broadcast %broadcast_in_dim3A_7 : i32 to vector<16xi32>
    %get3A = arith.constant 0 : i32
    %get3A_9 = arith.index_cast %get3A : i32 to index
    %get3A_10 = arith.constant 0 : index
    %get3A_11 = tpu.vector_load %arg9[%get3A_9, %get3A_10] {strides = array<i32>} : memref<32x16xi32, #tpu.memory_space<vmem>>, vector<16xi32>,
    %add3A_12 = arith.addi %broadcast_in_dim3A_6, %get3A_11 : vector<16xi32>
    %gt3A = arith.constant 0 : i32
    %gt3A_13 = arith.cmpi sgt, %add3A, %gt3A : i32
    %jit3A = arith.constant 0 : i32
    %broadcast_in_dim3A_14 = vector.broadcast %jit3A : i32 to vector<16xi32>
    %select_n3A = arith.select %gt3A_13, %get3A_11, %broadcast_in_dim3A_14 : vector<16xi32>
    %add3A_15 = arith.addi %broadcast_in_dim3A_8, %select_n3A : vector<16xi32>
    %get3A_16 = arith.constant 1 : i32
    %get3A_17 = arith.index_cast %get3A_16 : i32 to index
    %get3A_18 = arith.constant 0 : index
    %get3A_19 = tpu.vector_load %arg9[%get3A_17, %get3A_18] {strides = array<i32>} : memref<32x16xi32, #tpu.memory_space<vmem>>, vector<16xi32>,
    %add3A_20 = arith.addi %add3A_12, %get3A_19 : vector<16xi32>
    %gt3A_21 = arith.constant 1 : i32
    %gt3A_22 = arith.cmpi sgt, %add3A, %gt3A_21 : i32
    %jit3A_23 = arith.constant 0 : i32
    %broadcast_in_dim3A_24 = vector.broadcast %jit3A_23 : i32 to vector<16xi32>
    %select_n3A_25 = arith.select %gt3A_22, %get3A_19, %broadcast_in_dim3A_24 : vector<16xi32>
    %add3A_26 = arith.addi %add3A_15, %select_n3A_25 : vector<16xi32>
    %get3A_27 = arith.constant 2 : i32
    %get3A_28 = arith.index_cast %get3A_27 : i32 to index
    %get3A_29 = arith.constant 0 : index
    %get3A_30 = tpu.vector_load %arg9[%get3A_28, %get3A_29] {strides = array<i32>} : memref<32x16xi32, #tpu.memory_space<vmem>>, vector<16xi32>,
    %add3A_31 = arith.addi %add3A_20, %get3A_30 : vector<16xi32>
    %gt3A_32 = arith.constant 2 : i32
    %gt3A_33 = arith.cmpi sgt, %add3A, %gt3A_32 : i32
    %jit3A_34 = arith.constant 0 : i32
    %broadcast_in_dim3A_35 = vector.broadcast %jit3A_34 : i32 to vector<16xi32>
    %select_n3A_36 = arith.select %gt3A_33, %get3A_30, %broadcast_in_dim3A_35 : vector<16xi32>
    %add3A_37 = arith.addi %add3A_26, %select_n3A_36 : vector<16xi32>
    %get3A_38 = arith.constant 3 : i32
    %get3A_39 = arith.index_cast %get3A_38 : i32 to index
    %get3A_40 = arith.constant 0 : index
    %get3A_41 = tpu.vector_load %arg9[%get3A_39, %get3A_40] {strides = array<i32>} : memref<32x16xi32, #tpu.memory_space<vmem>>, vector<16xi32>,
    %add3A_42 = arith.addi %add3A_31, %get3A_41 : vector<16xi32>
    %gt3A_43 = arith.constant 3 : i32
    %gt3A_44 = arith.cmpi sgt, %add3A, %gt3A_43 : i32
    %jit3A_45 = arith.constant 0 : i32
    %broadcast_in_dim3A_46 = vector.broadcast %jit3A_45 : i32 to vector<16xi32>
    %select_n3A_47 = arith.select %gt3A_44, %get3A_41, %broadcast_in_dim3A_46 : vector<16xi32>
    %add3A_48 = arith.addi %add3A_37, %select_n3A_47 : vector<16xi32>
    %get3A_49 = arith.constant 4 : i32
    %get3A_50 = arith.index_cast %get3A_49 : i32 to index
    %get3A_51 = arith.constant 0 : index
    %get3A_52 = tpu.vector_load %arg9[%get3A_50, %get3A_51] {strides = array<i32>} : memref<32x16xi32, #tpu.memory_space<vmem>>, vector<16xi32>,
    %add3A_53 = arith.addi %add3A_42, %get3A_52 : vector<16xi32>
    %gt3A_54 = arith.constant 4 : i32
    %gt3A_55 = arith.cmpi sgt, %add3A, %gt3A_54 : i32
    %jit3A_56 = arith.constant 0 : i32
    %broadcast_in_dim3A_57 = vector.broadcast %jit3A_56 : i32 to vector<16xi32>
    %select_n3A_58 = arith.select %gt3A_55, %get3A_52, %broadcast_in_dim3A_57 : vector<16xi32>
    %add3A_59 = arith.addi %add3A_48, %select_n3A_58 : vector<16xi32>
    %get3A_60 = arith.constant 5 : i32
    %get3A_61 = arith.index_cast %get3A_60 : i32 to index
    %get3A_62 = arith.constant 0 : index
    %get3A_63 = tpu.vector_load %arg9[%get3A_61, %get3A_62] {strides = array<i32>} : memref<32x16xi32, #tpu.memory_space<vmem>>, vector<16xi32>,
    %add3A_64 = arith.addi %add3A_53, %get3A_63 : vector<16xi32>
    %gt3A_65 = arith.constant 5 : i32
    %gt3A_66 = arith.cmpi sgt, %add3A, %gt3A_65 : i32
    %jit3A_67 = arith.constant 0 : i32
    %broadcast_in_dim3A_68 = vector.broadcast %jit3A_67 : i32 to vector<16xi32>
    %select_n3A_69 = arith.select %gt3A_66, %get3A_63, %broadcast_in_dim3A_68 : vector<16xi32>
    %add3A_70 = arith.addi %add3A_59, %select_n3A_69 : vector<16xi32>
    %get3A_71 = arith.constant 6 : i32
    %get3A_72 = arith.index_cast %get3A_71 : i32 to index
    %get3A_73 = arith.constant 0 : index
    %get3A_74 = tpu.vector_load %arg9[%get3A_72, %get3A_73] {strides = array<i32>} : memref<32x16xi32, #tpu.memory_space<vmem>>, vector<16xi32>,
    %add3A_75 = arith.addi %add3A_64, %get3A_74 : vector<16xi32>
    %gt3A_76 = arith.constant 6 : i32
    %gt3A_77 = arith.cmpi sgt, %add3A, %gt3A_76 : i32
    %jit3A_78 = arith.constant 0 : i32
    %broadcast_in_dim3A_79 = vector.broadcast %jit3A_78 : i32 to vector<16xi32>
    %select_n3A_80 = arith.select %gt3A_77, %get3A_74, %broadcast_in_dim3A_79 : vector<16xi32>
    %add3A_81 = arith.addi %add3A_70, %select_n3A_80 : vector<16xi32>
    %get3A_82 = arith.constant 7 : i32
    %get3A_83 = arith.index_cast %get3A_82 : i32 to index
    %get3A_84 = arith.constant 0 : index
    %get3A_85 = tpu.vector_load %arg9[%get3A_83, %get3A_84] {strides = array<i32>} : memref<32x16xi32, #tpu.memory_space<vmem>>, vector<16xi32>,
    %add3A_86 = arith.addi %add3A_75, %get3A_85 : vector<16xi32>
    %gt3A_87 = arith.constant 7 : i32
    %gt3A_88 = arith.cmpi sgt, %add3A, %gt3A_87 : i32
    %jit3A_89 = arith.constant 0 : i32
    %broadcast_in_dim3A_90 = vector.broadcast %jit3A_89 : i32 to vector<16xi32>
    %select_n3A_91 = arith.select %gt3A_88, %get3A_85, %broadcast_in_dim3A_90 : vector<16xi32>
    %add3A_92 = arith.addi %add3A_81, %select_n3A_91 : vector<16xi32>
    %get3A_93 = arith.constant 8 : i32
    %get3A_94 = arith.index_cast %get3A_93 : i32 to index
    %get3A_95 = arith.constant 0 : index
    %get3A_96 = tpu.vector_load %arg9[%get3A_94, %get3A_95] {strides = array<i32>} : memref<32x16xi32, #tpu.memory_space<vmem>>, vector<16xi32>,
    %add3A_97 = arith.addi %add3A_86, %get3A_96 : vector<16xi32>
    %gt3A_98 = arith.constant 8 : i32
    %gt3A_99 = arith.cmpi sgt, %add3A, %gt3A_98 : i32
    %jit3A_100 = arith.constant 0 : i32
    %broadcast_in_dim3A_101 = vector.broadcast %jit3A_100 : i32 to vector<16xi32>
    %select_n3A_102 = arith.select %gt3A_99, %get3A_96, %broadcast_in_dim3A_101 : vector<16xi32>
    %add3A_103 = arith.addi %add3A_92, %select_n3A_102 : vector<16xi32>
    %get3A_104 = arith.constant 9 : i32
    %get3A_105 = arith.index_cast %get3A_104 : i32 to index
    %get3A_106 = arith.constant 0 : index
    %get3A_107 = tpu.vector_load %arg9[%get3A_105, %get3A_106] {strides = array<i32>} : memref<32x16xi32, #tpu.memory_space<vmem>>, vector<16xi32>,
    %add3A_108 = arith.addi %add3A_97, %get3A_107 : vector<16xi32>
    %gt3A_109 = arith.constant 9 : i32
    %gt3A_110 = arith.cmpi sgt, %add3A, %gt3A_109 : i32
    %jit3A_111 = arith.constant 0 : i32
    %broadcast_in_dim3A_112 = vector.broadcast %jit3A_111 : i32 to vector<16xi32>
    %select_n3A_113 = arith.select %gt3A_110, %get3A_107, %broadcast_in_dim3A_112 : vector<16xi32>
    %add3A_114 = arith.addi %add3A_103, %select_n3A_113 : vector<16xi32>
    %get3A_115 = arith.constant 10 : i32
    %get3A_116 = arith.index_cast %get3A_115 : i32 to index
    %get3A_117 = arith.constant 0 : index
    %get3A_118 = tpu.vector_load %arg9[%get3A_116, %get3A_117] {strides = array<i32>} : memref<32x16xi32, #tpu.memory_space<vmem>>, vector<16xi32>,
    %add3A_119 = arith.addi %add3A_108, %get3A_118 : vector<16xi32>
    %gt3A_120 = arith.constant 10 : i32
    %gt3A_121 = arith.cmpi sgt, %add3A, %gt3A_120 : i32
    %jit3A_122 = arith.constant 0 : i32
    %broadcast_in_dim3A_123 = vector.broadcast %jit3A_122 : i32 to vector<16xi32>
    %select_n3A_124 = arith.select %gt3A_121, %get3A_118, %broadcast_in_dim3A_123 : vector<16xi32>
    %add3A_125 = arith.addi %add3A_114, %select_n3A_124 : vector<16xi32>
    %get3A_126 = arith.constant 11 : i32
    %get3A_127 = arith.index_cast %get3A_126 : i32 to index
    %get3A_128 = arith.constant 0 : index
    %get3A_129 = tpu.vector_load %arg9[%get3A_127, %get3A_128] {strides = array<i32>} : memref<32x16xi32, #tpu.memory_space<vmem>>, vector<16xi32>,
    %add3A_130 = arith.addi %add3A_119, %get3A_129 : vector<16xi32>
    %gt3A_131 = arith.constant 11 : i32
    %gt3A_132 = arith.cmpi sgt, %add3A, %gt3A_131 : i32
    %jit3A_133 = arith.constant 0 : i32
    %broadcast_in_dim3A_134 = vector.broadcast %jit3A_133 : i32 to vector<16xi32>
    %select_n3A_135 = arith.select %gt3A_132, %get3A_129, %broadcast_in_dim3A_134 : vector<16xi32>
    %add3A_136 = arith.addi %add3A_125, %select_n3A_135 : vector<16xi32>
    %get3A_137 = arith.constant 12 : i32
    %get3A_138 = arith.index_cast %get3A_137 : i32 to index
    %get3A_139 = arith.constant 0 : index
    %get3A_140 = tpu.vector_load %arg9[%get3A_138, %get3A_139] {strides = array<i32>} : memref<32x16xi32, #tpu.memory_space<vmem>>, vector<16xi32>,
    %add3A_141 = arith.addi %add3A_130, %get3A_140 : vector<16xi32>
    %gt3A_142 = arith.constant 12 : i32
    %gt3A_143 = arith.cmpi sgt, %add3A, %gt3A_142 : i32
    %jit3A_144 = arith.constant 0 : i32
    %broadcast_in_dim3A_145 = vector.broadcast %jit3A_144 : i32 to vector<16xi32>
    %select_n3A_146 = arith.select %gt3A_143, %get3A_140, %broadcast_in_dim3A_145 : vector<16xi32>
    %add3A_147 = arith.addi %add3A_136, %select_n3A_146 : vector<16xi32>
    %get3A_148 = arith.constant 13 : i32
    %get3A_149 = arith.index_cast %get3A_148 : i32 to index
    %get3A_150 = arith.constant 0 : index
    %get3A_151 = tpu.vector_load %arg9[%get3A_149, %get3A_150] {strides = array<i32>} : memref<32x16xi32, #tpu.memory_space<vmem>>, vector<16xi32>,
    %add3A_152 = arith.addi %add3A_141, %get3A_151 : vector<16xi32>
    %gt3A_153 = arith.constant 13 : i32
    %gt3A_154 = arith.cmpi sgt, %add3A, %gt3A_153 : i32
    %jit3A_155 = arith.constant 0 : i32
    %broadcast_in_dim3A_156 = vector.broadcast %jit3A_155 : i32 to vector<16xi32>
    %select_n3A_157 = arith.select %gt3A_154, %get3A_151, %broadcast_in_dim3A_156 : vector<16xi32>
    %add3A_158 = arith.addi %add3A_147, %select_n3A_157 : vector<16xi32>
    %get3A_159 = arith.constant 14 : i32
    %get3A_160 = arith.index_cast %get3A_159 : i32 to index
    %get3A_161 = arith.constant 0 : index
    %get3A_162 = tpu.vector_load %arg9[%get3A_160, %get3A_161] {strides = array<i32>} : memref<32x16xi32, #tpu.memory_space<vmem>>, vector<16xi32>,
    %add3A_163 = arith.addi %add3A_152, %get3A_162 : vector<16xi32>
    %gt3A_164 = arith.constant 14 : i32
    %gt3A_165 = arith.cmpi sgt, %add3A, %gt3A_164 : i32
    %jit3A_166 = arith.constant 0 : i32
    %broadcast_in_dim3A_167 = vector.broadcast %jit3A_166 : i32 to vector<16xi32>
    %select_n3A_168 = arith.select %gt3A_165, %get3A_162, %broadcast_in_dim3A_167 : vector<16xi32>
    %add3A_169 = arith.addi %add3A_158, %select_n3A_168 : vector<16xi32>
    %get3A_170 = arith.constant 15 : i32
    %get3A_171 = arith.index_cast %get3A_170 : i32 to index
    %get3A_172 = arith.constant 0 : index
    %get3A_173 = tpu.vector_load %arg9[%get3A_171, %get3A_172] {strides = array<i32>} : memref<32x16xi32, #tpu.memory_space<vmem>>, vector<16xi32>,
    %add3A_174 = arith.addi %add3A_163, %get3A_173 : vector<16xi32>
    %gt3A_175 = arith.constant 15 : i32
    %gt3A_176 = arith.cmpi sgt, %add3A, %gt3A_175 : i32
    %jit3A_177 = arith.constant 0 : i32
    %broadcast_in_dim3A_178 = vector.broadcast %jit3A_177 : i32 to vector<16xi32>
    %select_n3A_179 = arith.select %gt3A_176, %get3A_173, %broadcast_in_dim3A_178 : vector<16xi32>
    %add3A_180 = arith.addi %add3A_169, %select_n3A_179 : vector<16xi32>
    %get3A_181 = arith.constant 16 : i32
    %get3A_182 = arith.index_cast %get3A_181 : i32 to index
    %get3A_183 = arith.constant 0 : index
    %get3A_184 = tpu.vector_load %arg9[%get3A_182, %get3A_183] {strides = array<i32>} : memref<32x16xi32, #tpu.memory_space<vmem>>, vector<16xi32>,
    %add3A_185 = arith.addi %add3A_174, %get3A_184 : vector<16xi32>
    %gt3A_186 = arith.constant 16 : i32
    %gt3A_187 = arith.cmpi sgt, %add3A, %gt3A_186 : i32
    %jit3A_188 = arith.constant 0 : i32
    %broadcast_in_dim3A_189 = vector.broadcast %jit3A_188 : i32 to vector<16xi32>
    %select_n3A_190 = arith.select %gt3A_187, %get3A_184, %broadcast_in_dim3A_189 : vector<16xi32>
    %add3A_191 = arith.addi %add3A_180, %select_n3A_190 : vector<16xi32>
    %get3A_192 = arith.constant 17 : i32
    %get3A_193 = arith.index_cast %get3A_192 : i32 to index
    %get3A_194 = arith.constant 0 : index
    %get3A_195 = tpu.vector_load %arg9[%get3A_193, %get3A_194] {strides = array<i32>} : memref<32x16xi32, #tpu.memory_space<vmem>>, vector<16xi32>,
    %add3A_196 = arith.addi %add3A_185, %get3A_195 : vector<16xi32>
    %gt3A_197 = arith.constant 17 : i32
    %gt3A_198 = arith.cmpi sgt, %add3A, %gt3A_197 : i32
    %jit3A_199 = arith.constant 0 : i32
    %broadcast_in_dim3A_200 = vector.broadcast %jit3A_199 : i32 to vector<16xi32>
    %select_n3A_201 = arith.select %gt3A_198, %get3A_195, %broadcast_in_dim3A_200 : vector<16xi32>
    %add3A_202 = arith.addi %add3A_191, %select_n3A_201 : vector<16xi32>
    %get3A_203 = arith.constant 18 : i32
    %get3A_204 = arith.index_cast %get3A_203 : i32 to index
    %get3A_205 = arith.constant 0 : index
    %get3A_206 = tpu.vector_load %arg9[%get3A_204, %get3A_205] {strides = array<i32>} : memref<32x16xi32, #tpu.memory_space<vmem>>, vector<16xi32>,
    %add3A_207 = arith.addi %add3A_196, %get3A_206 : vector<16xi32>
    %gt3A_208 = arith.constant 18 : i32
    %gt3A_209 = arith.cmpi sgt, %add3A, %gt3A_208 : i32
    %jit3A_210 = arith.constant 0 : i32
    %broadcast_in_dim3A_211 = vector.broadcast %jit3A_210 : i32 to vector<16xi32>
    %select_n3A_212 = arith.select %gt3A_209, %get3A_206, %broadcast_in_dim3A_211 : vector<16xi32>
    %add3A_213 = arith.addi %add3A_202, %select_n3A_212 : vector<16xi32>
    %get3A_214 = arith.constant 19 : i32
    %get3A_215 = arith.index_cast %get3A_214 : i32 to index
    %get3A_216 = arith.constant 0 : index
    %get3A_217 = tpu.vector_load %arg9[%get3A_215, %get3A_216] {strides = array<i32>} : memref<32x16xi32, #tpu.memory_space<vmem>>, vector<16xi32>,
    %add3A_218 = arith.addi %add3A_207, %get3A_217 : vector<16xi32>
    %gt3A_219 = arith.constant 19 : i32
    %gt3A_220 = arith.cmpi sgt, %add3A, %gt3A_219 : i32
    %jit3A_221 = arith.constant 0 : i32
    %broadcast_in_dim3A_222 = vector.broadcast %jit3A_221 : i32 to vector<16xi32>
    %select_n3A_223 = arith.select %gt3A_220, %get3A_217, %broadcast_in_dim3A_222 : vector<16xi32>
    %add3A_224 = arith.addi %add3A_213, %select_n3A_223 : vector<16xi32>
    %get3A_225 = arith.constant 20 : i32
    %get3A_226 = arith.index_cast %get3A_225 : i32 to index
    %get3A_227 = arith.constant 0 : index
    %get3A_228 = tpu.vector_load %arg9[%get3A_226, %get3A_227] {strides = array<i32>} : memref<32x16xi32, #tpu.memory_space<vmem>>, vector<16xi32>,
    %add3A_229 = arith.addi %add3A_218, %get3A_228 : vector<16xi32>
    %gt3A_230 = arith.constant 20 : i32
    %gt3A_231 = arith.cmpi sgt, %add3A, %gt3A_230 : i32
    %jit3A_232 = arith.constant 0 : i32
    %broadcast_in_dim3A_233 = vector.broadcast %jit3A_232 : i32 to vector<16xi32>
    %select_n3A_234 = arith.select %gt3A_231, %get3A_228, %broadcast_in_dim3A_233 : vector<16xi32>
    %add3A_235 = arith.addi %add3A_224, %select_n3A_234 : vector<16xi32>
    %get3A_236 = arith.constant 21 : i32
    %get3A_237 = arith.index_cast %get3A_236 : i32 to index
    %get3A_238 = arith.constant 0 : index
    %get3A_239 = tpu.vector_load %arg9[%get3A_237, %get3A_238] {strides = array<i32>} : memref<32x16xi32, #tpu.memory_space<vmem>>, vector<16xi32>,
    %add3A_240 = arith.addi %add3A_229, %get3A_239 : vector<16xi32>
    %gt3A_241 = arith.constant 21 : i32
    %gt3A_242 = arith.cmpi sgt, %add3A, %gt3A_241 : i32
    %jit3A_243 = arith.constant 0 : i32
    %broadcast_in_dim3A_244 = vector.broadcast %jit3A_243 : i32 to vector<16xi32>
    %select_n3A_245 = arith.select %gt3A_242, %get3A_239, %broadcast_in_dim3A_244 : vector<16xi32>
    %add3A_246 = arith.addi %add3A_235, %select_n3A_245 : vector<16xi32>
    %get3A_247 = arith.constant 22 : i32
    %get3A_248 = arith.index_cast %get3A_247 : i32 to index
    %get3A_249 = arith.constant 0 : index
    %get3A_250 = tpu.vector_load %arg9[%get3A_248, %get3A_249] {strides = array<i32>} : memref<32x16xi32, #tpu.memory_space<vmem>>, vector<16xi32>,
    %add3A_251 = arith.addi %add3A_240, %get3A_250 : vector<16xi32>
    %gt3A_252 = arith.constant 22 : i32
    %gt3A_253 = arith.cmpi sgt, %add3A, %gt3A_252 : i32
    %jit3A_254 = arith.constant 0 : i32
    %broadcast_in_dim3A_255 = vector.broadcast %jit3A_254 : i32 to vector<16xi32>
    %select_n3A_256 = arith.select %gt3A_253, %get3A_250, %broadcast_in_dim3A_255 : vector<16xi32>
    %add3A_257 = arith.addi %add3A_246, %select_n3A_256 : vector<16xi32>
    %get3A_258 = arith.constant 23 : i32
    %get3A_259 = arith.index_cast %get3A_258 : i32 to index
    %get3A_260 = arith.constant 0 : index
    %get3A_261 = tpu.vector_load %arg9[%get3A_259, %get3A_260] {strides = array<i32>} : memref<32x16xi32, #tpu.memory_space<vmem>>, vector<16xi32>,
    %add3A_262 = arith.addi %add3A_251, %get3A_261 : vector<16xi32>
    %gt3A_263 = arith.constant 23 : i32
    %gt3A_264 = arith.cmpi sgt, %add3A, %gt3A_263 : i32
    %jit3A_265 = arith.constant 0 : i32
    %broadcast_in_dim3A_266 = vector.broadcast %jit3A_265 : i32 to vector<16xi32>
    %select_n3A_267 = arith.select %gt3A_264, %get3A_261, %broadcast_in_dim3A_266 : vector<16xi32>
    %add3A_268 = arith.addi %add3A_257, %select_n3A_267 : vector<16xi32>
    %get3A_269 = arith.constant 24 : i32
    %get3A_270 = arith.index_cast %get3A_269 : i32 to index
    %get3A_271 = arith.constant 0 : index
    %get3A_272 = tpu.vector_load %arg9[%get3A_270, %get3A_271] {strides = array<i32>} : memref<32x16xi32, #tpu.memory_space<vmem>>, vector<16xi32>,
    %add3A_273 = arith.addi %add3A_262, %get3A_272 : vector<16xi32>
    %gt3A_274 = arith.constant 24 : i32
    %gt3A_275 = arith.cmpi sgt, %add3A, %gt3A_274 : i32
    %jit3A_276 = arith.constant 0 : i32
    %broadcast_in_dim3A_277 = vector.broadcast %jit3A_276 : i32 to vector<16xi32>
    %select_n3A_278 = arith.select %gt3A_275, %get3A_272, %broadcast_in_dim3A_277 : vector<16xi32>
    %add3A_279 = arith.addi %add3A_268, %select_n3A_278 : vector<16xi32>
    %get3A_280 = arith.constant 25 : i32
    %get3A_281 = arith.index_cast %get3A_280 : i32 to index
    %get3A_282 = arith.constant 0 : index
    %get3A_283 = tpu.vector_load %arg9[%get3A_281, %get3A_282] {strides = array<i32>} : memref<32x16xi32, #tpu.memory_space<vmem>>, vector<16xi32>,
    %add3A_284 = arith.addi %add3A_273, %get3A_283 : vector<16xi32>
    %gt3A_285 = arith.constant 25 : i32
    %gt3A_286 = arith.cmpi sgt, %add3A, %gt3A_285 : i32
    %jit3A_287 = arith.constant 0 : i32
    %broadcast_in_dim3A_288 = vector.broadcast %jit3A_287 : i32 to vector<16xi32>
    %select_n3A_289 = arith.select %gt3A_286, %get3A_283, %broadcast_in_dim3A_288 : vector<16xi32>
    %add3A_290 = arith.addi %add3A_279, %select_n3A_289 : vector<16xi32>
    %get3A_291 = arith.constant 26 : i32
    %get3A_292 = arith.index_cast %get3A_291 : i32 to index
    %get3A_293 = arith.constant 0 : index
    %get3A_294 = tpu.vector_load %arg9[%get3A_292, %get3A_293] {strides = array<i32>} : memref<32x16xi32, #tpu.memory_space<vmem>>, vector<16xi32>,
    %add3A_295 = arith.addi %add3A_284, %get3A_294 : vector<16xi32>
    %gt3A_296 = arith.constant 26 : i32
    %gt3A_297 = arith.cmpi sgt, %add3A, %gt3A_296 : i32
    %jit3A_298 = arith.constant 0 : i32
    %broadcast_in_dim3A_299 = vector.broadcast %jit3A_298 : i32 to vector<16xi32>
    %select_n3A_300 = arith.select %gt3A_297, %get3A_294, %broadcast_in_dim3A_299 : vector<16xi32>
    %add3A_301 = arith.addi %add3A_290, %select_n3A_300 : vector<16xi32>
    %get3A_302 = arith.constant 27 : i32
    %get3A_303 = arith.index_cast %get3A_302 : i32 to index
    %get3A_304 = arith.constant 0 : index
    %get3A_305 = tpu.vector_load %arg9[%get3A_303, %get3A_304] {strides = array<i32>} : memref<32x16xi32, #tpu.memory_space<vmem>>, vector<16xi32>,
    %add3A_306 = arith.addi %add3A_295, %get3A_305 : vector<16xi32>
    %gt3A_307 = arith.constant 27 : i32
    %gt3A_308 = arith.cmpi sgt, %add3A, %gt3A_307 : i32
    %jit3A_309 = arith.constant 0 : i32
    %broadcast_in_dim3A_310 = vector.broadcast %jit3A_309 : i32 to vector<16xi32>
    %select_n3A_311 = arith.select %gt3A_308, %get3A_305, %broadcast_in_dim3A_310 : vector<16xi32>
    %add3A_312 = arith.addi %add3A_301, %select_n3A_311 : vector<16xi32>
    %get3A_313 = arith.constant 28 : i32
    %get3A_314 = arith.index_cast %get3A_313 : i32 to index
    %get3A_315 = arith.constant 0 : index
    %get3A_316 = tpu.vector_load %arg9[%get3A_314, %get3A_315] {strides = array<i32>} : memref<32x16xi32, #tpu.memory_space<vmem>>, vector<16xi32>,
    %add3A_317 = arith.addi %add3A_306, %get3A_316 : vector<16xi32>
    %gt3A_318 = arith.constant 28 : i32
    %gt3A_319 = arith.cmpi sgt, %add3A, %gt3A_318 : i32
    %jit3A_320 = arith.constant 0 : i32
    %broadcast_in_dim3A_321 = vector.broadcast %jit3A_320 : i32 to vector<16xi32>
    %select_n3A_322 = arith.select %gt3A_319, %get3A_316, %broadcast_in_dim3A_321 : vector<16xi32>
    %add3A_323 = arith.addi %add3A_312, %select_n3A_322 : vector<16xi32>
    %get3A_324 = arith.constant 29 : i32
    %get3A_325 = arith.index_cast %get3A_324 : i32 to index
    %get3A_326 = arith.constant 0 : index
    %get3A_327 = tpu.vector_load %arg9[%get3A_325, %get3A_326] {strides = array<i32>} : memref<32x16xi32, #tpu.memory_space<vmem>>, vector<16xi32>,
    %add3A_328 = arith.addi %add3A_317, %get3A_327 : vector<16xi32>
    %gt3A_329 = arith.constant 29 : i32
    %gt3A_330 = arith.cmpi sgt, %add3A, %gt3A_329 : i32
    %jit3A_331 = arith.constant 0 : i32
    %broadcast_in_dim3A_332 = vector.broadcast %jit3A_331 : i32 to vector<16xi32>
    %select_n3A_333 = arith.select %gt3A_330, %get3A_327, %broadcast_in_dim3A_332 : vector<16xi32>
    %add3A_334 = arith.addi %add3A_323, %select_n3A_333 : vector<16xi32>
    %get3A_335 = arith.constant 30 : i32
    %get3A_336 = arith.index_cast %get3A_335 : i32 to index
    %get3A_337 = arith.constant 0 : index
    %get3A_338 = tpu.vector_load %arg9[%get3A_336, %get3A_337] {strides = array<i32>} : memref<32x16xi32, #tpu.memory_space<vmem>>, vector<16xi32>,
    %add3A_339 = arith.addi %add3A_328, %get3A_338 : vector<16xi32>
    %gt3A_340 = arith.constant 30 : i32
    %gt3A_341 = arith.cmpi sgt, %add3A, %gt3A_340 : i32
    %jit3A_342 = arith.constant 0 : i32
    %broadcast_in_dim3A_343 = vector.broadcast %jit3A_342 : i32 to vector<16xi32>
    %select_n3A_344 = arith.select %gt3A_341, %get3A_338, %broadcast_in_dim3A_343 : vector<16xi32>
    %add3A_345 = arith.addi %add3A_334, %select_n3A_344 : vector<16xi32>
    %get3A_346 = arith.constant 31 : i32
    %get3A_347 = arith.index_cast %get3A_346 : i32 to index
    %get3A_348 = arith.constant 0 : index
    %get3A_349 = tpu.vector_load %arg9[%get3A_347, %get3A_348] {strides = array<i32>} : memref<32x16xi32, #tpu.memory_space<vmem>>, vector<16xi32>,
    %add3A_350 = arith.addi %add3A_339, %get3A_349 : vector<16xi32>
    %gt3A_351 = arith.constant 31 : i32
    %gt3A_352 = arith.cmpi sgt, %add3A, %gt3A_351 : i32
    %jit3A_353 = arith.constant 0 : i32
    %broadcast_in_dim3A_354 = vector.broadcast %jit3A_353 : i32 to vector<16xi32>
    %select_n3A_355 = arith.select %gt3A_352, %get3A_349, %broadcast_in_dim3A_354 : vector<16xi32>
    %add3A_356 = arith.addi %add3A_345, %select_n3A_355 : vector<16xi32>
    %swap3A = arith.constant 0 : index
    %swap3A_357 = tpu.vector_load %arg10[%swap3A] {strides = array<i32>} : memref<16xi32, #tpu.memory_space<vmem>>, vector<16xi32>,
    tpu.vector_store %arg10[%swap3A], %add3A_350 {strides = array<i32>} : memref<16xi32, #tpu.memory_space<vmem>>, vector<16xi32>,
    %sub3A = arith.constant 1 : i32
    %sub3A_358 = vector.broadcast %sub3A : i32 to vector<16xi32>
    %sub3A_359 = arith.subi %iota3A, %sub3A_358 : vector<16xi32>
    %abs3A = math.absi %sub3A_359 : vector<16xi32>
    %gather3A = tpu.vector_load_idx %arg10[%abs3A] : memref<16xi32, #tpu.memory_space<vmem>>[vector<16xi32>], vector<16xi32>,
    %ge3A = arith.constant 1 : i32
    %ge3A_360 = vector.broadcast %ge3A : i32 to vector<16xi32>
    %ge3A_361 = arith.cmpi sge, %iota3A, %ge3A_360 : vector<16xi32>
    %jit3A_362 = arith.constant 0 : i32
    %broadcast_in_dim3A_363 = vector.broadcast %jit3A_362 : i32 to vector<16xi32>
    %select_n3A_364 = arith.select %ge3A_361, %gather3A, %broadcast_in_dim3A_363 : vector<16xi1>, vector<16xi32>
    %add3A_365 = arith.addi %add3A_350, %select_n3A_364 : vector<16xi32>
    %swap3A_366 = arith.constant 0 : index
    %swap3A_367 = tpu.vector_load %arg10[%swap3A_366] {strides = array<i32>} : memref<16xi32, #tpu.memory_space<vmem>>, vector<16xi32>,
    tpu.vector_store %arg10[%swap3A_366], %add3A_365 {strides = array<i32>} : memref<16xi32, #tpu.memory_space<vmem>>, vector<16xi32>,
    %sub3A_368 = arith.constant 2 : i32
    %sub3A_369 = vector.broadcast %sub3A_368 : i32 to vector<16xi32>
    %sub3A_370 = arith.subi %iota3A, %sub3A_369 : vector<16xi32>
    %abs3A_371 = math.absi %sub3A_370 : vector<16xi32>
    %gather3A_372 = tpu.vector_load_idx %arg10[%abs3A_371] : memref<16xi32, #tpu.memory_space<vmem>>[vector<16xi32>], vector<16xi32>,
    %ge3A_373 = arith.constant 2 : i32
    %ge3A_374 = vector.broadcast %ge3A_373 : i32 to vector<16xi32>
    %ge3A_375 = arith.cmpi sge, %iota3A, %ge3A_374 : vector<16xi32>
    %jit3A_376 = arith.constant 0 : i32
    %broadcast_in_dim3A_377 = vector.broadcast %jit3A_376 : i32 to vector<16xi32>
    %select_n3A_378 = arith.select %ge3A_375, %gather3A_372, %broadcast_in_dim3A_377 : vector<16xi1>, vector<16xi32>
    %add3A_379 = arith.addi %add3A_365, %select_n3A_378 : vector<16xi32>
    %swap3A_380 = arith.constant 0 : index
    %swap3A_381 = tpu.vector_load %arg10[%swap3A_380] {strides = array<i32>} : memref<16xi32, #tpu.memory_space<vmem>>, vector<16xi32>,
    tpu.vector_store %arg10[%swap3A_380], %add3A_379 {strides = array<i32>} : memref<16xi32, #tpu.memory_space<vmem>>, vector<16xi32>,
    %sub3A_382 = arith.constant 4 : i32
    %sub3A_383 = vector.broadcast %sub3A_382 : i32 to vector<16xi32>
    %sub3A_384 = arith.subi %iota3A, %sub3A_383 : vector<16xi32>
    %abs3A_385 = math.absi %sub3A_384 : vector<16xi32>
    %gather3A_386 = tpu.vector_load_idx %arg10[%abs3A_385] : memref<16xi32, #tpu.memory_space<vmem>>[vector<16xi32>], vector<16xi32>,
    %ge3A_387 = arith.constant 4 : i32
    %ge3A_388 = vector.broadcast %ge3A_387 : i32 to vector<16xi32>
    %ge3A_389 = arith.cmpi sge, %iota3A, %ge3A_388 : vector<16xi32>
    %jit3A_390 = arith.constant 0 : i32
    %broadcast_in_dim3A_391 = vector.broadcast %jit3A_390 : i32 to vector<16xi32>
    %select_n3A_392 = arith.select %ge3A_389, %gather3A_386, %broadcast_in_dim3A_391 : vector<16xi1>, vector<16xi32>
    %add3A_393 = arith.addi %add3A_379, %select_n3A_392 : vector<16xi32>
    %swap3A_394 = arith.constant 0 : index
    %swap3A_395 = tpu.vector_load %arg10[%swap3A_394] {strides = array<i32>} : memref<16xi32, #tpu.memory_space<vmem>>, vector<16xi32>,
    tpu.vector_store %arg10[%swap3A_394], %add3A_393 {strides = array<i32>} : memref<16xi32, #tpu.memory_space<vmem>>, vector<16xi32>,
    %sub3A_396 = arith.constant 8 : i32
    %sub3A_397 = vector.broadcast %sub3A_396 : i32 to vector<16xi32>
    %sub3A_398 = arith.subi %iota3A, %sub3A_397 : vector<16xi32>
    %abs3A_399 = math.absi %sub3A_398 : vector<16xi32>
    %gather3A_400 = tpu.vector_load_idx %arg10[%abs3A_399] : memref<16xi32, #tpu.memory_space<vmem>>[vector<16xi32>], vector<16xi32>,
    %ge3A_401 = arith.constant 8 : i32
    %ge3A_402 = vector.broadcast %ge3A_401 : i32 to vector<16xi32>
    %ge3A_403 = arith.cmpi sge, %iota3A, %ge3A_402 : vector<16xi32>
    %jit3A_404 = arith.constant 0 : i32
    %broadcast_in_dim3A_405 = vector.broadcast %jit3A_404 : i32 to vector<16xi32>
    %select_n3A_406 = arith.select %ge3A_403, %gather3A_400, %broadcast_in_dim3A_405 : vector<16xi1>, vector<16xi32>
    %add3A_407 = arith.addi %add3A_393, %select_n3A_406 : vector<16xi32>
    %sub3A_408 = arith.subi %add3A_407, %add3A_350 : vector<16xi32>
    %add3A_409 = arith.addi %sub3A_408, %add3A_356 : vector<16xi32>
    %swap3A_410 = arith.constant 0 : index
    %swap3A_411 = tpu.vector_load %arg12[%swap3A_410] {strides = array<i32>} : memref<16xi32, #tpu.memory_space<vmem>>, vector<16xi32>,
    tpu.vector_store %arg12[%swap3A_410], %sub3A_408 {strides = array<i32>} : memref<16xi32, #tpu.memory_space<vmem>>, vector<16xi32>,
    "tpu.region"() ({
      %run_scoped3A = tpu.sem_alloc : memref<!tpu.dma_semaphore, #tpu.memory_space<semaphore_mem>>
      tpu.enqueue_dma source(%arg12 : memref<16xi32, #tpu.memory_space<vmem>>) target(%arg6 : memref<16xi32, #tpu.memory_space<hbm>>) target_semaphore(%run_scoped3A : memref<!tpu.dma_semaphore, #tpu.memory_space<semaphore_mem>>)
      tpu.wait_dma2 semaphore(%run_scoped3A : memref<!tpu.dma_semaphore, #tpu.memory_space<semaphore_mem>>) src(%arg12 : memref<16xi32, #tpu.memory_space<vmem>>) dst(%arg6 : memref<16xi32, #tpu.memory_space<hbm>>)
      tpu.yield
    }) : () -> ()
    %dma_wait3A = arith.constant 0 : i32
    %dma_wait3A_412 = tpu.memref_slice %arg4[%mul3A_2, %dma_wait3A] : memref<2048x128xf32, #tpu.memory_space<hbm>> -> memref<64x128xf32, #tpu.memory_space<hbm>>
    %dma_wait3A_413 = arith.constant 0 : i32
    %dma_wait3A_414 = tpu.memref_slice %arg4[%mul3A_2, %dma_wait3A_413] : memref<2048x128xf32, #tpu.memory_space<hbm>> -> memref<64x128xf32, #tpu.memory_space<hbm>>
    tpu.wait_dma2 semaphore(%arg14 : memref<!tpu.dma_semaphore, #tpu.memory_space<semaphore_mem>>) src(%dma_wait3A_414 : memref<64x128xf32, #tpu.memory_space<hbm>>) dst(%arg13 : memref<64x128xf32, #tpu.memory_space<vmem>>)
    %get3A_415 = arith.constant 0 : index
    %get3A_416 = tpu.vector_load %arg8[%get3A_415] {strides = array<i32>} : memref<64xi32, #tpu.memory_space<vmem>>, vector<16xi32>,
    %broadcast_in_dim3A_417 = arith.constant 0 : i32
    %broadcast_in_dim3A_418 = vector.broadcast %broadcast_in_dim3A_417 : i32 to vector<16xi32>
    %sub3A_419 = arith.constant 1 : i32
    %sub3A_420 = vector.broadcast %sub3A_419 : i32 to vector<16xi32>
    %sub3A_421 = arith.subi %iota3A, %sub3A_420 : vector<16xi32>
    %abs3A_422 = math.absi %sub3A_421 : vector<16xi32>
    %add3A_423 = arith.constant 0 : i32
    %add3A_424 = vector.broadcast %add3A_423 : i32 to vector<16xi32>
    %add3A_425 = arith.addi %abs3A_422, %add3A_424 : vector<16xi32>
    %gather3A_426 = tpu.vector_load_idx %arg8[%add3A_425] : memref<64xi32, #tpu.memory_space<vmem>>[vector<16xi32>], vector<16xi32>,
    %ge3A_427 = arith.constant 1 : i32
    %ge3A_428 = vector.broadcast %ge3A_427 : i32 to vector<16xi32>
    %ge3A_429 = arith.cmpi sge, %iota3A, %ge3A_428 : vector<16xi32>
    %eq3A = arith.cmpi eq, %gather3A_426, %get3A_416 : vector<16xi32>
    %and3A = arith.andi %ge3A_429, %eq3A : vector<16xi1>
    %jit3A_430 = arith.constant 1 : i32
    %jit3A_431 = arith.constant 0 : i32
    %broadcast_in_dim3A_432 = vector.broadcast %jit3A_430 : i32 to vector<16xi32>
    %broadcast_in_dim3A_433 = vector.broadcast %jit3A_431 : i32 to vector<16xi32>
    %select_n3A_434 = arith.select %and3A, %broadcast_in_dim3A_432, %broadcast_in_dim3A_433 : vector<16xi1>, vector<16xi32>
    %add3A_435 = arith.addi %broadcast_in_dim3A_418, %select_n3A_434 : vector<16xi32>
    %sub3A_436 = arith.constant 2 : i32
    %sub3A_437 = vector.broadcast %sub3A_436 : i32 to vector<16xi32>
    %sub3A_438 = arith.subi %iota3A, %sub3A_437 : vector<16xi32>
    %abs3A_439 = math.absi %sub3A_438 : vector<16xi32>
    %add3A_440 = arith.constant 0 : i32
    %add3A_441 = vector.broadcast %add3A_440 : i32 to vector<16xi32>
    %add3A_442 = arith.addi %abs3A_439, %add3A_441 : vector<16xi32>
    %gather3A_443 = tpu.vector_load_idx %arg8[%add3A_442] : memref<64xi32, #tpu.memory_space<vmem>>[vector<16xi32>], vector<16xi32>,
    %ge3A_444 = arith.constant 2 : i32
    %ge3A_445 = vector.broadcast %ge3A_444 : i32 to vector<16xi32>
    %ge3A_446 = arith.cmpi sge, %iota3A, %ge3A_445 : vector<16xi32>
    %eq3A_447 = arith.cmpi eq, %gather3A_443, %get3A_416 : vector<16xi32>
    %and3A_448 = arith.andi %ge3A_446, %eq3A_447 : vector<16xi1>
    %jit3A_449 = arith.constant 1 : i32
    %jit3A_450 = arith.constant 0 : i32
    %broadcast_in_dim3A_451 = vector.broadcast %jit3A_449 : i32 to vector<16xi32>
    %broadcast_in_dim3A_452 = vector.broadcast %jit3A_450 : i32 to vector<16xi32>
    %select_n3A_453 = arith.select %and3A_448, %broadcast_in_dim3A_451, %broadcast_in_dim3A_452 : vector<16xi1>, vector<16xi32>
    %add3A_454 = arith.addi %add3A_435, %select_n3A_453 : vector<16xi32>
    %sub3A_455 = arith.constant 3 : i32
    %sub3A_456 = vector.broadcast %sub3A_455 : i32 to vector<16xi32>
    %sub3A_457 = arith.subi %iota3A, %sub3A_456 : vector<16xi32>
    %abs3A_458 = math.absi %sub3A_457 : vector<16xi32>
    %add3A_459 = arith.constant 0 : i32
    %add3A_460 = vector.broadcast %add3A_459 : i32 to vector<16xi32>
    %add3A_461 = arith.addi %abs3A_458, %add3A_460 : vector<16xi32>
    %gather3A_462 = tpu.vector_load_idx %arg8[%add3A_461] : memref<64xi32, #tpu.memory_space<vmem>>[vector<16xi32>], vector<16xi32>,
    %ge3A_463 = arith.constant 3 : i32
    %ge3A_464 = vector.broadcast %ge3A_463 : i32 to vector<16xi32>
    %ge3A_465 = arith.cmpi sge, %iota3A, %ge3A_464 : vector<16xi32>
    %eq3A_466 = arith.cmpi eq, %gather3A_462, %get3A_416 : vector<16xi32>
    %and3A_467 = arith.andi %ge3A_465, %eq3A_466 : vector<16xi1>
    %jit3A_468 = arith.constant 1 : i32
    %jit3A_469 = arith.constant 0 : i32
    %broadcast_in_dim3A_470 = vector.broadcast %jit3A_468 : i32 to vector<16xi32>
    %broadcast_in_dim3A_471 = vector.broadcast %jit3A_469 : i32 to vector<16xi32>
    %select_n3A_472 = arith.select %and3A_467, %broadcast_in_dim3A_470, %broadcast_in_dim3A_471 : vector<16xi1>, vector<16xi32>
    %add3A_473 = arith.addi %add3A_454, %select_n3A_472 : vector<16xi32>
    %sub3A_474 = arith.constant 4 : i32
    %sub3A_475 = vector.broadcast %sub3A_474 : i32 to vector<16xi32>
    %sub3A_476 = arith.subi %iota3A, %sub3A_475 : vector<16xi32>
    %abs3A_477 = math.absi %sub3A_476 : vector<16xi32>
    %add3A_478 = arith.constant 0 : i32
    %add3A_479 = vector.broadcast %add3A_478 : i32 to vector<16xi32>
    %add3A_480 = arith.addi %abs3A_477, %add3A_479 : vector<16xi32>
    %gather3A_481 = tpu.vector_load_idx %arg8[%add3A_480] : memref<64xi32, #tpu.memory_space<vmem>>[vector<16xi32>], vector<16xi32>,
    %ge3A_482 = arith.constant 4 : i32
    %ge3A_483 = vector.broadcast %ge3A_482 : i32 to vector<16xi32>
    %ge3A_484 = arith.cmpi sge, %iota3A, %ge3A_483 : vector<16xi32>
    %eq3A_485 = arith.cmpi eq, %gather3A_481, %get3A_416 : vector<16xi32>
    %and3A_486 = arith.andi %ge3A_484, %eq3A_485 : vector<16xi1>
    %jit3A_487 = arith.constant 1 : i32
    %jit3A_488 = arith.constant 0 : i32
    %broadcast_in_dim3A_489 = vector.broadcast %jit3A_487 : i32 to vector<16xi32>
    %broadcast_in_dim3A_490 = vector.broadcast %jit3A_488 : i32 to vector<16xi32>
    %select_n3A_491 = arith.select %and3A_486, %broadcast_in_dim3A_489, %broadcast_in_dim3A_490 : vector<16xi1>, vector<16xi32>
    %add3A_492 = arith.addi %add3A_473, %select_n3A_491 : vector<16xi32>
    %sub3A_493 = arith.constant 5 : i32
    %sub3A_494 = vector.broadcast %sub3A_493 : i32 to vector<16xi32>
    %sub3A_495 = arith.subi %iota3A, %sub3A_494 : vector<16xi32>
    %abs3A_496 = math.absi %sub3A_495 : vector<16xi32>
    %add3A_497 = arith.constant 0 : i32
    %add3A_498 = vector.broadcast %add3A_497 : i32 to vector<16xi32>
    %add3A_499 = arith.addi %abs3A_496, %add3A_498 : vector<16xi32>
    %gather3A_500 = tpu.vector_load_idx %arg8[%add3A_499] : memref<64xi32, #tpu.memory_space<vmem>>[vector<16xi32>], vector<16xi32>,
    %ge3A_501 = arith.constant 5 : i32
    %ge3A_502 = vector.broadcast %ge3A_501 : i32 to vector<16xi32>
    %ge3A_503 = arith.cmpi sge, %iota3A, %ge3A_502 : vector<16xi32>
    %eq3A_504 = arith.cmpi eq, %gather3A_500, %get3A_416 : vector<16xi32>
    %and3A_505 = arith.andi %ge3A_503, %eq3A_504 : vector<16xi1>
    %jit3A_506 = arith.constant 1 : i32
    %jit3A_507 = arith.constant 0 : i32
    %broadcast_in_dim3A_508 = vector.broadcast %jit3A_506 : i32 to vector<16xi32>
    %broadcast_in_dim3A_509 = vector.broadcast %jit3A_507 : i32 to vector<16xi32>
    %select_n3A_510 = arith.select %and3A_505, %broadcast_in_dim3A_508, %broadcast_in_dim3A_509 : vector<16xi1>, vector<16xi32>
    %add3A_511 = arith.addi %add3A_492, %select_n3A_510 : vector<16xi32>
    %sub3A_512 = arith.constant 6 : i32
    %sub3A_513 = vector.broadcast %sub3A_512 : i32 to vector<16xi32>
    %sub3A_514 = arith.subi %iota3A, %sub3A_513 : vector<16xi32>
    %abs3A_515 = math.absi %sub3A_514 : vector<16xi32>
    %add3A_516 = arith.constant 0 : i32
    %add3A_517 = vector.broadcast %add3A_516 : i32 to vector<16xi32>
    %add3A_518 = arith.addi %abs3A_515, %add3A_517 : vector<16xi32>
    %gather3A_519 = tpu.vector_load_idx %arg8[%add3A_518] : memref<64xi32, #tpu.memory_space<vmem>>[vector<16xi32>], vector<16xi32>,
    %ge3A_520 = arith.constant 6 : i32
    %ge3A_521 = vector.broadcast %ge3A_520 : i32 to vector<16xi32>
    %ge3A_522 = arith.cmpi sge, %iota3A, %ge3A_521 : vector<16xi32>
    %eq3A_523 = arith.cmpi eq, %gather3A_519, %get3A_416 : vector<16xi32>
    %and3A_524 = arith.andi %ge3A_522, %eq3A_523 : vector<16xi1>
    %jit3A_525 = arith.constant 1 : i32
    %jit3A_526 = arith.constant 0 : i32
    %broadcast_in_dim3A_527 = vector.broadcast %jit3A_525 : i32 to vector<16xi32>
    %broadcast_in_dim3A_528 = vector.broadcast %jit3A_526 : i32 to vector<16xi32>
    %select_n3A_529 = arith.select %and3A_524, %broadcast_in_dim3A_527, %broadcast_in_dim3A_528 : vector<16xi1>, vector<16xi32>
    %add3A_530 = arith.addi %add3A_511, %select_n3A_529 : vector<16xi32>
    %sub3A_531 = arith.constant 7 : i32
    %sub3A_532 = vector.broadcast %sub3A_531 : i32 to vector<16xi32>
    %sub3A_533 = arith.subi %iota3A, %sub3A_532 : vector<16xi32>
    %abs3A_534 = math.absi %sub3A_533 : vector<16xi32>
    %add3A_535 = arith.constant 0 : i32
    %add3A_536 = vector.broadcast %add3A_535 : i32 to vector<16xi32>
    %add3A_537 = arith.addi %abs3A_534, %add3A_536 : vector<16xi32>
    %gather3A_538 = tpu.vector_load_idx %arg8[%add3A_537] : memref<64xi32, #tpu.memory_space<vmem>>[vector<16xi32>], vector<16xi32>,
    %ge3A_539 = arith.constant 7 : i32
    %ge3A_540 = vector.broadcast %ge3A_539 : i32 to vector<16xi32>
    %ge3A_541 = arith.cmpi sge, %iota3A, %ge3A_540 : vector<16xi32>
    %eq3A_542 = arith.cmpi eq, %gather3A_538, %get3A_416 : vector<16xi32>
    %and3A_543 = arith.andi %ge3A_541, %eq3A_542 : vector<16xi1>
    %jit3A_544 = arith.constant 1 : i32
    %jit3A_545 = arith.constant 0 : i32
    %broadcast_in_dim3A_546 = vector.broadcast %jit3A_544 : i32 to vector<16xi32>
    %broadcast_in_dim3A_547 = vector.broadcast %jit3A_545 : i32 to vector<16xi32>
    %select_n3A_548 = arith.select %and3A_543, %broadcast_in_dim3A_546, %broadcast_in_dim3A_547 : vector<16xi1>, vector<16xi32>
    %add3A_549 = arith.addi %add3A_530, %select_n3A_548 : vector<16xi32>
    %sub3A_550 = arith.constant 8 : i32
    %sub3A_551 = vector.broadcast %sub3A_550 : i32 to vector<16xi32>
    %sub3A_552 = arith.subi %iota3A, %sub3A_551 : vector<16xi32>
    %abs3A_553 = math.absi %sub3A_552 : vector<16xi32>
    %add3A_554 = arith.constant 0 : i32
    %add3A_555 = vector.broadcast %add3A_554 : i32 to vector<16xi32>
    %add3A_556 = arith.addi %abs3A_553, %add3A_555 : vector<16xi32>
    %gather3A_557 = tpu.vector_load_idx %arg8[%add3A_556] : memref<64xi32, #tpu.memory_space<vmem>>[vector<16xi32>], vector<16xi32>,
    %ge3A_558 = arith.constant 8 : i32
    %ge3A_559 = vector.broadcast %ge3A_558 : i32 to vector<16xi32>
    %ge3A_560 = arith.cmpi sge, %iota3A, %ge3A_559 : vector<16xi32>
    %eq3A_561 = arith.cmpi eq, %gather3A_557, %get3A_416 : vector<16xi32>
    %and3A_562 = arith.andi %ge3A_560, %eq3A_561 : vector<16xi1>
    %jit3A_563 = arith.constant 1 : i32
    %jit3A_564 = arith.constant 0 : i32
    %broadcast_in_dim3A_565 = vector.broadcast %jit3A_563 : i32 to vector<16xi32>
    %broadcast_in_dim3A_566 = vector.broadcast %jit3A_564 : i32 to vector<16xi32>
    %select_n3A_567 = arith.select %and3A_562, %broadcast_in_dim3A_565, %broadcast_in_dim3A_566 : vector<16xi1>, vector<16xi32>
    %add3A_568 = arith.addi %add3A_549, %select_n3A_567 : vector<16xi32>
    %sub3A_569 = arith.constant 9 : i32
    %sub3A_570 = vector.broadcast %sub3A_569 : i32 to vector<16xi32>
    %sub3A_571 = arith.subi %iota3A, %sub3A_570 : vector<16xi32>
    %abs3A_572 = math.absi %sub3A_571 : vector<16xi32>
    %add3A_573 = arith.constant 0 : i32
    %add3A_574 = vector.broadcast %add3A_573 : i32 to vector<16xi32>
    %add3A_575 = arith.addi %abs3A_572, %add3A_574 : vector<16xi32>
    %gather3A_576 = tpu.vector_load_idx %arg8[%add3A_575] : memref<64xi32, #tpu.memory_space<vmem>>[vector<16xi32>], vector<16xi32>,
    %ge3A_577 = arith.constant 9 : i32
    %ge3A_578 = vector.broadcast %ge3A_577 : i32 to vector<16xi32>
    %ge3A_579 = arith.cmpi sge, %iota3A, %ge3A_578 : vector<16xi32>
    %eq3A_580 = arith.cmpi eq, %gather3A_576, %get3A_416 : vector<16xi32>
    %and3A_581 = arith.andi %ge3A_579, %eq3A_580 : vector<16xi1>
    %jit3A_582 = arith.constant 1 : i32
    %jit3A_583 = arith.constant 0 : i32
    %broadcast_in_dim3A_584 = vector.broadcast %jit3A_582 : i32 to vector<16xi32>
    %broadcast_in_dim3A_585 = vector.broadcast %jit3A_583 : i32 to vector<16xi32>
    %select_n3A_586 = arith.select %and3A_581, %broadcast_in_dim3A_584, %broadcast_in_dim3A_585 : vector<16xi1>, vector<16xi32>
    %add3A_587 = arith.addi %add3A_568, %select_n3A_586 : vector<16xi32>
    %sub3A_588 = arith.constant 10 : i32
    %sub3A_589 = vector.broadcast %sub3A_588 : i32 to vector<16xi32>
    %sub3A_590 = arith.subi %iota3A, %sub3A_589 : vector<16xi32>
    %abs3A_591 = math.absi %sub3A_590 : vector<16xi32>
    %add3A_592 = arith.constant 0 : i32
    %add3A_593 = vector.broadcast %add3A_592 : i32 to vector<16xi32>
    %add3A_594 = arith.addi %abs3A_591, %add3A_593 : vector<16xi32>
    %gather3A_595 = tpu.vector_load_idx %arg8[%add3A_594] : memref<64xi32, #tpu.memory_space<vmem>>[vector<16xi32>], vector<16xi32>,
    %ge3A_596 = arith.constant 10 : i32
    %ge3A_597 = vector.broadcast %ge3A_596 : i32 to vector<16xi32>
    %ge3A_598 = arith.cmpi sge, %iota3A, %ge3A_597 : vector<16xi32>
    %eq3A_599 = arith.cmpi eq, %gather3A_595, %get3A_416 : vector<16xi32>
    %and3A_600 = arith.andi %ge3A_598, %eq3A_599 : vector<16xi1>
    %jit3A_601 = arith.constant 1 : i32
    %jit3A_602 = arith.constant 0 : i32
    %broadcast_in_dim3A_603 = vector.broadcast %jit3A_601 : i32 to vector<16xi32>
    %broadcast_in_dim3A_604 = vector.broadcast %jit3A_602 : i32 to vector<16xi32>
    %select_n3A_605 = arith.select %and3A_600, %broadcast_in_dim3A_603, %broadcast_in_dim3A_604 : vector<16xi1>, vector<16xi32>
    %add3A_606 = arith.addi %add3A_587, %select_n3A_605 : vector<16xi32>
    %sub3A_607 = arith.constant 11 : i32
    %sub3A_608 = vector.broadcast %sub3A_607 : i32 to vector<16xi32>
    %sub3A_609 = arith.subi %iota3A, %sub3A_608 : vector<16xi32>
    %abs3A_610 = math.absi %sub3A_609 : vector<16xi32>
    %add3A_611 = arith.constant 0 : i32
    %add3A_612 = vector.broadcast %add3A_611 : i32 to vector<16xi32>
    %add3A_613 = arith.addi %abs3A_610, %add3A_612 : vector<16xi32>
    %gather3A_614 = tpu.vector_load_idx %arg8[%add3A_613] : memref<64xi32, #tpu.memory_space<vmem>>[vector<16xi32>], vector<16xi32>,
    %ge3A_615 = arith.constant 11 : i32
    %ge3A_616 = vector.broadcast %ge3A_615 : i32 to vector<16xi32>
    %ge3A_617 = arith.cmpi sge, %iota3A, %ge3A_616 : vector<16xi32>
    %eq3A_618 = arith.cmpi eq, %gather3A_614, %get3A_416 : vector<16xi32>
    %and3A_619 = arith.andi %ge3A_617, %eq3A_618 : vector<16xi1>
    %jit3A_620 = arith.constant 1 : i32
    %jit3A_621 = arith.constant 0 : i32
    %broadcast_in_dim3A_622 = vector.broadcast %jit3A_620 : i32 to vector<16xi32>
    %broadcast_in_dim3A_623 = vector.broadcast %jit3A_621 : i32 to vector<16xi32>
    %select_n3A_624 = arith.select %and3A_619, %broadcast_in_dim3A_622, %broadcast_in_dim3A_623 : vector<16xi1>, vector<16xi32>
    %add3A_625 = arith.addi %add3A_606, %select_n3A_624 : vector<16xi32>
    %sub3A_626 = arith.constant 12 : i32
    %sub3A_627 = vector.broadcast %sub3A_626 : i32 to vector<16xi32>
    %sub3A_628 = arith.subi %iota3A, %sub3A_627 : vector<16xi32>
    %abs3A_629 = math.absi %sub3A_628 : vector<16xi32>
    %add3A_630 = arith.constant 0 : i32
    %add3A_631 = vector.broadcast %add3A_630 : i32 to vector<16xi32>
    %add3A_632 = arith.addi %abs3A_629, %add3A_631 : vector<16xi32>
    %gather3A_633 = tpu.vector_load_idx %arg8[%add3A_632] : memref<64xi32, #tpu.memory_space<vmem>>[vector<16xi32>], vector<16xi32>,
    %ge3A_634 = arith.constant 12 : i32
    %ge3A_635 = vector.broadcast %ge3A_634 : i32 to vector<16xi32>
    %ge3A_636 = arith.cmpi sge, %iota3A, %ge3A_635 : vector<16xi32>
    %eq3A_637 = arith.cmpi eq, %gather3A_633, %get3A_416 : vector<16xi32>
    %and3A_638 = arith.andi %ge3A_636, %eq3A_637 : vector<16xi1>
    %jit3A_639 = arith.constant 1 : i32
    %jit3A_640 = arith.constant 0 : i32
    %broadcast_in_dim3A_641 = vector.broadcast %jit3A_639 : i32 to vector<16xi32>
    %broadcast_in_dim3A_642 = vector.broadcast %jit3A_640 : i32 to vector<16xi32>
    %select_n3A_643 = arith.select %and3A_638, %broadcast_in_dim3A_641, %broadcast_in_dim3A_642 : vector<16xi1>, vector<16xi32>
    %add3A_644 = arith.addi %add3A_625, %select_n3A_643 : vector<16xi32>
    %sub3A_645 = arith.constant 13 : i32
    %sub3A_646 = vector.broadcast %sub3A_645 : i32 to vector<16xi32>
    %sub3A_647 = arith.subi %iota3A, %sub3A_646 : vector<16xi32>
    %abs3A_648 = math.absi %sub3A_647 : vector<16xi32>
    %add3A_649 = arith.constant 0 : i32
    %add3A_650 = vector.broadcast %add3A_649 : i32 to vector<16xi32>
    %add3A_651 = arith.addi %abs3A_648, %add3A_650 : vector<16xi32>
    %gather3A_652 = tpu.vector_load_idx %arg8[%add3A_651] : memref<64xi32, #tpu.memory_space<vmem>>[vector<16xi32>], vector<16xi32>,
    %ge3A_653 = arith.constant 13 : i32
    %ge3A_654 = vector.broadcast %ge3A_653 : i32 to vector<16xi32>
    %ge3A_655 = arith.cmpi sge, %iota3A, %ge3A_654 : vector<16xi32>
    %eq3A_656 = arith.cmpi eq, %gather3A_652, %get3A_416 : vector<16xi32>
    %and3A_657 = arith.andi %ge3A_655, %eq3A_656 : vector<16xi1>
    %jit3A_658 = arith.constant 1 : i32
    %jit3A_659 = arith.constant 0 : i32
    %broadcast_in_dim3A_660 = vector.broadcast %jit3A_658 : i32 to vector<16xi32>
    %broadcast_in_dim3A_661 = vector.broadcast %jit3A_659 : i32 to vector<16xi32>
    %select_n3A_662 = arith.select %and3A_657, %broadcast_in_dim3A_660, %broadcast_in_dim3A_661 : vector<16xi1>, vector<16xi32>
    %add3A_663 = arith.addi %add3A_644, %select_n3A_662 : vector<16xi32>
    %sub3A_664 = arith.constant 14 : i32
    %sub3A_665 = vector.broadcast %sub3A_664 : i32 to vector<16xi32>
    %sub3A_666 = arith.subi %iota3A, %sub3A_665 : vector<16xi32>
    %abs3A_667 = math.absi %sub3A_666 : vector<16xi32>
    %add3A_668 = arith.constant 0 : i32
    %add3A_669 = vector.broadcast %add3A_668 : i32 to vector<16xi32>
    %add3A_670 = arith.addi %abs3A_667, %add3A_669 : vector<16xi32>
    %gather3A_671 = tpu.vector_load_idx %arg8[%add3A_670] : memref<64xi32, #tpu.memory_space<vmem>>[vector<16xi32>], vector<16xi32>,
    %ge3A_672 = arith.constant 14 : i32
    %ge3A_673 = vector.broadcast %ge3A_672 : i32 to vector<16xi32>
    %ge3A_674 = arith.cmpi sge, %iota3A, %ge3A_673 : vector<16xi32>
    %eq3A_675 = arith.cmpi eq, %gather3A_671, %get3A_416 : vector<16xi32>
    %and3A_676 = arith.andi %ge3A_674, %eq3A_675 : vector<16xi1>
    %jit3A_677 = arith.constant 1 : i32
    %jit3A_678 = arith.constant 0 : i32
    %broadcast_in_dim3A_679 = vector.broadcast %jit3A_677 : i32 to vector<16xi32>
    %broadcast_in_dim3A_680 = vector.broadcast %jit3A_678 : i32 to vector<16xi32>
    %select_n3A_681 = arith.select %and3A_676, %broadcast_in_dim3A_679, %broadcast_in_dim3A_680 : vector<16xi1>, vector<16xi32>
    %add3A_682 = arith.addi %add3A_663, %select_n3A_681 : vector<16xi32>
    %sub3A_683 = arith.constant 15 : i32
    %sub3A_684 = vector.broadcast %sub3A_683 : i32 to vector<16xi32>
    %sub3A_685 = arith.subi %iota3A, %sub3A_684 : vector<16xi32>
    %abs3A_686 = math.absi %sub3A_685 : vector<16xi32>
    %add3A_687 = arith.constant 0 : i32
    %add3A_688 = vector.broadcast %add3A_687 : i32 to vector<16xi32>
    %add3A_689 = arith.addi %abs3A_686, %add3A_688 : vector<16xi32>
    %gather3A_690 = tpu.vector_load_idx %arg8[%add3A_689] : memref<64xi32, #tpu.memory_space<vmem>>[vector<16xi32>], vector<16xi32>,
    %ge3A_691 = arith.constant 15 : i32
    %ge3A_692 = vector.broadcast %ge3A_691 : i32 to vector<16xi32>
    %ge3A_693 = arith.cmpi sge, %iota3A, %ge3A_692 : vector<16xi32>
    %eq3A_694 = arith.cmpi eq, %gather3A_690, %get3A_416 : vector<16xi32>
    %and3A_695 = arith.andi %ge3A_693, %eq3A_694 : vector<16xi1>
    %jit3A_696 = arith.constant 1 : i32
    %jit3A_697 = arith.constant 0 : i32
    %broadcast_in_dim3A_698 = vector.broadcast %jit3A_696 : i32 to vector<16xi32>
    %broadcast_in_dim3A_699 = vector.broadcast %jit3A_697 : i32 to vector<16xi32>
    %select_n3A_700 = arith.select %and3A_695, %broadcast_in_dim3A_698, %broadcast_in_dim3A_699 : vector<16xi1>, vector<16xi32>
    %add3A_701 = arith.addi %add3A_682, %select_n3A_700 : vector<16xi32>
    %swap3A_702 = arith.constant 0 : index
    %swap3A_703 = tpu.vector_load %arg10[%swap3A_702] {strides = array<i32>} : memref<16xi32, #tpu.memory_space<vmem>>, vector<16xi32>,
    tpu.vector_store %arg10[%swap3A_702], %add3A_409 {strides = array<i32>} : memref<16xi32, #tpu.memory_space<vmem>>, vector<16xi32>,
    %gather3A_704 = tpu.vector_load_idx %arg10[%get3A_416] : memref<16xi32, #tpu.memory_space<vmem>>[vector<16xi32>], vector<16xi32>,
    %add3A_705 = arith.addi %gather3A_704, %add3A_701 : vector<16xi32>
    %swap3A_706 = arith.constant 0 : index
    %swap3A_707 = tpu.vector_load %arg11[%swap3A_706] {strides = array<i32>} : memref<64xi32, #tpu.memory_space<vmem>>, vector<16xi32>,
    tpu.vector_store %arg11[%swap3A_706], %add3A_705 {strides = array<i32>} : memref<64xi32, #tpu.memory_space<vmem>>, vector<16xi32>,
    %dma_start3A_708 = arith.constant 0 : i32
    %dma_start3A_709 = arith.constant 0 : i32
    %dma_start3A_710 = tpu.memref_slice %arg13[%dma_start3A_708, %dma_start3A_709] : memref<64x128xf32, #tpu.memory_space<vmem>> -> memref<16x128xf32, #tpu.memory_space<vmem>>
    %dma_start3A_711 = arith.constant 0 : i32
    %dma_start3A_712 = arith.constant 0 : i32
    %dma_start3A_713 = tpu.memref_slice %arg7[%dma_start3A_711, %dma_start3A_712] : memref<2048x128xf32, #tpu.memory_space<hbm>> -> memref<2048x128xf32, #tpu.memory_space<hbm>>
    tpu.enqueue_indirect_dma source(%dma_start3A_710 : memref<16x128xf32, #tpu.memory_space<vmem>>) target(%dma_start3A_713 : memref<2048x128xf32, #tpu.memory_space<hbm>>) offsets(%add3A_705 : vector<16xi32>) semaphore(%arg14 : memref<!tpu.dma_semaphore, #tpu.memory_space<semaphore_mem>>)
    %eq3A_714 = arith.constant 0 : i32
    %eq3A_715 = vector.broadcast %eq3A_714 : i32 to vector<16xi32>
    %eq3A_716 = arith.cmpi eq, %get3A_416, %eq3A_715 : vector<16xi32>
    %all_reduce_population_count3A = tpu.all_reduce %eq3A_716 {dim = 0 : i64, kind = #tpu.reduction_kind<sum>} : vector<16xi1> -> vector<16xi32>
    %eq3A_717 = arith.constant 0 : i32
    %eq3A_718 = vector.broadcast %eq3A_717 : i32 to vector<16xi32>
    %eq3A_719 = arith.cmpi eq, %iota3A, %eq3A_718 : vector<16xi32>
    %jit3A_720 = arith.constant 0 : i32
    %broadcast_in_dim3A_721 = vector.broadcast %jit3A_720 : i32 to vector<16xi32>
    %select_n3A_722 = arith.select %eq3A_719, %all_reduce_population_count3A, %broadcast_in_dim3A_721 : vector<16xi1>, vector<16xi32>
    %add3A_723 = arith.addi %add3A_409, %select_n3A_722 : vector<16xi32>
    %eq3A_724 = arith.constant 1 : i32
    %eq3A_725 = vector.broadcast %eq3A_724 : i32 to vector<16xi32>
    %eq3A_726 = arith.cmpi eq, %get3A_416, %eq3A_725 : vector<16xi32>
    %all_reduce_population_count3A_727 = tpu.all_reduce %eq3A_726 {dim = 0 : i64, kind = #tpu.reduction_kind<sum>} : vector<16xi1> -> vector<16xi32>
    %eq3A_728 = arith.constant 1 : i32
    %eq3A_729 = vector.broadcast %eq3A_728 : i32 to vector<16xi32>
    %eq3A_730 = arith.cmpi eq, %iota3A, %eq3A_729 : vector<16xi32>
    %jit3A_731 = arith.constant 0 : i32
    %broadcast_in_dim3A_732 = vector.broadcast %jit3A_731 : i32 to vector<16xi32>
    %select_n3A_733 = arith.select %eq3A_730, %all_reduce_population_count3A_727, %broadcast_in_dim3A_732 : vector<16xi1>, vector<16xi32>
    %add3A_734 = arith.addi %add3A_723, %select_n3A_733 : vector<16xi32>
    %eq3A_735 = arith.constant 2 : i32
    %eq3A_736 = vector.broadcast %eq3A_735 : i32 to vector<16xi32>
    %eq3A_737 = arith.cmpi eq, %get3A_416, %eq3A_736 : vector<16xi32>
    %all_reduce_population_count3A_738 = tpu.all_reduce %eq3A_737 {dim = 0 : i64, kind = #tpu.reduction_kind<sum>} : vector<16xi1> -> vector<16xi32>
    %eq3A_739 = arith.constant 2 : i32
    %eq3A_740 = vector.broadcast %eq3A_739 : i32 to vector<16xi32>
    %eq3A_741 = arith.cmpi eq, %iota3A, %eq3A_740 : vector<16xi32>
    %jit3A_742 = arith.constant 0 : i32
    %broadcast_in_dim3A_743 = vector.broadcast %jit3A_742 : i32 to vector<16xi32>
    %select_n3A_744 = arith.select %eq3A_741, %all_reduce_population_count3A_738, %broadcast_in_dim3A_743 : vector<16xi1>, vector<16xi32>
    %add3A_745 = arith.addi %add3A_734, %select_n3A_744 : vector<16xi32>
    %eq3A_746 = arith.constant 3 : i32
    %eq3A_747 = vector.broadcast %eq3A_746 : i32 to vector<16xi32>
    %eq3A_748 = arith.cmpi eq, %get3A_416, %eq3A_747 : vector<16xi32>
    %all_reduce_population_count3A_749 = tpu.all_reduce %eq3A_748 {dim = 0 : i64, kind = #tpu.reduction_kind<sum>} : vector<16xi1> -> vector<16xi32>
    %eq3A_750 = arith.constant 3 : i32
    %eq3A_751 = vector.broadcast %eq3A_750 : i32 to vector<16xi32>
    %eq3A_752 = arith.cmpi eq, %iota3A, %eq3A_751 : vector<16xi32>
    %jit3A_753 = arith.constant 0 : i32
    %broadcast_in_dim3A_754 = vector.broadcast %jit3A_753 : i32 to vector<16xi32>
    %select_n3A_755 = arith.select %eq3A_752, %all_reduce_population_count3A_749, %broadcast_in_dim3A_754 : vector<16xi1>, vector<16xi32>
    %add3A_756 = arith.addi %add3A_745, %select_n3A_755 : vector<16xi32>
    %eq3A_757 = arith.constant 4 : i32
    %eq3A_758 = vector.broadcast %eq3A_757 : i32 to vector<16xi32>
    %eq3A_759 = arith.cmpi eq, %get3A_416, %eq3A_758 : vector<16xi32>
    %all_reduce_population_count3A_760 = tpu.all_reduce %eq3A_759 {dim = 0 : i64, kind = #tpu.reduction_kind<sum>} : vector<16xi1> -> vector<16xi32>
    %eq3A_761 = arith.constant 4 : i32
    %eq3A_762 = vector.broadcast %eq3A_761 : i32 to vector<16xi32>
    %eq3A_763 = arith.cmpi eq, %iota3A, %eq3A_762 : vector<16xi32>
    %jit3A_764 = arith.constant 0 : i32
    %broadcast_in_dim3A_765 = vector.broadcast %jit3A_764 : i32 to vector<16xi32>
    %select_n3A_766 = arith.select %eq3A_763, %all_reduce_population_count3A_760, %broadcast_in_dim3A_765 : vector<16xi1>, vector<16xi32>
    %add3A_767 = arith.addi %add3A_756, %select_n3A_766 : vector<16xi32>
    %eq3A_768 = arith.constant 5 : i32
    %eq3A_769 = vector.broadcast %eq3A_768 : i32 to vector<16xi32>
    %eq3A_770 = arith.cmpi eq, %get3A_416, %eq3A_769 : vector<16xi32>
    %all_reduce_population_count3A_771 = tpu.all_reduce %eq3A_770 {dim = 0 : i64, kind = #tpu.reduction_kind<sum>} : vector<16xi1> -> vector<16xi32>
    %eq3A_772 = arith.constant 5 : i32
    %eq3A_773 = vector.broadcast %eq3A_772 : i32 to vector<16xi32>
    %eq3A_774 = arith.cmpi eq, %iota3A, %eq3A_773 : vector<16xi32>
    %jit3A_775 = arith.constant 0 : i32
    %broadcast_in_dim3A_776 = vector.broadcast %jit3A_775 : i32 to vector<16xi32>
    %select_n3A_777 = arith.select %eq3A_774, %all_reduce_population_count3A_771, %broadcast_in_dim3A_776 : vector<16xi1>, vector<16xi32>
    %add3A_778 = arith.addi %add3A_767, %select_n3A_777 : vector<16xi32>
    %eq3A_779 = arith.constant 6 : i32
    %eq3A_780 = vector.broadcast %eq3A_779 : i32 to vector<16xi32>
    %eq3A_781 = arith.cmpi eq, %get3A_416, %eq3A_780 : vector<16xi32>
    %all_reduce_population_count3A_782 = tpu.all_reduce %eq3A_781 {dim = 0 : i64, kind = #tpu.reduction_kind<sum>} : vector<16xi1> -> vector<16xi32>
    %eq3A_783 = arith.constant 6 : i32
    %eq3A_784 = vector.broadcast %eq3A_783 : i32 to vector<16xi32>
    %eq3A_785 = arith.cmpi eq, %iota3A, %eq3A_784 : vector<16xi32>
    %jit3A_786 = arith.constant 0 : i32
    %broadcast_in_dim3A_787 = vector.broadcast %jit3A_786 : i32 to vector<16xi32>
    %select_n3A_788 = arith.select %eq3A_785, %all_reduce_population_count3A_782, %broadcast_in_dim3A_787 : vector<16xi1>, vector<16xi32>
    %add3A_789 = arith.addi %add3A_778, %select_n3A_788 : vector<16xi32>
    %eq3A_790 = arith.constant 7 : i32
    %eq3A_791 = vector.broadcast %eq3A_790 : i32 to vector<16xi32>
    %eq3A_792 = arith.cmpi eq, %get3A_416, %eq3A_791 : vector<16xi32>
    %all_reduce_population_count3A_793 = tpu.all_reduce %eq3A_792 {dim = 0 : i64, kind = #tpu.reduction_kind<sum>} : vector<16xi1> -> vector<16xi32>
    %eq3A_794 = arith.constant 7 : i32
    %eq3A_795 = vector.broadcast %eq3A_794 : i32 to vector<16xi32>
    %eq3A_796 = arith.cmpi eq, %iota3A, %eq3A_795 : vector<16xi32>
    %jit3A_797 = arith.constant 0 : i32
    %broadcast_in_dim3A_798 = vector.broadcast %jit3A_797 : i32 to vector<16xi32>
    %select_n3A_799 = arith.select %eq3A_796, %all_reduce_population_count3A_793, %broadcast_in_dim3A_798 : vector<16xi1>, vector<16xi32>
    %add3A_800 = arith.addi %add3A_789, %select_n3A_799 : vector<16xi32>
    %eq3A_801 = arith.constant 8 : i32
    %eq3A_802 = vector.broadcast %eq3A_801 : i32 to vector<16xi32>
    %eq3A_803 = arith.cmpi eq, %get3A_416, %eq3A_802 : vector<16xi32>
    %all_reduce_population_count3A_804 = tpu.all_reduce %eq3A_803 {dim = 0 : i64, kind = #tpu.reduction_kind<sum>} : vector<16xi1> -> vector<16xi32>
    %eq3A_805 = arith.constant 8 : i32
    %eq3A_806 = vector.broadcast %eq3A_805 : i32 to vector<16xi32>
    %eq3A_807 = arith.cmpi eq, %iota3A, %eq3A_806 : vector<16xi32>
    %jit3A_808 = arith.constant 0 : i32
    %broadcast_in_dim3A_809 = vector.broadcast %jit3A_808 : i32 to vector<16xi32>
    %select_n3A_810 = arith.select %eq3A_807, %all_reduce_population_count3A_804, %broadcast_in_dim3A_809 : vector<16xi1>, vector<16xi32>
    %add3A_811 = arith.addi %add3A_800, %select_n3A_810 : vector<16xi32>
    %eq3A_812 = arith.constant 9 : i32
    %eq3A_813 = vector.broadcast %eq3A_812 : i32 to vector<16xi32>
    %eq3A_814 = arith.cmpi eq, %get3A_416, %eq3A_813 : vector<16xi32>
    %all_reduce_population_count3A_815 = tpu.all_reduce %eq3A_814 {dim = 0 : i64, kind = #tpu.reduction_kind<sum>} : vector<16xi1> -> vector<16xi32>
    %eq3A_816 = arith.constant 9 : i32
    %eq3A_817 = vector.broadcast %eq3A_816 : i32 to vector<16xi32>
    %eq3A_818 = arith.cmpi eq, %iota3A, %eq3A_817 : vector<16xi32>
    %jit3A_819 = arith.constant 0 : i32
    %broadcast_in_dim3A_820 = vector.broadcast %jit3A_819 : i32 to vector<16xi32>
    %select_n3A_821 = arith.select %eq3A_818, %all_reduce_population_count3A_815, %broadcast_in_dim3A_820 : vector<16xi1>, vector<16xi32>
    %add3A_822 = arith.addi %add3A_811, %select_n3A_821 : vector<16xi32>
    %eq3A_823 = arith.constant 10 : i32
    %eq3A_824 = vector.broadcast %eq3A_823 : i32 to vector<16xi32>
    %eq3A_825 = arith.cmpi eq, %get3A_416, %eq3A_824 : vector<16xi32>
    %all_reduce_population_count3A_826 = tpu.all_reduce %eq3A_825 {dim = 0 : i64, kind = #tpu.reduction_kind<sum>} : vector<16xi1> -> vector<16xi32>
    %eq3A_827 = arith.constant 10 : i32
    %eq3A_828 = vector.broadcast %eq3A_827 : i32 to vector<16xi32>
    %eq3A_829 = arith.cmpi eq, %iota3A, %eq3A_828 : vector<16xi32>
    %jit3A_830 = arith.constant 0 : i32
    %broadcast_in_dim3A_831 = vector.broadcast %jit3A_830 : i32 to vector<16xi32>
    %select_n3A_832 = arith.select %eq3A_829, %all_reduce_population_count3A_826, %broadcast_in_dim3A_831 : vector<16xi1>, vector<16xi32>
    %add3A_833 = arith.addi %add3A_822, %select_n3A_832 : vector<16xi32>
    %eq3A_834 = arith.constant 11 : i32
    %eq3A_835 = vector.broadcast %eq3A_834 : i32 to vector<16xi32>
    %eq3A_836 = arith.cmpi eq, %get3A_416, %eq3A_835 : vector<16xi32>
    %all_reduce_population_count3A_837 = tpu.all_reduce %eq3A_836 {dim = 0 : i64, kind = #tpu.reduction_kind<sum>} : vector<16xi1> -> vector<16xi32>
    %eq3A_838 = arith.constant 11 : i32
    %eq3A_839 = vector.broadcast %eq3A_838 : i32 to vector<16xi32>
    %eq3A_840 = arith.cmpi eq, %iota3A, %eq3A_839 : vector<16xi32>
    %jit3A_841 = arith.constant 0 : i32
    %broadcast_in_dim3A_842 = vector.broadcast %jit3A_841 : i32 to vector<16xi32>
    %select_n3A_843 = arith.select %eq3A_840, %all_reduce_population_count3A_837, %broadcast_in_dim3A_842 : vector<16xi1>, vector<16xi32>
    %add3A_844 = arith.addi %add3A_833, %select_n3A_843 : vector<16xi32>
    %eq3A_845 = arith.constant 12 : i32
    %eq3A_846 = vector.broadcast %eq3A_845 : i32 to vector<16xi32>
    %eq3A_847 = arith.cmpi eq, %get3A_416, %eq3A_846 : vector<16xi32>
    %all_reduce_population_count3A_848 = tpu.all_reduce %eq3A_847 {dim = 0 : i64, kind = #tpu.reduction_kind<sum>} : vector<16xi1> -> vector<16xi32>
    %eq3A_849 = arith.constant 12 : i32
    %eq3A_850 = vector.broadcast %eq3A_849 : i32 to vector<16xi32>
    %eq3A_851 = arith.cmpi eq, %iota3A, %eq3A_850 : vector<16xi32>
    %jit3A_852 = arith.constant 0 : i32
    %broadcast_in_dim3A_853 = vector.broadcast %jit3A_852 : i32 to vector<16xi32>
    %select_n3A_854 = arith.select %eq3A_851, %all_reduce_population_count3A_848, %broadcast_in_dim3A_853 : vector<16xi1>, vector<16xi32>
    %add3A_855 = arith.addi %add3A_844, %select_n3A_854 : vector<16xi32>
    %eq3A_856 = arith.constant 13 : i32
    %eq3A_857 = vector.broadcast %eq3A_856 : i32 to vector<16xi32>
    %eq3A_858 = arith.cmpi eq, %get3A_416, %eq3A_857 : vector<16xi32>
    %all_reduce_population_count3A_859 = tpu.all_reduce %eq3A_858 {dim = 0 : i64, kind = #tpu.reduction_kind<sum>} : vector<16xi1> -> vector<16xi32>
    %eq3A_860 = arith.constant 13 : i32
    %eq3A_861 = vector.broadcast %eq3A_860 : i32 to vector<16xi32>
    %eq3A_862 = arith.cmpi eq, %iota3A, %eq3A_861 : vector<16xi32>
    %jit3A_863 = arith.constant 0 : i32
    %broadcast_in_dim3A_864 = vector.broadcast %jit3A_863 : i32 to vector<16xi32>
    %select_n3A_865 = arith.select %eq3A_862, %all_reduce_population_count3A_859, %broadcast_in_dim3A_864 : vector<16xi1>, vector<16xi32>
    %add3A_866 = arith.addi %add3A_855, %select_n3A_865 : vector<16xi32>
    %eq3A_867 = arith.constant 14 : i32
    %eq3A_868 = vector.broadcast %eq3A_867 : i32 to vector<16xi32>
    %eq3A_869 = arith.cmpi eq, %get3A_416, %eq3A_868 : vector<16xi32>
    %all_reduce_population_count3A_870 = tpu.all_reduce %eq3A_869 {dim = 0 : i64, kind = #tpu.reduction_kind<sum>} : vector<16xi1> -> vector<16xi32>
    %eq3A_871 = arith.constant 14 : i32
    %eq3A_872 = vector.broadcast %eq3A_871 : i32 to vector<16xi32>
    %eq3A_873 = arith.cmpi eq, %iota3A, %eq3A_872 : vector<16xi32>
    %jit3A_874 = arith.constant 0 : i32
    %broadcast_in_dim3A_875 = vector.broadcast %jit3A_874 : i32 to vector<16xi32>
    %select_n3A_876 = arith.select %eq3A_873, %all_reduce_population_count3A_870, %broadcast_in_dim3A_875 : vector<16xi1>, vector<16xi32>
    %add3A_877 = arith.addi %add3A_866, %select_n3A_876 : vector<16xi32>
    %eq3A_878 = arith.constant 15 : i32
    %eq3A_879 = vector.broadcast %eq3A_878 : i32 to vector<16xi32>
    %eq3A_880 = arith.cmpi eq, %get3A_416, %eq3A_879 : vector<16xi32>
    %all_reduce_population_count3A_881 = tpu.all_reduce %eq3A_880 {dim = 0 : i64, kind = #tpu.reduction_kind<sum>} : vector<16xi1> -> vector<16xi32>
    %eq3A_882 = arith.constant 15 : i32
    %eq3A_883 = vector.broadcast %eq3A_882 : i32 to vector<16xi32>
    %eq3A_884 = arith.cmpi eq, %iota3A, %eq3A_883 : vector<16xi32>
    %jit3A_885 = arith.constant 0 : i32
    %broadcast_in_dim3A_886 = vector.broadcast %jit3A_885 : i32 to vector<16xi32>
    %select_n3A_887 = arith.select %eq3A_884, %all_reduce_population_count3A_881, %broadcast_in_dim3A_886 : vector<16xi1>, vector<16xi32>
    %add3A_888 = arith.addi %add3A_877, %select_n3A_887 : vector<16xi32>
    %get3A_889 = arith.constant 16 : index
    %get3A_890 = tpu.vector_load %arg8[%get3A_889] {strides = array<i32>} : memref<64xi32, #tpu.memory_space<vmem>>, vector<16xi32>,
    %broadcast_in_dim3A_891 = arith.constant 0 : i32
    %broadcast_in_dim3A_892 = vector.broadcast %broadcast_in_dim3A_891 : i32 to vector<16xi32>
    %sub3A_893 = arith.constant 1 : i32
    %sub3A_894 = vector.broadcast %sub3A_893 : i32 to vector<16xi32>
    %sub3A_895 = arith.subi %iota3A, %sub3A_894 : vector<16xi32>
    %abs3A_896 = math.absi %sub3A_895 : vector<16xi32>
    %add3A_897 = arith.constant 16 : i32
    %add3A_898 = vector.broadcast %add3A_897 : i32 to vector<16xi32>
    %add3A_899 = arith.addi %abs3A_896, %add3A_898 : vector<16xi32>
    %gather3A_900 = tpu.vector_load_idx %arg8[%add3A_899] : memref<64xi32, #tpu.memory_space<vmem>>[vector<16xi32>], vector<16xi32>,
    %ge3A_901 = arith.constant 1 : i32
    %ge3A_902 = vector.broadcast %ge3A_901 : i32 to vector<16xi32>
    %ge3A_903 = arith.cmpi sge, %iota3A, %ge3A_902 : vector<16xi32>
    %eq3A_904 = arith.cmpi eq, %gather3A_900, %get3A_890 : vector<16xi32>
    %and3A_905 = arith.andi %ge3A_903, %eq3A_904 : vector<16xi1>
    %jit3A_906 = arith.constant 1 : i32
    %jit3A_907 = arith.constant 0 : i32
    %broadcast_in_dim3A_908 = vector.broadcast %jit3A_906 : i32 to vector<16xi32>
    %broadcast_in_dim3A_909 = vector.broadcast %jit3A_907 : i32 to vector<16xi32>
    %select_n3A_910 = arith.select %and3A_905, %broadcast_in_dim3A_908, %broadcast_in_dim3A_909 : vector<16xi1>, vector<16xi32>
    %add3A_911 = arith.addi %broadcast_in_dim3A_892, %select_n3A_910 : vector<16xi32>
    %sub3A_912 = arith.constant 2 : i32
    %sub3A_913 = vector.broadcast %sub3A_912 : i32 to vector<16xi32>
    %sub3A_914 = arith.subi %iota3A, %sub3A_913 : vector<16xi32>
    %abs3A_915 = math.absi %sub3A_914 : vector<16xi32>
    %add3A_916 = arith.constant 16 : i32
    %add3A_917 = vector.broadcast %add3A_916 : i32 to vector<16xi32>
    %add3A_918 = arith.addi %abs3A_915, %add3A_917 : vector<16xi32>
    %gather3A_919 = tpu.vector_load_idx %arg8[%add3A_918] : memref<64xi32, #tpu.memory_space<vmem>>[vector<16xi32>], vector<16xi32>,
    %ge3A_920 = arith.constant 2 : i32
    %ge3A_921 = vector.broadcast %ge3A_920 : i32 to vector<16xi32>
    %ge3A_922 = arith.cmpi sge, %iota3A, %ge3A_921 : vector<16xi32>
    %eq3A_923 = arith.cmpi eq, %gather3A_919, %get3A_890 : vector<16xi32>
    %and3A_924 = arith.andi %ge3A_922, %eq3A_923 : vector<16xi1>
    %jit3A_925 = arith.constant 1 : i32
    %jit3A_926 = arith.constant 0 : i32
    %broadcast_in_dim3A_927 = vector.broadcast %jit3A_925 : i32 to vector<16xi32>
    %broadcast_in_dim3A_928 = vector.broadcast %jit3A_926 : i32 to vector<16xi32>
    %select_n3A_929 = arith.select %and3A_924, %broadcast_in_dim3A_927, %broadcast_in_dim3A_928 : vector<16xi1>, vector<16xi32>
    %add3A_930 = arith.addi %add3A_911, %select_n3A_929 : vector<16xi32>
    %sub3A_931 = arith.constant 3 : i32
    %sub3A_932 = vector.broadcast %sub3A_931 : i32 to vector<16xi32>
    %sub3A_933 = arith.subi %iota3A, %sub3A_932 : vector<16xi32>
    %abs3A_934 = math.absi %sub3A_933 : vector<16xi32>
    %add3A_935 = arith.constant 16 : i32
    %add3A_936 = vector.broadcast %add3A_935 : i32 to vector<16xi32>
    %add3A_937 = arith.addi %abs3A_934, %add3A_936 : vector<16xi32>
    %gather3A_938 = tpu.vector_load_idx %arg8[%add3A_937] : memref<64xi32, #tpu.memory_space<vmem>>[vector<16xi32>], vector<16xi32>,
    %ge3A_939 = arith.constant 3 : i32
    %ge3A_940 = vector.broadcast %ge3A_939 : i32 to vector<16xi32>
    %ge3A_941 = arith.cmpi sge, %iota3A, %ge3A_940 : vector<16xi32>
    %eq3A_942 = arith.cmpi eq, %gather3A_938, %get3A_890 : vector<16xi32>
    %and3A_943 = arith.andi %ge3A_941, %eq3A_942 : vector<16xi1>
    %jit3A_944 = arith.constant 1 : i32
    %jit3A_945 = arith.constant 0 : i32
    %broadcast_in_dim3A_946 = vector.broadcast %jit3A_944 : i32 to vector<16xi32>
    %broadcast_in_dim3A_947 = vector.broadcast %jit3A_945 : i32 to vector<16xi32>
    %select_n3A_948 = arith.select %and3A_943, %broadcast_in_dim3A_946, %broadcast_in_dim3A_947 : vector<16xi1>, vector<16xi32>
    %add3A_949 = arith.addi %add3A_930, %select_n3A_948 : vector<16xi32>
    %sub3A_950 = arith.constant 4 : i32
    %sub3A_951 = vector.broadcast %sub3A_950 : i32 to vector<16xi32>
    %sub3A_952 = arith.subi %iota3A, %sub3A_951 : vector<16xi32>
    %abs3A_953 = math.absi %sub3A_952 : vector<16xi32>
    %add3A_954 = arith.constant 16 : i32
    %add3A_955 = vector.broadcast %add3A_954 : i32 to vector<16xi32>
    %add3A_956 = arith.addi %abs3A_953, %add3A_955 : vector<16xi32>
    %gather3A_957 = tpu.vector_load_idx %arg8[%add3A_956] : memref<64xi32, #tpu.memory_space<vmem>>[vector<16xi32>], vector<16xi32>,
    %ge3A_958 = arith.constant 4 : i32
    %ge3A_959 = vector.broadcast %ge3A_958 : i32 to vector<16xi32>
    %ge3A_960 = arith.cmpi sge, %iota3A, %ge3A_959 : vector<16xi32>
    %eq3A_961 = arith.cmpi eq, %gather3A_957, %get3A_890 : vector<16xi32>
    %and3A_962 = arith.andi %ge3A_960, %eq3A_961 : vector<16xi1>
    %jit3A_963 = arith.constant 1 : i32
    %jit3A_964 = arith.constant 0 : i32
    %broadcast_in_dim3A_965 = vector.broadcast %jit3A_963 : i32 to vector<16xi32>
    %broadcast_in_dim3A_966 = vector.broadcast %jit3A_964 : i32 to vector<16xi32>
    %select_n3A_967 = arith.select %and3A_962, %broadcast_in_dim3A_965, %broadcast_in_dim3A_966 : vector<16xi1>, vector<16xi32>
    %add3A_968 = arith.addi %add3A_949, %select_n3A_967 : vector<16xi32>
    %sub3A_969 = arith.constant 5 : i32
    %sub3A_970 = vector.broadcast %sub3A_969 : i32 to vector<16xi32>
    %sub3A_971 = arith.subi %iota3A, %sub3A_970 : vector<16xi32>
    %abs3A_972 = math.absi %sub3A_971 : vector<16xi32>
    %add3A_973 = arith.constant 16 : i32
    %add3A_974 = vector.broadcast %add3A_973 : i32 to vector<16xi32>
    %add3A_975 = arith.addi %abs3A_972, %add3A_974 : vector<16xi32>
    %gather3A_976 = tpu.vector_load_idx %arg8[%add3A_975] : memref<64xi32, #tpu.memory_space<vmem>>[vector<16xi32>], vector<16xi32>,
    %ge3A_977 = arith.constant 5 : i32
    %ge3A_978 = vector.broadcast %ge3A_977 : i32 to vector<16xi32>
    %ge3A_979 = arith.cmpi sge, %iota3A, %ge3A_978 : vector<16xi32>
    %eq3A_980 = arith.cmpi eq, %gather3A_976, %get3A_890 : vector<16xi32>
    %and3A_981 = arith.andi %ge3A_979, %eq3A_980 : vector<16xi1>
    %jit3A_982 = arith.constant 1 : i32
    %jit3A_983 = arith.constant 0 : i32
    %broadcast_in_dim3A_984 = vector.broadcast %jit3A_982 : i32 to vector<16xi32>
    %broadcast_in_dim3A_985 = vector.broadcast %jit3A_983 : i32 to vector<16xi32>
    %select_n3A_986 = arith.select %and3A_981, %broadcast_in_dim3A_984, %broadcast_in_dim3A_985 : vector<16xi1>, vector<16xi32>
    %add3A_987 = arith.addi %add3A_968, %select_n3A_986 : vector<16xi32>
    %sub3A_988 = arith.constant 6 : i32
    %sub3A_989 = vector.broadcast %sub3A_988 : i32 to vector<16xi32>
    %sub3A_990 = arith.subi %iota3A, %sub3A_989 : vector<16xi32>
    %abs3A_991 = math.absi %sub3A_990 : vector<16xi32>
    %add3A_992 = arith.constant 16 : i32
    %add3A_993 = vector.broadcast %add3A_992 : i32 to vector<16xi32>
    %add3A_994 = arith.addi %abs3A_991, %add3A_993 : vector<16xi32>
    %gather3A_995 = tpu.vector_load_idx %arg8[%add3A_994] : memref<64xi32, #tpu.memory_space<vmem>>[vector<16xi32>], vector<16xi32>,
    %ge3A_996 = arith.constant 6 : i32
    %ge3A_997 = vector.broadcast %ge3A_996 : i32 to vector<16xi32>
    %ge3A_998 = arith.cmpi sge, %iota3A, %ge3A_997 : vector<16xi32>
    %eq3A_999 = arith.cmpi eq, %gather3A_995, %get3A_890 : vector<16xi32>
    %and3A_1000 = arith.andi %ge3A_998, %eq3A_999 : vector<16xi1>
    %jit3A_1001 = arith.constant 1 : i32
    %jit3A_1002 = arith.constant 0 : i32
    %broadcast_in_dim3A_1003 = vector.broadcast %jit3A_1001 : i32 to vector<16xi32>
    %broadcast_in_dim3A_1004 = vector.broadcast %jit3A_1002 : i32 to vector<16xi32>
    %select_n3A_1005 = arith.select %and3A_1000, %broadcast_in_dim3A_1003, %broadcast_in_dim3A_1004 : vector<16xi1>, vector<16xi32>
    %add3A_1006 = arith.addi %add3A_987, %select_n3A_1005 : vector<16xi32>
    %sub3A_1007 = arith.constant 7 : i32
    %sub3A_1008 = vector.broadcast %sub3A_1007 : i32 to vector<16xi32>
    %sub3A_1009 = arith.subi %iota3A, %sub3A_1008 : vector<16xi32>
    %abs3A_1010 = math.absi %sub3A_1009 : vector<16xi32>
    %add3A_1011 = arith.constant 16 : i32
    %add3A_1012 = vector.broadcast %add3A_1011 : i32 to vector<16xi32>
    %add3A_1013 = arith.addi %abs3A_1010, %add3A_1012 : vector<16xi32>
    %gather3A_1014 = tpu.vector_load_idx %arg8[%add3A_1013] : memref<64xi32, #tpu.memory_space<vmem>>[vector<16xi32>], vector<16xi32>,
    %ge3A_1015 = arith.constant 7 : i32
    %ge3A_1016 = vector.broadcast %ge3A_1015 : i32 to vector<16xi32>
    %ge3A_1017 = arith.cmpi sge, %iota3A, %ge3A_1016 : vector<16xi32>
    %eq3A_1018 = arith.cmpi eq, %gather3A_1014, %get3A_890 : vector<16xi32>
    %and3A_1019 = arith.andi %ge3A_1017, %eq3A_1018 : vector<16xi1>
    %jit3A_1020 = arith.constant 1 : i32
    %jit3A_1021 = arith.constant 0 : i32
    %broadcast_in_dim3A_1022 = vector.broadcast %jit3A_1020 : i32 to vector<16xi32>
    %broadcast_in_dim3A_1023 = vector.broadcast %jit3A_1021 : i32 to vector<16xi32>
    %select_n3A_1024 = arith.select %and3A_1019, %broadcast_in_dim3A_1022, %broadcast_in_dim3A_1023 : vector<16xi1>, vector<16xi32>
    %add3A_1025 = arith.addi %add3A_1006, %select_n3A_1024 : vector<16xi32>
    %sub3A_1026 = arith.constant 8 : i32
    %sub3A_1027 = vector.broadcast %sub3A_1026 : i32 to vector<16xi32>
    %sub3A_1028 = arith.subi %iota3A, %sub3A_1027 : vector<16xi32>
    %abs3A_1029 = math.absi %sub3A_1028 : vector<16xi32>
    %add3A_1030 = arith.constant 16 : i32
    %add3A_1031 = vector.broadcast %add3A_1030 : i32 to vector<16xi32>
    %add3A_1032 = arith.addi %abs3A_1029, %add3A_1031 : vector<16xi32>
    %gather3A_1033 = tpu.vector_load_idx %arg8[%add3A_1032] : memref<64xi32, #tpu.memory_space<vmem>>[vector<16xi32>], vector<16xi32>,
    %ge3A_1034 = arith.constant 8 : i32
    %ge3A_1035 = vector.broadcast %ge3A_1034 : i32 to vector<16xi32>
    %ge3A_1036 = arith.cmpi sge, %iota3A, %ge3A_1035 : vector<16xi32>
    %eq3A_1037 = arith.cmpi eq, %gather3A_1033, %get3A_890 : vector<16xi32>
    %and3A_1038 = arith.andi %ge3A_1036, %eq3A_1037 : vector<16xi1>
    %jit3A_1039 = arith.constant 1 : i32
    %jit3A_1040 = arith.constant 0 : i32
    %broadcast_in_dim3A_1041 = vector.broadcast %jit3A_1039 : i32 to vector<16xi32>
    %broadcast_in_dim3A_1042 = vector.broadcast %jit3A_1040 : i32 to vector<16xi32>
    %select_n3A_1043 = arith.select %and3A_1038, %broadcast_in_dim3A_1041, %broadcast_in_dim3A_1042 : vector<16xi1>, vector<16xi32>
    %add3A_1044 = arith.addi %add3A_1025, %select_n3A_1043 : vector<16xi32>
    %sub3A_1045 = arith.constant 9 : i32
    %sub3A_1046 = vector.broadcast %sub3A_1045 : i32 to vector<16xi32>
    %sub3A_1047 = arith.subi %iota3A, %sub3A_1046 : vector<16xi32>
    %abs3A_1048 = math.absi %sub3A_1047 : vector<16xi32>
    %add3A_1049 = arith.constant 16 : i32
    %add3A_1050 = vector.broadcast %add3A_1049 : i32 to vector<16xi32>
    %add3A_1051 = arith.addi %abs3A_1048, %add3A_1050 : vector<16xi32>
    %gather3A_1052 = tpu.vector_load_idx %arg8[%add3A_1051] : memref<64xi32, #tpu.memory_space<vmem>>[vector<16xi32>], vector<16xi32>,
    %ge3A_1053 = arith.constant 9 : i32
    %ge3A_1054 = vector.broadcast %ge3A_1053 : i32 to vector<16xi32>
    %ge3A_1055 = arith.cmpi sge, %iota3A, %ge3A_1054 : vector<16xi32>
    %eq3A_1056 = arith.cmpi eq, %gather3A_1052, %get3A_890 : vector<16xi32>
    %and3A_1057 = arith.andi %ge3A_1055, %eq3A_1056 : vector<16xi1>
    %jit3A_1058 = arith.constant 1 : i32
    %jit3A_1059 = arith.constant 0 : i32
    %broadcast_in_dim3A_1060 = vector.broadcast %jit3A_1058 : i32 to vector<16xi32>
    %broadcast_in_dim3A_1061 = vector.broadcast %jit3A_1059 : i32 to vector<16xi32>
    %select_n3A_1062 = arith.select %and3A_1057, %broadcast_in_dim3A_1060, %broadcast_in_dim3A_1061 : vector<16xi1>, vector<16xi32>
    %add3A_1063 = arith.addi %add3A_1044, %select_n3A_1062 : vector<16xi32>
    %sub3A_1064 = arith.constant 10 : i32
    %sub3A_1065 = vector.broadcast %sub3A_1064 : i32 to vector<16xi32>
    %sub3A_1066 = arith.subi %iota3A, %sub3A_1065 : vector<16xi32>
    %abs3A_1067 = math.absi %sub3A_1066 : vector<16xi32>
    %add3A_1068 = arith.constant 16 : i32
    %add3A_1069 = vector.broadcast %add3A_1068 : i32 to vector<16xi32>
    %add3A_1070 = arith.addi %abs3A_1067, %add3A_1069 : vector<16xi32>
    %gather3A_1071 = tpu.vector_load_idx %arg8[%add3A_1070] : memref<64xi32, #tpu.memory_space<vmem>>[vector<16xi32>], vector<16xi32>,
    %ge3A_1072 = arith.constant 10 : i32
    %ge3A_1073 = vector.broadcast %ge3A_1072 : i32 to vector<16xi32>
    %ge3A_1074 = arith.cmpi sge, %iota3A, %ge3A_1073 : vector<16xi32>
    %eq3A_1075 = arith.cmpi eq, %gather3A_1071, %get3A_890 : vector<16xi32>
    %and3A_1076 = arith.andi %ge3A_1074, %eq3A_1075 : vector<16xi1>
    %jit3A_1077 = arith.constant 1 : i32
    %jit3A_1078 = arith.constant 0 : i32
    %broadcast_in_dim3A_1079 = vector.broadcast %jit3A_1077 : i32 to vector<16xi32>
    %broadcast_in_dim3A_1080 = vector.broadcast %jit3A_1078 : i32 to vector<16xi32>
    %select_n3A_1081 = arith.select %and3A_1076, %broadcast_in_dim3A_1079, %broadcast_in_dim3A_1080 : vector<16xi1>, vector<16xi32>
    %add3A_1082 = arith.addi %add3A_1063, %select_n3A_1081 : vector<16xi32>
    %sub3A_1083 = arith.constant 11 : i32
    %sub3A_1084 = vector.broadcast %sub3A_1083 : i32 to vector<16xi32>
    %sub3A_1085 = arith.subi %iota3A, %sub3A_1084 : vector<16xi32>
    %abs3A_1086 = math.absi %sub3A_1085 : vector<16xi32>
    %add3A_1087 = arith.constant 16 : i32
    %add3A_1088 = vector.broadcast %add3A_1087 : i32 to vector<16xi32>
    %add3A_1089 = arith.addi %abs3A_1086, %add3A_1088 : vector<16xi32>
    %gather3A_1090 = tpu.vector_load_idx %arg8[%add3A_1089] : memref<64xi32, #tpu.memory_space<vmem>>[vector<16xi32>], vector<16xi32>,
    %ge3A_1091 = arith.constant 11 : i32
    %ge3A_1092 = vector.broadcast %ge3A_1091 : i32 to vector<16xi32>
    %ge3A_1093 = arith.cmpi sge, %iota3A, %ge3A_1092 : vector<16xi32>
    %eq3A_1094 = arith.cmpi eq, %gather3A_1090, %get3A_890 : vector<16xi32>
    %and3A_1095 = arith.andi %ge3A_1093, %eq3A_1094 : vector<16xi1>
    %jit3A_1096 = arith.constant 1 : i32
    %jit3A_1097 = arith.constant 0 : i32
    %broadcast_in_dim3A_1098 = vector.broadcast %jit3A_1096 : i32 to vector<16xi32>
    %broadcast_in_dim3A_1099 = vector.broadcast %jit3A_1097 : i32 to vector<16xi32>
    %select_n3A_1100 = arith.select %and3A_1095, %broadcast_in_dim3A_1098, %broadcast_in_dim3A_1099 : vector<16xi1>, vector<16xi32>
    %add3A_1101 = arith.addi %add3A_1082, %select_n3A_1100 : vector<16xi32>
    %sub3A_1102 = arith.constant 12 : i32
    %sub3A_1103 = vector.broadcast %sub3A_1102 : i32 to vector<16xi32>
    %sub3A_1104 = arith.subi %iota3A, %sub3A_1103 : vector<16xi32>
    %abs3A_1105 = math.absi %sub3A_1104 : vector<16xi32>
    %add3A_1106 = arith.constant 16 : i32
    %add3A_1107 = vector.broadcast %add3A_1106 : i32 to vector<16xi32>
    %add3A_1108 = arith.addi %abs3A_1105, %add3A_1107 : vector<16xi32>
    %gather3A_1109 = tpu.vector_load_idx %arg8[%add3A_1108] : memref<64xi32, #tpu.memory_space<vmem>>[vector<16xi32>], vector<16xi32>,
    %ge3A_1110 = arith.constant 12 : i32
    %ge3A_1111 = vector.broadcast %ge3A_1110 : i32 to vector<16xi32>
    %ge3A_1112 = arith.cmpi sge, %iota3A, %ge3A_1111 : vector<16xi32>
    %eq3A_1113 = arith.cmpi eq, %gather3A_1109, %get3A_890 : vector<16xi32>
    %and3A_1114 = arith.andi %ge3A_1112, %eq3A_1113 : vector<16xi1>
    %jit3A_1115 = arith.constant 1 : i32
    %jit3A_1116 = arith.constant 0 : i32
    %broadcast_in_dim3A_1117 = vector.broadcast %jit3A_1115 : i32 to vector<16xi32>
    %broadcast_in_dim3A_1118 = vector.broadcast %jit3A_1116 : i32 to vector<16xi32>
    %select_n3A_1119 = arith.select %and3A_1114, %broadcast_in_dim3A_1117, %broadcast_in_dim3A_1118 : vector<16xi1>, vector<16xi32>
    %add3A_1120 = arith.addi %add3A_1101, %select_n3A_1119 : vector<16xi32>
    %sub3A_1121 = arith.constant 13 : i32
    %sub3A_1122 = vector.broadcast %sub3A_1121 : i32 to vector<16xi32>
    %sub3A_1123 = arith.subi %iota3A, %sub3A_1122 : vector<16xi32>
    %abs3A_1124 = math.absi %sub3A_1123 : vector<16xi32>
    %add3A_1125 = arith.constant 16 : i32
    %add3A_1126 = vector.broadcast %add3A_1125 : i32 to vector<16xi32>
    %add3A_1127 = arith.addi %abs3A_1124, %add3A_1126 : vector<16xi32>
    %gather3A_1128 = tpu.vector_load_idx %arg8[%add3A_1127] : memref<64xi32, #tpu.memory_space<vmem>>[vector<16xi32>], vector<16xi32>,
    %ge3A_1129 = arith.constant 13 : i32
    %ge3A_1130 = vector.broadcast %ge3A_1129 : i32 to vector<16xi32>
    %ge3A_1131 = arith.cmpi sge, %iota3A, %ge3A_1130 : vector<16xi32>
    %eq3A_1132 = arith.cmpi eq, %gather3A_1128, %get3A_890 : vector<16xi32>
    %and3A_1133 = arith.andi %ge3A_1131, %eq3A_1132 : vector<16xi1>
    %jit3A_1134 = arith.constant 1 : i32
    %jit3A_1135 = arith.constant 0 : i32
    %broadcast_in_dim3A_1136 = vector.broadcast %jit3A_1134 : i32 to vector<16xi32>
    %broadcast_in_dim3A_1137 = vector.broadcast %jit3A_1135 : i32 to vector<16xi32>
    %select_n3A_1138 = arith.select %and3A_1133, %broadcast_in_dim3A_1136, %broadcast_in_dim3A_1137 : vector<16xi1>, vector<16xi32>
    %add3A_1139 = arith.addi %add3A_1120, %select_n3A_1138 : vector<16xi32>
    %sub3A_1140 = arith.constant 14 : i32
    %sub3A_1141 = vector.broadcast %sub3A_1140 : i32 to vector<16xi32>
    %sub3A_1142 = arith.subi %iota3A, %sub3A_1141 : vector<16xi32>
    %abs3A_1143 = math.absi %sub3A_1142 : vector<16xi32>
    %add3A_1144 = arith.constant 16 : i32
    %add3A_1145 = vector.broadcast %add3A_1144 : i32 to vector<16xi32>
    %add3A_1146 = arith.addi %abs3A_1143, %add3A_1145 : vector<16xi32>
    %gather3A_1147 = tpu.vector_load_idx %arg8[%add3A_1146] : memref<64xi32, #tpu.memory_space<vmem>>[vector<16xi32>], vector<16xi32>,
    %ge3A_1148 = arith.constant 14 : i32
    %ge3A_1149 = vector.broadcast %ge3A_1148 : i32 to vector<16xi32>
    %ge3A_1150 = arith.cmpi sge, %iota3A, %ge3A_1149 : vector<16xi32>
    %eq3A_1151 = arith.cmpi eq, %gather3A_1147, %get3A_890 : vector<16xi32>
    %and3A_1152 = arith.andi %ge3A_1150, %eq3A_1151 : vector<16xi1>
    %jit3A_1153 = arith.constant 1 : i32
    %jit3A_1154 = arith.constant 0 : i32
    %broadcast_in_dim3A_1155 = vector.broadcast %jit3A_1153 : i32 to vector<16xi32>
    %broadcast_in_dim3A_1156 = vector.broadcast %jit3A_1154 : i32 to vector<16xi32>
    %select_n3A_1157 = arith.select %and3A_1152, %broadcast_in_dim3A_1155, %broadcast_in_dim3A_1156 : vector<16xi1>, vector<16xi32>
    %add3A_1158 = arith.addi %add3A_1139, %select_n3A_1157 : vector<16xi32>
    %sub3A_1159 = arith.constant 15 : i32
    %sub3A_1160 = vector.broadcast %sub3A_1159 : i32 to vector<16xi32>
    %sub3A_1161 = arith.subi %iota3A, %sub3A_1160 : vector<16xi32>
    %abs3A_1162 = math.absi %sub3A_1161 : vector<16xi32>
    %add3A_1163 = arith.constant 16 : i32
    %add3A_1164 = vector.broadcast %add3A_1163 : i32 to vector<16xi32>
    %add3A_1165 = arith.addi %abs3A_1162, %add3A_1164 : vector<16xi32>
    %gather3A_1166 = tpu.vector_load_idx %arg8[%add3A_1165] : memref<64xi32, #tpu.memory_space<vmem>>[vector<16xi32>], vector<16xi32>,
    %ge3A_1167 = arith.constant 15 : i32
    %ge3A_1168 = vector.broadcast %ge3A_1167 : i32 to vector<16xi32>
    %ge3A_1169 = arith.cmpi sge, %iota3A, %ge3A_1168 : vector<16xi32>
    %eq3A_1170 = arith.cmpi eq, %gather3A_1166, %get3A_890 : vector<16xi32>
    %and3A_1171 = arith.andi %ge3A_1169, %eq3A_1170 : vector<16xi1>
    %jit3A_1172 = arith.constant 1 : i32
    %jit3A_1173 = arith.constant 0 : i32
    %broadcast_in_dim3A_1174 = vector.broadcast %jit3A_1172 : i32 to vector<16xi32>
    %broadcast_in_dim3A_1175 = vector.broadcast %jit3A_1173 : i32 to vector<16xi32>
    %select_n3A_1176 = arith.select %and3A_1171, %broadcast_in_dim3A_1174, %broadcast_in_dim3A_1175 : vector<16xi1>, vector<16xi32>
    %add3A_1177 = arith.addi %add3A_1158, %select_n3A_1176 : vector<16xi32>
    %swap3A_1178 = arith.constant 0 : index
    %swap3A_1179 = tpu.vector_load %arg10[%swap3A_1178] {strides = array<i32>} : memref<16xi32, #tpu.memory_space<vmem>>, vector<16xi32>,
    tpu.vector_store %arg10[%swap3A_1178], %add3A_888 {strides = array<i32>} : memref<16xi32, #tpu.memory_space<vmem>>, vector<16xi32>,
    %gather3A_1180 = tpu.vector_load_idx %arg10[%get3A_890] : memref<16xi32, #tpu.memory_space<vmem>>[vector<16xi32>], vector<16xi32>,
    %add3A_1181 = arith.addi %gather3A_1180, %add3A_1177 : vector<16xi32>
    %swap3A_1182 = arith.constant 16 : index
    %swap3A_1183 = tpu.vector_load %arg11[%swap3A_1182] {strides = array<i32>} : memref<64xi32, #tpu.memory_space<vmem>>, vector<16xi32>,
    tpu.vector_store %arg11[%swap3A_1182], %add3A_1181 {strides = array<i32>} : memref<64xi32, #tpu.memory_space<vmem>>, vector<16xi32>,
    %dma_start3A_1184 = arith.constant 16 : i32
    %dma_start3A_1185 = arith.constant 0 : i32
    %dma_start3A_1186 = tpu.memref_slice %arg13[%dma_start3A_1184, %dma_start3A_1185] : memref<64x128xf32, #tpu.memory_space<vmem>> -> memref<16x128xf32, #tpu.memory_space<vmem>>
    %dma_start3A_1187 = arith.constant 0 : i32
    %dma_start3A_1188 = arith.constant 0 : i32
    %dma_start3A_1189 = tpu.memref_slice %arg7[%dma_start3A_1187, %dma_start3A_1188] : memref<2048x128xf32, #tpu.memory_space<hbm>> -> memref<2048x128xf32, #tpu.memory_space<hbm>>
    tpu.enqueue_indirect_dma source(%dma_start3A_1186 : memref<16x128xf32, #tpu.memory_space<vmem>>) target(%dma_start3A_1189 : memref<2048x128xf32, #tpu.memory_space<hbm>>) offsets(%add3A_1181 : vector<16xi32>) semaphore(%arg14 : memref<!tpu.dma_semaphore, #tpu.memory_space<semaphore_mem>>)
    %eq3A_1190 = arith.constant 0 : i32
    %eq3A_1191 = vector.broadcast %eq3A_1190 : i32 to vector<16xi32>
    %eq3A_1192 = arith.cmpi eq, %get3A_890, %eq3A_1191 : vector<16xi32>
    %all_reduce_population_count3A_1193 = tpu.all_reduce %eq3A_1192 {dim = 0 : i64, kind = #tpu.reduction_kind<sum>} : vector<16xi1> -> vector<16xi32>
    %eq3A_1194 = arith.constant 0 : i32
    %eq3A_1195 = vector.broadcast %eq3A_1194 : i32 to vector<16xi32>
    %eq3A_1196 = arith.cmpi eq, %iota3A, %eq3A_1195 : vector<16xi32>
    %jit3A_1197 = arith.constant 0 : i32
    %broadcast_in_dim3A_1198 = vector.broadcast %jit3A_1197 : i32 to vector<16xi32>
    %select_n3A_1199 = arith.select %eq3A_1196, %all_reduce_population_count3A_1193, %broadcast_in_dim3A_1198 : vector<16xi1>, vector<16xi32>
    %add3A_1200 = arith.addi %add3A_888, %select_n3A_1199 : vector<16xi32>
    %eq3A_1201 = arith.constant 1 : i32
    %eq3A_1202 = vector.broadcast %eq3A_1201 : i32 to vector<16xi32>
    %eq3A_1203 = arith.cmpi eq, %get3A_890, %eq3A_1202 : vector<16xi32>
    %all_reduce_population_count3A_1204 = tpu.all_reduce %eq3A_1203 {dim = 0 : i64, kind = #tpu.reduction_kind<sum>} : vector<16xi1> -> vector<16xi32>
    %eq3A_1205 = arith.constant 1 : i32
    %eq3A_1206 = vector.broadcast %eq3A_1205 : i32 to vector<16xi32>
    %eq3A_1207 = arith.cmpi eq, %iota3A, %eq3A_1206 : vector<16xi32>
    %jit3A_1208 = arith.constant 0 : i32
    %broadcast_in_dim3A_1209 = vector.broadcast %jit3A_1208 : i32 to vector<16xi32>
    %select_n3A_1210 = arith.select %eq3A_1207, %all_reduce_population_count3A_1204, %broadcast_in_dim3A_1209 : vector<16xi1>, vector<16xi32>
    %add3A_1211 = arith.addi %add3A_1200, %select_n3A_1210 : vector<16xi32>
    %eq3A_1212 = arith.constant 2 : i32
    %eq3A_1213 = vector.broadcast %eq3A_1212 : i32 to vector<16xi32>
    %eq3A_1214 = arith.cmpi eq, %get3A_890, %eq3A_1213 : vector<16xi32>
    %all_reduce_population_count3A_1215 = tpu.all_reduce %eq3A_1214 {dim = 0 : i64, kind = #tpu.reduction_kind<sum>} : vector<16xi1> -> vector<16xi32>
    %eq3A_1216 = arith.constant 2 : i32
    %eq3A_1217 = vector.broadcast %eq3A_1216 : i32 to vector<16xi32>
    %eq3A_1218 = arith.cmpi eq, %iota3A, %eq3A_1217 : vector<16xi32>
    %jit3A_1219 = arith.constant 0 : i32
    %broadcast_in_dim3A_1220 = vector.broadcast %jit3A_1219 : i32 to vector<16xi32>
    %select_n3A_1221 = arith.select %eq3A_1218, %all_reduce_population_count3A_1215, %broadcast_in_dim3A_1220 : vector<16xi1>, vector<16xi32>
    %add3A_1222 = arith.addi %add3A_1211, %select_n3A_1221 : vector<16xi32>
    %eq3A_1223 = arith.constant 3 : i32
    %eq3A_1224 = vector.broadcast %eq3A_1223 : i32 to vector<16xi32>
    %eq3A_1225 = arith.cmpi eq, %get3A_890, %eq3A_1224 : vector<16xi32>
    %all_reduce_population_count3A_1226 = tpu.all_reduce %eq3A_1225 {dim = 0 : i64, kind = #tpu.reduction_kind<sum>} : vector<16xi1> -> vector<16xi32>
    %eq3A_1227 = arith.constant 3 : i32
    %eq3A_1228 = vector.broadcast %eq3A_1227 : i32 to vector<16xi32>
    %eq3A_1229 = arith.cmpi eq, %iota3A, %eq3A_1228 : vector<16xi32>
    %jit3A_1230 = arith.constant 0 : i32
    %broadcast_in_dim3A_1231 = vector.broadcast %jit3A_1230 : i32 to vector<16xi32>
    %select_n3A_1232 = arith.select %eq3A_1229, %all_reduce_population_count3A_1226, %broadcast_in_dim3A_1231 : vector<16xi1>, vector<16xi32>
    %add3A_1233 = arith.addi %add3A_1222, %select_n3A_1232 : vector<16xi32>
    %eq3A_1234 = arith.constant 4 : i32
    %eq3A_1235 = vector.broadcast %eq3A_1234 : i32 to vector<16xi32>
    %eq3A_1236 = arith.cmpi eq, %get3A_890, %eq3A_1235 : vector<16xi32>
    %all_reduce_population_count3A_1237 = tpu.all_reduce %eq3A_1236 {dim = 0 : i64, kind = #tpu.reduction_kind<sum>} : vector<16xi1> -> vector<16xi32>
    %eq3A_1238 = arith.constant 4 : i32
    %eq3A_1239 = vector.broadcast %eq3A_1238 : i32 to vector<16xi32>
    %eq3A_1240 = arith.cmpi eq, %iota3A, %eq3A_1239 : vector<16xi32>
    %jit3A_1241 = arith.constant 0 : i32
    %broadcast_in_dim3A_1242 = vector.broadcast %jit3A_1241 : i32 to vector<16xi32>
    %select_n3A_1243 = arith.select %eq3A_1240, %all_reduce_population_count3A_1237, %broadcast_in_dim3A_1242 : vector<16xi1>, vector<16xi32>
    %add3A_1244 = arith.addi %add3A_1233, %select_n3A_1243 : vector<16xi32>
    %eq3A_1245 = arith.constant 5 : i32
    %eq3A_1246 = vector.broadcast %eq3A_1245 : i32 to vector<16xi32>
    %eq3A_1247 = arith.cmpi eq, %get3A_890, %eq3A_1246 : vector<16xi32>
    %all_reduce_population_count3A_1248 = tpu.all_reduce %eq3A_1247 {dim = 0 : i64, kind = #tpu.reduction_kind<sum>} : vector<16xi1> -> vector<16xi32>
    %eq3A_1249 = arith.constant 5 : i32
    %eq3A_1250 = vector.broadcast %eq3A_1249 : i32 to vector<16xi32>
    %eq3A_1251 = arith.cmpi eq, %iota3A, %eq3A_1250 : vector<16xi32>
    %jit3A_1252 = arith.constant 0 : i32
    %broadcast_in_dim3A_1253 = vector.broadcast %jit3A_1252 : i32 to vector<16xi32>
    %select_n3A_1254 = arith.select %eq3A_1251, %all_reduce_population_count3A_1248, %broadcast_in_dim3A_1253 : vector<16xi1>, vector<16xi32>
    %add3A_1255 = arith.addi %add3A_1244, %select_n3A_1254 : vector<16xi32>
    %eq3A_1256 = arith.constant 6 : i32
    %eq3A_1257 = vector.broadcast %eq3A_1256 : i32 to vector<16xi32>
    %eq3A_1258 = arith.cmpi eq, %get3A_890, %eq3A_1257 : vector<16xi32>
    %all_reduce_population_count3A_1259 = tpu.all_reduce %eq3A_1258 {dim = 0 : i64, kind = #tpu.reduction_kind<sum>} : vector<16xi1> -> vector<16xi32>
    %eq3A_1260 = arith.constant 6 : i32
    %eq3A_1261 = vector.broadcast %eq3A_1260 : i32 to vector<16xi32>
    %eq3A_1262 = arith.cmpi eq, %iota3A, %eq3A_1261 : vector<16xi32>
    %jit3A_1263 = arith.constant 0 : i32
    %broadcast_in_dim3A_1264 = vector.broadcast %jit3A_1263 : i32 to vector<16xi32>
    %select_n3A_1265 = arith.select %eq3A_1262, %all_reduce_population_count3A_1259, %broadcast_in_dim3A_1264 : vector<16xi1>, vector<16xi32>
    %add3A_1266 = arith.addi %add3A_1255, %select_n3A_1265 : vector<16xi32>
    %eq3A_1267 = arith.constant 7 : i32
    %eq3A_1268 = vector.broadcast %eq3A_1267 : i32 to vector<16xi32>
    %eq3A_1269 = arith.cmpi eq, %get3A_890, %eq3A_1268 : vector<16xi32>
    %all_reduce_population_count3A_1270 = tpu.all_reduce %eq3A_1269 {dim = 0 : i64, kind = #tpu.reduction_kind<sum>} : vector<16xi1> -> vector<16xi32>
    %eq3A_1271 = arith.constant 7 : i32
    %eq3A_1272 = vector.broadcast %eq3A_1271 : i32 to vector<16xi32>
    %eq3A_1273 = arith.cmpi eq, %iota3A, %eq3A_1272 : vector<16xi32>
    %jit3A_1274 = arith.constant 0 : i32
    %broadcast_in_dim3A_1275 = vector.broadcast %jit3A_1274 : i32 to vector<16xi32>
    %select_n3A_1276 = arith.select %eq3A_1273, %all_reduce_population_count3A_1270, %broadcast_in_dim3A_1275 : vector<16xi1>, vector<16xi32>
    %add3A_1277 = arith.addi %add3A_1266, %select_n3A_1276 : vector<16xi32>
    %eq3A_1278 = arith.constant 8 : i32
    %eq3A_1279 = vector.broadcast %eq3A_1278 : i32 to vector<16xi32>
    %eq3A_1280 = arith.cmpi eq, %get3A_890, %eq3A_1279 : vector<16xi32>
    %all_reduce_population_count3A_1281 = tpu.all_reduce %eq3A_1280 {dim = 0 : i64, kind = #tpu.reduction_kind<sum>} : vector<16xi1> -> vector<16xi32>
    %eq3A_1282 = arith.constant 8 : i32
    %eq3A_1283 = vector.broadcast %eq3A_1282 : i32 to vector<16xi32>
    %eq3A_1284 = arith.cmpi eq, %iota3A, %eq3A_1283 : vector<16xi32>
    %jit3A_1285 = arith.constant 0 : i32
    %broadcast_in_dim3A_1286 = vector.broadcast %jit3A_1285 : i32 to vector<16xi32>
    %select_n3A_1287 = arith.select %eq3A_1284, %all_reduce_population_count3A_1281, %broadcast_in_dim3A_1286 : vector<16xi1>, vector<16xi32>
    %add3A_1288 = arith.addi %add3A_1277, %select_n3A_1287 : vector<16xi32>
    %eq3A_1289 = arith.constant 9 : i32
    %eq3A_1290 = vector.broadcast %eq3A_1289 : i32 to vector<16xi32>
    %eq3A_1291 = arith.cmpi eq, %get3A_890, %eq3A_1290 : vector<16xi32>
    %all_reduce_population_count3A_1292 = tpu.all_reduce %eq3A_1291 {dim = 0 : i64, kind = #tpu.reduction_kind<sum>} : vector<16xi1> -> vector<16xi32>
    %eq3A_1293 = arith.constant 9 : i32
    %eq3A_1294 = vector.broadcast %eq3A_1293 : i32 to vector<16xi32>
    %eq3A_1295 = arith.cmpi eq, %iota3A, %eq3A_1294 : vector<16xi32>
    %jit3A_1296 = arith.constant 0 : i32
    %broadcast_in_dim3A_1297 = vector.broadcast %jit3A_1296 : i32 to vector<16xi32>
    %select_n3A_1298 = arith.select %eq3A_1295, %all_reduce_population_count3A_1292, %broadcast_in_dim3A_1297 : vector<16xi1>, vector<16xi32>
    %add3A_1299 = arith.addi %add3A_1288, %select_n3A_1298 : vector<16xi32>
    %eq3A_1300 = arith.constant 10 : i32
    %eq3A_1301 = vector.broadcast %eq3A_1300 : i32 to vector<16xi32>
    %eq3A_1302 = arith.cmpi eq, %get3A_890, %eq3A_1301 : vector<16xi32>
    %all_reduce_population_count3A_1303 = tpu.all_reduce %eq3A_1302 {dim = 0 : i64, kind = #tpu.reduction_kind<sum>} : vector<16xi1> -> vector<16xi32>
    %eq3A_1304 = arith.constant 10 : i32
    %eq3A_1305 = vector.broadcast %eq3A_1304 : i32 to vector<16xi32>
    %eq3A_1306 = arith.cmpi eq, %iota3A, %eq3A_1305 : vector<16xi32>
    %jit3A_1307 = arith.constant 0 : i32
    %broadcast_in_dim3A_1308 = vector.broadcast %jit3A_1307 : i32 to vector<16xi32>
    %select_n3A_1309 = arith.select %eq3A_1306, %all_reduce_population_count3A_1303, %broadcast_in_dim3A_1308 : vector<16xi1>, vector<16xi32>
    %add3A_1310 = arith.addi %add3A_1299, %select_n3A_1309 : vector<16xi32>
    %eq3A_1311 = arith.constant 11 : i32
    %eq3A_1312 = vector.broadcast %eq3A_1311 : i32 to vector<16xi32>
    %eq3A_1313 = arith.cmpi eq, %get3A_890, %eq3A_1312 : vector<16xi32>
    %all_reduce_population_count3A_1314 = tpu.all_reduce %eq3A_1313 {dim = 0 : i64, kind = #tpu.reduction_kind<sum>} : vector<16xi1> -> vector<16xi32>
    %eq3A_1315 = arith.constant 11 : i32
    %eq3A_1316 = vector.broadcast %eq3A_1315 : i32 to vector<16xi32>
    %eq3A_1317 = arith.cmpi eq, %iota3A, %eq3A_1316 : vector<16xi32>
    %jit3A_1318 = arith.constant 0 : i32
    %broadcast_in_dim3A_1319 = vector.broadcast %jit3A_1318 : i32 to vector<16xi32>
    %select_n3A_1320 = arith.select %eq3A_1317, %all_reduce_population_count3A_1314, %broadcast_in_dim3A_1319 : vector<16xi1>, vector<16xi32>
    %add3A_1321 = arith.addi %add3A_1310, %select_n3A_1320 : vector<16xi32>
    %eq3A_1322 = arith.constant 12 : i32
    %eq3A_1323 = vector.broadcast %eq3A_1322 : i32 to vector<16xi32>
    %eq3A_1324 = arith.cmpi eq, %get3A_890, %eq3A_1323 : vector<16xi32>
    %all_reduce_population_count3A_1325 = tpu.all_reduce %eq3A_1324 {dim = 0 : i64, kind = #tpu.reduction_kind<sum>} : vector<16xi1> -> vector<16xi32>
    %eq3A_1326 = arith.constant 12 : i32
    %eq3A_1327 = vector.broadcast %eq3A_1326 : i32 to vector<16xi32>
    %eq3A_1328 = arith.cmpi eq, %iota3A, %eq3A_1327 : vector<16xi32>
    %jit3A_1329 = arith.constant 0 : i32
    %broadcast_in_dim3A_1330 = vector.broadcast %jit3A_1329 : i32 to vector<16xi32>
    %select_n3A_1331 = arith.select %eq3A_1328, %all_reduce_population_count3A_1325, %broadcast_in_dim3A_1330 : vector<16xi1>, vector<16xi32>
    %add3A_1332 = arith.addi %add3A_1321, %select_n3A_1331 : vector<16xi32>
    %eq3A_1333 = arith.constant 13 : i32
    %eq3A_1334 = vector.broadcast %eq3A_1333 : i32 to vector<16xi32>
    %eq3A_1335 = arith.cmpi eq, %get3A_890, %eq3A_1334 : vector<16xi32>
    %all_reduce_population_count3A_1336 = tpu.all_reduce %eq3A_1335 {dim = 0 : i64, kind = #tpu.reduction_kind<sum>} : vector<16xi1> -> vector<16xi32>
    %eq3A_1337 = arith.constant 13 : i32
    %eq3A_1338 = vector.broadcast %eq3A_1337 : i32 to vector<16xi32>
    %eq3A_1339 = arith.cmpi eq, %iota3A, %eq3A_1338 : vector<16xi32>
    %jit3A_1340 = arith.constant 0 : i32
    %broadcast_in_dim3A_1341 = vector.broadcast %jit3A_1340 : i32 to vector<16xi32>
    %select_n3A_1342 = arith.select %eq3A_1339, %all_reduce_population_count3A_1336, %broadcast_in_dim3A_1341 : vector<16xi1>, vector<16xi32>
    %add3A_1343 = arith.addi %add3A_1332, %select_n3A_1342 : vector<16xi32>
    %eq3A_1344 = arith.constant 14 : i32
    %eq3A_1345 = vector.broadcast %eq3A_1344 : i32 to vector<16xi32>
    %eq3A_1346 = arith.cmpi eq, %get3A_890, %eq3A_1345 : vector<16xi32>
    %all_reduce_population_count3A_1347 = tpu.all_reduce %eq3A_1346 {dim = 0 : i64, kind = #tpu.reduction_kind<sum>} : vector<16xi1> -> vector<16xi32>
    %eq3A_1348 = arith.constant 14 : i32
    %eq3A_1349 = vector.broadcast %eq3A_1348 : i32 to vector<16xi32>
    %eq3A_1350 = arith.cmpi eq, %iota3A, %eq3A_1349 : vector<16xi32>
    %jit3A_1351 = arith.constant 0 : i32
    %broadcast_in_dim3A_1352 = vector.broadcast %jit3A_1351 : i32 to vector<16xi32>
    %select_n3A_1353 = arith.select %eq3A_1350, %all_reduce_population_count3A_1347, %broadcast_in_dim3A_1352 : vector<16xi1>, vector<16xi32>
    %add3A_1354 = arith.addi %add3A_1343, %select_n3A_1353 : vector<16xi32>
    %eq3A_1355 = arith.constant 15 : i32
    %eq3A_1356 = vector.broadcast %eq3A_1355 : i32 to vector<16xi32>
    %eq3A_1357 = arith.cmpi eq, %get3A_890, %eq3A_1356 : vector<16xi32>
    %all_reduce_population_count3A_1358 = tpu.all_reduce %eq3A_1357 {dim = 0 : i64, kind = #tpu.reduction_kind<sum>} : vector<16xi1> -> vector<16xi32>
    %eq3A_1359 = arith.constant 15 : i32
    %eq3A_1360 = vector.broadcast %eq3A_1359 : i32 to vector<16xi32>
    %eq3A_1361 = arith.cmpi eq, %iota3A, %eq3A_1360 : vector<16xi32>
    %jit3A_1362 = arith.constant 0 : i32
    %broadcast_in_dim3A_1363 = vector.broadcast %jit3A_1362 : i32 to vector<16xi32>
    %select_n3A_1364 = arith.select %eq3A_1361, %all_reduce_population_count3A_1358, %broadcast_in_dim3A_1363 : vector<16xi1>, vector<16xi32>
    %add3A_1365 = arith.addi %add3A_1354, %select_n3A_1364 : vector<16xi32>
    %get3A_1366 = arith.constant 32 : index
    %get3A_1367 = tpu.vector_load %arg8[%get3A_1366] {strides = array<i32>} : memref<64xi32, #tpu.memory_space<vmem>>, vector<16xi32>,
    %broadcast_in_dim3A_1368 = arith.constant 0 : i32
    %broadcast_in_dim3A_1369 = vector.broadcast %broadcast_in_dim3A_1368 : i32 to vector<16xi32>
    %sub3A_1370 = arith.constant 1 : i32
    %sub3A_1371 = vector.broadcast %sub3A_1370 : i32 to vector<16xi32>
    %sub3A_1372 = arith.subi %iota3A, %sub3A_1371 : vector<16xi32>
    %abs3A_1373 = math.absi %sub3A_1372 : vector<16xi32>
    %add3A_1374 = arith.constant 32 : i32
    %add3A_1375 = vector.broadcast %add3A_1374 : i32 to vector<16xi32>
    %add3A_1376 = arith.addi %abs3A_1373, %add3A_1375 : vector<16xi32>
    %gather3A_1377 = tpu.vector_load_idx %arg8[%add3A_1376] : memref<64xi32, #tpu.memory_space<vmem>>[vector<16xi32>], vector<16xi32>,
    %ge3A_1378 = arith.constant 1 : i32
    %ge3A_1379 = vector.broadcast %ge3A_1378 : i32 to vector<16xi32>
    %ge3A_1380 = arith.cmpi sge, %iota3A, %ge3A_1379 : vector<16xi32>
    %eq3A_1381 = arith.cmpi eq, %gather3A_1377, %get3A_1367 : vector<16xi32>
    %and3A_1382 = arith.andi %ge3A_1380, %eq3A_1381 : vector<16xi1>
    %jit3A_1383 = arith.constant 1 : i32
    %jit3A_1384 = arith.constant 0 : i32
    %broadcast_in_dim3A_1385 = vector.broadcast %jit3A_1383 : i32 to vector<16xi32>
    %broadcast_in_dim3A_1386 = vector.broadcast %jit3A_1384 : i32 to vector<16xi32>
    %select_n3A_1387 = arith.select %and3A_1382, %broadcast_in_dim3A_1385, %broadcast_in_dim3A_1386 : vector<16xi1>, vector<16xi32>
    %add3A_1388 = arith.addi %broadcast_in_dim3A_1369, %select_n3A_1387 : vector<16xi32>
    %sub3A_1389 = arith.constant 2 : i32
    %sub3A_1390 = vector.broadcast %sub3A_1389 : i32 to vector<16xi32>
    %sub3A_1391 = arith.subi %iota3A, %sub3A_1390 : vector<16xi32>
    %abs3A_1392 = math.absi %sub3A_1391 : vector<16xi32>
    %add3A_1393 = arith.constant 32 : i32
    %add3A_1394 = vector.broadcast %add3A_1393 : i32 to vector<16xi32>
    %add3A_1395 = arith.addi %abs3A_1392, %add3A_1394 : vector<16xi32>
    %gather3A_1396 = tpu.vector_load_idx %arg8[%add3A_1395] : memref<64xi32, #tpu.memory_space<vmem>>[vector<16xi32>], vector<16xi32>,
    %ge3A_1397 = arith.constant 2 : i32
    %ge3A_1398 = vector.broadcast %ge3A_1397 : i32 to vector<16xi32>
    %ge3A_1399 = arith.cmpi sge, %iota3A, %ge3A_1398 : vector<16xi32>
    %eq3A_1400 = arith.cmpi eq, %gather3A_1396, %get3A_1367 : vector<16xi32>
    %and3A_1401 = arith.andi %ge3A_1399, %eq3A_1400 : vector<16xi1>
    %jit3A_1402 = arith.constant 1 : i32
    %jit3A_1403 = arith.constant 0 : i32
    %broadcast_in_dim3A_1404 = vector.broadcast %jit3A_1402 : i32 to vector<16xi32>
    %broadcast_in_dim3A_1405 = vector.broadcast %jit3A_1403 : i32 to vector<16xi32>
    %select_n3A_1406 = arith.select %and3A_1401, %broadcast_in_dim3A_1404, %broadcast_in_dim3A_1405 : vector<16xi1>, vector<16xi32>
    %add3A_1407 = arith.addi %add3A_1388, %select_n3A_1406 : vector<16xi32>
    %sub3A_1408 = arith.constant 3 : i32
    %sub3A_1409 = vector.broadcast %sub3A_1408 : i32 to vector<16xi32>
    %sub3A_1410 = arith.subi %iota3A, %sub3A_1409 : vector<16xi32>
    %abs3A_1411 = math.absi %sub3A_1410 : vector<16xi32>
    %add3A_1412 = arith.constant 32 : i32
    %add3A_1413 = vector.broadcast %add3A_1412 : i32 to vector<16xi32>
    %add3A_1414 = arith.addi %abs3A_1411, %add3A_1413 : vector<16xi32>
    %gather3A_1415 = tpu.vector_load_idx %arg8[%add3A_1414] : memref<64xi32, #tpu.memory_space<vmem>>[vector<16xi32>], vector<16xi32>,
    %ge3A_1416 = arith.constant 3 : i32
    %ge3A_1417 = vector.broadcast %ge3A_1416 : i32 to vector<16xi32>
    %ge3A_1418 = arith.cmpi sge, %iota3A, %ge3A_1417 : vector<16xi32>
    %eq3A_1419 = arith.cmpi eq, %gather3A_1415, %get3A_1367 : vector<16xi32>
    %and3A_1420 = arith.andi %ge3A_1418, %eq3A_1419 : vector<16xi1>
    %jit3A_1421 = arith.constant 1 : i32
    %jit3A_1422 = arith.constant 0 : i32
    %broadcast_in_dim3A_1423 = vector.broadcast %jit3A_1421 : i32 to vector<16xi32>
    %broadcast_in_dim3A_1424 = vector.broadcast %jit3A_1422 : i32 to vector<16xi32>
    %select_n3A_1425 = arith.select %and3A_1420, %broadcast_in_dim3A_1423, %broadcast_in_dim3A_1424 : vector<16xi1>, vector<16xi32>
    %add3A_1426 = arith.addi %add3A_1407, %select_n3A_1425 : vector<16xi32>
    %sub3A_1427 = arith.constant 4 : i32
    %sub3A_1428 = vector.broadcast %sub3A_1427 : i32 to vector<16xi32>
    %sub3A_1429 = arith.subi %iota3A, %sub3A_1428 : vector<16xi32>
    %abs3A_1430 = math.absi %sub3A_1429 : vector<16xi32>
    %add3A_1431 = arith.constant 32 : i32
    %add3A_1432 = vector.broadcast %add3A_1431 : i32 to vector<16xi32>
    %add3A_1433 = arith.addi %abs3A_1430, %add3A_1432 : vector<16xi32>
    %gather3A_1434 = tpu.vector_load_idx %arg8[%add3A_1433] : memref<64xi32, #tpu.memory_space<vmem>>[vector<16xi32>], vector<16xi32>,
    %ge3A_1435 = arith.constant 4 : i32
    %ge3A_1436 = vector.broadcast %ge3A_1435 : i32 to vector<16xi32>
    %ge3A_1437 = arith.cmpi sge, %iota3A, %ge3A_1436 : vector<16xi32>
    %eq3A_1438 = arith.cmpi eq, %gather3A_1434, %get3A_1367 : vector<16xi32>
    %and3A_1439 = arith.andi %ge3A_1437, %eq3A_1438 : vector<16xi1>
    %jit3A_1440 = arith.constant 1 : i32
    %jit3A_1441 = arith.constant 0 : i32
    %broadcast_in_dim3A_1442 = vector.broadcast %jit3A_1440 : i32 to vector<16xi32>
    %broadcast_in_dim3A_1443 = vector.broadcast %jit3A_1441 : i32 to vector<16xi32>
    %select_n3A_1444 = arith.select %and3A_1439, %broadcast_in_dim3A_1442, %broadcast_in_dim3A_1443 : vector<16xi1>, vector<16xi32>
    %add3A_1445 = arith.addi %add3A_1426, %select_n3A_1444 : vector<16xi32>
    %sub3A_1446 = arith.constant 5 : i32
    %sub3A_1447 = vector.broadcast %sub3A_1446 : i32 to vector<16xi32>
    %sub3A_1448 = arith.subi %iota3A, %sub3A_1447 : vector<16xi32>
    %abs3A_1449 = math.absi %sub3A_1448 : vector<16xi32>
    %add3A_1450 = arith.constant 32 : i32
    %add3A_1451 = vector.broadcast %add3A_1450 : i32 to vector<16xi32>
    %add3A_1452 = arith.addi %abs3A_1449, %add3A_1451 : vector<16xi32>
    %gather3A_1453 = tpu.vector_load_idx %arg8[%add3A_1452] : memref<64xi32, #tpu.memory_space<vmem>>[vector<16xi32>], vector<16xi32>,
    %ge3A_1454 = arith.constant 5 : i32
    %ge3A_1455 = vector.broadcast %ge3A_1454 : i32 to vector<16xi32>
    %ge3A_1456 = arith.cmpi sge, %iota3A, %ge3A_1455 : vector<16xi32>
    %eq3A_1457 = arith.cmpi eq, %gather3A_1453, %get3A_1367 : vector<16xi32>
    %and3A_1458 = arith.andi %ge3A_1456, %eq3A_1457 : vector<16xi1>
    %jit3A_1459 = arith.constant 1 : i32
    %jit3A_1460 = arith.constant 0 : i32
    %broadcast_in_dim3A_1461 = vector.broadcast %jit3A_1459 : i32 to vector<16xi32>
    %broadcast_in_dim3A_1462 = vector.broadcast %jit3A_1460 : i32 to vector<16xi32>
    %select_n3A_1463 = arith.select %and3A_1458, %broadcast_in_dim3A_1461, %broadcast_in_dim3A_1462 : vector<16xi1>, vector<16xi32>
    %add3A_1464 = arith.addi %add3A_1445, %select_n3A_1463 : vector<16xi32>
    %sub3A_1465 = arith.constant 6 : i32
    %sub3A_1466 = vector.broadcast %sub3A_1465 : i32 to vector<16xi32>
    %sub3A_1467 = arith.subi %iota3A, %sub3A_1466 : vector<16xi32>
    %abs3A_1468 = math.absi %sub3A_1467 : vector<16xi32>
    %add3A_1469 = arith.constant 32 : i32
    %add3A_1470 = vector.broadcast %add3A_1469 : i32 to vector<16xi32>
    %add3A_1471 = arith.addi %abs3A_1468, %add3A_1470 : vector<16xi32>
    %gather3A_1472 = tpu.vector_load_idx %arg8[%add3A_1471] : memref<64xi32, #tpu.memory_space<vmem>>[vector<16xi32>], vector<16xi32>,
    %ge3A_1473 = arith.constant 6 : i32
    %ge3A_1474 = vector.broadcast %ge3A_1473 : i32 to vector<16xi32>
    %ge3A_1475 = arith.cmpi sge, %iota3A, %ge3A_1474 : vector<16xi32>
    %eq3A_1476 = arith.cmpi eq, %gather3A_1472, %get3A_1367 : vector<16xi32>
    %and3A_1477 = arith.andi %ge3A_1475, %eq3A_1476 : vector<16xi1>
    %jit3A_1478 = arith.constant 1 : i32
    %jit3A_1479 = arith.constant 0 : i32
    %broadcast_in_dim3A_1480 = vector.broadcast %jit3A_1478 : i32 to vector<16xi32>
    %broadcast_in_dim3A_1481 = vector.broadcast %jit3A_1479 : i32 to vector<16xi32>
    %select_n3A_1482 = arith.select %and3A_1477, %broadcast_in_dim3A_1480, %broadcast_in_dim3A_1481 : vector<16xi1>, vector<16xi32>
    %add3A_1483 = arith.addi %add3A_1464, %select_n3A_1482 : vector<16xi32>
    %sub3A_1484 = arith.constant 7 : i32
    %sub3A_1485 = vector.broadcast %sub3A_1484 : i32 to vector<16xi32>
    %sub3A_1486 = arith.subi %iota3A, %sub3A_1485 : vector<16xi32>
    %abs3A_1487 = math.absi %sub3A_1486 : vector<16xi32>
    %add3A_1488 = arith.constant 32 : i32
    %add3A_1489 = vector.broadcast %add3A_1488 : i32 to vector<16xi32>
    %add3A_1490 = arith.addi %abs3A_1487, %add3A_1489 : vector<16xi32>
    %gather3A_1491 = tpu.vector_load_idx %arg8[%add3A_1490] : memref<64xi32, #tpu.memory_space<vmem>>[vector<16xi32>], vector<16xi32>,
    %ge3A_1492 = arith.constant 7 : i32
    %ge3A_1493 = vector.broadcast %ge3A_1492 : i32 to vector<16xi32>
    %ge3A_1494 = arith.cmpi sge, %iota3A, %ge3A_1493 : vector<16xi32>
    %eq3A_1495 = arith.cmpi eq, %gather3A_1491, %get3A_1367 : vector<16xi32>
    %and3A_1496 = arith.andi %ge3A_1494, %eq3A_1495 : vector<16xi1>
    %jit3A_1497 = arith.constant 1 : i32
    %jit3A_1498 = arith.constant 0 : i32
    %broadcast_in_dim3A_1499 = vector.broadcast %jit3A_1497 : i32 to vector<16xi32>
    %broadcast_in_dim3A_1500 = vector.broadcast %jit3A_1498 : i32 to vector<16xi32>
    %select_n3A_1501 = arith.select %and3A_1496, %broadcast_in_dim3A_1499, %broadcast_in_dim3A_1500 : vector<16xi1>, vector<16xi32>
    %add3A_1502 = arith.addi %add3A_1483, %select_n3A_1501 : vector<16xi32>
    %sub3A_1503 = arith.constant 8 : i32
    %sub3A_1504 = vector.broadcast %sub3A_1503 : i32 to vector<16xi32>
    %sub3A_1505 = arith.subi %iota3A, %sub3A_1504 : vector<16xi32>
    %abs3A_1506 = math.absi %sub3A_1505 : vector<16xi32>
    %add3A_1507 = arith.constant 32 : i32
    %add3A_1508 = vector.broadcast %add3A_1507 : i32 to vector<16xi32>
    %add3A_1509 = arith.addi %abs3A_1506, %add3A_1508 : vector<16xi32>
    %gather3A_1510 = tpu.vector_load_idx %arg8[%add3A_1509] : memref<64xi32, #tpu.memory_space<vmem>>[vector<16xi32>], vector<16xi32>,
    %ge3A_1511 = arith.constant 8 : i32
    %ge3A_1512 = vector.broadcast %ge3A_1511 : i32 to vector<16xi32>
    %ge3A_1513 = arith.cmpi sge, %iota3A, %ge3A_1512 : vector<16xi32>
    %eq3A_1514 = arith.cmpi eq, %gather3A_1510, %get3A_1367 : vector<16xi32>
    %and3A_1515 = arith.andi %ge3A_1513, %eq3A_1514 : vector<16xi1>
    %jit3A_1516 = arith.constant 1 : i32
    %jit3A_1517 = arith.constant 0 : i32
    %broadcast_in_dim3A_1518 = vector.broadcast %jit3A_1516 : i32 to vector<16xi32>
    %broadcast_in_dim3A_1519 = vector.broadcast %jit3A_1517 : i32 to vector<16xi32>
    %select_n3A_1520 = arith.select %and3A_1515, %broadcast_in_dim3A_1518, %broadcast_in_dim3A_1519 : vector<16xi1>, vector<16xi32>
    %add3A_1521 = arith.addi %add3A_1502, %select_n3A_1520 : vector<16xi32>
    %sub3A_1522 = arith.constant 9 : i32
    %sub3A_1523 = vector.broadcast %sub3A_1522 : i32 to vector<16xi32>
    %sub3A_1524 = arith.subi %iota3A, %sub3A_1523 : vector<16xi32>
    %abs3A_1525 = math.absi %sub3A_1524 : vector<16xi32>
    %add3A_1526 = arith.constant 32 : i32
    %add3A_1527 = vector.broadcast %add3A_1526 : i32 to vector<16xi32>
    %add3A_1528 = arith.addi %abs3A_1525, %add3A_1527 : vector<16xi32>
    %gather3A_1529 = tpu.vector_load_idx %arg8[%add3A_1528] : memref<64xi32, #tpu.memory_space<vmem>>[vector<16xi32>], vector<16xi32>,
    %ge3A_1530 = arith.constant 9 : i32
    %ge3A_1531 = vector.broadcast %ge3A_1530 : i32 to vector<16xi32>
    %ge3A_1532 = arith.cmpi sge, %iota3A, %ge3A_1531 : vector<16xi32>
    %eq3A_1533 = arith.cmpi eq, %gather3A_1529, %get3A_1367 : vector<16xi32>
    %and3A_1534 = arith.andi %ge3A_1532, %eq3A_1533 : vector<16xi1>
    %jit3A_1535 = arith.constant 1 : i32
    %jit3A_1536 = arith.constant 0 : i32
    %broadcast_in_dim3A_1537 = vector.broadcast %jit3A_1535 : i32 to vector<16xi32>
    %broadcast_in_dim3A_1538 = vector.broadcast %jit3A_1536 : i32 to vector<16xi32>
    %select_n3A_1539 = arith.select %and3A_1534, %broadcast_in_dim3A_1537, %broadcast_in_dim3A_1538 : vector<16xi1>, vector<16xi32>
    %add3A_1540 = arith.addi %add3A_1521, %select_n3A_1539 : vector<16xi32>
    %sub3A_1541 = arith.constant 10 : i32
    %sub3A_1542 = vector.broadcast %sub3A_1541 : i32 to vector<16xi32>
    %sub3A_1543 = arith.subi %iota3A, %sub3A_1542 : vector<16xi32>
    %abs3A_1544 = math.absi %sub3A_1543 : vector<16xi32>
    %add3A_1545 = arith.constant 32 : i32
    %add3A_1546 = vector.broadcast %add3A_1545 : i32 to vector<16xi32>
    %add3A_1547 = arith.addi %abs3A_1544, %add3A_1546 : vector<16xi32>
    %gather3A_1548 = tpu.vector_load_idx %arg8[%add3A_1547] : memref<64xi32, #tpu.memory_space<vmem>>[vector<16xi32>], vector<16xi32>,
    %ge3A_1549 = arith.constant 10 : i32
    %ge3A_1550 = vector.broadcast %ge3A_1549 : i32 to vector<16xi32>
    %ge3A_1551 = arith.cmpi sge, %iota3A, %ge3A_1550 : vector<16xi32>
    %eq3A_1552 = arith.cmpi eq, %gather3A_1548, %get3A_1367 : vector<16xi32>
    %and3A_1553 = arith.andi %ge3A_1551, %eq3A_1552 : vector<16xi1>
    %jit3A_1554 = arith.constant 1 : i32
    %jit3A_1555 = arith.constant 0 : i32
    %broadcast_in_dim3A_1556 = vector.broadcast %jit3A_1554 : i32 to vector<16xi32>
    %broadcast_in_dim3A_1557 = vector.broadcast %jit3A_1555 : i32 to vector<16xi32>
    %select_n3A_1558 = arith.select %and3A_1553, %broadcast_in_dim3A_1556, %broadcast_in_dim3A_1557 : vector<16xi1>, vector<16xi32>
    %add3A_1559 = arith.addi %add3A_1540, %select_n3A_1558 : vector<16xi32>
    %sub3A_1560 = arith.constant 11 : i32
    %sub3A_1561 = vector.broadcast %sub3A_1560 : i32 to vector<16xi32>
    %sub3A_1562 = arith.subi %iota3A, %sub3A_1561 : vector<16xi32>
    %abs3A_1563 = math.absi %sub3A_1562 : vector<16xi32>
    %add3A_1564 = arith.constant 32 : i32
    %add3A_1565 = vector.broadcast %add3A_1564 : i32 to vector<16xi32>
    %add3A_1566 = arith.addi %abs3A_1563, %add3A_1565 : vector<16xi32>
    %gather3A_1567 = tpu.vector_load_idx %arg8[%add3A_1566] : memref<64xi32, #tpu.memory_space<vmem>>[vector<16xi32>], vector<16xi32>,
    %ge3A_1568 = arith.constant 11 : i32
    %ge3A_1569 = vector.broadcast %ge3A_1568 : i32 to vector<16xi32>
    %ge3A_1570 = arith.cmpi sge, %iota3A, %ge3A_1569 : vector<16xi32>
    %eq3A_1571 = arith.cmpi eq, %gather3A_1567, %get3A_1367 : vector<16xi32>
    %and3A_1572 = arith.andi %ge3A_1570, %eq3A_1571 : vector<16xi1>
    %jit3A_1573 = arith.constant 1 : i32
    %jit3A_1574 = arith.constant 0 : i32
    %broadcast_in_dim3A_1575 = vector.broadcast %jit3A_1573 : i32 to vector<16xi32>
    %broadcast_in_dim3A_1576 = vector.broadcast %jit3A_1574 : i32 to vector<16xi32>
    %select_n3A_1577 = arith.select %and3A_1572, %broadcast_in_dim3A_1575, %broadcast_in_dim3A_1576 : vector<16xi1>, vector<16xi32>
    %add3A_1578 = arith.addi %add3A_1559, %select_n3A_1577 : vector<16xi32>
    %sub3A_1579 = arith.constant 12 : i32
    %sub3A_1580 = vector.broadcast %sub3A_1579 : i32 to vector<16xi32>
    %sub3A_1581 = arith.subi %iota3A, %sub3A_1580 : vector<16xi32>
    %abs3A_1582 = math.absi %sub3A_1581 : vector<16xi32>
    %add3A_1583 = arith.constant 32 : i32
    %add3A_1584 = vector.broadcast %add3A_1583 : i32 to vector<16xi32>
    %add3A_1585 = arith.addi %abs3A_1582, %add3A_1584 : vector<16xi32>
    %gather3A_1586 = tpu.vector_load_idx %arg8[%add3A_1585] : memref<64xi32, #tpu.memory_space<vmem>>[vector<16xi32>], vector<16xi32>,
    %ge3A_1587 = arith.constant 12 : i32
    %ge3A_1588 = vector.broadcast %ge3A_1587 : i32 to vector<16xi32>
    %ge3A_1589 = arith.cmpi sge, %iota3A, %ge3A_1588 : vector<16xi32>
    %eq3A_1590 = arith.cmpi eq, %gather3A_1586, %get3A_1367 : vector<16xi32>
    %and3A_1591 = arith.andi %ge3A_1589, %eq3A_1590 : vector<16xi1>
    %jit3A_1592 = arith.constant 1 : i32
    %jit3A_1593 = arith.constant 0 : i32
    %broadcast_in_dim3A_1594 = vector.broadcast %jit3A_1592 : i32 to vector<16xi32>
    %broadcast_in_dim3A_1595 = vector.broadcast %jit3A_1593 : i32 to vector<16xi32>
    %select_n3A_1596 = arith.select %and3A_1591, %broadcast_in_dim3A_1594, %broadcast_in_dim3A_1595 : vector<16xi1>, vector<16xi32>
    %add3A_1597 = arith.addi %add3A_1578, %select_n3A_1596 : vector<16xi32>
    %sub3A_1598 = arith.constant 13 : i32
    %sub3A_1599 = vector.broadcast %sub3A_1598 : i32 to vector<16xi32>
    %sub3A_1600 = arith.subi %iota3A, %sub3A_1599 : vector<16xi32>
    %abs3A_1601 = math.absi %sub3A_1600 : vector<16xi32>
    %add3A_1602 = arith.constant 32 : i32
    %add3A_1603 = vector.broadcast %add3A_1602 : i32 to vector<16xi32>
    %add3A_1604 = arith.addi %abs3A_1601, %add3A_1603 : vector<16xi32>
    %gather3A_1605 = tpu.vector_load_idx %arg8[%add3A_1604] : memref<64xi32, #tpu.memory_space<vmem>>[vector<16xi32>], vector<16xi32>,
    %ge3A_1606 = arith.constant 13 : i32
    %ge3A_1607 = vector.broadcast %ge3A_1606 : i32 to vector<16xi32>
    %ge3A_1608 = arith.cmpi sge, %iota3A, %ge3A_1607 : vector<16xi32>
    %eq3A_1609 = arith.cmpi eq, %gather3A_1605, %get3A_1367 : vector<16xi32>
    %and3A_1610 = arith.andi %ge3A_1608, %eq3A_1609 : vector<16xi1>
    %jit3A_1611 = arith.constant 1 : i32
    %jit3A_1612 = arith.constant 0 : i32
    %broadcast_in_dim3A_1613 = vector.broadcast %jit3A_1611 : i32 to vector<16xi32>
    %broadcast_in_dim3A_1614 = vector.broadcast %jit3A_1612 : i32 to vector<16xi32>
    %select_n3A_1615 = arith.select %and3A_1610, %broadcast_in_dim3A_1613, %broadcast_in_dim3A_1614 : vector<16xi1>, vector<16xi32>
    %add3A_1616 = arith.addi %add3A_1597, %select_n3A_1615 : vector<16xi32>
    %sub3A_1617 = arith.constant 14 : i32
    %sub3A_1618 = vector.broadcast %sub3A_1617 : i32 to vector<16xi32>
    %sub3A_1619 = arith.subi %iota3A, %sub3A_1618 : vector<16xi32>
    %abs3A_1620 = math.absi %sub3A_1619 : vector<16xi32>
    %add3A_1621 = arith.constant 32 : i32
    %add3A_1622 = vector.broadcast %add3A_1621 : i32 to vector<16xi32>
    %add3A_1623 = arith.addi %abs3A_1620, %add3A_1622 : vector<16xi32>
    %gather3A_1624 = tpu.vector_load_idx %arg8[%add3A_1623] : memref<64xi32, #tpu.memory_space<vmem>>[vector<16xi32>], vector<16xi32>,
    %ge3A_1625 = arith.constant 14 : i32
    %ge3A_1626 = vector.broadcast %ge3A_1625 : i32 to vector<16xi32>
    %ge3A_1627 = arith.cmpi sge, %iota3A, %ge3A_1626 : vector<16xi32>
    %eq3A_1628 = arith.cmpi eq, %gather3A_1624, %get3A_1367 : vector<16xi32>
    %and3A_1629 = arith.andi %ge3A_1627, %eq3A_1628 : vector<16xi1>
    %jit3A_1630 = arith.constant 1 : i32
    %jit3A_1631 = arith.constant 0 : i32
    %broadcast_in_dim3A_1632 = vector.broadcast %jit3A_1630 : i32 to vector<16xi32>
    %broadcast_in_dim3A_1633 = vector.broadcast %jit3A_1631 : i32 to vector<16xi32>
    %select_n3A_1634 = arith.select %and3A_1629, %broadcast_in_dim3A_1632, %broadcast_in_dim3A_1633 : vector<16xi1>, vector<16xi32>
    %add3A_1635 = arith.addi %add3A_1616, %select_n3A_1634 : vector<16xi32>
    %sub3A_1636 = arith.constant 15 : i32
    %sub3A_1637 = vector.broadcast %sub3A_1636 : i32 to vector<16xi32>
    %sub3A_1638 = arith.subi %iota3A, %sub3A_1637 : vector<16xi32>
    %abs3A_1639 = math.absi %sub3A_1638 : vector<16xi32>
    %add3A_1640 = arith.constant 32 : i32
    %add3A_1641 = vector.broadcast %add3A_1640 : i32 to vector<16xi32>
    %add3A_1642 = arith.addi %abs3A_1639, %add3A_1641 : vector<16xi32>
    %gather3A_1643 = tpu.vector_load_idx %arg8[%add3A_1642] : memref<64xi32, #tpu.memory_space<vmem>>[vector<16xi32>], vector<16xi32>,
    %ge3A_1644 = arith.constant 15 : i32
    %ge3A_1645 = vector.broadcast %ge3A_1644 : i32 to vector<16xi32>
    %ge3A_1646 = arith.cmpi sge, %iota3A, %ge3A_1645 : vector<16xi32>
    %eq3A_1647 = arith.cmpi eq, %gather3A_1643, %get3A_1367 : vector<16xi32>
    %and3A_1648 = arith.andi %ge3A_1646, %eq3A_1647 : vector<16xi1>
    %jit3A_1649 = arith.constant 1 : i32
    %jit3A_1650 = arith.constant 0 : i32
    %broadcast_in_dim3A_1651 = vector.broadcast %jit3A_1649 : i32 to vector<16xi32>
    %broadcast_in_dim3A_1652 = vector.broadcast %jit3A_1650 : i32 to vector<16xi32>
    %select_n3A_1653 = arith.select %and3A_1648, %broadcast_in_dim3A_1651, %broadcast_in_dim3A_1652 : vector<16xi1>, vector<16xi32>
    %add3A_1654 = arith.addi %add3A_1635, %select_n3A_1653 : vector<16xi32>
    %swap3A_1655 = arith.constant 0 : index
    %swap3A_1656 = tpu.vector_load %arg10[%swap3A_1655] {strides = array<i32>} : memref<16xi32, #tpu.memory_space<vmem>>, vector<16xi32>,
    tpu.vector_store %arg10[%swap3A_1655], %add3A_1365 {strides = array<i32>} : memref<16xi32, #tpu.memory_space<vmem>>, vector<16xi32>,
    %gather3A_1657 = tpu.vector_load_idx %arg10[%get3A_1367] : memref<16xi32, #tpu.memory_space<vmem>>[vector<16xi32>], vector<16xi32>,
    %add3A_1658 = arith.addi %gather3A_1657, %add3A_1654 : vector<16xi32>
    %swap3A_1659 = arith.constant 32 : index
    %swap3A_1660 = tpu.vector_load %arg11[%swap3A_1659] {strides = array<i32>} : memref<64xi32, #tpu.memory_space<vmem>>, vector<16xi32>,
    tpu.vector_store %arg11[%swap3A_1659], %add3A_1658 {strides = array<i32>} : memref<64xi32, #tpu.memory_space<vmem>>, vector<16xi32>,
    %dma_start3A_1661 = arith.constant 32 : i32
    %dma_start3A_1662 = arith.constant 0 : i32
    %dma_start3A_1663 = tpu.memref_slice %arg13[%dma_start3A_1661, %dma_start3A_1662] : memref<64x128xf32, #tpu.memory_space<vmem>> -> memref<16x128xf32, #tpu.memory_space<vmem>>
    %dma_start3A_1664 = arith.constant 0 : i32
    %dma_start3A_1665 = arith.constant 0 : i32
    %dma_start3A_1666 = tpu.memref_slice %arg7[%dma_start3A_1664, %dma_start3A_1665] : memref<2048x128xf32, #tpu.memory_space<hbm>> -> memref<2048x128xf32, #tpu.memory_space<hbm>>
    tpu.enqueue_indirect_dma source(%dma_start3A_1663 : memref<16x128xf32, #tpu.memory_space<vmem>>) target(%dma_start3A_1666 : memref<2048x128xf32, #tpu.memory_space<hbm>>) offsets(%add3A_1658 : vector<16xi32>) semaphore(%arg14 : memref<!tpu.dma_semaphore, #tpu.memory_space<semaphore_mem>>)
    %eq3A_1667 = arith.constant 0 : i32
    %eq3A_1668 = vector.broadcast %eq3A_1667 : i32 to vector<16xi32>
    %eq3A_1669 = arith.cmpi eq, %get3A_1367, %eq3A_1668 : vector<16xi32>
    %all_reduce_population_count3A_1670 = tpu.all_reduce %eq3A_1669 {dim = 0 : i64, kind = #tpu.reduction_kind<sum>} : vector<16xi1> -> vector<16xi32>
    %eq3A_1671 = arith.constant 0 : i32
    %eq3A_1672 = vector.broadcast %eq3A_1671 : i32 to vector<16xi32>
    %eq3A_1673 = arith.cmpi eq, %iota3A, %eq3A_1672 : vector<16xi32>
    %jit3A_1674 = arith.constant 0 : i32
    %broadcast_in_dim3A_1675 = vector.broadcast %jit3A_1674 : i32 to vector<16xi32>
    %select_n3A_1676 = arith.select %eq3A_1673, %all_reduce_population_count3A_1670, %broadcast_in_dim3A_1675 : vector<16xi1>, vector<16xi32>
    %add3A_1677 = arith.addi %add3A_1365, %select_n3A_1676 : vector<16xi32>
    %eq3A_1678 = arith.constant 1 : i32
    %eq3A_1679 = vector.broadcast %eq3A_1678 : i32 to vector<16xi32>
    %eq3A_1680 = arith.cmpi eq, %get3A_1367, %eq3A_1679 : vector<16xi32>
    %all_reduce_population_count3A_1681 = tpu.all_reduce %eq3A_1680 {dim = 0 : i64, kind = #tpu.reduction_kind<sum>} : vector<16xi1> -> vector<16xi32>
    %eq3A_1682 = arith.constant 1 : i32
    %eq3A_1683 = vector.broadcast %eq3A_1682 : i32 to vector<16xi32>
    %eq3A_1684 = arith.cmpi eq, %iota3A, %eq3A_1683 : vector<16xi32>
    %jit3A_1685 = arith.constant 0 : i32
    %broadcast_in_dim3A_1686 = vector.broadcast %jit3A_1685 : i32 to vector<16xi32>
    %select_n3A_1687 = arith.select %eq3A_1684, %all_reduce_population_count3A_1681, %broadcast_in_dim3A_1686 : vector<16xi1>, vector<16xi32>
    %add3A_1688 = arith.addi %add3A_1677, %select_n3A_1687 : vector<16xi32>
    %eq3A_1689 = arith.constant 2 : i32
    %eq3A_1690 = vector.broadcast %eq3A_1689 : i32 to vector<16xi32>
    %eq3A_1691 = arith.cmpi eq, %get3A_1367, %eq3A_1690 : vector<16xi32>
    %all_reduce_population_count3A_1692 = tpu.all_reduce %eq3A_1691 {dim = 0 : i64, kind = #tpu.reduction_kind<sum>} : vector<16xi1> -> vector<16xi32>
    %eq3A_1693 = arith.constant 2 : i32
    %eq3A_1694 = vector.broadcast %eq3A_1693 : i32 to vector<16xi32>
    %eq3A_1695 = arith.cmpi eq, %iota3A, %eq3A_1694 : vector<16xi32>
    %jit3A_1696 = arith.constant 0 : i32
    %broadcast_in_dim3A_1697 = vector.broadcast %jit3A_1696 : i32 to vector<16xi32>
    %select_n3A_1698 = arith.select %eq3A_1695, %all_reduce_population_count3A_1692, %broadcast_in_dim3A_1697 : vector<16xi1>, vector<16xi32>
    %add3A_1699 = arith.addi %add3A_1688, %select_n3A_1698 : vector<16xi32>
    %eq3A_1700 = arith.constant 3 : i32
    %eq3A_1701 = vector.broadcast %eq3A_1700 : i32 to vector<16xi32>
    %eq3A_1702 = arith.cmpi eq, %get3A_1367, %eq3A_1701 : vector<16xi32>
    %all_reduce_population_count3A_1703 = tpu.all_reduce %eq3A_1702 {dim = 0 : i64, kind = #tpu.reduction_kind<sum>} : vector<16xi1> -> vector<16xi32>
    %eq3A_1704 = arith.constant 3 : i32
    %eq3A_1705 = vector.broadcast %eq3A_1704 : i32 to vector<16xi32>
    %eq3A_1706 = arith.cmpi eq, %iota3A, %eq3A_1705 : vector<16xi32>
    %jit3A_1707 = arith.constant 0 : i32
    %broadcast_in_dim3A_1708 = vector.broadcast %jit3A_1707 : i32 to vector<16xi32>
    %select_n3A_1709 = arith.select %eq3A_1706, %all_reduce_population_count3A_1703, %broadcast_in_dim3A_1708 : vector<16xi1>, vector<16xi32>
    %add3A_1710 = arith.addi %add3A_1699, %select_n3A_1709 : vector<16xi32>
    %eq3A_1711 = arith.constant 4 : i32
    %eq3A_1712 = vector.broadcast %eq3A_1711 : i32 to vector<16xi32>
    %eq3A_1713 = arith.cmpi eq, %get3A_1367, %eq3A_1712 : vector<16xi32>
    %all_reduce_population_count3A_1714 = tpu.all_reduce %eq3A_1713 {dim = 0 : i64, kind = #tpu.reduction_kind<sum>} : vector<16xi1> -> vector<16xi32>
    %eq3A_1715 = arith.constant 4 : i32
    %eq3A_1716 = vector.broadcast %eq3A_1715 : i32 to vector<16xi32>
    %eq3A_1717 = arith.cmpi eq, %iota3A, %eq3A_1716 : vector<16xi32>
    %jit3A_1718 = arith.constant 0 : i32
    %broadcast_in_dim3A_1719 = vector.broadcast %jit3A_1718 : i32 to vector<16xi32>
    %select_n3A_1720 = arith.select %eq3A_1717, %all_reduce_population_count3A_1714, %broadcast_in_dim3A_1719 : vector<16xi1>, vector<16xi32>
    %add3A_1721 = arith.addi %add3A_1710, %select_n3A_1720 : vector<16xi32>
    %eq3A_1722 = arith.constant 5 : i32
    %eq3A_1723 = vector.broadcast %eq3A_1722 : i32 to vector<16xi32>
    %eq3A_1724 = arith.cmpi eq, %get3A_1367, %eq3A_1723 : vector<16xi32>
    %all_reduce_population_count3A_1725 = tpu.all_reduce %eq3A_1724 {dim = 0 : i64, kind = #tpu.reduction_kind<sum>} : vector<16xi1> -> vector<16xi32>
    %eq3A_1726 = arith.constant 5 : i32
    %eq3A_1727 = vector.broadcast %eq3A_1726 : i32 to vector<16xi32>
    %eq3A_1728 = arith.cmpi eq, %iota3A, %eq3A_1727 : vector<16xi32>
    %jit3A_1729 = arith.constant 0 : i32
    %broadcast_in_dim3A_1730 = vector.broadcast %jit3A_1729 : i32 to vector<16xi32>
    %select_n3A_1731 = arith.select %eq3A_1728, %all_reduce_population_count3A_1725, %broadcast_in_dim3A_1730 : vector<16xi1>, vector<16xi32>
    %add3A_1732 = arith.addi %add3A_1721, %select_n3A_1731 : vector<16xi32>
    %eq3A_1733 = arith.constant 6 : i32
    %eq3A_1734 = vector.broadcast %eq3A_1733 : i32 to vector<16xi32>
    %eq3A_1735 = arith.cmpi eq, %get3A_1367, %eq3A_1734 : vector<16xi32>
    %all_reduce_population_count3A_1736 = tpu.all_reduce %eq3A_1735 {dim = 0 : i64, kind = #tpu.reduction_kind<sum>} : vector<16xi1> -> vector<16xi32>
    %eq3A_1737 = arith.constant 6 : i32
    %eq3A_1738 = vector.broadcast %eq3A_1737 : i32 to vector<16xi32>
    %eq3A_1739 = arith.cmpi eq, %iota3A, %eq3A_1738 : vector<16xi32>
    %jit3A_1740 = arith.constant 0 : i32
    %broadcast_in_dim3A_1741 = vector.broadcast %jit3A_1740 : i32 to vector<16xi32>
    %select_n3A_1742 = arith.select %eq3A_1739, %all_reduce_population_count3A_1736, %broadcast_in_dim3A_1741 : vector<16xi1>, vector<16xi32>
    %add3A_1743 = arith.addi %add3A_1732, %select_n3A_1742 : vector<16xi32>
    %eq3A_1744 = arith.constant 7 : i32
    %eq3A_1745 = vector.broadcast %eq3A_1744 : i32 to vector<16xi32>
    %eq3A_1746 = arith.cmpi eq, %get3A_1367, %eq3A_1745 : vector<16xi32>
    %all_reduce_population_count3A_1747 = tpu.all_reduce %eq3A_1746 {dim = 0 : i64, kind = #tpu.reduction_kind<sum>} : vector<16xi1> -> vector<16xi32>
    %eq3A_1748 = arith.constant 7 : i32
    %eq3A_1749 = vector.broadcast %eq3A_1748 : i32 to vector<16xi32>
    %eq3A_1750 = arith.cmpi eq, %iota3A, %eq3A_1749 : vector<16xi32>
    %jit3A_1751 = arith.constant 0 : i32
    %broadcast_in_dim3A_1752 = vector.broadcast %jit3A_1751 : i32 to vector<16xi32>
    %select_n3A_1753 = arith.select %eq3A_1750, %all_reduce_population_count3A_1747, %broadcast_in_dim3A_1752 : vector<16xi1>, vector<16xi32>
    %add3A_1754 = arith.addi %add3A_1743, %select_n3A_1753 : vector<16xi32>
    %eq3A_1755 = arith.constant 8 : i32
    %eq3A_1756 = vector.broadcast %eq3A_1755 : i32 to vector<16xi32>
    %eq3A_1757 = arith.cmpi eq, %get3A_1367, %eq3A_1756 : vector<16xi32>
    %all_reduce_population_count3A_1758 = tpu.all_reduce %eq3A_1757 {dim = 0 : i64, kind = #tpu.reduction_kind<sum>} : vector<16xi1> -> vector<16xi32>
    %eq3A_1759 = arith.constant 8 : i32
    %eq3A_1760 = vector.broadcast %eq3A_1759 : i32 to vector<16xi32>
    %eq3A_1761 = arith.cmpi eq, %iota3A, %eq3A_1760 : vector<16xi32>
    %jit3A_1762 = arith.constant 0 : i32
    %broadcast_in_dim3A_1763 = vector.broadcast %jit3A_1762 : i32 to vector<16xi32>
    %select_n3A_1764 = arith.select %eq3A_1761, %all_reduce_population_count3A_1758, %broadcast_in_dim3A_1763 : vector<16xi1>, vector<16xi32>
    %add3A_1765 = arith.addi %add3A_1754, %select_n3A_1764 : vector<16xi32>
    %eq3A_1766 = arith.constant 9 : i32
    %eq3A_1767 = vector.broadcast %eq3A_1766 : i32 to vector<16xi32>
    %eq3A_1768 = arith.cmpi eq, %get3A_1367, %eq3A_1767 : vector<16xi32>
    %all_reduce_population_count3A_1769 = tpu.all_reduce %eq3A_1768 {dim = 0 : i64, kind = #tpu.reduction_kind<sum>} : vector<16xi1> -> vector<16xi32>
    %eq3A_1770 = arith.constant 9 : i32
    %eq3A_1771 = vector.broadcast %eq3A_1770 : i32 to vector<16xi32>
    %eq3A_1772 = arith.cmpi eq, %iota3A, %eq3A_1771 : vector<16xi32>
    %jit3A_1773 = arith.constant 0 : i32
    %broadcast_in_dim3A_1774 = vector.broadcast %jit3A_1773 : i32 to vector<16xi32>
    %select_n3A_1775 = arith.select %eq3A_1772, %all_reduce_population_count3A_1769, %broadcast_in_dim3A_1774 : vector<16xi1>, vector<16xi32>
    %add3A_1776 = arith.addi %add3A_1765, %select_n3A_1775 : vector<16xi32>
    %eq3A_1777 = arith.constant 10 : i32
    %eq3A_1778 = vector.broadcast %eq3A_1777 : i32 to vector<16xi32>
    %eq3A_1779 = arith.cmpi eq, %get3A_1367, %eq3A_1778 : vector<16xi32>
    %all_reduce_population_count3A_1780 = tpu.all_reduce %eq3A_1779 {dim = 0 : i64, kind = #tpu.reduction_kind<sum>} : vector<16xi1> -> vector<16xi32>
    %eq3A_1781 = arith.constant 10 : i32
    %eq3A_1782 = vector.broadcast %eq3A_1781 : i32 to vector<16xi32>
    %eq3A_1783 = arith.cmpi eq, %iota3A, %eq3A_1782 : vector<16xi32>
    %jit3A_1784 = arith.constant 0 : i32
    %broadcast_in_dim3A_1785 = vector.broadcast %jit3A_1784 : i32 to vector<16xi32>
    %select_n3A_1786 = arith.select %eq3A_1783, %all_reduce_population_count3A_1780, %broadcast_in_dim3A_1785 : vector<16xi1>, vector<16xi32>
    %add3A_1787 = arith.addi %add3A_1776, %select_n3A_1786 : vector<16xi32>
    %eq3A_1788 = arith.constant 11 : i32
    %eq3A_1789 = vector.broadcast %eq3A_1788 : i32 to vector<16xi32>
    %eq3A_1790 = arith.cmpi eq, %get3A_1367, %eq3A_1789 : vector<16xi32>
    %all_reduce_population_count3A_1791 = tpu.all_reduce %eq3A_1790 {dim = 0 : i64, kind = #tpu.reduction_kind<sum>} : vector<16xi1> -> vector<16xi32>
    %eq3A_1792 = arith.constant 11 : i32
    %eq3A_1793 = vector.broadcast %eq3A_1792 : i32 to vector<16xi32>
    %eq3A_1794 = arith.cmpi eq, %iota3A, %eq3A_1793 : vector<16xi32>
    %jit3A_1795 = arith.constant 0 : i32
    %broadcast_in_dim3A_1796 = vector.broadcast %jit3A_1795 : i32 to vector<16xi32>
    %select_n3A_1797 = arith.select %eq3A_1794, %all_reduce_population_count3A_1791, %broadcast_in_dim3A_1796 : vector<16xi1>, vector<16xi32>
    %add3A_1798 = arith.addi %add3A_1787, %select_n3A_1797 : vector<16xi32>
    %eq3A_1799 = arith.constant 12 : i32
    %eq3A_1800 = vector.broadcast %eq3A_1799 : i32 to vector<16xi32>
    %eq3A_1801 = arith.cmpi eq, %get3A_1367, %eq3A_1800 : vector<16xi32>
    %all_reduce_population_count3A_1802 = tpu.all_reduce %eq3A_1801 {dim = 0 : i64, kind = #tpu.reduction_kind<sum>} : vector<16xi1> -> vector<16xi32>
    %eq3A_1803 = arith.constant 12 : i32
    %eq3A_1804 = vector.broadcast %eq3A_1803 : i32 to vector<16xi32>
    %eq3A_1805 = arith.cmpi eq, %iota3A, %eq3A_1804 : vector<16xi32>
    %jit3A_1806 = arith.constant 0 : i32
    %broadcast_in_dim3A_1807 = vector.broadcast %jit3A_1806 : i32 to vector<16xi32>
    %select_n3A_1808 = arith.select %eq3A_1805, %all_reduce_population_count3A_1802, %broadcast_in_dim3A_1807 : vector<16xi1>, vector<16xi32>
    %add3A_1809 = arith.addi %add3A_1798, %select_n3A_1808 : vector<16xi32>
    %eq3A_1810 = arith.constant 13 : i32
    %eq3A_1811 = vector.broadcast %eq3A_1810 : i32 to vector<16xi32>
    %eq3A_1812 = arith.cmpi eq, %get3A_1367, %eq3A_1811 : vector<16xi32>
    %all_reduce_population_count3A_1813 = tpu.all_reduce %eq3A_1812 {dim = 0 : i64, kind = #tpu.reduction_kind<sum>} : vector<16xi1> -> vector<16xi32>
    %eq3A_1814 = arith.constant 13 : i32
    %eq3A_1815 = vector.broadcast %eq3A_1814 : i32 to vector<16xi32>
    %eq3A_1816 = arith.cmpi eq, %iota3A, %eq3A_1815 : vector<16xi32>
    %jit3A_1817 = arith.constant 0 : i32
    %broadcast_in_dim3A_1818 = vector.broadcast %jit3A_1817 : i32 to vector<16xi32>
    %select_n3A_1819 = arith.select %eq3A_1816, %all_reduce_population_count3A_1813, %broadcast_in_dim3A_1818 : vector<16xi1>, vector<16xi32>
    %add3A_1820 = arith.addi %add3A_1809, %select_n3A_1819 : vector<16xi32>
    %eq3A_1821 = arith.constant 14 : i32
    %eq3A_1822 = vector.broadcast %eq3A_1821 : i32 to vector<16xi32>
    %eq3A_1823 = arith.cmpi eq, %get3A_1367, %eq3A_1822 : vector<16xi32>
    %all_reduce_population_count3A_1824 = tpu.all_reduce %eq3A_1823 {dim = 0 : i64, kind = #tpu.reduction_kind<sum>} : vector<16xi1> -> vector<16xi32>
    %eq3A_1825 = arith.constant 14 : i32
    %eq3A_1826 = vector.broadcast %eq3A_1825 : i32 to vector<16xi32>
    %eq3A_1827 = arith.cmpi eq, %iota3A, %eq3A_1826 : vector<16xi32>
    %jit3A_1828 = arith.constant 0 : i32
    %broadcast_in_dim3A_1829 = vector.broadcast %jit3A_1828 : i32 to vector<16xi32>
    %select_n3A_1830 = arith.select %eq3A_1827, %all_reduce_population_count3A_1824, %broadcast_in_dim3A_1829 : vector<16xi1>, vector<16xi32>
    %add3A_1831 = arith.addi %add3A_1820, %select_n3A_1830 : vector<16xi32>
    %eq3A_1832 = arith.constant 15 : i32
    %eq3A_1833 = vector.broadcast %eq3A_1832 : i32 to vector<16xi32>
    %eq3A_1834 = arith.cmpi eq, %get3A_1367, %eq3A_1833 : vector<16xi32>
    %all_reduce_population_count3A_1835 = tpu.all_reduce %eq3A_1834 {dim = 0 : i64, kind = #tpu.reduction_kind<sum>} : vector<16xi1> -> vector<16xi32>
    %eq3A_1836 = arith.constant 15 : i32
    %eq3A_1837 = vector.broadcast %eq3A_1836 : i32 to vector<16xi32>
    %eq3A_1838 = arith.cmpi eq, %iota3A, %eq3A_1837 : vector<16xi32>
    %jit3A_1839 = arith.constant 0 : i32
    %broadcast_in_dim3A_1840 = vector.broadcast %jit3A_1839 : i32 to vector<16xi32>
    %select_n3A_1841 = arith.select %eq3A_1838, %all_reduce_population_count3A_1835, %broadcast_in_dim3A_1840 : vector<16xi1>, vector<16xi32>
    %add3A_1842 = arith.addi %add3A_1831, %select_n3A_1841 : vector<16xi32>
    %get3A_1843 = arith.constant 48 : index
    %get3A_1844 = tpu.vector_load %arg8[%get3A_1843] {strides = array<i32>} : memref<64xi32, #tpu.memory_space<vmem>>, vector<16xi32>,
    %broadcast_in_dim3A_1845 = arith.constant 0 : i32
    %broadcast_in_dim3A_1846 = vector.broadcast %broadcast_in_dim3A_1845 : i32 to vector<16xi32>
    %sub3A_1847 = arith.constant 1 : i32
    %sub3A_1848 = vector.broadcast %sub3A_1847 : i32 to vector<16xi32>
    %sub3A_1849 = arith.subi %iota3A, %sub3A_1848 : vector<16xi32>
    %abs3A_1850 = math.absi %sub3A_1849 : vector<16xi32>
    %add3A_1851 = arith.constant 48 : i32
    %add3A_1852 = vector.broadcast %add3A_1851 : i32 to vector<16xi32>
    %add3A_1853 = arith.addi %abs3A_1850, %add3A_1852 : vector<16xi32>
    %gather3A_1854 = tpu.vector_load_idx %arg8[%add3A_1853] : memref<64xi32, #tpu.memory_space<vmem>>[vector<16xi32>], vector<16xi32>,
    %ge3A_1855 = arith.constant 1 : i32
    %ge3A_1856 = vector.broadcast %ge3A_1855 : i32 to vector<16xi32>
    %ge3A_1857 = arith.cmpi sge, %iota3A, %ge3A_1856 : vector<16xi32>
    %eq3A_1858 = arith.cmpi eq, %gather3A_1854, %get3A_1844 : vector<16xi32>
    %and3A_1859 = arith.andi %ge3A_1857, %eq3A_1858 : vector<16xi1>
    %jit3A_1860 = arith.constant 1 : i32
    %jit3A_1861 = arith.constant 0 : i32
    %broadcast_in_dim3A_1862 = vector.broadcast %jit3A_1860 : i32 to vector<16xi32>
    %broadcast_in_dim3A_1863 = vector.broadcast %jit3A_1861 : i32 to vector<16xi32>
    %select_n3A_1864 = arith.select %and3A_1859, %broadcast_in_dim3A_1862, %broadcast_in_dim3A_1863 : vector<16xi1>, vector<16xi32>
    %add3A_1865 = arith.addi %broadcast_in_dim3A_1846, %select_n3A_1864 : vector<16xi32>
    %sub3A_1866 = arith.constant 2 : i32
    %sub3A_1867 = vector.broadcast %sub3A_1866 : i32 to vector<16xi32>
    %sub3A_1868 = arith.subi %iota3A, %sub3A_1867 : vector<16xi32>
    %abs3A_1869 = math.absi %sub3A_1868 : vector<16xi32>
    %add3A_1870 = arith.constant 48 : i32
    %add3A_1871 = vector.broadcast %add3A_1870 : i32 to vector<16xi32>
    %add3A_1872 = arith.addi %abs3A_1869, %add3A_1871 : vector<16xi32>
    %gather3A_1873 = tpu.vector_load_idx %arg8[%add3A_1872] : memref<64xi32, #tpu.memory_space<vmem>>[vector<16xi32>], vector<16xi32>,
    %ge3A_1874 = arith.constant 2 : i32
    %ge3A_1875 = vector.broadcast %ge3A_1874 : i32 to vector<16xi32>
    %ge3A_1876 = arith.cmpi sge, %iota3A, %ge3A_1875 : vector<16xi32>
    %eq3A_1877 = arith.cmpi eq, %gather3A_1873, %get3A_1844 : vector<16xi32>
    %and3A_1878 = arith.andi %ge3A_1876, %eq3A_1877 : vector<16xi1>
    %jit3A_1879 = arith.constant 1 : i32
    %jit3A_1880 = arith.constant 0 : i32
    %broadcast_in_dim3A_1881 = vector.broadcast %jit3A_1879 : i32 to vector<16xi32>
    %broadcast_in_dim3A_1882 = vector.broadcast %jit3A_1880 : i32 to vector<16xi32>
    %select_n3A_1883 = arith.select %and3A_1878, %broadcast_in_dim3A_1881, %broadcast_in_dim3A_1882 : vector<16xi1>, vector<16xi32>
    %add3A_1884 = arith.addi %add3A_1865, %select_n3A_1883 : vector<16xi32>
    %sub3A_1885 = arith.constant 3 : i32
    %sub3A_1886 = vector.broadcast %sub3A_1885 : i32 to vector<16xi32>
    %sub3A_1887 = arith.subi %iota3A, %sub3A_1886 : vector<16xi32>
    %abs3A_1888 = math.absi %sub3A_1887 : vector<16xi32>
    %add3A_1889 = arith.constant 48 : i32
    %add3A_1890 = vector.broadcast %add3A_1889 : i32 to vector<16xi32>
    %add3A_1891 = arith.addi %abs3A_1888, %add3A_1890 : vector<16xi32>
    %gather3A_1892 = tpu.vector_load_idx %arg8[%add3A_1891] : memref<64xi32, #tpu.memory_space<vmem>>[vector<16xi32>], vector<16xi32>,
    %ge3A_1893 = arith.constant 3 : i32
    %ge3A_1894 = vector.broadcast %ge3A_1893 : i32 to vector<16xi32>
    %ge3A_1895 = arith.cmpi sge, %iota3A, %ge3A_1894 : vector<16xi32>
    %eq3A_1896 = arith.cmpi eq, %gather3A_1892, %get3A_1844 : vector<16xi32>
    %and3A_1897 = arith.andi %ge3A_1895, %eq3A_1896 : vector<16xi1>
    %jit3A_1898 = arith.constant 1 : i32
    %jit3A_1899 = arith.constant 0 : i32
    %broadcast_in_dim3A_1900 = vector.broadcast %jit3A_1898 : i32 to vector<16xi32>
    %broadcast_in_dim3A_1901 = vector.broadcast %jit3A_1899 : i32 to vector<16xi32>
    %select_n3A_1902 = arith.select %and3A_1897, %broadcast_in_dim3A_1900, %broadcast_in_dim3A_1901 : vector<16xi1>, vector<16xi32>
    %add3A_1903 = arith.addi %add3A_1884, %select_n3A_1902 : vector<16xi32>
    %sub3A_1904 = arith.constant 4 : i32
    %sub3A_1905 = vector.broadcast %sub3A_1904 : i32 to vector<16xi32>
    %sub3A_1906 = arith.subi %iota3A, %sub3A_1905 : vector<16xi32>
    %abs3A_1907 = math.absi %sub3A_1906 : vector<16xi32>
    %add3A_1908 = arith.constant 48 : i32
    %add3A_1909 = vector.broadcast %add3A_1908 : i32 to vector<16xi32>
    %add3A_1910 = arith.addi %abs3A_1907, %add3A_1909 : vector<16xi32>
    %gather3A_1911 = tpu.vector_load_idx %arg8[%add3A_1910] : memref<64xi32, #tpu.memory_space<vmem>>[vector<16xi32>], vector<16xi32>,
    %ge3A_1912 = arith.constant 4 : i32
    %ge3A_1913 = vector.broadcast %ge3A_1912 : i32 to vector<16xi32>
    %ge3A_1914 = arith.cmpi sge, %iota3A, %ge3A_1913 : vector<16xi32>
    %eq3A_1915 = arith.cmpi eq, %gather3A_1911, %get3A_1844 : vector<16xi32>
    %and3A_1916 = arith.andi %ge3A_1914, %eq3A_1915 : vector<16xi1>
    %jit3A_1917 = arith.constant 1 : i32
    %jit3A_1918 = arith.constant 0 : i32
    %broadcast_in_dim3A_1919 = vector.broadcast %jit3A_1917 : i32 to vector<16xi32>
    %broadcast_in_dim3A_1920 = vector.broadcast %jit3A_1918 : i32 to vector<16xi32>
    %select_n3A_1921 = arith.select %and3A_1916, %broadcast_in_dim3A_1919, %broadcast_in_dim3A_1920 : vector<16xi1>, vector<16xi32>
    %add3A_1922 = arith.addi %add3A_1903, %select_n3A_1921 : vector<16xi32>
    %sub3A_1923 = arith.constant 5 : i32
    %sub3A_1924 = vector.broadcast %sub3A_1923 : i32 to vector<16xi32>
    %sub3A_1925 = arith.subi %iota3A, %sub3A_1924 : vector<16xi32>
    %abs3A_1926 = math.absi %sub3A_1925 : vector<16xi32>
    %add3A_1927 = arith.constant 48 : i32
    %add3A_1928 = vector.broadcast %add3A_1927 : i32 to vector<16xi32>
    %add3A_1929 = arith.addi %abs3A_1926, %add3A_1928 : vector<16xi32>
    %gather3A_1930 = tpu.vector_load_idx %arg8[%add3A_1929] : memref<64xi32, #tpu.memory_space<vmem>>[vector<16xi32>], vector<16xi32>,
    %ge3A_1931 = arith.constant 5 : i32
    %ge3A_1932 = vector.broadcast %ge3A_1931 : i32 to vector<16xi32>
    %ge3A_1933 = arith.cmpi sge, %iota3A, %ge3A_1932 : vector<16xi32>
    %eq3A_1934 = arith.cmpi eq, %gather3A_1930, %get3A_1844 : vector<16xi32>
    %and3A_1935 = arith.andi %ge3A_1933, %eq3A_1934 : vector<16xi1>
    %jit3A_1936 = arith.constant 1 : i32
    %jit3A_1937 = arith.constant 0 : i32
    %broadcast_in_dim3A_1938 = vector.broadcast %jit3A_1936 : i32 to vector<16xi32>
    %broadcast_in_dim3A_1939 = vector.broadcast %jit3A_1937 : i32 to vector<16xi32>
    %select_n3A_1940 = arith.select %and3A_1935, %broadcast_in_dim3A_1938, %broadcast_in_dim3A_1939 : vector<16xi1>, vector<16xi32>
    %add3A_1941 = arith.addi %add3A_1922, %select_n3A_1940 : vector<16xi32>
    %sub3A_1942 = arith.constant 6 : i32
    %sub3A_1943 = vector.broadcast %sub3A_1942 : i32 to vector<16xi32>
    %sub3A_1944 = arith.subi %iota3A, %sub3A_1943 : vector<16xi32>
    %abs3A_1945 = math.absi %sub3A_1944 : vector<16xi32>
    %add3A_1946 = arith.constant 48 : i32
    %add3A_1947 = vector.broadcast %add3A_1946 : i32 to vector<16xi32>
    %add3A_1948 = arith.addi %abs3A_1945, %add3A_1947 : vector<16xi32>
    %gather3A_1949 = tpu.vector_load_idx %arg8[%add3A_1948] : memref<64xi32, #tpu.memory_space<vmem>>[vector<16xi32>], vector<16xi32>,
    %ge3A_1950 = arith.constant 6 : i32
    %ge3A_1951 = vector.broadcast %ge3A_1950 : i32 to vector<16xi32>
    %ge3A_1952 = arith.cmpi sge, %iota3A, %ge3A_1951 : vector<16xi32>
    %eq3A_1953 = arith.cmpi eq, %gather3A_1949, %get3A_1844 : vector<16xi32>
    %and3A_1954 = arith.andi %ge3A_1952, %eq3A_1953 : vector<16xi1>
    %jit3A_1955 = arith.constant 1 : i32
    %jit3A_1956 = arith.constant 0 : i32
    %broadcast_in_dim3A_1957 = vector.broadcast %jit3A_1955 : i32 to vector<16xi32>
    %broadcast_in_dim3A_1958 = vector.broadcast %jit3A_1956 : i32 to vector<16xi32>
    %select_n3A_1959 = arith.select %and3A_1954, %broadcast_in_dim3A_1957, %broadcast_in_dim3A_1958 : vector<16xi1>, vector<16xi32>
    %add3A_1960 = arith.addi %add3A_1941, %select_n3A_1959 : vector<16xi32>
    %sub3A_1961 = arith.constant 7 : i32
    %sub3A_1962 = vector.broadcast %sub3A_1961 : i32 to vector<16xi32>
    %sub3A_1963 = arith.subi %iota3A, %sub3A_1962 : vector<16xi32>
    %abs3A_1964 = math.absi %sub3A_1963 : vector<16xi32>
    %add3A_1965 = arith.constant 48 : i32
    %add3A_1966 = vector.broadcast %add3A_1965 : i32 to vector<16xi32>
    %add3A_1967 = arith.addi %abs3A_1964, %add3A_1966 : vector<16xi32>
    %gather3A_1968 = tpu.vector_load_idx %arg8[%add3A_1967] : memref<64xi32, #tpu.memory_space<vmem>>[vector<16xi32>], vector<16xi32>,
    %ge3A_1969 = arith.constant 7 : i32
    %ge3A_1970 = vector.broadcast %ge3A_1969 : i32 to vector<16xi32>
    %ge3A_1971 = arith.cmpi sge, %iota3A, %ge3A_1970 : vector<16xi32>
    %eq3A_1972 = arith.cmpi eq, %gather3A_1968, %get3A_1844 : vector<16xi32>
    %and3A_1973 = arith.andi %ge3A_1971, %eq3A_1972 : vector<16xi1>
    %jit3A_1974 = arith.constant 1 : i32
    %jit3A_1975 = arith.constant 0 : i32
    %broadcast_in_dim3A_1976 = vector.broadcast %jit3A_1974 : i32 to vector<16xi32>
    %broadcast_in_dim3A_1977 = vector.broadcast %jit3A_1975 : i32 to vector<16xi32>
    %select_n3A_1978 = arith.select %and3A_1973, %broadcast_in_dim3A_1976, %broadcast_in_dim3A_1977 : vector<16xi1>, vector<16xi32>
    %add3A_1979 = arith.addi %add3A_1960, %select_n3A_1978 : vector<16xi32>
    %sub3A_1980 = arith.constant 8 : i32
    %sub3A_1981 = vector.broadcast %sub3A_1980 : i32 to vector<16xi32>
    %sub3A_1982 = arith.subi %iota3A, %sub3A_1981 : vector<16xi32>
    %abs3A_1983 = math.absi %sub3A_1982 : vector<16xi32>
    %add3A_1984 = arith.constant 48 : i32
    %add3A_1985 = vector.broadcast %add3A_1984 : i32 to vector<16xi32>
    %add3A_1986 = arith.addi %abs3A_1983, %add3A_1985 : vector<16xi32>
    %gather3A_1987 = tpu.vector_load_idx %arg8[%add3A_1986] : memref<64xi32, #tpu.memory_space<vmem>>[vector<16xi32>], vector<16xi32>,
    %ge3A_1988 = arith.constant 8 : i32
    %ge3A_1989 = vector.broadcast %ge3A_1988 : i32 to vector<16xi32>
    %ge3A_1990 = arith.cmpi sge, %iota3A, %ge3A_1989 : vector<16xi32>
    %eq3A_1991 = arith.cmpi eq, %gather3A_1987, %get3A_1844 : vector<16xi32>
    %and3A_1992 = arith.andi %ge3A_1990, %eq3A_1991 : vector<16xi1>
    %jit3A_1993 = arith.constant 1 : i32
    %jit3A_1994 = arith.constant 0 : i32
    %broadcast_in_dim3A_1995 = vector.broadcast %jit3A_1993 : i32 to vector<16xi32>
    %broadcast_in_dim3A_1996 = vector.broadcast %jit3A_1994 : i32 to vector<16xi32>
    %select_n3A_1997 = arith.select %and3A_1992, %broadcast_in_dim3A_1995, %broadcast_in_dim3A_1996 : vector<16xi1>, vector<16xi32>
    %add3A_1998 = arith.addi %add3A_1979, %select_n3A_1997 : vector<16xi32>
    %sub3A_1999 = arith.constant 9 : i32
    %sub3A_2000 = vector.broadcast %sub3A_1999 : i32 to vector<16xi32>
    %sub3A_2001 = arith.subi %iota3A, %sub3A_2000 : vector<16xi32>
    %abs3A_2002 = math.absi %sub3A_2001 : vector<16xi32>
    %add3A_2003 = arith.constant 48 : i32
    %add3A_2004 = vector.broadcast %add3A_2003 : i32 to vector<16xi32>
    %add3A_2005 = arith.addi %abs3A_2002, %add3A_2004 : vector<16xi32>
    %gather3A_2006 = tpu.vector_load_idx %arg8[%add3A_2005] : memref<64xi32, #tpu.memory_space<vmem>>[vector<16xi32>], vector<16xi32>,
    %ge3A_2007 = arith.constant 9 : i32
    %ge3A_2008 = vector.broadcast %ge3A_2007 : i32 to vector<16xi32>
    %ge3A_2009 = arith.cmpi sge, %iota3A, %ge3A_2008 : vector<16xi32>
    %eq3A_2010 = arith.cmpi eq, %gather3A_2006, %get3A_1844 : vector<16xi32>
    %and3A_2011 = arith.andi %ge3A_2009, %eq3A_2010 : vector<16xi1>
    %jit3A_2012 = arith.constant 1 : i32
    %jit3A_2013 = arith.constant 0 : i32
    %broadcast_in_dim3A_2014 = vector.broadcast %jit3A_2012 : i32 to vector<16xi32>
    %broadcast_in_dim3A_2015 = vector.broadcast %jit3A_2013 : i32 to vector<16xi32>
    %select_n3A_2016 = arith.select %and3A_2011, %broadcast_in_dim3A_2014, %broadcast_in_dim3A_2015 : vector<16xi1>, vector<16xi32>
    %add3A_2017 = arith.addi %add3A_1998, %select_n3A_2016 : vector<16xi32>
    %sub3A_2018 = arith.constant 10 : i32
    %sub3A_2019 = vector.broadcast %sub3A_2018 : i32 to vector<16xi32>
    %sub3A_2020 = arith.subi %iota3A, %sub3A_2019 : vector<16xi32>
    %abs3A_2021 = math.absi %sub3A_2020 : vector<16xi32>
    %add3A_2022 = arith.constant 48 : i32
    %add3A_2023 = vector.broadcast %add3A_2022 : i32 to vector<16xi32>
    %add3A_2024 = arith.addi %abs3A_2021, %add3A_2023 : vector<16xi32>
    %gather3A_2025 = tpu.vector_load_idx %arg8[%add3A_2024] : memref<64xi32, #tpu.memory_space<vmem>>[vector<16xi32>], vector<16xi32>,
    %ge3A_2026 = arith.constant 10 : i32
    %ge3A_2027 = vector.broadcast %ge3A_2026 : i32 to vector<16xi32>
    %ge3A_2028 = arith.cmpi sge, %iota3A, %ge3A_2027 : vector<16xi32>
    %eq3A_2029 = arith.cmpi eq, %gather3A_2025, %get3A_1844 : vector<16xi32>
    %and3A_2030 = arith.andi %ge3A_2028, %eq3A_2029 : vector<16xi1>
    %jit3A_2031 = arith.constant 1 : i32
    %jit3A_2032 = arith.constant 0 : i32
    %broadcast_in_dim3A_2033 = vector.broadcast %jit3A_2031 : i32 to vector<16xi32>
    %broadcast_in_dim3A_2034 = vector.broadcast %jit3A_2032 : i32 to vector<16xi32>
    %select_n3A_2035 = arith.select %and3A_2030, %broadcast_in_dim3A_2033, %broadcast_in_dim3A_2034 : vector<16xi1>, vector<16xi32>
    %add3A_2036 = arith.addi %add3A_2017, %select_n3A_2035 : vector<16xi32>
    %sub3A_2037 = arith.constant 11 : i32
    %sub3A_2038 = vector.broadcast %sub3A_2037 : i32 to vector<16xi32>
    %sub3A_2039 = arith.subi %iota3A, %sub3A_2038 : vector<16xi32>
    %abs3A_2040 = math.absi %sub3A_2039 : vector<16xi32>
    %add3A_2041 = arith.constant 48 : i32
    %add3A_2042 = vector.broadcast %add3A_2041 : i32 to vector<16xi32>
    %add3A_2043 = arith.addi %abs3A_2040, %add3A_2042 : vector<16xi32>
    %gather3A_2044 = tpu.vector_load_idx %arg8[%add3A_2043] : memref<64xi32, #tpu.memory_space<vmem>>[vector<16xi32>], vector<16xi32>,
    %ge3A_2045 = arith.constant 11 : i32
    %ge3A_2046 = vector.broadcast %ge3A_2045 : i32 to vector<16xi32>
    %ge3A_2047 = arith.cmpi sge, %iota3A, %ge3A_2046 : vector<16xi32>
    %eq3A_2048 = arith.cmpi eq, %gather3A_2044, %get3A_1844 : vector<16xi32>
    %and3A_2049 = arith.andi %ge3A_2047, %eq3A_2048 : vector<16xi1>
    %jit3A_2050 = arith.constant 1 : i32
    %jit3A_2051 = arith.constant 0 : i32
    %broadcast_in_dim3A_2052 = vector.broadcast %jit3A_2050 : i32 to vector<16xi32>
    %broadcast_in_dim3A_2053 = vector.broadcast %jit3A_2051 : i32 to vector<16xi32>
    %select_n3A_2054 = arith.select %and3A_2049, %broadcast_in_dim3A_2052, %broadcast_in_dim3A_2053 : vector<16xi1>, vector<16xi32>
    %add3A_2055 = arith.addi %add3A_2036, %select_n3A_2054 : vector<16xi32>
    %sub3A_2056 = arith.constant 12 : i32
    %sub3A_2057 = vector.broadcast %sub3A_2056 : i32 to vector<16xi32>
    %sub3A_2058 = arith.subi %iota3A, %sub3A_2057 : vector<16xi32>
    %abs3A_2059 = math.absi %sub3A_2058 : vector<16xi32>
    %add3A_2060 = arith.constant 48 : i32
    %add3A_2061 = vector.broadcast %add3A_2060 : i32 to vector<16xi32>
    %add3A_2062 = arith.addi %abs3A_2059, %add3A_2061 : vector<16xi32>
    %gather3A_2063 = tpu.vector_load_idx %arg8[%add3A_2062] : memref<64xi32, #tpu.memory_space<vmem>>[vector<16xi32>], vector<16xi32>,
    %ge3A_2064 = arith.constant 12 : i32
    %ge3A_2065 = vector.broadcast %ge3A_2064 : i32 to vector<16xi32>
    %ge3A_2066 = arith.cmpi sge, %iota3A, %ge3A_2065 : vector<16xi32>
    %eq3A_2067 = arith.cmpi eq, %gather3A_2063, %get3A_1844 : vector<16xi32>
    %and3A_2068 = arith.andi %ge3A_2066, %eq3A_2067 : vector<16xi1>
    %jit3A_2069 = arith.constant 1 : i32
    %jit3A_2070 = arith.constant 0 : i32
    %broadcast_in_dim3A_2071 = vector.broadcast %jit3A_2069 : i32 to vector<16xi32>
    %broadcast_in_dim3A_2072 = vector.broadcast %jit3A_2070 : i32 to vector<16xi32>
    %select_n3A_2073 = arith.select %and3A_2068, %broadcast_in_dim3A_2071, %broadcast_in_dim3A_2072 : vector<16xi1>, vector<16xi32>
    %add3A_2074 = arith.addi %add3A_2055, %select_n3A_2073 : vector<16xi32>
    %sub3A_2075 = arith.constant 13 : i32
    %sub3A_2076 = vector.broadcast %sub3A_2075 : i32 to vector<16xi32>
    %sub3A_2077 = arith.subi %iota3A, %sub3A_2076 : vector<16xi32>
    %abs3A_2078 = math.absi %sub3A_2077 : vector<16xi32>
    %add3A_2079 = arith.constant 48 : i32
    %add3A_2080 = vector.broadcast %add3A_2079 : i32 to vector<16xi32>
    %add3A_2081 = arith.addi %abs3A_2078, %add3A_2080 : vector<16xi32>
    %gather3A_2082 = tpu.vector_load_idx %arg8[%add3A_2081] : memref<64xi32, #tpu.memory_space<vmem>>[vector<16xi32>], vector<16xi32>,
    %ge3A_2083 = arith.constant 13 : i32
    %ge3A_2084 = vector.broadcast %ge3A_2083 : i32 to vector<16xi32>
    %ge3A_2085 = arith.cmpi sge, %iota3A, %ge3A_2084 : vector<16xi32>
    %eq3A_2086 = arith.cmpi eq, %gather3A_2082, %get3A_1844 : vector<16xi32>
    %and3A_2087 = arith.andi %ge3A_2085, %eq3A_2086 : vector<16xi1>
    %jit3A_2088 = arith.constant 1 : i32
    %jit3A_2089 = arith.constant 0 : i32
    %broadcast_in_dim3A_2090 = vector.broadcast %jit3A_2088 : i32 to vector<16xi32>
    %broadcast_in_dim3A_2091 = vector.broadcast %jit3A_2089 : i32 to vector<16xi32>
    %select_n3A_2092 = arith.select %and3A_2087, %broadcast_in_dim3A_2090, %broadcast_in_dim3A_2091 : vector<16xi1>, vector<16xi32>
    %add3A_2093 = arith.addi %add3A_2074, %select_n3A_2092 : vector<16xi32>
    %sub3A_2094 = arith.constant 14 : i32
    %sub3A_2095 = vector.broadcast %sub3A_2094 : i32 to vector<16xi32>
    %sub3A_2096 = arith.subi %iota3A, %sub3A_2095 : vector<16xi32>
    %abs3A_2097 = math.absi %sub3A_2096 : vector<16xi32>
    %add3A_2098 = arith.constant 48 : i32
    %add3A_2099 = vector.broadcast %add3A_2098 : i32 to vector<16xi32>
    %add3A_2100 = arith.addi %abs3A_2097, %add3A_2099 : vector<16xi32>
    %gather3A_2101 = tpu.vector_load_idx %arg8[%add3A_2100] : memref<64xi32, #tpu.memory_space<vmem>>[vector<16xi32>], vector<16xi32>,
    %ge3A_2102 = arith.constant 14 : i32
    %ge3A_2103 = vector.broadcast %ge3A_2102 : i32 to vector<16xi32>
    %ge3A_2104 = arith.cmpi sge, %iota3A, %ge3A_2103 : vector<16xi32>
    %eq3A_2105 = arith.cmpi eq, %gather3A_2101, %get3A_1844 : vector<16xi32>
    %and3A_2106 = arith.andi %ge3A_2104, %eq3A_2105 : vector<16xi1>
    %jit3A_2107 = arith.constant 1 : i32
    %jit3A_2108 = arith.constant 0 : i32
    %broadcast_in_dim3A_2109 = vector.broadcast %jit3A_2107 : i32 to vector<16xi32>
    %broadcast_in_dim3A_2110 = vector.broadcast %jit3A_2108 : i32 to vector<16xi32>
    %select_n3A_2111 = arith.select %and3A_2106, %broadcast_in_dim3A_2109, %broadcast_in_dim3A_2110 : vector<16xi1>, vector<16xi32>
    %add3A_2112 = arith.addi %add3A_2093, %select_n3A_2111 : vector<16xi32>
    %sub3A_2113 = arith.constant 15 : i32
    %sub3A_2114 = vector.broadcast %sub3A_2113 : i32 to vector<16xi32>
    %sub3A_2115 = arith.subi %iota3A, %sub3A_2114 : vector<16xi32>
    %abs3A_2116 = math.absi %sub3A_2115 : vector<16xi32>
    %add3A_2117 = arith.constant 48 : i32
    %add3A_2118 = vector.broadcast %add3A_2117 : i32 to vector<16xi32>
    %add3A_2119 = arith.addi %abs3A_2116, %add3A_2118 : vector<16xi32>
    %gather3A_2120 = tpu.vector_load_idx %arg8[%add3A_2119] : memref<64xi32, #tpu.memory_space<vmem>>[vector<16xi32>], vector<16xi32>,
    %ge3A_2121 = arith.constant 15 : i32
    %ge3A_2122 = vector.broadcast %ge3A_2121 : i32 to vector<16xi32>
    %ge3A_2123 = arith.cmpi sge, %iota3A, %ge3A_2122 : vector<16xi32>
    %eq3A_2124 = arith.cmpi eq, %gather3A_2120, %get3A_1844 : vector<16xi32>
    %and3A_2125 = arith.andi %ge3A_2123, %eq3A_2124 : vector<16xi1>
    %jit3A_2126 = arith.constant 1 : i32
    %jit3A_2127 = arith.constant 0 : i32
    %broadcast_in_dim3A_2128 = vector.broadcast %jit3A_2126 : i32 to vector<16xi32>
    %broadcast_in_dim3A_2129 = vector.broadcast %jit3A_2127 : i32 to vector<16xi32>
    %select_n3A_2130 = arith.select %and3A_2125, %broadcast_in_dim3A_2128, %broadcast_in_dim3A_2129 : vector<16xi1>, vector<16xi32>
    %add3A_2131 = arith.addi %add3A_2112, %select_n3A_2130 : vector<16xi32>
    %swap3A_2132 = arith.constant 0 : index
    %swap3A_2133 = tpu.vector_load %arg10[%swap3A_2132] {strides = array<i32>} : memref<16xi32, #tpu.memory_space<vmem>>, vector<16xi32>,
    tpu.vector_store %arg10[%swap3A_2132], %add3A_1842 {strides = array<i32>} : memref<16xi32, #tpu.memory_space<vmem>>, vector<16xi32>,
    %gather3A_2134 = tpu.vector_load_idx %arg10[%get3A_1844] : memref<16xi32, #tpu.memory_space<vmem>>[vector<16xi32>], vector<16xi32>,
    %add3A_2135 = arith.addi %gather3A_2134, %add3A_2131 : vector<16xi32>
    %swap3A_2136 = arith.constant 48 : index
    %swap3A_2137 = tpu.vector_load %arg11[%swap3A_2136] {strides = array<i32>} : memref<64xi32, #tpu.memory_space<vmem>>, vector<16xi32>,
    tpu.vector_store %arg11[%swap3A_2136], %add3A_2135 {strides = array<i32>} : memref<64xi32, #tpu.memory_space<vmem>>, vector<16xi32>,
    %dma_start3A_2138 = arith.constant 48 : i32
    %dma_start3A_2139 = arith.constant 0 : i32
    %dma_start3A_2140 = tpu.memref_slice %arg13[%dma_start3A_2138, %dma_start3A_2139] : memref<64x128xf32, #tpu.memory_space<vmem>> -> memref<16x128xf32, #tpu.memory_space<vmem>>
    %dma_start3A_2141 = arith.constant 0 : i32
    %dma_start3A_2142 = arith.constant 0 : i32
    %dma_start3A_2143 = tpu.memref_slice %arg7[%dma_start3A_2141, %dma_start3A_2142] : memref<2048x128xf32, #tpu.memory_space<hbm>> -> memref<2048x128xf32, #tpu.memory_space<hbm>>
    tpu.enqueue_indirect_dma source(%dma_start3A_2140 : memref<16x128xf32, #tpu.memory_space<vmem>>) target(%dma_start3A_2143 : memref<2048x128xf32, #tpu.memory_space<hbm>>) offsets(%add3A_2135 : vector<16xi32>) semaphore(%arg14 : memref<!tpu.dma_semaphore, #tpu.memory_space<semaphore_mem>>)
    %eq3A_2144 = arith.constant 0 : i32
    %eq3A_2145 = vector.broadcast %eq3A_2144 : i32 to vector<16xi32>
    %eq3A_2146 = arith.cmpi eq, %get3A_1844, %eq3A_2145 : vector<16xi32>
    %all_reduce_population_count3A_2147 = tpu.all_reduce %eq3A_2146 {dim = 0 : i64, kind = #tpu.reduction_kind<sum>} : vector<16xi1> -> vector<16xi32>
    %eq3A_2148 = arith.constant 0 : i32
    %eq3A_2149 = vector.broadcast %eq3A_2148 : i32 to vector<16xi32>
    %eq3A_2150 = arith.cmpi eq, %iota3A, %eq3A_2149 : vector<16xi32>
    %jit3A_2151 = arith.constant 0 : i32
    %broadcast_in_dim3A_2152 = vector.broadcast %jit3A_2151 : i32 to vector<16xi32>
    %select_n3A_2153 = arith.select %eq3A_2150, %all_reduce_population_count3A_2147, %broadcast_in_dim3A_2152 : vector<16xi1>, vector<16xi32>
    %add3A_2154 = arith.addi %add3A_1842, %select_n3A_2153 : vector<16xi32>
    %eq3A_2155 = arith.constant 1 : i32
    %eq3A_2156 = vector.broadcast %eq3A_2155 : i32 to vector<16xi32>
    %eq3A_2157 = arith.cmpi eq, %get3A_1844, %eq3A_2156 : vector<16xi32>
    %all_reduce_population_count3A_2158 = tpu.all_reduce %eq3A_2157 {dim = 0 : i64, kind = #tpu.reduction_kind<sum>} : vector<16xi1> -> vector<16xi32>
    %eq3A_2159 = arith.constant 1 : i32
    %eq3A_2160 = vector.broadcast %eq3A_2159 : i32 to vector<16xi32>
    %eq3A_2161 = arith.cmpi eq, %iota3A, %eq3A_2160 : vector<16xi32>
    %jit3A_2162 = arith.constant 0 : i32
    %broadcast_in_dim3A_2163 = vector.broadcast %jit3A_2162 : i32 to vector<16xi32>
    %select_n3A_2164 = arith.select %eq3A_2161, %all_reduce_population_count3A_2158, %broadcast_in_dim3A_2163 : vector<16xi1>, vector<16xi32>
    %add3A_2165 = arith.addi %add3A_2154, %select_n3A_2164 : vector<16xi32>
    %eq3A_2166 = arith.constant 2 : i32
    %eq3A_2167 = vector.broadcast %eq3A_2166 : i32 to vector<16xi32>
    %eq3A_2168 = arith.cmpi eq, %get3A_1844, %eq3A_2167 : vector<16xi32>
    %all_reduce_population_count3A_2169 = tpu.all_reduce %eq3A_2168 {dim = 0 : i64, kind = #tpu.reduction_kind<sum>} : vector<16xi1> -> vector<16xi32>
    %eq3A_2170 = arith.constant 2 : i32
    %eq3A_2171 = vector.broadcast %eq3A_2170 : i32 to vector<16xi32>
    %eq3A_2172 = arith.cmpi eq, %iota3A, %eq3A_2171 : vector<16xi32>
    %jit3A_2173 = arith.constant 0 : i32
    %broadcast_in_dim3A_2174 = vector.broadcast %jit3A_2173 : i32 to vector<16xi32>
    %select_n3A_2175 = arith.select %eq3A_2172, %all_reduce_population_count3A_2169, %broadcast_in_dim3A_2174 : vector<16xi1>, vector<16xi32>
    %add3A_2176 = arith.addi %add3A_2165, %select_n3A_2175 : vector<16xi32>
    %eq3A_2177 = arith.constant 3 : i32
    %eq3A_2178 = vector.broadcast %eq3A_2177 : i32 to vector<16xi32>
    %eq3A_2179 = arith.cmpi eq, %get3A_1844, %eq3A_2178 : vector<16xi32>
    %all_reduce_population_count3A_2180 = tpu.all_reduce %eq3A_2179 {dim = 0 : i64, kind = #tpu.reduction_kind<sum>} : vector<16xi1> -> vector<16xi32>
    %eq3A_2181 = arith.constant 3 : i32
    %eq3A_2182 = vector.broadcast %eq3A_2181 : i32 to vector<16xi32>
    %eq3A_2183 = arith.cmpi eq, %iota3A, %eq3A_2182 : vector<16xi32>
    %jit3A_2184 = arith.constant 0 : i32
    %broadcast_in_dim3A_2185 = vector.broadcast %jit3A_2184 : i32 to vector<16xi32>
    %select_n3A_2186 = arith.select %eq3A_2183, %all_reduce_population_count3A_2180, %broadcast_in_dim3A_2185 : vector<16xi1>, vector<16xi32>
    %add3A_2187 = arith.addi %add3A_2176, %select_n3A_2186 : vector<16xi32>
    %eq3A_2188 = arith.constant 4 : i32
    %eq3A_2189 = vector.broadcast %eq3A_2188 : i32 to vector<16xi32>
    %eq3A_2190 = arith.cmpi eq, %get3A_1844, %eq3A_2189 : vector<16xi32>
    %all_reduce_population_count3A_2191 = tpu.all_reduce %eq3A_2190 {dim = 0 : i64, kind = #tpu.reduction_kind<sum>} : vector<16xi1> -> vector<16xi32>
    %eq3A_2192 = arith.constant 4 : i32
    %eq3A_2193 = vector.broadcast %eq3A_2192 : i32 to vector<16xi32>
    %eq3A_2194 = arith.cmpi eq, %iota3A, %eq3A_2193 : vector<16xi32>
    %jit3A_2195 = arith.constant 0 : i32
    %broadcast_in_dim3A_2196 = vector.broadcast %jit3A_2195 : i32 to vector<16xi32>
    %select_n3A_2197 = arith.select %eq3A_2194, %all_reduce_population_count3A_2191, %broadcast_in_dim3A_2196 : vector<16xi1>, vector<16xi32>
    %add3A_2198 = arith.addi %add3A_2187, %select_n3A_2197 : vector<16xi32>
    %eq3A_2199 = arith.constant 5 : i32
    %eq3A_2200 = vector.broadcast %eq3A_2199 : i32 to vector<16xi32>
    %eq3A_2201 = arith.cmpi eq, %get3A_1844, %eq3A_2200 : vector<16xi32>
    %all_reduce_population_count3A_2202 = tpu.all_reduce %eq3A_2201 {dim = 0 : i64, kind = #tpu.reduction_kind<sum>} : vector<16xi1> -> vector<16xi32>
    %eq3A_2203 = arith.constant 5 : i32
    %eq3A_2204 = vector.broadcast %eq3A_2203 : i32 to vector<16xi32>
    %eq3A_2205 = arith.cmpi eq, %iota3A, %eq3A_2204 : vector<16xi32>
    %jit3A_2206 = arith.constant 0 : i32
    %broadcast_in_dim3A_2207 = vector.broadcast %jit3A_2206 : i32 to vector<16xi32>
    %select_n3A_2208 = arith.select %eq3A_2205, %all_reduce_population_count3A_2202, %broadcast_in_dim3A_2207 : vector<16xi1>, vector<16xi32>
    %add3A_2209 = arith.addi %add3A_2198, %select_n3A_2208 : vector<16xi32>
    %eq3A_2210 = arith.constant 6 : i32
    %eq3A_2211 = vector.broadcast %eq3A_2210 : i32 to vector<16xi32>
    %eq3A_2212 = arith.cmpi eq, %get3A_1844, %eq3A_2211 : vector<16xi32>
    %all_reduce_population_count3A_2213 = tpu.all_reduce %eq3A_2212 {dim = 0 : i64, kind = #tpu.reduction_kind<sum>} : vector<16xi1> -> vector<16xi32>
    %eq3A_2214 = arith.constant 6 : i32
    %eq3A_2215 = vector.broadcast %eq3A_2214 : i32 to vector<16xi32>
    %eq3A_2216 = arith.cmpi eq, %iota3A, %eq3A_2215 : vector<16xi32>
    %jit3A_2217 = arith.constant 0 : i32
    %broadcast_in_dim3A_2218 = vector.broadcast %jit3A_2217 : i32 to vector<16xi32>
    %select_n3A_2219 = arith.select %eq3A_2216, %all_reduce_population_count3A_2213, %broadcast_in_dim3A_2218 : vector<16xi1>, vector<16xi32>
    %add3A_2220 = arith.addi %add3A_2209, %select_n3A_2219 : vector<16xi32>
    %eq3A_2221 = arith.constant 7 : i32
    %eq3A_2222 = vector.broadcast %eq3A_2221 : i32 to vector<16xi32>
    %eq3A_2223 = arith.cmpi eq, %get3A_1844, %eq3A_2222 : vector<16xi32>
    %all_reduce_population_count3A_2224 = tpu.all_reduce %eq3A_2223 {dim = 0 : i64, kind = #tpu.reduction_kind<sum>} : vector<16xi1> -> vector<16xi32>
    %eq3A_2225 = arith.constant 7 : i32
    %eq3A_2226 = vector.broadcast %eq3A_2225 : i32 to vector<16xi32>
    %eq3A_2227 = arith.cmpi eq, %iota3A, %eq3A_2226 : vector<16xi32>
    %jit3A_2228 = arith.constant 0 : i32
    %broadcast_in_dim3A_2229 = vector.broadcast %jit3A_2228 : i32 to vector<16xi32>
    %select_n3A_2230 = arith.select %eq3A_2227, %all_reduce_population_count3A_2224, %broadcast_in_dim3A_2229 : vector<16xi1>, vector<16xi32>
    %add3A_2231 = arith.addi %add3A_2220, %select_n3A_2230 : vector<16xi32>
    %eq3A_2232 = arith.constant 8 : i32
    %eq3A_2233 = vector.broadcast %eq3A_2232 : i32 to vector<16xi32>
    %eq3A_2234 = arith.cmpi eq, %get3A_1844, %eq3A_2233 : vector<16xi32>
    %all_reduce_population_count3A_2235 = tpu.all_reduce %eq3A_2234 {dim = 0 : i64, kind = #tpu.reduction_kind<sum>} : vector<16xi1> -> vector<16xi32>
    %eq3A_2236 = arith.constant 8 : i32
    %eq3A_2237 = vector.broadcast %eq3A_2236 : i32 to vector<16xi32>
    %eq3A_2238 = arith.cmpi eq, %iota3A, %eq3A_2237 : vector<16xi32>
    %jit3A_2239 = arith.constant 0 : i32
    %broadcast_in_dim3A_2240 = vector.broadcast %jit3A_2239 : i32 to vector<16xi32>
    %select_n3A_2241 = arith.select %eq3A_2238, %all_reduce_population_count3A_2235, %broadcast_in_dim3A_2240 : vector<16xi1>, vector<16xi32>
    %add3A_2242 = arith.addi %add3A_2231, %select_n3A_2241 : vector<16xi32>
    %eq3A_2243 = arith.constant 9 : i32
    %eq3A_2244 = vector.broadcast %eq3A_2243 : i32 to vector<16xi32>
    %eq3A_2245 = arith.cmpi eq, %get3A_1844, %eq3A_2244 : vector<16xi32>
    %all_reduce_population_count3A_2246 = tpu.all_reduce %eq3A_2245 {dim = 0 : i64, kind = #tpu.reduction_kind<sum>} : vector<16xi1> -> vector<16xi32>
    %eq3A_2247 = arith.constant 9 : i32
    %eq3A_2248 = vector.broadcast %eq3A_2247 : i32 to vector<16xi32>
    %eq3A_2249 = arith.cmpi eq, %iota3A, %eq3A_2248 : vector<16xi32>
    %jit3A_2250 = arith.constant 0 : i32
    %broadcast_in_dim3A_2251 = vector.broadcast %jit3A_2250 : i32 to vector<16xi32>
    %select_n3A_2252 = arith.select %eq3A_2249, %all_reduce_population_count3A_2246, %broadcast_in_dim3A_2251 : vector<16xi1>, vector<16xi32>
    %add3A_2253 = arith.addi %add3A_2242, %select_n3A_2252 : vector<16xi32>
    %eq3A_2254 = arith.constant 10 : i32
    %eq3A_2255 = vector.broadcast %eq3A_2254 : i32 to vector<16xi32>
    %eq3A_2256 = arith.cmpi eq, %get3A_1844, %eq3A_2255 : vector<16xi32>
    %all_reduce_population_count3A_2257 = tpu.all_reduce %eq3A_2256 {dim = 0 : i64, kind = #tpu.reduction_kind<sum>} : vector<16xi1> -> vector<16xi32>
    %eq3A_2258 = arith.constant 10 : i32
    %eq3A_2259 = vector.broadcast %eq3A_2258 : i32 to vector<16xi32>
    %eq3A_2260 = arith.cmpi eq, %iota3A, %eq3A_2259 : vector<16xi32>
    %jit3A_2261 = arith.constant 0 : i32
    %broadcast_in_dim3A_2262 = vector.broadcast %jit3A_2261 : i32 to vector<16xi32>
    %select_n3A_2263 = arith.select %eq3A_2260, %all_reduce_population_count3A_2257, %broadcast_in_dim3A_2262 : vector<16xi1>, vector<16xi32>
    %add3A_2264 = arith.addi %add3A_2253, %select_n3A_2263 : vector<16xi32>
    %eq3A_2265 = arith.constant 11 : i32
    %eq3A_2266 = vector.broadcast %eq3A_2265 : i32 to vector<16xi32>
    %eq3A_2267 = arith.cmpi eq, %get3A_1844, %eq3A_2266 : vector<16xi32>
    %all_reduce_population_count3A_2268 = tpu.all_reduce %eq3A_2267 {dim = 0 : i64, kind = #tpu.reduction_kind<sum>} : vector<16xi1> -> vector<16xi32>
    %eq3A_2269 = arith.constant 11 : i32
    %eq3A_2270 = vector.broadcast %eq3A_2269 : i32 to vector<16xi32>
    %eq3A_2271 = arith.cmpi eq, %iota3A, %eq3A_2270 : vector<16xi32>
    %jit3A_2272 = arith.constant 0 : i32
    %broadcast_in_dim3A_2273 = vector.broadcast %jit3A_2272 : i32 to vector<16xi32>
    %select_n3A_2274 = arith.select %eq3A_2271, %all_reduce_population_count3A_2268, %broadcast_in_dim3A_2273 : vector<16xi1>, vector<16xi32>
    %add3A_2275 = arith.addi %add3A_2264, %select_n3A_2274 : vector<16xi32>
    %eq3A_2276 = arith.constant 12 : i32
    %eq3A_2277 = vector.broadcast %eq3A_2276 : i32 to vector<16xi32>
    %eq3A_2278 = arith.cmpi eq, %get3A_1844, %eq3A_2277 : vector<16xi32>
    %all_reduce_population_count3A_2279 = tpu.all_reduce %eq3A_2278 {dim = 0 : i64, kind = #tpu.reduction_kind<sum>} : vector<16xi1> -> vector<16xi32>
    %eq3A_2280 = arith.constant 12 : i32
    %eq3A_2281 = vector.broadcast %eq3A_2280 : i32 to vector<16xi32>
    %eq3A_2282 = arith.cmpi eq, %iota3A, %eq3A_2281 : vector<16xi32>
    %jit3A_2283 = arith.constant 0 : i32
    %broadcast_in_dim3A_2284 = vector.broadcast %jit3A_2283 : i32 to vector<16xi32>
    %select_n3A_2285 = arith.select %eq3A_2282, %all_reduce_population_count3A_2279, %broadcast_in_dim3A_2284 : vector<16xi1>, vector<16xi32>
    %add3A_2286 = arith.addi %add3A_2275, %select_n3A_2285 : vector<16xi32>
    %eq3A_2287 = arith.constant 13 : i32
    %eq3A_2288 = vector.broadcast %eq3A_2287 : i32 to vector<16xi32>
    %eq3A_2289 = arith.cmpi eq, %get3A_1844, %eq3A_2288 : vector<16xi32>
    %all_reduce_population_count3A_2290 = tpu.all_reduce %eq3A_2289 {dim = 0 : i64, kind = #tpu.reduction_kind<sum>} : vector<16xi1> -> vector<16xi32>
    %eq3A_2291 = arith.constant 13 : i32
    %eq3A_2292 = vector.broadcast %eq3A_2291 : i32 to vector<16xi32>
    %eq3A_2293 = arith.cmpi eq, %iota3A, %eq3A_2292 : vector<16xi32>
    %jit3A_2294 = arith.constant 0 : i32
    %broadcast_in_dim3A_2295 = vector.broadcast %jit3A_2294 : i32 to vector<16xi32>
    %select_n3A_2296 = arith.select %eq3A_2293, %all_reduce_population_count3A_2290, %broadcast_in_dim3A_2295 : vector<16xi1>, vector<16xi32>
    %add3A_2297 = arith.addi %add3A_2286, %select_n3A_2296 : vector<16xi32>
    %eq3A_2298 = arith.constant 14 : i32
    %eq3A_2299 = vector.broadcast %eq3A_2298 : i32 to vector<16xi32>
    %eq3A_2300 = arith.cmpi eq, %get3A_1844, %eq3A_2299 : vector<16xi32>
    %all_reduce_population_count3A_2301 = tpu.all_reduce %eq3A_2300 {dim = 0 : i64, kind = #tpu.reduction_kind<sum>} : vector<16xi1> -> vector<16xi32>
    %eq3A_2302 = arith.constant 14 : i32
    %eq3A_2303 = vector.broadcast %eq3A_2302 : i32 to vector<16xi32>
    %eq3A_2304 = arith.cmpi eq, %iota3A, %eq3A_2303 : vector<16xi32>
    %jit3A_2305 = arith.constant 0 : i32
    %broadcast_in_dim3A_2306 = vector.broadcast %jit3A_2305 : i32 to vector<16xi32>
    %select_n3A_2307 = arith.select %eq3A_2304, %all_reduce_population_count3A_2301, %broadcast_in_dim3A_2306 : vector<16xi1>, vector<16xi32>
    %add3A_2308 = arith.addi %add3A_2297, %select_n3A_2307 : vector<16xi32>
    %eq3A_2309 = arith.constant 15 : i32
    %eq3A_2310 = vector.broadcast %eq3A_2309 : i32 to vector<16xi32>
    %eq3A_2311 = arith.cmpi eq, %get3A_1844, %eq3A_2310 : vector<16xi32>
    %all_reduce_population_count3A_2312 = tpu.all_reduce %eq3A_2311 {dim = 0 : i64, kind = #tpu.reduction_kind<sum>} : vector<16xi1> -> vector<16xi32>
    %eq3A_2313 = arith.constant 15 : i32
    %eq3A_2314 = vector.broadcast %eq3A_2313 : i32 to vector<16xi32>
    %eq3A_2315 = arith.cmpi eq, %iota3A, %eq3A_2314 : vector<16xi32>
    %jit3A_2316 = arith.constant 0 : i32
    %broadcast_in_dim3A_2317 = vector.broadcast %jit3A_2316 : i32 to vector<16xi32>
    %select_n3A_2318 = arith.select %eq3A_2315, %all_reduce_population_count3A_2312, %broadcast_in_dim3A_2317 : vector<16xi1>, vector<16xi32>
    %add3A_2319 = arith.addi %add3A_2308, %select_n3A_2318 : vector<16xi32>
    "tpu.region"() ({
      %run_scoped3A = tpu.sem_alloc : memref<!tpu.dma_semaphore, #tpu.memory_space<semaphore_mem>>
      %dma_start3A_2344 = tpu.memref_slice %arg5[%mul3A_2] : memref<2048xi32, #tpu.memory_space<hbm>> -> memref<64xi32, #tpu.memory_space<hbm>>
      %dma_start3A_2345 = tpu.memref_slice %arg5[%mul3A_2] : memref<2048xi32, #tpu.memory_space<hbm>> -> memref<64xi32, #tpu.memory_space<hbm>>
      tpu.enqueue_dma source(%arg11 : memref<64xi32, #tpu.memory_space<vmem>>) target(%dma_start3A_2345 : memref<64xi32, #tpu.memory_space<hbm>>) target_semaphore(%run_scoped3A : memref<!tpu.dma_semaphore, #tpu.memory_space<semaphore_mem>>)
      %dma_wait3A_2346 = tpu.memref_slice %arg5[%mul3A_2] : memref<2048xi32, #tpu.memory_space<hbm>> -> memref<64xi32, #tpu.memory_space<hbm>>
      %dma_wait3A_2347 = tpu.memref_slice %arg5[%mul3A_2] : memref<2048xi32, #tpu.memory_space<hbm>> -> memref<64xi32, #tpu.memory_space<hbm>>
      tpu.wait_dma2 semaphore(%run_scoped3A : memref<!tpu.dma_semaphore, #tpu.memory_space<semaphore_mem>>) src(%arg11 : memref<64xi32, #tpu.memory_space<vmem>>) dst(%dma_wait3A_2347 : memref<64xi32, #tpu.memory_space<hbm>>)
      tpu.yield
    }) : () -> ()
    %dma_wait3A_2320 = arith.constant 0 : i32
    %dma_wait3A_2321 = arith.constant 0 : i32
    %dma_wait3A_2322 = tpu.memref_slice %arg13[%dma_wait3A_2320, %dma_wait3A_2321] : memref<64x128xf32, #tpu.memory_space<vmem>> -> memref<16x128xf32, #tpu.memory_space<vmem>>
    %dma_wait3A_2323 = arith.constant 0 : i32
    %dma_wait3A_2324 = arith.constant 0 : i32
    %dma_wait3A_2325 = tpu.memref_slice %arg7[%dma_wait3A_2323, %dma_wait3A_2324] : memref<2048x128xf32, #tpu.memory_space<hbm>> -> memref<2048x128xf32, #tpu.memory_space<hbm>>
    tpu.wait_indirect_dma semaphore(%arg14 : memref<!tpu.dma_semaphore, #tpu.memory_space<semaphore_mem>>) src(%dma_wait3A_2322 : memref<16x128xf32, #tpu.memory_space<vmem>>) dst(%dma_wait3A_2325 : memref<2048x128xf32, #tpu.memory_space<hbm>>)
    %dma_wait3A_2326 = arith.constant 16 : i32
    %dma_wait3A_2327 = arith.constant 0 : i32
    %dma_wait3A_2328 = tpu.memref_slice %arg13[%dma_wait3A_2326, %dma_wait3A_2327] : memref<64x128xf32, #tpu.memory_space<vmem>> -> memref<16x128xf32, #tpu.memory_space<vmem>>
    %dma_wait3A_2329 = arith.constant 0 : i32
    %dma_wait3A_2330 = arith.constant 0 : i32
    %dma_wait3A_2331 = tpu.memref_slice %arg7[%dma_wait3A_2329, %dma_wait3A_2330] : memref<2048x128xf32, #tpu.memory_space<hbm>> -> memref<2048x128xf32, #tpu.memory_space<hbm>>
    tpu.wait_indirect_dma semaphore(%arg14 : memref<!tpu.dma_semaphore, #tpu.memory_space<semaphore_mem>>) src(%dma_wait3A_2328 : memref<16x128xf32, #tpu.memory_space<vmem>>) dst(%dma_wait3A_2331 : memref<2048x128xf32, #tpu.memory_space<hbm>>)
    %dma_wait3A_2332 = arith.constant 32 : i32
    %dma_wait3A_2333 = arith.constant 0 : i32
    %dma_wait3A_2334 = tpu.memref_slice %arg13[%dma_wait3A_2332, %dma_wait3A_2333] : memref<64x128xf32, #tpu.memory_space<vmem>> -> memref<16x128xf32, #tpu.memory_space<vmem>>
    %dma_wait3A_2335 = arith.constant 0 : i32
    %dma_wait3A_2336 = arith.constant 0 : i32
    %dma_wait3A_2337 = tpu.memref_slice %arg7[%dma_wait3A_2335, %dma_wait3A_2336] : memref<2048x128xf32, #tpu.memory_space<hbm>> -> memref<2048x128xf32, #tpu.memory_space<hbm>>
    tpu.wait_indirect_dma semaphore(%arg14 : memref<!tpu.dma_semaphore, #tpu.memory_space<semaphore_mem>>) src(%dma_wait3A_2334 : memref<16x128xf32, #tpu.memory_space<vmem>>) dst(%dma_wait3A_2337 : memref<2048x128xf32, #tpu.memory_space<hbm>>)
    %dma_wait3A_2338 = arith.constant 48 : i32
    %dma_wait3A_2339 = arith.constant 0 : i32
    %dma_wait3A_2340 = tpu.memref_slice %arg13[%dma_wait3A_2338, %dma_wait3A_2339] : memref<64x128xf32, #tpu.memory_space<vmem>> -> memref<16x128xf32, #tpu.memory_space<vmem>>
    %dma_wait3A_2341 = arith.constant 0 : i32
    %dma_wait3A_2342 = arith.constant 0 : i32
    %dma_wait3A_2343 = tpu.memref_slice %arg7[%dma_wait3A_2341, %dma_wait3A_2342] : memref<2048x128xf32, #tpu.memory_space<hbm>> -> memref<2048x128xf32, #tpu.memory_space<hbm>>
    tpu.wait_indirect_dma semaphore(%arg14 : memref<!tpu.dma_semaphore, #tpu.memory_space<semaphore_mem>>) src(%dma_wait3A_2340 : memref<16x128xf32, #tpu.memory_space<vmem>>) dst(%dma_wait3A_2343 : memref<2048x128xf32, #tpu.memory_space<hbm>>)
    return
  }
}

module attributes {stable_mosaic.version = 14 : i64} {
  func.func @_tc_body2(%arg0: i32, %arg1: memref<16xi32, #tpu.memory_space<smem>>, %arg2: memref<128x128xf32, #tpu.memory_space<vmem>>, %arg3: memref<1x1x128xi32, #tpu.memory_space<vmem>>, %arg4: memref<16x128x128xf32, #tpu.memory_space<vmem>>, %arg5: memref<16x1x128xf32, #tpu.memory_space<vmem>>, %arg6: memref<16x128x128xf32, #tpu.memory_space<vmem>>, %arg7: memref<16x1x128xf32, #tpu.memory_space<vmem>>, %arg8: memref<128x128xf32, #tpu.memory_space<vmem>>, %arg9: memref<2048x128xf32, #tpu.memory_space<vmem>>) attributes {dimension_semantics = [#tpu.dimension_semantics<arbitrary>], iteration_bounds = array<i64: 32>, scalar_prefetch = 0 : i64, scratch_operands = 1 : i64, tpu.core_type = #tpu.core_type<tc>, window_params = [{transform_indices = @transform_0, window_bounds = array<i64: 16>}, {transform_indices = @transform_1, window_bounds = array<i64: 128, 128>}, {transform_indices = @transform_2, window_bounds = array<i64: 1, 1, 128>}, {pipeline_mode = #tpu.pipeline_mode<synchronous>, transform_indices = @transform_3, window_bounds = array<i64: 16, 128, 128>}, {pipeline_mode = #tpu.pipeline_mode<synchronous>, transform_indices = @transform_4, window_bounds = array<i64: 16, 1, 128>}, {pipeline_mode = #tpu.pipeline_mode<synchronous>, transform_indices = @transform_5, window_bounds = array<i64: 16, 128, 128>}, {pipeline_mode = #tpu.pipeline_mode<synchronous>, transform_indices = @transform_6, window_bounds = array<i64: 16, 1, 128>}, {transform_indices = @transform_7, window_bounds = array<i64: 128, 128>}]} {
    %lt3A = arith.constant 16 : i32
    %lt3A_0 = arith.cmpi slt, %arg0, %lt3A : i32
    %convert_element_type3A = arith.extui %lt3A_0 : i1 to i32
    %cond3A = arith.constant 0 : i32
    %cond3A_1 = arith.cmpi ne, %convert_element_type3A, %cond3A : i32
    scf.if %cond3A_1 {
      %mul3A = arith.constant 128 : i32
      %mul3A_6 = arith.muli %arg0, %mul3A : i32
      %get3A = arith.constant 0 : index
      %get3A_7 = memref.load %arg1[%get3A] : memref<16xi32, #tpu.memory_space<smem>>
      %le3A = arith.cmpi sle, %get3A_7, %mul3A_6 : i32
      %jit3A = arith.constant 1 : i32
      %jit3A_8 = arith.constant 0 : i32
      %select_n3A = arith.select %le3A, %jit3A, %jit3A_8 : i32
      %add3A = arith.constant 0 : i32
      %add3A_9 = arith.addi %add3A, %select_n3A : i32
      %add3A_10 = arith.constant 128 : i32
      %add3A_11 = arith.addi %mul3A_6, %add3A_10 : i32
      %lt3A_12 = arith.cmpi slt, %get3A_7, %add3A_11 : i32
      %jit3A_13 = arith.constant 1 : i32
      %jit3A_14 = arith.constant 0 : i32
      %select_n3A_15 = arith.select %lt3A_12, %jit3A_13, %jit3A_14 : i32
      %add3A_16 = arith.constant 0 : i32
      %add3A_17 = arith.addi %add3A_16, %select_n3A_15 : i32
      %get3A_18 = arith.constant 1 : index
      %get3A_19 = memref.load %arg1[%get3A_18] : memref<16xi32, #tpu.memory_space<smem>>
      %le3A_20 = arith.cmpi sle, %get3A_19, %mul3A_6 : i32
      %jit3A_21 = arith.constant 1 : i32
      %jit3A_22 = arith.constant 0 : i32
      %select_n3A_23 = arith.select %le3A_20, %jit3A_21, %jit3A_22 : i32
      %add3A_24 = arith.addi %add3A_9, %select_n3A_23 : i32
      %add3A_25 = arith.constant 128 : i32
      %add3A_26 = arith.addi %mul3A_6, %add3A_25 : i32
      %lt3A_27 = arith.cmpi slt, %get3A_19, %add3A_26 : i32
      %jit3A_28 = arith.constant 1 : i32
      %jit3A_29 = arith.constant 0 : i32
      %select_n3A_30 = arith.select %lt3A_27, %jit3A_28, %jit3A_29 : i32
      %add3A_31 = arith.addi %add3A_17, %select_n3A_30 : i32
      %get3A_32 = arith.constant 2 : index
      %get3A_33 = memref.load %arg1[%get3A_32] : memref<16xi32, #tpu.memory_space<smem>>
      %le3A_34 = arith.cmpi sle, %get3A_33, %mul3A_6 : i32
      %jit3A_35 = arith.constant 1 : i32
      %jit3A_36 = arith.constant 0 : i32
      %select_n3A_37 = arith.select %le3A_34, %jit3A_35, %jit3A_36 : i32
      %add3A_38 = arith.addi %add3A_24, %select_n3A_37 : i32
      %add3A_39 = arith.constant 128 : i32
      %add3A_40 = arith.addi %mul3A_6, %add3A_39 : i32
      %lt3A_41 = arith.cmpi slt, %get3A_33, %add3A_40 : i32
      %jit3A_42 = arith.constant 1 : i32
      %jit3A_43 = arith.constant 0 : i32
      %select_n3A_44 = arith.select %lt3A_41, %jit3A_42, %jit3A_43 : i32
      %add3A_45 = arith.addi %add3A_31, %select_n3A_44 : i32
      %get3A_46 = arith.constant 3 : index
      %get3A_47 = memref.load %arg1[%get3A_46] : memref<16xi32, #tpu.memory_space<smem>>
      %le3A_48 = arith.cmpi sle, %get3A_47, %mul3A_6 : i32
      %jit3A_49 = arith.constant 1 : i32
      %jit3A_50 = arith.constant 0 : i32
      %select_n3A_51 = arith.select %le3A_48, %jit3A_49, %jit3A_50 : i32
      %add3A_52 = arith.addi %add3A_38, %select_n3A_51 : i32
      %add3A_53 = arith.constant 128 : i32
      %add3A_54 = arith.addi %mul3A_6, %add3A_53 : i32
      %lt3A_55 = arith.cmpi slt, %get3A_47, %add3A_54 : i32
      %jit3A_56 = arith.constant 1 : i32
      %jit3A_57 = arith.constant 0 : i32
      %select_n3A_58 = arith.select %lt3A_55, %jit3A_56, %jit3A_57 : i32
      %add3A_59 = arith.addi %add3A_45, %select_n3A_58 : i32
      %get3A_60 = arith.constant 4 : index
      %get3A_61 = memref.load %arg1[%get3A_60] : memref<16xi32, #tpu.memory_space<smem>>
      %le3A_62 = arith.cmpi sle, %get3A_61, %mul3A_6 : i32
      %jit3A_63 = arith.constant 1 : i32
      %jit3A_64 = arith.constant 0 : i32
      %select_n3A_65 = arith.select %le3A_62, %jit3A_63, %jit3A_64 : i32
      %add3A_66 = arith.addi %add3A_52, %select_n3A_65 : i32
      %add3A_67 = arith.constant 128 : i32
      %add3A_68 = arith.addi %mul3A_6, %add3A_67 : i32
      %lt3A_69 = arith.cmpi slt, %get3A_61, %add3A_68 : i32
      %jit3A_70 = arith.constant 1 : i32
      %jit3A_71 = arith.constant 0 : i32
      %select_n3A_72 = arith.select %lt3A_69, %jit3A_70, %jit3A_71 : i32
      %add3A_73 = arith.addi %add3A_59, %select_n3A_72 : i32
      %get3A_74 = arith.constant 5 : index
      %get3A_75 = memref.load %arg1[%get3A_74] : memref<16xi32, #tpu.memory_space<smem>>
      %le3A_76 = arith.cmpi sle, %get3A_75, %mul3A_6 : i32
      %jit3A_77 = arith.constant 1 : i32
      %jit3A_78 = arith.constant 0 : i32
      %select_n3A_79 = arith.select %le3A_76, %jit3A_77, %jit3A_78 : i32
      %add3A_80 = arith.addi %add3A_66, %select_n3A_79 : i32
      %add3A_81 = arith.constant 128 : i32
      %add3A_82 = arith.addi %mul3A_6, %add3A_81 : i32
      %lt3A_83 = arith.cmpi slt, %get3A_75, %add3A_82 : i32
      %jit3A_84 = arith.constant 1 : i32
      %jit3A_85 = arith.constant 0 : i32
      %select_n3A_86 = arith.select %lt3A_83, %jit3A_84, %jit3A_85 : i32
      %add3A_87 = arith.addi %add3A_73, %select_n3A_86 : i32
      %get3A_88 = arith.constant 6 : index
      %get3A_89 = memref.load %arg1[%get3A_88] : memref<16xi32, #tpu.memory_space<smem>>
      %le3A_90 = arith.cmpi sle, %get3A_89, %mul3A_6 : i32
      %jit3A_91 = arith.constant 1 : i32
      %jit3A_92 = arith.constant 0 : i32
      %select_n3A_93 = arith.select %le3A_90, %jit3A_91, %jit3A_92 : i32
      %add3A_94 = arith.addi %add3A_80, %select_n3A_93 : i32
      %add3A_95 = arith.constant 128 : i32
      %add3A_96 = arith.addi %mul3A_6, %add3A_95 : i32
      %lt3A_97 = arith.cmpi slt, %get3A_89, %add3A_96 : i32
      %jit3A_98 = arith.constant 1 : i32
      %jit3A_99 = arith.constant 0 : i32
      %select_n3A_100 = arith.select %lt3A_97, %jit3A_98, %jit3A_99 : i32
      %add3A_101 = arith.addi %add3A_87, %select_n3A_100 : i32
      %get3A_102 = arith.constant 7 : index
      %get3A_103 = memref.load %arg1[%get3A_102] : memref<16xi32, #tpu.memory_space<smem>>
      %le3A_104 = arith.cmpi sle, %get3A_103, %mul3A_6 : i32
      %jit3A_105 = arith.constant 1 : i32
      %jit3A_106 = arith.constant 0 : i32
      %select_n3A_107 = arith.select %le3A_104, %jit3A_105, %jit3A_106 : i32
      %add3A_108 = arith.addi %add3A_94, %select_n3A_107 : i32
      %add3A_109 = arith.constant 128 : i32
      %add3A_110 = arith.addi %mul3A_6, %add3A_109 : i32
      %lt3A_111 = arith.cmpi slt, %get3A_103, %add3A_110 : i32
      %jit3A_112 = arith.constant 1 : i32
      %jit3A_113 = arith.constant 0 : i32
      %select_n3A_114 = arith.select %lt3A_111, %jit3A_112, %jit3A_113 : i32
      %add3A_115 = arith.addi %add3A_101, %select_n3A_114 : i32
      %get3A_116 = arith.constant 8 : index
      %get3A_117 = memref.load %arg1[%get3A_116] : memref<16xi32, #tpu.memory_space<smem>>
      %le3A_118 = arith.cmpi sle, %get3A_117, %mul3A_6 : i32
      %jit3A_119 = arith.constant 1 : i32
      %jit3A_120 = arith.constant 0 : i32
      %select_n3A_121 = arith.select %le3A_118, %jit3A_119, %jit3A_120 : i32
      %add3A_122 = arith.addi %add3A_108, %select_n3A_121 : i32
      %add3A_123 = arith.constant 128 : i32
      %add3A_124 = arith.addi %mul3A_6, %add3A_123 : i32
      %lt3A_125 = arith.cmpi slt, %get3A_117, %add3A_124 : i32
      %jit3A_126 = arith.constant 1 : i32
      %jit3A_127 = arith.constant 0 : i32
      %select_n3A_128 = arith.select %lt3A_125, %jit3A_126, %jit3A_127 : i32
      %add3A_129 = arith.addi %add3A_115, %select_n3A_128 : i32
      %get3A_130 = arith.constant 9 : index
      %get3A_131 = memref.load %arg1[%get3A_130] : memref<16xi32, #tpu.memory_space<smem>>
      %le3A_132 = arith.cmpi sle, %get3A_131, %mul3A_6 : i32
      %jit3A_133 = arith.constant 1 : i32
      %jit3A_134 = arith.constant 0 : i32
      %select_n3A_135 = arith.select %le3A_132, %jit3A_133, %jit3A_134 : i32
      %add3A_136 = arith.addi %add3A_122, %select_n3A_135 : i32
      %add3A_137 = arith.constant 128 : i32
      %add3A_138 = arith.addi %mul3A_6, %add3A_137 : i32
      %lt3A_139 = arith.cmpi slt, %get3A_131, %add3A_138 : i32
      %jit3A_140 = arith.constant 1 : i32
      %jit3A_141 = arith.constant 0 : i32
      %select_n3A_142 = arith.select %lt3A_139, %jit3A_140, %jit3A_141 : i32
      %add3A_143 = arith.addi %add3A_129, %select_n3A_142 : i32
      %get3A_144 = arith.constant 10 : index
      %get3A_145 = memref.load %arg1[%get3A_144] : memref<16xi32, #tpu.memory_space<smem>>
      %le3A_146 = arith.cmpi sle, %get3A_145, %mul3A_6 : i32
      %jit3A_147 = arith.constant 1 : i32
      %jit3A_148 = arith.constant 0 : i32
      %select_n3A_149 = arith.select %le3A_146, %jit3A_147, %jit3A_148 : i32
      %add3A_150 = arith.addi %add3A_136, %select_n3A_149 : i32
      %add3A_151 = arith.constant 128 : i32
      %add3A_152 = arith.addi %mul3A_6, %add3A_151 : i32
      %lt3A_153 = arith.cmpi slt, %get3A_145, %add3A_152 : i32
      %jit3A_154 = arith.constant 1 : i32
      %jit3A_155 = arith.constant 0 : i32
      %select_n3A_156 = arith.select %lt3A_153, %jit3A_154, %jit3A_155 : i32
      %add3A_157 = arith.addi %add3A_143, %select_n3A_156 : i32
      %get3A_158 = arith.constant 11 : index
      %get3A_159 = memref.load %arg1[%get3A_158] : memref<16xi32, #tpu.memory_space<smem>>
      %le3A_160 = arith.cmpi sle, %get3A_159, %mul3A_6 : i32
      %jit3A_161 = arith.constant 1 : i32
      %jit3A_162 = arith.constant 0 : i32
      %select_n3A_163 = arith.select %le3A_160, %jit3A_161, %jit3A_162 : i32
      %add3A_164 = arith.addi %add3A_150, %select_n3A_163 : i32
      %add3A_165 = arith.constant 128 : i32
      %add3A_166 = arith.addi %mul3A_6, %add3A_165 : i32
      %lt3A_167 = arith.cmpi slt, %get3A_159, %add3A_166 : i32
      %jit3A_168 = arith.constant 1 : i32
      %jit3A_169 = arith.constant 0 : i32
      %select_n3A_170 = arith.select %lt3A_167, %jit3A_168, %jit3A_169 : i32
      %add3A_171 = arith.addi %add3A_157, %select_n3A_170 : i32
      %get3A_172 = arith.constant 12 : index
      %get3A_173 = memref.load %arg1[%get3A_172] : memref<16xi32, #tpu.memory_space<smem>>
      %le3A_174 = arith.cmpi sle, %get3A_173, %mul3A_6 : i32
      %jit3A_175 = arith.constant 1 : i32
      %jit3A_176 = arith.constant 0 : i32
      %select_n3A_177 = arith.select %le3A_174, %jit3A_175, %jit3A_176 : i32
      %add3A_178 = arith.addi %add3A_164, %select_n3A_177 : i32
      %add3A_179 = arith.constant 128 : i32
      %add3A_180 = arith.addi %mul3A_6, %add3A_179 : i32
      %lt3A_181 = arith.cmpi slt, %get3A_173, %add3A_180 : i32
      %jit3A_182 = arith.constant 1 : i32
      %jit3A_183 = arith.constant 0 : i32
      %select_n3A_184 = arith.select %lt3A_181, %jit3A_182, %jit3A_183 : i32
      %add3A_185 = arith.addi %add3A_171, %select_n3A_184 : i32
      %get3A_186 = arith.constant 13 : index
      %get3A_187 = memref.load %arg1[%get3A_186] : memref<16xi32, #tpu.memory_space<smem>>
      %le3A_188 = arith.cmpi sle, %get3A_187, %mul3A_6 : i32
      %jit3A_189 = arith.constant 1 : i32
      %jit3A_190 = arith.constant 0 : i32
      %select_n3A_191 = arith.select %le3A_188, %jit3A_189, %jit3A_190 : i32
      %add3A_192 = arith.addi %add3A_178, %select_n3A_191 : i32
      %add3A_193 = arith.constant 128 : i32
      %add3A_194 = arith.addi %mul3A_6, %add3A_193 : i32
      %lt3A_195 = arith.cmpi slt, %get3A_187, %add3A_194 : i32
      %jit3A_196 = arith.constant 1 : i32
      %jit3A_197 = arith.constant 0 : i32
      %select_n3A_198 = arith.select %lt3A_195, %jit3A_196, %jit3A_197 : i32
      %add3A_199 = arith.addi %add3A_185, %select_n3A_198 : i32
      %get3A_200 = arith.constant 14 : index
      %get3A_201 = memref.load %arg1[%get3A_200] : memref<16xi32, #tpu.memory_space<smem>>
      %le3A_202 = arith.cmpi sle, %get3A_201, %mul3A_6 : i32
      %jit3A_203 = arith.constant 1 : i32
      %jit3A_204 = arith.constant 0 : i32
      %select_n3A_205 = arith.select %le3A_202, %jit3A_203, %jit3A_204 : i32
      %add3A_206 = arith.addi %add3A_192, %select_n3A_205 : i32
      %add3A_207 = arith.constant 128 : i32
      %add3A_208 = arith.addi %mul3A_6, %add3A_207 : i32
      %lt3A_209 = arith.cmpi slt, %get3A_201, %add3A_208 : i32
      %jit3A_210 = arith.constant 1 : i32
      %jit3A_211 = arith.constant 0 : i32
      %select_n3A_212 = arith.select %lt3A_209, %jit3A_210, %jit3A_211 : i32
      %add3A_213 = arith.addi %add3A_199, %select_n3A_212 : i32
      %get3A_214 = arith.constant 15 : index
      %get3A_215 = memref.load %arg1[%get3A_214] : memref<16xi32, #tpu.memory_space<smem>>
      %le3A_216 = arith.cmpi sle, %get3A_215, %mul3A_6 : i32
      %jit3A_217 = arith.constant 1 : i32
      %jit3A_218 = arith.constant 0 : i32
      %select_n3A_219 = arith.select %le3A_216, %jit3A_217, %jit3A_218 : i32
      %add3A_220 = arith.addi %add3A_206, %select_n3A_219 : i32
      %add3A_221 = arith.constant 128 : i32
      %add3A_222 = arith.addi %mul3A_6, %add3A_221 : i32
      %lt3A_223 = arith.cmpi slt, %get3A_215, %add3A_222 : i32
      %jit3A_224 = arith.constant 1 : i32
      %jit3A_225 = arith.constant 0 : i32
      %select_n3A_226 = arith.select %lt3A_223, %jit3A_224, %jit3A_225 : i32
      %add3A_227 = arith.addi %add3A_213, %select_n3A_226 : i32
      %sub3A = arith.constant 1 : i32
      %sub3A_228 = arith.subi %add3A_220, %sub3A : i32
      %sub3A_229 = arith.constant 1 : i32
      %sub3A_230 = arith.subi %add3A_227, %sub3A_229 : i32
      %get3A_231 = arith.constant 0 : index
      %get3A_232 = arith.constant 0 : index
      %get3A_233 = vector.load %arg2[%get3A_231, %get3A_232] : memref<128x128xf32, #tpu.memory_space<vmem>>, vector<128x128xf32>
      %convert_element_type3A_234 = arith.truncf %get3A_233 : vector<128x128xf32> to vector<128x128xbf16>
      %broadcast_in_dim3A = arith.constant 0.000000e+00 : f32
      %broadcast_in_dim3A_235 = vector.broadcast %broadcast_in_dim3A : f32 to vector<128x128xf32>
      %swap3A = arith.index_cast %mul3A_6 : i32 to index
      %swap3A_236 = arith.constant 0 : index
      %swap3A_237 = vector.load %arg9[%swap3A, %swap3A_236] : memref<2048x128xf32, #tpu.memory_space<vmem>>, vector<128x128xf32>
      tpu.vector_store %arg9[%swap3A, %swap3A_236], %broadcast_in_dim3A_235 {strides = array<i32>} : memref<2048x128xf32, #tpu.memory_space<vmem>>, vector<128x128xf32>,
      %iota3A = tpu.iota {dimensions = array<i32: 0>} : vector<128x1xi32>
      %add3A_238 = arith.constant 1 : i32
      %add3A_239 = arith.addi %sub3A_230, %add3A_238 : i32
      %while3A = arith.constant 0 : i32
      %while3A_240 = arith.subi %add3A_239, %sub3A_228 : i32
      %while3A_241 = arith.addi %sub3A_228, %while3A_240 : i32
      %while3A_242 = arith.constant 1 : i32
      %while3A_243 = arith.divsi %while3A_240, %while3A_242 : i32
      %while3A_244 = arith.muli %while3A_243, %while3A_242 : i32
      %while3A_245 = arith.addi %sub3A_228, %while3A_244 : i32
      %while3A_246 = arith.constant 1 : i32
      %while3A_247 = scf.for %while3A_250 = %sub3A_228 to %while3A_245 step %while3A_246 iter_args(%while3A_251 = %while3A) -> (i32)  : i32 {
        %get3A_252 = arith.index_cast %while3A_250 : i32 to index
        %get3A_253 = memref.load %arg1[%get3A_252] : memref<16xi32, #tpu.memory_space<smem>>
        %add3A_254 = arith.constant 1 : i32
        %add3A_255 = arith.addi %while3A_250, %add3A_254 : i32
        %min3A = arith.constant 15 : i32
        %min3A_256 = arith.minsi %add3A_255, %min3A : i32
        %get3A_257 = arith.index_cast %min3A_256 : i32 to index
        %get3A_258 = memref.load %arg1[%get3A_257] : memref<16xi32, #tpu.memory_space<smem>>
        %eq3A = arith.constant 15 : i32
        %eq3A_259 = arith.cmpi eq, %while3A_250, %eq3A : i32
        %jit3A_260 = arith.constant 2048 : i32
        %select_n3A_261 = arith.select %eq3A_259, %jit3A_260, %get3A_258 : i32
        %sub3A_262 = arith.subi %get3A_253, %mul3A_6 : i32
        %ge3A_263 = vector.broadcast %sub3A_262 : i32 to vector<128x1xi32>
        %ge3A_264 = arith.cmpi sge, %iota3A, %ge3A_263 : vector<128x1xi32>
        %sub3A_265 = arith.subi %select_n3A_261, %mul3A_6 : i32
        %lt3A_266 = vector.broadcast %sub3A_265 : i32 to vector<128x1xi32>
        %lt3A_267 = arith.cmpi slt, %iota3A, %lt3A_266 : vector<128x1xi32>
        %and3A = arith.andi %ge3A_264, %lt3A_267 : vector<128x1xi1>
        %get3A_268 = arith.index_cast %while3A_250 : i32 to index
        %get3A_269 = arith.constant 0 : index
        %get3A_270 = arith.constant 0 : index
        %get3A_271 = vector.load %arg4[%get3A_268, %get3A_269, %get3A_270] : memref<16x128x128xf32, #tpu.memory_space<vmem>>, vector<1x128x128xf32>
        %get3A_272 = vector.shape_cast %get3A_271 : vector<1x128x128xf32> to vector<128x128xf32>
        %convert_element_type3A_273 = arith.truncf %get3A_272 : vector<128x128xf32> to vector<128x128xbf16>
        %dot_general3A = arith.constant dense<0.000000e+00> : vector<128x128xf32>
        %dot_general3A_274 = tpu.matmul %convert_element_type3A_234, %convert_element_type3A_273, %dot_general3A {dimension_numbers = #tpu.dot_dimension_numbers<[1], [1], [0], [0], [0, 0, 1, 0], [], []>, transpose_lhs_hint = false} : vector<128x128xbf16>, vector<128x128xbf16>, vector<128x128xf32> -> vector<128x128xf32>
        %get3A_275 = arith.index_cast %while3A_250 : i32 to index
        %get3A_276 = arith.constant 0 : index
        %get3A_277 = arith.constant 0 : index
        %get3A_278 = vector.load %arg5[%get3A_275, %get3A_276, %get3A_277] : memref<16x1x128xf32, #tpu.memory_space<vmem>>, vector<1x1x128xf32>
        %get3A_279 = vector.shape_cast %get3A_278 : vector<1x1x128xf32> to vector<1x128xf32>
        %add3A_280 = vector.broadcast %get3A_279 : vector<1x128xf32> to vector<128x128xf32>
        %add3A_281 = arith.addf %dot_general3A_274, %add3A_280 : vector<128x128xf32>
        %max3A = arith.constant 0.000000e+00 : f32
        %max3A_282 = vector.broadcast %max3A : f32 to vector<128x128xf32>
        %max3A_283 = arith.maximumf %add3A_281, %max3A_282 : vector<128x128xf32>
        %convert_element_type3A_284 = arith.truncf %max3A_283 : vector<128x128xf32> to vector<128x128xbf16>
        %get3A_285 = arith.index_cast %while3A_250 : i32 to index
        %get3A_286 = arith.constant 0 : index
        %get3A_287 = arith.constant 0 : index
        %get3A_288 = vector.load %arg6[%get3A_285, %get3A_286, %get3A_287] : memref<16x128x128xf32, #tpu.memory_space<vmem>>, vector<1x128x128xf32>
        %get3A_289 = vector.shape_cast %get3A_288 : vector<1x128x128xf32> to vector<128x128xf32>
        %convert_element_type3A_290 = arith.truncf %get3A_289 : vector<128x128xf32> to vector<128x128xbf16>
        %dot_general3A_291 = arith.constant dense<0.000000e+00> : vector<128x128xf32>
        %dot_general3A_292 = tpu.matmul %convert_element_type3A_284, %convert_element_type3A_290, %dot_general3A_291 {dimension_numbers = #tpu.dot_dimension_numbers<[1], [1], [0], [0], [0, 0, 1, 0], [], []>, transpose_lhs_hint = false} : vector<128x128xbf16>, vector<128x128xbf16>, vector<128x128xf32> -> vector<128x128xf32>
        %get3A_293 = arith.index_cast %while3A_250 : i32 to index
        %get3A_294 = arith.constant 0 : index
        %get3A_295 = arith.constant 0 : index
        %get3A_296 = vector.load %arg7[%get3A_293, %get3A_294, %get3A_295] : memref<16x1x128xf32, #tpu.memory_space<vmem>>, vector<1x1x128xf32>
        %get3A_297 = vector.shape_cast %get3A_296 : vector<1x1x128xf32> to vector<1x128xf32>
        %add3A_298 = vector.broadcast %get3A_297 : vector<1x128xf32> to vector<128x128xf32>
        %add3A_299 = arith.addf %dot_general3A_292, %add3A_298 : vector<128x128xf32>
        %get3A_300 = arith.index_cast %mul3A_6 : i32 to index
        %get3A_301 = arith.constant 0 : index
        %get3A_302 = vector.load %arg9[%get3A_300, %get3A_301] : memref<2048x128xf32, #tpu.memory_space<vmem>>, vector<128x128xf32>
        %jit3A_303 = arith.constant 0.000000e+00 : f32
        %broadcast_in_dim3A_304 = vector.shape_cast %and3A : vector<128x1xi1> to vector<128x1xi1>
        %broadcast_in_dim3A_305 = vector.broadcast %broadcast_in_dim3A_304 : vector<128x1xi1> to vector<128x128xi1>
        %broadcast_in_dim3A_306 = vector.broadcast %jit3A_303 : f32 to vector<128x128xf32>
        %select_n3A_307 = arith.select %broadcast_in_dim3A_305, %add3A_299, %broadcast_in_dim3A_306 : vector<128x128xi1>, vector<128x128xf32>
        %add3A_308 = arith.addf %get3A_302, %select_n3A_307 : vector<128x128xf32>
        %swap3A_309 = arith.index_cast %mul3A_6 : i32 to index
        %swap3A_310 = arith.constant 0 : index
        %swap3A_311 = vector.load %arg9[%swap3A_309, %swap3A_310] : memref<2048x128xf32, #tpu.memory_space<vmem>>, vector<128x128xf32>
        tpu.vector_store %arg9[%swap3A_309, %swap3A_310], %add3A_308 {strides = array<i32>} : memref<2048x128xf32, #tpu.memory_space<vmem>>, vector<128x128xf32>,
        %while3A_312 = arith.constant 0 : i32
        scf.yield %while3A_312 : i32
      }
      %while3A_248 = arith.constant 1 : i32
      %while3A_249 = scf.for %while3A_250 = %while3A_245 to %while3A_241 step %while3A_248 iter_args(%while3A_251 = %while3A_247) -> (i32)  : i32 {
        %get3A_252 = arith.index_cast %while3A_250 : i32 to index
        %get3A_253 = memref.load %arg1[%get3A_252] : memref<16xi32, #tpu.memory_space<smem>>
        %add3A_254 = arith.constant 1 : i32
        %add3A_255 = arith.addi %while3A_250, %add3A_254 : i32
        %min3A = arith.constant 15 : i32
        %min3A_256 = arith.minsi %add3A_255, %min3A : i32
        %get3A_257 = arith.index_cast %min3A_256 : i32 to index
        %get3A_258 = memref.load %arg1[%get3A_257] : memref<16xi32, #tpu.memory_space<smem>>
        %eq3A = arith.constant 15 : i32
        %eq3A_259 = arith.cmpi eq, %while3A_250, %eq3A : i32
        %jit3A_260 = arith.constant 2048 : i32
        %select_n3A_261 = arith.select %eq3A_259, %jit3A_260, %get3A_258 : i32
        %sub3A_262 = arith.subi %get3A_253, %mul3A_6 : i32
        %ge3A_263 = vector.broadcast %sub3A_262 : i32 to vector<128x1xi32>
        %ge3A_264 = arith.cmpi sge, %iota3A, %ge3A_263 : vector<128x1xi32>
        %sub3A_265 = arith.subi %select_n3A_261, %mul3A_6 : i32
        %lt3A_266 = vector.broadcast %sub3A_265 : i32 to vector<128x1xi32>
        %lt3A_267 = arith.cmpi slt, %iota3A, %lt3A_266 : vector<128x1xi32>
        %and3A = arith.andi %ge3A_264, %lt3A_267 : vector<128x1xi1>
        %get3A_268 = arith.index_cast %while3A_250 : i32 to index
        %get3A_269 = arith.constant 0 : index
        %get3A_270 = arith.constant 0 : index
        %get3A_271 = vector.load %arg4[%get3A_268, %get3A_269, %get3A_270] : memref<16x128x128xf32, #tpu.memory_space<vmem>>, vector<1x128x128xf32>
        %get3A_272 = vector.shape_cast %get3A_271 : vector<1x128x128xf32> to vector<128x128xf32>
        %convert_element_type3A_273 = arith.truncf %get3A_272 : vector<128x128xf32> to vector<128x128xbf16>
        %dot_general3A = arith.constant dense<0.000000e+00> : vector<128x128xf32>
        %dot_general3A_274 = tpu.matmul %convert_element_type3A_234, %convert_element_type3A_273, %dot_general3A {dimension_numbers = #tpu.dot_dimension_numbers<[1], [1], [0], [0], [0, 0, 1, 0], [], []>, transpose_lhs_hint = false} : vector<128x128xbf16>, vector<128x128xbf16>, vector<128x128xf32> -> vector<128x128xf32>
        %get3A_275 = arith.index_cast %while3A_250 : i32 to index
        %get3A_276 = arith.constant 0 : index
        %get3A_277 = arith.constant 0 : index
        %get3A_278 = vector.load %arg5[%get3A_275, %get3A_276, %get3A_277] : memref<16x1x128xf32, #tpu.memory_space<vmem>>, vector<1x1x128xf32>
        %get3A_279 = vector.shape_cast %get3A_278 : vector<1x1x128xf32> to vector<1x128xf32>
        %add3A_280 = vector.broadcast %get3A_279 : vector<1x128xf32> to vector<128x128xf32>
        %add3A_281 = arith.addf %dot_general3A_274, %add3A_280 : vector<128x128xf32>
        %max3A = arith.constant 0.000000e+00 : f32
        %max3A_282 = vector.broadcast %max3A : f32 to vector<128x128xf32>
        %max3A_283 = arith.maximumf %add3A_281, %max3A_282 : vector<128x128xf32>
        %convert_element_type3A_284 = arith.truncf %max3A_283 : vector<128x128xf32> to vector<128x128xbf16>
        %get3A_285 = arith.index_cast %while3A_250 : i32 to index
        %get3A_286 = arith.constant 0 : index
        %get3A_287 = arith.constant 0 : index
        %get3A_288 = vector.load %arg6[%get3A_285, %get3A_286, %get3A_287] : memref<16x128x128xf32, #tpu.memory_space<vmem>>, vector<1x128x128xf32>
        %get3A_289 = vector.shape_cast %get3A_288 : vector<1x128x128xf32> to vector<128x128xf32>
        %convert_element_type3A_290 = arith.truncf %get3A_289 : vector<128x128xf32> to vector<128x128xbf16>
        %dot_general3A_291 = arith.constant dense<0.000000e+00> : vector<128x128xf32>
        %dot_general3A_292 = tpu.matmul %convert_element_type3A_284, %convert_element_type3A_290, %dot_general3A_291 {dimension_numbers = #tpu.dot_dimension_numbers<[1], [1], [0], [0], [0, 0, 1, 0], [], []>, transpose_lhs_hint = false} : vector<128x128xbf16>, vector<128x128xbf16>, vector<128x128xf32> -> vector<128x128xf32>
        %get3A_293 = arith.index_cast %while3A_250 : i32 to index
        %get3A_294 = arith.constant 0 : index
        %get3A_295 = arith.constant 0 : index
        %get3A_296 = vector.load %arg7[%get3A_293, %get3A_294, %get3A_295] : memref<16x1x128xf32, #tpu.memory_space<vmem>>, vector<1x1x128xf32>
        %get3A_297 = vector.shape_cast %get3A_296 : vector<1x1x128xf32> to vector<1x128xf32>
        %add3A_298 = vector.broadcast %get3A_297 : vector<1x128xf32> to vector<128x128xf32>
        %add3A_299 = arith.addf %dot_general3A_292, %add3A_298 : vector<128x128xf32>
        %get3A_300 = arith.index_cast %mul3A_6 : i32 to index
        %get3A_301 = arith.constant 0 : index
        %get3A_302 = vector.load %arg9[%get3A_300, %get3A_301] : memref<2048x128xf32, #tpu.memory_space<vmem>>, vector<128x128xf32>
        %jit3A_303 = arith.constant 0.000000e+00 : f32
        %broadcast_in_dim3A_304 = vector.shape_cast %and3A : vector<128x1xi1> to vector<128x1xi1>
        %broadcast_in_dim3A_305 = vector.broadcast %broadcast_in_dim3A_304 : vector<128x1xi1> to vector<128x128xi1>
        %broadcast_in_dim3A_306 = vector.broadcast %jit3A_303 : f32 to vector<128x128xf32>
        %select_n3A_307 = arith.select %broadcast_in_dim3A_305, %add3A_299, %broadcast_in_dim3A_306 : vector<128x128xi1>, vector<128x128xf32>
        %add3A_308 = arith.addf %get3A_302, %select_n3A_307 : vector<128x128xf32>
        %swap3A_309 = arith.index_cast %mul3A_6 : i32 to index
        %swap3A_310 = arith.constant 0 : index
        %swap3A_311 = vector.load %arg9[%swap3A_309, %swap3A_310] : memref<2048x128xf32, #tpu.memory_space<vmem>>, vector<128x128xf32>
        tpu.vector_store %arg9[%swap3A_309, %swap3A_310], %add3A_308 {strides = array<i32>} : memref<2048x128xf32, #tpu.memory_space<vmem>>, vector<128x128xf32>,
        %while3A_312 = arith.constant 0 : i32
        scf.yield %while3A_312 : i32
      }
    } else {
    }
    %ge3A = arith.constant 16 : i32
    %ge3A_2 = arith.cmpi sge, %arg0, %ge3A : i32
    %convert_element_type3A_3 = arith.extui %ge3A_2 : i1 to i32
    %cond3A_4 = arith.constant 0 : i32
    %cond3A_5 = arith.cmpi ne, %convert_element_type3A_3, %cond3A_4 : i32
    scf.if %cond3A_5 {
      %get3A = arith.constant 0 : index
      %get3A_6 = arith.constant 0 : index
      %get3A_7 = arith.constant 0 : index
      %get3A_8 = vector.load %arg3[%get3A, %get3A_6, %get3A_7] : memref<1x1x128xi32, #tpu.memory_space<vmem>>, vector<1x1x128xi32>
      %get3A_9 = vector.shape_cast %get3A_8 : vector<1x1x128xi32> to vector<1x128xi32>
      %transpose3A = tpu.transpose %get3A_9, [1, 0] : vector<1x128xi32> -> vector<128x1xi32>
      %iota3A = tpu.iota {dimensions = array<i32: 1>} : vector<128x2048xi32>
      %eq3A = vector.broadcast %transpose3A : vector<128x1xi32> to vector<128x2048xi32>
      %eq3A_10 = arith.cmpi eq, %eq3A, %iota3A : vector<128x2048xi32>
      %convert_element_type3A_11 = arith.extui %eq3A_10 : vector<128x2048xi1> to vector<128x2048xi32>
      %convert_element_type3A_12 = arith.sitofp %convert_element_type3A_11 : vector<128x2048xi32> to vector<128x2048xf32>
      %convert_element_type3A_13 = arith.truncf %convert_element_type3A_12 : vector<128x2048xf32> to vector<128x2048xbf16>
      %get3A_14 = arith.constant 0 : index
      %get3A_15 = arith.constant 0 : index
      %get3A_16 = vector.load %arg9[%get3A_14, %get3A_15] : memref<2048x128xf32, #tpu.memory_space<vmem>>, vector<2048x128xf32>
      %convert_element_type3A_17 = arith.truncf %get3A_16 : vector<2048x128xf32> to vector<2048x128xbf16>
      %dot_general3A = arith.constant dense<0.000000e+00> : vector<128x128xf32>
      %dot_general3A_18 = tpu.matmul %convert_element_type3A_13, %convert_element_type3A_17, %dot_general3A {dimension_numbers = #tpu.dot_dimension_numbers<[1], [0], [0], [1], [0, 0, 1, 1], [], []>, transpose_lhs_hint = false} : vector<128x2048xbf16>, vector<2048x128xbf16>, vector<128x128xf32> -> vector<128x128xf32>
      %swap3A = arith.constant 0 : index
      %swap3A_19 = arith.constant 0 : index
      %swap3A_20 = vector.load %arg8[%swap3A, %swap3A_19] : memref<128x128xf32, #tpu.memory_space<vmem>>, vector<128x128xf32>
      tpu.vector_store %arg8[%swap3A, %swap3A_19], %dot_general3A_18 {strides = array<i32>} : memref<128x128xf32, #tpu.memory_space<vmem>>, vector<128x128xf32>,
    } else {
    }
    return
  }
  func.func @transform_0(%arg0: i32) -> i32 {
    %c0_i32 = arith.constant 0 : i32
    %c0_i32_0 = arith.constant 0 : i32
    return %c0_i32 : i32
  }
  func.func @transform_1(%arg0: i32) -> (i32, i32) {
    %min3A = arith.constant 15 : i32
    %min3A_0 = arith.minsi %arg0, %min3A : i32
    %c0_i32 = arith.constant 0 : i32
    %c0_i32_1 = arith.constant 0 : i32
    return %min3A_0, %c0_i32 : i32, i32
  }
  func.func @transform_2(%arg0: i32) -> (i32, i32, i32) {
    %sub3A = arith.constant 16 : i32
    %sub3A_0 = arith.subi %arg0, %sub3A : i32
    %max3A = arith.constant 0 : i32
    %max3A_1 = arith.maxsi %sub3A_0, %max3A : i32
    %c0_i32 = arith.constant 0 : i32
    %c0_i32_2 = arith.constant 0 : i32
    %c0_i32_3 = arith.constant 0 : i32
    return %max3A_1, %c0_i32, %c0_i32_2 : i32, i32, i32
  }
  func.func @transform_3(%arg0: i32) -> (i32, i32, i32) {
    %c0_i32 = arith.constant 0 : i32
    %c0_i32_0 = arith.constant 0 : i32
    %c0_i32_1 = arith.constant 0 : i32
    %c0_i32_2 = arith.constant 0 : i32
    return %c0_i32, %c0_i32_0, %c0_i32_1 : i32, i32, i32
  }
  func.func @transform_4(%arg0: i32) -> (i32, i32, i32) {
    %c0_i32 = arith.constant 0 : i32
    %c0_i32_0 = arith.constant 0 : i32
    %c0_i32_1 = arith.constant 0 : i32
    %c0_i32_2 = arith.constant 0 : i32
    return %c0_i32, %c0_i32_0, %c0_i32_1 : i32, i32, i32
  }
  func.func @transform_5(%arg0: i32) -> (i32, i32, i32) {
    %c0_i32 = arith.constant 0 : i32
    %c0_i32_0 = arith.constant 0 : i32
    %c0_i32_1 = arith.constant 0 : i32
    %c0_i32_2 = arith.constant 0 : i32
    return %c0_i32, %c0_i32_0, %c0_i32_1 : i32, i32, i32
  }
  func.func @transform_6(%arg0: i32) -> (i32, i32, i32) {
    %c0_i32 = arith.constant 0 : i32
    %c0_i32_0 = arith.constant 0 : i32
    %c0_i32_1 = arith.constant 0 : i32
    %c0_i32_2 = arith.constant 0 : i32
    return %c0_i32, %c0_i32_0, %c0_i32_1 : i32, i32, i32
  }
  func.func @transform_7(%arg0: i32) -> (i32, i32) {
    %sub3A = arith.constant 16 : i32
    %sub3A_0 = arith.subi %arg0, %sub3A : i32
    %max3A = arith.constant 0 : i32
    %max3A_1 = arith.maxsi %sub3A_0, %max3A : i32
    %c0_i32 = arith.constant 0 : i32
    %c0_i32_2 = arith.constant 0 : i32
    return %max3A_1, %c0_i32 : i32, i32
  }
}

</mosaic_0001>

<sc_bundles>
// kernel: _run.5.cloned.1.call-start
scs
__scs_entry_jumppad:
0x0: {  	(pc) =	sbr.rel $0x88, $3  }
0x1: {  	(tag) =	ssettag $0x0;
	lr =	simm.s32 $0x1  }
0x2: {  	[smem:$0x3F9B] =	sst lr;
	_ =	strace $0xD0000000  }
0x3: {  	_ = 	snop  }
0x4: {  	_ = 	snop  }
0x5: {  	_ = 	snop  }
0x6: {  	_ = 	snop  }
0x7: {  	_ = 	snop  }
__scs_overlays_trampoline_lowered:
0x8: {  	[smem:$0x3FAA] =	sst s0  }
0x9: {  	[smem:$0x3FAB] =	sst s1  }
0xa: {  	[smem:$0x3FAC] =	sst s2  }
0xb: {  	[smem:$0x3FAD] =	sst s3  }
0xc: {  	[smem:$0x3FAE] =	sst s4  }
0xd: {  	[smem:$0x3FAF] =	sst s5  }
0xe: {  	[smem:$0x3FB0] =	sst s6  }
0xf: {  	[smem:$0x3FB1] =	sst s7  }
0x10: {  	[smem:$0x3FB2] =	sst s8  }
0x11: {  	[smem:$0x3FB3] =	sst s9;
	s0 =	simm.s32 @!p0 $0x0  }
0x12: {  	s1 =	sld [smem:$0x3F99];
	s0 =	simm.s32 @p0 $0x1  }
0x13: {  	[smem:$0x3FB4] =	sst s0;
	s0 =	simm.s32 @!p1 $0x0  }
0x14: {  	s2 =	sld [smem:$0x3F98];
	s0 =	simm.s32 @p1 $0x1  }
0x15: {  	[smem:$0x3FB5] =	sst s0;
	s0 =	simm.s32 @!p2 $0x0  }
0x16: {  	s3 =	sld [smem:$0x3FDB];
	s0 =	simm.s32 @p2 $0x1  }
0x17: {  	s4 =	simm.s32 $0x1BF5;
	[smem:$0x3FB7] =	sst s0  }
0x18: {  	s0 =	sld [smem:$0x3F9A];
	_ =	swait.ge [sflag:s4], $0x0  }
0x19: {  	s7 =	sld [smem:$0x3F9B]  }
0x1a: {  	s8 =	sadd.s32 $0xFFFFE003, lr  }
0x1b: {  	s9 =	sadd.s32 $0xFFFFFEF7, lr;
	s5 =	simm.s32 $0xFFFFFFFF;
	p2 =	slt.u32 s8, $0xFFFFF086  }
0x1c: {  	p1 =	slt.u32 s9, $0xF7A;
	s5 =	simm.s32 @!p2 $0x0  }
0x1d: {  	s5 =	simm.s32 @p1 $0x1;
	p0 =	seq.s32 s7, s2  }
0x1e: {  	s7 =	smul.u32 @!p0 $0xF7A, s2;
	p2 =	seq.s32 @!p0 s5, $0x0  }
0x1f: {  	s9 =	smul.u32 $0xF7A, s1;
	s8 =	simm.s32 @!p0 $0x1BF5;
	p2 =	por !p2, p0  }
0x20: {  	[sflag:s8] =	ssyncset.s32 @!p0 $0xFFFFF086;
	s6 =	sadd.s32 @!p0 s3, s7;
	s7 =	simm.s32 @!p0 $0x108  }
0x21: {  	s3 =	sadd.s32 s3, s9;
	s6 =	sadd.s32 @!p0 $0x88, s6;
	s7 =	simm.s32 @p2 $0x1082  }
0x22: {  	[simem:s7], [sflag:s8] =	dma.local @!p0 [hbm:s6], $0xF7A  }
0x23: {  	s9 =	sor.u32 $0xD0000000, s2;
	s6 =	simm.s32 $0x108;
	_ =	swait.ge @!p0 [sflag:s8], $0x0  }
0x24: {  	s3 =	sadd.s32 $0x88, s3;
	s6 =	simm.s32 @!p1 $0x1082;
	[sflag:s4] =	ssyncset.s32 $0xFFFFF086  }
0x25: {  	[simem:s6], [sflag:s4] =	dma.local [hbm:s3], $0xF7A  }
0x26: {  	[smem:$0x3F9B] =	sst s1;
	(tag) =	ssettag s2;
	_ =	strace s9  }
0x27: {  	s1 =	sld [smem:$0x3FAB]  }
0x28: {  	s2 =	sld [smem:$0x3FAC]  }
0x29: {  	s4 =	sld [smem:$0x3FAE]  }
0x2a: {  	p0 =	seq.s32 s5, $0x0;
	s5 =	sld [smem:$0x3FAF]  }
0x2b: {  	s6 =	sld [smem:$0x3FB0]  }
0x2c: {  	s7 =	sld [smem:$0x3FB1]  }
0x2d: {  	s3 =	simm.s32 $0x108;
	s8 =	sld [smem:$0x3FB2]  }
0x2e: {  	s3 =	simm.s32 @!p0 $0x1082;
	s9 =	sld [smem:$0x3FB3]  }
0x2f: {  	lr =	sadd.s32 s0, s3;
	s0 =	sld [smem:$0x3FAA]  }
0x30: {  	s3 =	sld [smem:$0x3FAD]  }
0x31: {  	[smem:$0x3FB6] =	sst s10  }
0x32: {  	s10 =	sld [smem:$0x3FB4];
	_ =	sdelay $0x3  }
0x33: {  	p0 =	seq.s32 s10, $0x1;
	s10 =	sld [smem:$0x3FB6];
	_ =	sdelay $0x3  }
0x34: {  	[smem:$0x3FB6] =	sst s10  }
0x35: {  	s10 =	sld [smem:$0x3FB5];
	_ =	sdelay $0x3  }
0x36: {  	p1 =	seq.s32 s10, $0x1;
	s10 =	sld [smem:$0x3FB6];
	_ =	sdelay $0x3  }
0x37: {  	[smem:$0x3FB6] =	sst s10  }
0x38: {  	s10 =	sld [smem:$0x3FB7]  }
0x39: {  	_ = 	snop;
	(pc) =	sbr.ind lr, $3  }
0x3a: {  	_ = 	snop  }
0x3b: {  	_ = 	snop  }
0x3c: {  	p2 =	seq.s32 s10, $0x1;
	s10 =	sld [smem:$0x3FB6]  }
0x3d: {  	_ =	shalt  }
0x3e: {  	_ =	shalt  }
0x3f: {  	_ =	shalt  }
0x40: {  	_ =	shalt  }
0x41: {  	_ =	shalt  }
0x42: {  	_ =	shalt  }
0x43: {  	_ =	shalt  }
0x44: {  	_ =	shalt  }
0x45: {  	_ =	shalt  }
0x46: {  	_ =	shalt  }
0x47: {  	_ =	shalt  }
0x48: {  	_ =	shalt  }
0x49: {  	_ =	shalt  }
0x4a: {  	_ =	shalt  }
0x4b: {  	_ =	shalt  }
0x4c: {  	_ =	shalt  }
0x4d: {  	_ =	shalt  }
0x4e: {  	_ =	shalt  }
0x4f: {  	_ =	shalt  }
0x50: {  	_ =	shalt  }
0x51: {  	_ =	shalt  }
0x52: {  	_ =	shalt  }
0x53: {  	_ =	shalt  }
0x54: {  	_ =	shalt  }
0x55: {  	_ =	shalt  }
0x56: {  	_ =	shalt  }
0x57: {  	_ =	shalt  }
0x58: {  	_ =	shalt  }
0x59: {  	_ =	shalt  }
0x5a: {  	_ =	shalt  }
0x5b: {  	_ =	shalt  }
0x5c: {  	_ =	shalt  }
0x5d: {  	_ =	shalt  }
0x5e: {  	_ =	shalt  }
0x5f: {  	_ =	shalt  }
0x60: {  	_ =	shalt  }
0x61: {  	_ =	shalt  }
0x62: {  	_ =	shalt  }
0x63: {  	_ =	shalt  }
0x64: {  	_ =	shalt  }
0x65: {  	_ =	shalt  }
0x66: {  	_ =	shalt  }
0x67: {  	_ =	shalt  }
0x68: {  	_ =	shalt  }
0x69: {  	_ =	shalt  }
0x6a: {  	_ =	shalt  }
0x6b: {  	_ =	shalt  }
0x6c: {  	_ =	shalt  }
0x6d: {  	_ =	shalt  }
0x6e: {  	_ =	shalt  }
0x6f: {  	_ =	shalt  }
0x70: {  	_ =	shalt  }
0x71: {  	_ =	shalt  }
0x72: {  	_ =	shalt  }
0x73: {  	_ =	shalt  }
0x74: {  	_ =	shalt  }
0x75: {  	_ =	shalt  }
0x76: {  	_ =	shalt  }
0x77: {  	_ =	shalt  }
0x78: {  	_ =	shalt  }
0x79: {  	_ =	shalt  }
0x7a: {  	_ =	shalt  }
0x7b: {  	_ =	shalt  }
0x7c: {  	_ =	shalt  }
0x7d: {  	_ =	shalt  }
0x7e: {  	_ =	shalt  }
0x7f: {  	_ =	shalt  }
0x80: {  	_ =	shalt  }
0x81: {  	_ =	shalt  }
0x82: {  	_ =	shalt  }
0x83: {  	_ =	shalt  }
0x84: {  	_ =	shalt  }
0x85: {  	_ =	shalt  }
0x86: {  	_ =	shalt  }
0x87: {  	_ =	shalt  }
.Lfunc_end0:
.L_simem_size_0:
called_computation_lowered:
.L_overlay_start_0:
0x88: {  	s2 =	sld [smem:$0x3FD9]  }
0x89: {  	s3 =	sld [smem:$0x3FFE];
	_ =	sdelay $0x1  }
0x8a: {  	s1 =	srdreg.scid  }
0x8b: {  	s0 =	sand.u32 $0x1, s1  }
0x8c: {  	s17 =	sshll.u32 s0, $0xA;
	s2 =	sadd.s32 s3, s2  }
0x8d: {  	s2 =	sadd.s32 s2, s17  }
0x8e: {  	[smem:$0x3FC2] =	sst s2  }
0x8f: {  	_ = 	snop  }
0x90: {  	s2 =	sld [smem:$0x3FC9];
	(tm) =	ssettm $0x1  }
0x91: {  	s18 =	sld [smem:$0x3FFB];
	_ =	sdelay $0x3  }
0x92: {  	_ =	strace s18  }
0x93: {  	s3 =	sld [smem:$0x3FFC];
	_ =	sdelay $0x3  }
0x94: {  	_ =	strace s3  }
0x95: {  	s3 =	sld [smem:$0x3FFD];
	_ =	sdelay $0x3  }
0x96: {  	_ =	strace s3  }
0x97: {  	_ =	strace $0x8FFFFFFF  }
0x98: {  	s19 =	sld [smem:$0x3FDB];
	_ =	sdelay $0x1  }
0x99: {  	s4 =	simm.s32 $_scs_section_size  }
0x9a: {  	s5 =	simm.s32 $_size__tile_overlayer_lowered;
	s6 =	simm.s32 $_tile_overlayer_lowered  }
0x9b: {  	s22 =	simm.s32 $0x1BFF;
	s21 =	sshll.u32 s6, $0x1;
	s3 =	sadd.s32 s4, s19  }
0x9c: {  	s7 =	simm.s32 $0x0;
	s20 =	sshll.u32 s5, $0x1;
	s5 =	sadd.s32 s21, s3  }
0x9d: {  	[timem:s7], [sflag:s22] =	dma.local [hbm:s5], s20  }
0x9e: {  	_ =	swait.ge [sflag:s22], s20  }
0x9f: {  	s4 =	ssub.s32 $0x0, s20;
	[sflag:s22] =	ssyncset.done $0x0  }
0xa0: {  	[sflag:s22] =	ssyncadd.s32 s4;
	_ =	sdelay $0x1  }
0xa1: {  	s23 =	simm.s32 $0x1B8B  }
0xa2: {  	_ =	swait.ge [sflag:s23], $0x1  }
0xa3: {  	[sflag:s23] =	ssyncset.done $0x0  }
0xa4: {  	s25 =	simm.s32 $0x1B8E;
	s24 =	sld [smem:$0x3FFE];
	[sflag:s23] =	ssyncadd.s32 $0xFFFFFFFF  }
0xa5: {  	s26 =	simm.s32 $execute0_lowered;
	[smem:$0x3FD2] =	sst s25  }
0xa6: {  	s5 =	sshll.u32 s26, $0x1;
	_ =	strace $0x80000046;
	[dreg:$0x1] =	wrdreg $0xFFFFFFFF  }
0xa7: {  	s28 =	simm.s32 $_size_execute0_lowered;
	s3 =	sadd.s32 s3, s5;
	[dreg:$0x0] =	wrdreg $0x0  }
0xa8: {  	s5 =	sshll.u32 s28, $0x1;
	[dreg:$0x2] =	wrdreg s3  }
0xa9: {  	[dreg:$0x3] =	wrdreg s5  }
0xaa: {  	[dreg:$0x4] =	wrdreg $0xC0  }
0xab: {  	_ =	task [dreg:s7], $0x5FFFF  }
0xac: {  	[dreg:$0x1] =	wrdreg $0xFFFFFFFF  }
0xad: {  	[dreg:$0x0] =	wrdreg $0x60  }
0xae: {  	[dreg:$0x2] =	wrdreg s2  }
0xaf: {  	[dreg:$0x3] =	wrdreg s24  }
0xb0: {  	[dreg:$0x4] =	wrdreg $0x9  }
0xb1: {  	_ =	task.clear_ibuf [dreg:s7], $0x5FFFF;
	_ =	strace $0x90000046  }
0xb2: {  	s29 =	simm.s32 $0x9;
	_ =	strace $0x80000048  }
0xb3: {  	_ =	swait.ge [sflag:s29], $0x1  }
0xb4: {  	[sflag:s29] =	ssyncadd.s32 $0xFFFFFFFF  }
0xb5: {  	_ =	strace $0x90000048  }
0xb6: {  	_ =	sfence  }
0xb7: {  	s30 =	sld [smem:$0x0];
	_ =	sdelay $0x2  }
0xb8: {  	s31 =	sshll.u32 s1, $0xD;
	s1 =	sshrl.u32 s1, $0x2  }
0xb9: {  	s3 =	sand.u32 $0x4000, s31;
	s1 =	sadd.s32 s1, s30  }
0xba: {  	s0 =	sor.u32 s3, s0;
	s1 =	sshll.u32 s1, $0x11  }
0xbb: {  	s0 =	sor.u32 s1, s0  }
0xbc: {  	s0 =	sadd.s32 $0x8F2B, s0  }
0xbd: {  	[sflag:s0] =	ssyncadd.remote.s32 $0x1  }
0xbe: {  	_ =	sfence.sel $0xFFFF  }
0xbf: {  	[dreg:$0x0] =	wrdreg $0xFFFFFFFF;
	(pc) =	sbr.abs _section_cstart, $3  }
0xc0: {  	[dreg:$0x1] =	wrdreg $0xFFFFFFFF  }
0xc1: {  	_ =	task.clear_ibuf [dreg:s7], $0x2FFFF;
	_ =	strace $0x9FFFFFFF  }
0xc2: {  	(tm) =	ssettm $0x7FFFFFFF  }
0xc3: {  	_ =	shalt  }
tec
execute0_lowered:
.L_overlay_start_1:
0x0: {  	(tag) =	ssettag $0x1  }
0x1: {  	s3 =	rddreg [dreg:$0x0]  }
0x2: {  	s1 =	srdreg.scid;
	s0 =	stileid.u32  }
0x3: {  	s5 =	rddreg [dreg:$0x1];
	s7 =	sand.u32 $0x1, s1;
	s4 =	sshll.u32 s0, $0x1  }
0x4: {  	s2 =	simm.s32 $0x0;
	s1 =	rddreg [dreg:$0x2];
	s6 =	sor.u32 s7, s4  }
0x5: {  	[smem:$0x7FF] =	sst s2;
	s4 =	sshll.u32 s6, $0x3  }
0x6: {  	_ =	strace $0x80000047;
	s4 =	sadd.s32 s3, s4;
	s3 =	simm.s32 $0x1  }
0x7: {  	[tilespmem:s2], [sflag:$0x1] =	stream.linear.gather [hbm4b:s4+s2], $0x40, $0x38;
	[tilespmem:$0x100] =	vst v63  }
0x8: {  	_ =	swait.ge [sflag:s3], $0x40  }
0x9: {  	[sflag:s3] =	ssyncset.done $0x0  }
0xa: {  	[sflag:s3] =	ssyncadd.s32 $0xFFFFFFC0  }
0xb: {  	vm9 =	vmmov $0x1;
	v0 =	vld [tilespmem:$0x0]  }
0xc: {  	vm15 =	vcmask $0x308;
	vm14 =	vcmask $0x70C;
	vm13 =	vcmask $0xB10  }
0xd: {  	vm11 =	vcmask $0xF14;
	vm8 =	vcmask $0x1318;
	vm10 =	vcmask $0x171C  }
0xe: {  	vm7 =	vcmask $0x1B20;
	vm4 =	vcmask $0x1F24;
	vm12 =	vcmask $0x2328  }
0xf: {  	vm2 =	vcmask $0x2F34;
	vm6 =	vcmask $0x373C;
	vm3 =	vcmask $0x272C  }
0x10: {  	vm5 =	vmmov vm2;
	vm0 =	veq.s32 v0, $0x0;
	vm1 =	veq.s32 v0, $0x1  }
0x11: {  	v1 =	vmpcnt.ones.xlane vm0;
	v2 =	vmpcnt.ones.xlane vm1;
	vm0 =	veq.s32 v0, $0x5  }
0x12: {  	vm1 =	veq.s32 v0, $0x3;
	v3 =	vmpcnt.ones.xlane vm0;
	vm0 =	veq.s32 v0, $0x6  }
0x13: {  	v4 =	vmpcnt.ones.xlane vm1;
	vm1 =	veq.s32 v0, $0x4;
	v5 =	vmpcnt.ones.xlane vm0  }
0x14: {  	v6 =	vld [tilespmem:$0x10];
	vm0 =	veq.s32 v0, $0x9;
	v8 =	vmpcnt.ones.xlane vm1;
	vm1 =	veq.s32 v0, $0x8  }
0x15: {  	v1 =	vnsel vm9, $0x0, v1;
	v2 =	vsel vm15, $0x0, v2;
	v7 =	vmpcnt.ones.xlane vm0  }
0x16: {  	vm0 =	veq.s32 v0, $0xA;
	v12 =	vmpcnt.ones.xlane vm1;
	vm1 =	veq.s32 v0, $0xB  }
0x17: {  	v1 =	vadd.s32 v1, v2;
	v3 =	vsel vm8, $0x0, v3;
	v4 =	vsel vm13, $0x0, v4  }
0x18: {  	vm8 =	vmmov vm4;
	v9 =	vmpcnt.ones.xlane vm0;
	vm0 =	veq.s32 v0, $0xC  }
0x19: {  	v14 =	vmpcnt.ones.xlane vm1;
	vm1 =	veq.s32 v6, $0x0;
	v5 =	vsel vm10, $0x0, v5  }
0x1a: {  	v8 =	vsel vm11, $0x0, v8;
	v10 =	vmpcnt.ones.xlane vm0;
	vm0 =	veq.s32 v0, $0xD  }
0x1b: {  	v16 =	vmpcnt.ones.xlane vm1;
	vm1 =	veq.s32 v6, $0x1;
	v7 =	vsel vm12, $0x0, v7  }
0x1c: {  	v12 =	vsel vm4, $0x0, v12;
	v11 =	vmpcnt.ones.xlane vm0;
	vm0 =	veq.s32 v0, $0xE  }
0x1d: {  	vm4 =	vcmask $0x3338;
	v9 =	vsel vm3, $0x0, v9;
	v13 =	vmpcnt.ones.xlane vm0  }
0x1e: {  	vm0 =	veq.s32 v0, $0xF;
	v10 =	vsel vm2, $0x0, v10;
	vm2 =	vcmask $0x2B30  }
0x1f: {  	v50 =	vnsel vm9, $0x0, v16;
	v15 =	vmpcnt.ones.xlane vm0;
	vm0 =	veq.s32 v0, $0x2  }
0x20: {  	v11 =	vsel vm4, $0x0, v11;
	v14 =	vsel vm2, $0x0, v14;
	v17 =	vmpcnt.ones.xlane vm0  }
0x21: {  	vm0 =	veq.s32 v0, $0x7;
	v0 =	vmpcnt.ones.xlane vm1;
	vm1 =	veq.s32 v6, $0x3  }
0x22: {  	v13 =	vsel vm6, $0x0, v13;
	v18 =	vmpcnt.ones.xlane vm0;
	vm0 =	veq.s32 v6, $0x2  }
0x23: {  	v20 =	vmpcnt.ones.xlane vm1;
	vm1 =	veq.s32 v6, $0x4;
	v19 =	vmpcnt.ones.xlane vm0  }
0x24: {  	vm0 =	veq.s32 v6, $0xD;
	v21 =	vmpcnt.ones.xlane vm1;
	vm1 =	veq.s32 v6, $0x5  }
0x25: {  	v17 =	vsel vm14, $0x0, v17;
	v0 =	vsel vm15, $0x0, v0;
	v22 =	vmpcnt.ones.xlane vm1  }
0x26: {  	vm1 =	veq.s32 v6, $0x6;
	v1 =	vadd.s32 v17, v1;
	v18 =	vsel vm7, $0x0, v18  }
0x27: {  	v52 =	vsel vm13, $0x0, v20;
	v23 =	vmpcnt.ones.xlane vm1;
	vm1 =	veq.s32 v6, $0x7  }
0x28: {  	v1 =	vadd.s32 v4, v1;
	v2 =	vmpcnt.ones.xlane vm1;
	vm1 =	veq.s32 v6, $0x8  }
0x29: {  	v24 =	vld [tilespmem:$0x20];
	v1 =	vadd.s32 v8, v1;
	v25 =	vmpcnt.ones.xlane vm1;
	vm1 =	veq.s32 v6, $0x9  }
0x2a: {  	v1 =	vadd.s32 v3, v1;
	v3 =	vmpcnt.ones.xlane vm0;
	vm0 =	veq.s32 v6, $0xE  }
0x2b: {  	v26 =	vmpcnt.ones.xlane vm1;
	vm1 =	veq.s32 v6, $0xA;
	v1 =	vadd.s32 v5, v1  }
0x2c: {  	v5 =	vmpcnt.ones.xlane vm0;
	v27 =	vmpcnt.ones.xlane vm1;
	vm1 =	veq.s32 v6, $0xB  }
0x2d: {  	vm0 =	veq.s32 v6, $0xF;
	v1 =	vadd.s32 v18, v1;
	v45 =	vmpcnt.ones.xlane vm1  }
0x2e: {  	vm1 =	veq.s32 v6, $0xC;
	v6 =	vmpcnt.ones.xlane vm0;
	vm0 =	veq.s32 v24, $0x0  }
0x2f: {  	v1 =	vadd.s32 v12, v1;
	v4 =	vmpcnt.ones.xlane vm1;
	vm1 =	veq.s32 v24, $0x2  }
0x30: {  	v8 =	vmpcnt.ones.xlane vm0;
	vm0 =	veq.s32 v24, $0x1;
	v1 =	vadd.s32 v7, v1  }
0x31: {  	v46 =	vmpcnt.ones.xlane vm0;
	v47 =	vmpcnt.ones.xlane vm1;
	vm0 =	veq.s32 v24, $0x3  }
0x32: {  	v1 =	vadd.s32 v9, v1;
	vm1 =	vmmov $0x7fff;
	v7 =	vmpcnt.ones.xlane vm0  }
0x33: {  	vm0 =	veq.s32 v24, $0x4;
	v1 =	vadd.s32 v14, v1;
	v15 =	vsel vm1, $0x0, v15  }
0x34: {  	v9 =	vmpcnt.ones.xlane vm0;
	vm0 =	veq.s32 v24, $0x5;
	v1 =	vadd.s32 v10, v1  }
0x35: {  	v10 =	vmpcnt.ones.xlane vm0;
	vm0 =	veq.s32 v24, $0x6;
	v1 =	vadd.s32 v11, v1  }
0x36: {  	v11 =	vmpcnt.ones.xlane vm0;
	vm0 =	veq.s32 v24, $0x7;
	v1 =	vadd.s32 v13, v1  }
0x37: {  	v48 =	vmpcnt.ones.xlane vm0;
	vm0 =	veq.s32 v24, $0x8;
	v1 =	vadd.s32 v15, v1  }
0x38: {  	v53 =	vsel vm11, $0x0, v21;
	v49 =	vmpcnt.ones.xlane vm0;
	v1 =	vadd.s32 v50, v1  }
0x39: {  	vm0 =	veq.s32 v24, $0x9;
	v0 =	vadd.s32 v0, v1;
	v1 =	vsel vm14, $0x0, v19  }
0x3a: {  	v51 =	vmpcnt.ones.xlane vm0;
	vm0 =	veq.s32 v24, $0xA;
	v0 =	vadd.s32 v1, v0  }
0x3b: {  	v1 =	vmpcnt.ones.xlane vm0;
	vm0 =	vcmask $0x1318;
	v0 =	vadd.s32 v52, v0  }
0x3c: {  	v56 =	vsel vm10, $0x0, v23;
	v54 =	vsel vm0, $0x0, v22;
	v0 =	vadd.s32 v53, v0  }
0x3d: {  	v2 =	vsel vm7, $0x0, v2;
	v3 =	vsel vm4, $0x0, v3;
	v0 =	vadd.s32 v54, v0  }
0x3e: {  	v58 =	vsel vm12, $0x0, v26;
	v60 =	vsel vm3, $0x0, v27;
	v0 =	vadd.s32 v56, v0  }
0x3f: {  	v17 =	vsel vm2, $0x0, v45;
	v0 =	vadd.s32 v2, v0;
	v2 =	vsel vm8, $0x0, v25  }
0x40: {  	v4 =	vsel vm5, $0x0, v4;
	vm0 =	veq.s32 v24, $0xB;
	v0 =	vadd.s32 v2, v0  }
0x41: {  	v55 =	vmpcnt.ones.xlane vm0;
	vm0 =	veq.s32 v24, $0xC;
	v2 =	vadd.s32 v58, v0;
	v0 =	vld [tilespmem:$0x30]  }
0x42: {  	v57 =	vmpcnt.ones.xlane vm0;
	vm0 =	veq.s32 v24, $0xD;
	v2 =	vadd.s32 v60, v2  }
0x43: {  	v59 =	vmpcnt.ones.xlane vm0;
	vm0 =	veq.s32 v24, $0xE;
	v2 =	vadd.s32 v17, v2  }
0x44: {  	v61 =	vmpcnt.ones.xlane vm0;
	vm0 =	veq.s32 v24, $0xF;
	v2 =	vadd.s32 v4, v2  }
0x45: {  	v5 =	vsel vm6, $0x0, v5;
	v4 =	vmpcnt.ones.xlane vm0;
	v2 =	vadd.s32 v3, v2  }
0x46: {  	v3 =	vsel vm1, $0x0, v6;
	v2 =	vadd.s32 v5, v2;
	vm0 =	veq.s32 v0, $0x0  }
0x47: {  	v6 =	vnsel vm9, $0x0, v8;
	v5 =	vmpcnt.ones.xlane vm0;
	v2 =	vadd.s32 v3, v2  }
0x48: {  	v3 =	vsel vm15, $0x0, v46;
	vm0 =	veq.s32 v0, $0x1;
	v2 =	vadd.s32 v6, v2  }
0x49: {  	v8 =	vmpcnt.ones.xlane vm0;
	v6 =	vsel vm14, $0x0, v47;
	vm0 =	veq.s32 v0, $0x2  }
0x4a: {  	v2 =	vadd.s32 v3, v2;
	v3 =	vsel vm13, $0x0, v7;
	v7 =	vmpcnt.ones.xlane vm0  }
0x4b: {  	vm0 =	vcmask $0x1318;
	v2 =	vadd.s32 v6, v2;
	v6 =	vsel vm11, $0x0, v9  }
0x4c: {  	v2 =	vadd.s32 v3, v2;
	v3 =	vsel vm0, $0x0, v10;
	vm0 =	veq.s32 v0, $0x3  }
0x4d: {  	v1 =	vsel vm3, $0x0, v1;
	v2 =	vadd.s32 v6, v2;
	v9 =	vmpcnt.ones.xlane vm0  }
0x4e: {  	v6 =	vsel vm10, $0x0, v11;
	vm0 =	vcmask $0x1B20;
	v2 =	vadd.s32 v3, v2  }
0x4f: {  	v62 =	vsel vm6, $0x0, v61;
	v3 =	vsel vm0, $0x0, v48;
	v2 =	vadd.s32 v6, v2  }
0x50: {  	v63 =	vsel vm1, $0x0, v4;
	v6 =	vsel vm8, $0x0, v49;
	v2 =	vadd.s32 v3, v2  }
0x51: {  	s7 =	ssub.s32 $0x2, s7;
	vm3 =	veq.s32 v0, $0xD;
	v3 =	vsel vm12, $0x0, v51;
	v6 =	vadd.s32 v6, v2  }
0x52: {  	s8 =	sshrl.u32 s7, $0x1;
	v11 =	vsel vm2, $0x0, v55;
	vm0 =	veq.s32 v0, $0x4;
	v3 =	vadd.s32 v3, v6  }
0x53: {  	s7 =	ssub.s32 s7, s8;
	v10 =	vmpcnt.ones.xlane vm0;
	vm0 =	veq.s32 v0, $0x5;
	v1 =	vadd.s32 v1, v3  }
0x54: {  	s7 =	smax.u32 s7, $0x1;
	v2 =	vmpcnt.ones.xlane vm0;
	v3 =	vsel vm5, $0x0, v57;
	v1 =	vadd.s32 v11, v1  }
0x55: {  	p0 =	sne.s32 s7, $0x1;
	vm0 =	veq.s32 v0, $0x6;
	v3 =	vadd.s32 v3, v1;
	v1 =	vimm.s32 $0x0  }
.Ltmp0:
0x56: {  	vm2 =	veq.s32 v0, $0x7;
	v6 =	vmpcnt.ones.xlane vm0;
	v1 =	vsel vm1, $0xFFFFFFFF, v1;
	(pc) =	sbr.rel @!p0 .LBB2_3-.Ltmp0, $4  }
0x57: {  	v11 =	vsel vm4, $0x0, v59;
	vm4 =	veq.s32 v0, $0xA;
	[tilespmem:$0x1FFE0] =	vst v1;
	v1 =	vimm.s32 $0x0  }
0x58: {  	s6 =	sshll.u32 s6, $0x4;
	v4 =	vadd.s32 v11, v3;
	v3 =	vsel vm14, $0x0, v7;
	v1 =	vsel vm9, $0xFFFFFFFF, v1  }
0x59: {  	s5 =	sadd.s32 s6, s5;
	v7 =	vadd.s32 v62, v4;
	v4 =	vsel vm13, $0x0, v9;
	[tilespmem:$0x1FFF0] =	vst v1;
	v1 =	vnsel vm9, $0x0, v5  }
0x5a: {  	s6 =	simm.s32 $0x80;
	s5 =	sadd.s32 $0x1A00, s5;
	s7 =	sadd.s32 $0xFFFFFFFF, s7;
	v5 =	vsel vm15, $0x0, v8;
	v8 =	vadd.s32 v63, v7;
	v7 =	vsel vm11, $0x0, v10  }
0x5b: {  	vm14 =	vcmask $0x1F24  }
.LBB2_2:
0x5c: {  	v1 =	vadd.s32 v1, v8;
	vm10 =	vcmask $0x1318;
	v8 =	vmpcnt.ones.xlane vm2  }
0x5d: {  	vm9 =	vcmask $0x171C;
	vm0 =	veq.s32 v0, $0x8;
	vm2 =	vcmask $0x1B20  }
0x5e: {  	vm6 =	vcmask $0x272C;
	vm12 =	vcmask $0x2F34;
	vm1 =	vcmask $0x3338  }
0x5f: {  	v2 =	vsel vm10, $0x0, v2;
	v1 =	vadd.s32 v5, v1;
	v5 =	vsel vm9, $0x0, v6  }
0x60: {  	v1 =	vadd.s32 v3, v1;
	v3 =	vmpcnt.ones.xlane vm0;
	vm0 =	veq.s32 v0, $0x9  }
0x61: {  	v1 =	vadd.s32 v4, v1;
	v4 =	vsel vm2, $0x0, v8;
	v6 =	vmpcnt.ones.xlane vm0  }
0x62: {  	vm0 =	veq.s32 v0, $0xB;
	v1 =	vadd.s32 v7, v1;
	v3 =	vsel vm14, $0x0, v3  }
0x63: {  	v7 =	vmpcnt.ones.xlane vm4;
	vm4 =	vcmask $0x2328;
	v1 =	vadd.s32 v2, v1  }
0x64: {  	v2 =	vsel vm4, $0x0, v6;
	v1 =	vadd.s32 v5, v1;
	v5 =	vmpcnt.ones.xlane vm0  }
0x65: {  	vm0 =	veq.s32 v0, $0xC;
	v1 =	vadd.s32 v4, v1;
	v4 =	vsel vm6, $0x0, v7  }
0x66: {  	v6 =	vmpcnt.ones.xlane vm0;
	vm0 =	vcmask $0x2B30;
	v1 =	vadd.s32 v3, v1  }
0x67: {  	v3 =	vsel vm0, $0x0, v5;
	v5 =	vmpcnt.ones.xlane vm3;
	v1 =	vadd.s32 v2, v1  }
0x68: {  	vm0 =	veq.s32 v0, $0xE;
	v2 =	vsel vm12, $0x0, v6;
	v1 =	vadd.s32 v4, v1  }
0x69: {  	v4 =	vmpcnt.ones.xlane vm0;
	vm0 =	veq.s32 v0, $0xF;
	v0 =	vadd.s32 v3, v1  }
0x6a: {  	v1 =	vsel vm1, $0x0, v5;
	v0 =	vadd.s32 v2, v0  }
0x6b: {  	v0 =	vadd.s32 v1, v0;
	v1 =	vld [tilespmem:$0x1FFE0];
	_ =	sdelay $0x3  }
0x6c: {  	v3 =	vmpcnt.ones.xlane vm0;
	vm0 =	vcmask $0x373C  }
0x6d: {  	v2 =	vsel vm0, $0x0, v4;
	vm0 =	vnez.u8 v1  }
0x6e: {  	v0 =	vadd.s32 v2, v0;
	v1 =	vsel vm0, $0x0, v3  }
0x6f: {  	v0 =	vadd.s32 v1, v0  }
0x70: {  	[tilespmem:$0x80] =	vst v0  }
0x71: {  	[hbm4b:s5+s2] =	stream.linear.scatter [tilespmem:s6], [sflag:$0x1], $0x80, $0x38;
	[tilespmem:$0x100] =	vst v63  }
0x72: {  	_ =	swait.ge [sflag:s3], $0x80  }
0x73: {  	[sflag:s3] =	ssyncset.done $0x0  }
0x74: {  	[sflag:s3] =	ssyncadd.s32 $0xFFFFFF80  }
0x75: {  	[tilespmem:s2], [sflag:$0x1] =	stream.linear.gather [hbm4b:s4+s2], $0x40, $0x38;
	[tilespmem:$0x100] =	vst v63  }
0x76: {  	_ =	swait.ge [sflag:s3], $0x40  }
0x77: {  	[sflag:s3] =	ssyncset.done $0x0  }
0x78: {  	[sflag:s3] =	ssyncadd.s32 $0xFFFFFFC0  }
0x79: {  	v3 =	vld [tilespmem:$0x0];
	_ =	sdelay $0x2  }
0x7a: {  	v9 =	vimm.s32 $0x0;
	v10 =	vimm.s32 $0x0;
	v2 =	vld [tilespmem:$0x10]  }
0x7b: {  	v11 =	vimm.s32 $0x0;
	v8 =	vimm.s32 $0x0;
	v6 =	vimm.s32 $0x0;
	v1 =	vld [tilespmem:$0x20]  }
0x7c: {  	vm0 =	veq.s32 v3, $0x0;
	vm1 =	veq.s32 v3, $0x1;
	vm7 =	veq.s32 v3, $0xE  }
0x7d: {  	vm13 =	veq.s32 v3, $0x2;
	vm2 =	veq.s32 v3, $0x5;
	vm5 =	veq.s32 v3, $0x6  }
0x7e: {  	vm15 =	veq.s32 v3, $0x7;
	vm3 =	veq.s32 v3, $0x8;
	vm11 =	veq.s32 v3, $0x4  }
0x7f: {  	v4 =	vmpcnt.ones.xlane vm0;
	v5 =	vmpcnt.ones.xlane vm1;
	vm0 =	veq.s32 v2, $0xD  }
0x80: {  	vm1 =	veq.s32 v1, $0xE;
	v7 =	vmpcnt.ones.xlane vm5;
	v6 =	vsel vm0, $0xFFFFFFFF, v6  }
0x81: {  	vm5 =	vcmask $0xF14;
	v13 =	vmpcnt.ones.xlane vm3;
	[tilespmem:$0x1FF40] =	vst v6;
	v6 =	vimm.s32 $0x0  }
0x82: {  	v0 =	vld [tilespmem:$0x30];
	v14 =	vmpcnt.ones.xlane vm7;
	vm3 =	veq.s32 v3, $0xF;
	v6 =	vsel vm1, $0xFFFFFFFF, v6  }
0x83: {  	vm7 =	veq.s32 v2, $0x0;
	v17 =	vmpcnt.ones.xlane vm13;
	vm13 =	vcmask $0x373C;
	[tilespmem:$0x1FFB0] =	vst v6;
	v6 =	vld [tilespmem:$0x1FFF0]  }
0x84: {  	v19 =	vmpcnt.ones.xlane vm15;
	vm15 =	vcmask $0x70C;
	vm0 =	veq.s32 v3, $0x3  }
0x85: {  	v15 =	vmpcnt.ones.xlane vm3;
	v16 =	vmpcnt.ones.xlane vm7;
	vm3 =	veq.s32 v2, $0x1  }
0x86: {  	vm7 =	vcmask $0x2B30;
	v7 =	vsel vm9, $0x0, v7;
	vm1 =	vcmask $0x308  }
0x87: {  	vm9 =	vmmov vm6;
	v18 =	vmpcnt.ones.xlane vm3;
	v5 =	vsel vm1, $0x0, v5  }
0x88: {  	vm1 =	veq.s32 v0, $0xD;
	vm8 =	vnez.u8 v6;
	v6 =	vimm.s32 $0x0  }
0x89: {  	vm3 =	veq.s32 v2, $0x2;
	v4 =	vnsel vm8, $0x0, v4;
	v6 =	vsel vm1, $0xFFFFFFFF, v6  }
0x8a: {  	vm1 =	veq.s32 v0, $0xA;
	v4 =	vadd.s32 v4, v5;
	v5 =	vimm.s32 $0x0  }
0x8b: {  	[tilespmem:$0x1FF70] =	vst v6;
	v6 =	vimm.s32 $0x0;
	v5 =	vsel vm1, $0xFFFFFFFF, v5;
	vm1 =	veq.s32 v0, $0x7  }
0x8c: {  	v14 =	vsel vm13, $0x0, v14;
	v42 =	vmpcnt.ones.xlane vm3;
	v6 =	vsel vm1, $0xFFFFFFFF, v6  }
0x8d: {  	vm3 =	veq.s32 v2, $0x4;
	[tilespmem:$0x1FF90] =	vst v6;
	v6 =	vmpcnt.ones.xlane vm0;
	vm0 =	veq.s32 v0, $0x4  }
0x8e: {  	v17 =	vsel vm15, $0x0, v17;
	v43 =	vmpcnt.ones.xlane vm3;
	v8 =	vsel vm0, $0xFFFFFFFF, v8  }
0x8f: {  	vm3 =	veq.s32 v2, $0x5;
	vm0 =	veq.s32 v0, $0x1;
	[tilespmem:$0x1FFD0] =	vst v8;
	v8 =	vimm.s32 $0x0  }
0x90: {  	v44 =	vmpcnt.ones.xlane vm3;
	v8 =	vsel vm0, $0xFFFFFFFF, v8;
	vm0 =	vcmask $0xB10  }
0x91: {  	[tilespmem:$0x1FFC0] =	vst v8;
	v6 =	vsel vm0, $0x0, v6;
	vm0 =	veq.s32 v1, $0xB;
	v8 =	vimm.s32 $0x0  }
0x92: {  	vm3 =	vcmask $0x171C;
	[tilespmem:$0x1FF20] =	vst v5;
	v5 =	vmpcnt.ones.xlane vm2;
	v8 =	vsel vm0, $0xFFFFFFFF, v8  }
0x93: {  	v4 =	vadd.s32 v17, v4;
	vm1 =	veq.s32 v1, $0x8;
	[tilespmem:$0x1FFA0] =	vst v8;
	v8 =	vimm.s32 $0x0  }
0x94: {  	v5 =	vsel vm10, $0x0, v5;
	vm0 =	veq.s32 v3, $0x9;
	v8 =	vsel vm1, $0xFFFFFFFF, v8  }
0x95: {  	vm1 =	veq.s32 v2, $0xC;
	[tilespmem:$0x1FF80] =	vst v8;
	v8 =	vmpcnt.ones.xlane vm0;
	vm0 =	veq.s32 v1, $0x4  }
0x96: {  	v4 =	vadd.s32 v6, v4;
	v10 =	vsel vm1, $0xFFFFFFFF, v10;
	v9 =	vsel vm0, $0xFFFFFFFF, v9  }
0x97: {  	vm0 =	veq.s32 v3, $0xA;
	[tilespmem:$0x1FF60] =	vst v9;
	v9 =	vmpcnt.ones.xlane vm11;
	v8 =	vsel vm4, $0x0, v8  }
0x98: {  	[tilespmem:$0x1FF30] =	vst v10;
	v10 =	vmpcnt.ones.xlane vm0;
	vm0 =	veq.s32 v1, $0x2;
	vm4 =	veq.s32 v3, $0xB  }
0x99: {  	v11 =	vsel vm0, $0xFFFFFFFF, v11;
	vm0 =	veq.s32 v3, $0xC;
	v9 =	vsel vm5, $0x0, v9  }
0x9a: {  	v10 =	vsel vm6, $0x0, v10;
	vm6 =	veq.s32 v2, $0x3;
	v4 =	vadd.s32 v9, v4  }
0x9b: {  	v21 =	vmpcnt.ones.xlane vm6;
	vm6 =	vcmask $0x1B20;
	v4 =	vadd.s32 v5, v4  }
0x9c: {  	[tilespmem:$0x1FF50] =	vst v11;
	v11 =	vmpcnt.ones.xlane vm0;
	v19 =	vsel vm6, $0x0, v19;
	v4 =	vadd.s32 v7, v4  }
0x9d: {  	vm0 =	veq.s32 v3, $0xD;
	v3 =	vsel vm14, $0x0, v13;
	v4 =	vadd.s32 v19, v4  }
0x9e: {  	v20 =	vld [tilespmem:$0x1FFE0];
	v16 =	vnsel vm8, $0x0, v16;
	v41 =	vmpcnt.ones.xlane vm4;
	v3 =	vadd.s32 v3, v4  }
0x9f: {  	vm2 =	veq.s32 v2, $0x8;
	vm1 =	vcmask $0x3338;
	v3 =	vadd.s32 v8, v3  }
0xa0: {  	v12 =	vmpcnt.ones.xlane vm0;
	v13 =	vsel vm7, $0x0, v41;
	v3 =	vadd.s32 v10, v3  }
0xa1: {  	vm0 =	veq.s32 v2, $0x6;
	v11 =	vsel vm12, $0x0, v11;
	v3 =	vadd.s32 v13, v3  }
0xa2: {  	vm11 =	vcmask $0x308;
	v45 =	vmpcnt.ones.xlane vm0;
	v3 =	vadd.s32 v11, v3;
	v11 =	vld [tilespmem:$0x1FF30]  }
0xa3: {  	v53 =	vld [tilespmem:$0x1FF40];
	vm0 =	veq.s32 v2, $0x7;
	v12 =	vsel vm1, $0x0, v12;
	vm1 =	vnez.u8 v20  }
0xa4: {  	v46 =	vmpcnt.ones.xlane vm0;
	vm0 =	veq.s32 v2, $0x9;
	v15 =	vsel vm1, $0x0, v15  }
0xa5: {  	v7 =	vsel vm3, $0x0, v45;
	v49 =	vmpcnt.ones.xlane vm0;
	vm3 =	veq.s32 v2, $0xB  }
0xa6: {  	vm0 =	veq.s32 v2, $0xA;
	v51 =	vmpcnt.ones.xlane vm3;
	vm3 =	veq.s32 v2, $0xF  }
0xa7: {  	v10 =	vmpcnt.ones.xlane vm0;
	v3 =	vadd.s32 v12, v3;
	vm0 =	vnez.u8 v11  }
0xa8: {  	v3 =	vadd.s32 v14, v3;
	v11 =	vmpcnt.ones.xlane vm0;
	vm0 =	vnez.u8 v53  }
0xa9: {  	v17 =	vmpcnt.ones.xlane vm0;
	vm0 =	veq.s32 v2, $0xE;
	v2 =	vadd.s32 v15, v3  }
0xaa: {  	v18 =	vsel vm11, $0x0, v18;
	v2 =	vadd.s32 v16, v2  }
0xab: {  	vm12 =	vcmask $0xB10;
	v20 =	vsel vm15, $0x0, v42;
	v2 =	vadd.s32 v18, v2  }
0xac: {  	v6 =	vsel vm12, $0x0, v21;
	v2 =	vadd.s32 v20, v2  }
0xad: {  	v9 =	vsel vm5, $0x0, v43;
	v2 =	vadd.s32 v6, v2  }
0xae: {  	v5 =	vsel vm10, $0x0, v44;
	v2 =	vadd.s32 v9, v2  }
0xaf: {  	v47 =	vmpcnt.ones.xlane vm2;
	v2 =	vadd.s32 v5, v2  }
0xb0: {  	vm2 =	vmmov vm6;
	v4 =	vsel vm6, $0x0, v46;
	v2 =	vadd.s32 v7, v2  }
0xb1: {  	vm10 =	vcmask $0x2328;
	v8 =	vsel vm14, $0x0, v47;
	v2 =	vadd.s32 v4, v2  }
0xb2: {  	vm6 =	vcmask $0x2F34;
	v50 =	vsel vm10, $0x0, v49;
	v2 =	vadd.s32 v8, v2  }
0xb3: {  	v54 =	vmpcnt.ones.xlane vm3;
	v10 =	vsel vm9, $0x0, v10;
	v2 =	vadd.s32 v50, v2  }
0xb4: {  	v52 =	vsel vm7, $0x0, v51;
	vm7 =	vcmask $0x3338;
	v2 =	vadd.s32 v10, v2  }
0xb5: {  	v58 =	vld [tilespmem:$0x1FF50];
	v3 =	vmpcnt.ones.xlane vm0;
	v11 =	vsel vm6, $0x0, v11;
	v2 =	vadd.s32 v52, v2  }
0xb6: {  	vm0 =	veq.s32 v1, $0x0;
	v55 =	vsel vm7, $0x0, v17;
	v2 =	vadd.s32 v11, v2  }
0xb7: {  	v56 =	vmpcnt.ones.xlane vm0;
	v3 =	vsel vm13, $0x0, v3;
	v4 =	vld [tilespmem:$0x1FF60];
	v2 =	vadd.s32 v55, v2  }
0xb8: {  	v6 =	vsel vm1, $0x0, v54;
	v2 =	vadd.s32 v3, v2  }
0xb9: {  	vm0 =	veq.s32 v1, $0x1;
	v9 =	vnsel vm8, $0x0, v56;
	v2 =	vadd.s32 v6, v2  }
0xba: {  	v57 =	vmpcnt.ones.xlane vm0;
	vm0 =	vnez.u8 v58;
	v2 =	vadd.s32 v9, v2;
	v9 =	vld [tilespmem:$0x1FF90]  }
0xbb: {  	vm3 =	veq.s32 v1, $0x7;
	v16 =	vmpcnt.ones.xlane vm0;
	vm0 =	veq.s32 v1, $0x3  }
0xbc: {  	v62 =	vmpcnt.ones.xlane vm3;
	v59 =	vmpcnt.ones.xlane vm0;
	vm0 =	vnez.u8 v4;
	v11 =	vld [tilespmem:$0x1FF80]  }
0xbd: {  	v4 =	vmpcnt.ones.xlane vm0;
	vm0 =	veq.s32 v1, $0x5  }
0xbe: {  	v13 =	vsel vm2, $0x0, v62;
	v60 =	vmpcnt.ones.xlane vm0;
	vm0 =	veq.s32 v1, $0x6  }
0xbf: {  	v10 =	vmpcnt.ones.xlane vm0;
	vm0 =	vcmask $0x1318;
	vm2 =	vnez.u8 v9;
	v9 =	vld [tilespmem:$0x1FFA0]  }
0xc0: {  	v61 =	vsel vm0, $0x0, v60;
	vm0 =	vcmask $0x171C  }
0xc1: {  	v10 =	vsel vm0, $0x0, v10;
	vm0 =	vnez.u8 v11  }
0xc2: {  	v5 =	vsel vm11, $0x0, v57;
	v11 =	vmpcnt.ones.xlane vm0;
	vm0 =	veq.s32 v1, $0x9  }
0xc3: {  	v7 =	vsel vm15, $0x0, v16;
	v3 =	vmpcnt.ones.xlane vm0;
	vm0 =	veq.s32 v1, $0xA  }
0xc4: {  	v6 =	vsel vm14, $0x0, v11;
	v11 =	vmpcnt.ones.xlane vm0;
	vm0 =	vnez.u8 v9  }
0xc5: {  	v2 =	vadd.s32 v5, v2;
	v9 =	vmpcnt.ones.xlane vm0;
	vm0 =	veq.s32 v1, $0xC  }
0xc6: {  	v8 =	vsel vm12, $0x0, v59;
	v2 =	vadd.s32 v7, v2;
	v7 =	vmpcnt.ones.xlane vm0  }
0xc7: {  	v4 =	vsel vm5, $0x0, v4;
	v2 =	vadd.s32 v8, v2  }
0xc8: {  	v2 =	vadd.s32 v4, v2;
	v4 =	vsel vm6, $0x0, v7;
	v7 =	vld [tilespmem:$0x1FFB0];
	_ =	sdelay $0x3  }
0xc9: {  	v5 =	vsel vm9, $0x0, v11;
	vm9 =	vcmask $0x2B30;
	vm0 =	veq.s32 v1, $0xD  }
0xca: {  	v8 =	vsel vm9, $0x0, v9;
	v9 =	vmpcnt.ones.xlane vm0;
	vm0 =	vnez.u8 v7  }
0xcb: {  	v2 =	vadd.s32 v61, v2;
	v7 =	vmpcnt.ones.xlane vm0;
	vm0 =	veq.s32 v1, $0xF  }
0xcc: {  	v48 =	vld [tilespmem:$0x1FF20];
	v1 =	vadd.s32 v10, v2;
	v2 =	vmpcnt.ones.xlane vm0  }
0xcd: {  	v63 =	vld [tilespmem:$0x1FF70];
	v1 =	vadd.s32 v13, v1  }
0xce: {  	v1 =	vadd.s32 v6, v1;
	v6 =	vsel vm1, $0x0, v2;
	v2 =	vld [tilespmem:$0x1FFC0]  }
0xcf: {  	v3 =	vsel vm10, $0x0, v3  }
0xd0: {  	v3 =	vadd.s32 v3, v1  }
0xd1: {  	vm4 =	vnez.u8 v48;
	v3 =	vadd.s32 v5, v3  }
0xd2: {  	vm3 =	vnez.u8 v63;
	vm0 =	veq.s32 v0, $0x0;
	v3 =	vadd.s32 v8, v3;
	v8 =	vld [tilespmem:$0x1FFD0]  }
0xd3: {  	v9 =	vsel vm7, $0x0, v9;
	v10 =	vmpcnt.ones.xlane vm0;
	vm0 =	vnez.u8 v2  }
0xd4: {  	v7 =	vsel vm13, $0x0, v7;
	v2 =	vmpcnt.ones.xlane vm0;
	vm0 =	veq.s32 v0, $0x2  }
0xd5: {  	p0 =	sne.s32 s7, $0x1;
	v1 =	vnsel vm8, $0x0, v10;
	v10 =	vmpcnt.ones.xlane vm0;
	vm0 =	veq.s32 v0, $0x3  }
.Ltmp1:
0xd6: {  	v4 =	vadd.s32 v4, v3;
	v5 =	vsel vm11, $0x0, v2;
	v2 =	vmpcnt.ones.xlane vm0;
	(pc) =	sbr.rel @p0 .LBB2_2-.Ltmp1, $4  }
0xd7: {  	vm0 =	vnez.u8 v8;
	v8 =	vadd.s32 v9, v4;
	v3 =	vsel vm15, $0x0, v10  }
0xd8: {  	v10 =	vmpcnt.ones.xlane vm0;
	vm0 =	veq.s32 v0, $0x5;
	v7 =	vadd.s32 v7, v8  }
0xd9: {  	v4 =	vsel vm12, $0x0, v2;
	v2 =	vmpcnt.ones.xlane vm0;
	vm0 =	veq.s32 v0, $0x6  }
0xda: {  	s7 =	sadd.s32 $0xFFFFFFFF, s7;
	v8 =	vadd.s32 v6, v7;
	v7 =	vsel vm5, $0x0, v10;
	v6 =	vmpcnt.ones.xlane vm0  }
.LBB2_3:
0xdb: {  	v1 =	vadd.s32 v1, v8;
	vm0 =	vcmask $0x1318  }
0xdc: {  	v45 =	vmpcnt.ones.xlane vm2;
	vm12 =	vcmask $0x171C;
	vm13 =	veq.s32 v0, $0x8  }
0xdd: {  	vm14 =	veq.s32 v0, $0x9;
	vm15 =	vcmask $0x1B20;
	vm5 =	vcmask $0x1F24  }
0xde: {  	v50 =	vmpcnt.ones.xlane vm4;
	vm6 =	vcmask $0x2328;
	vm7 =	veq.s32 v0, $0xB  }
0xdf: {  	vm8 =	veq.s32 v0, $0xC;
	vm1 =	vcmask $0x272C;
	v1 =	vadd.s32 v5, v1  }
0xe0: {  	vm9 =	vcmask $0x2B30;
	v56 =	vmpcnt.ones.xlane vm3;
	v1 =	vadd.s32 v3, v1  }
0xe1: {  	vm10 =	vcmask $0x2F34;
	vm11 =	veq.s32 v0, $0xE;
	v1 =	vadd.s32 v4, v1  }
0xe2: {  	v2 =	vsel vm0, $0x0, v2;
	v46 =	vsel vm12, $0x0, v6;
	v1 =	vadd.s32 v7, v1  }
0xe3: {  	v47 =	vmpcnt.ones.xlane vm13;
	v49 =	vmpcnt.ones.xlane vm14;
	v1 =	vadd.s32 v2, v1  }
0xe4: {  	v52 =	vmpcnt.ones.xlane vm7;
	v48 =	vsel vm15, $0x0, v45;
	v1 =	vadd.s32 v46, v1  }
0xe5: {  	v54 =	vmpcnt.ones.xlane vm8;
	v3 =	vsel vm5, $0x0, v47;
	v1 =	vadd.s32 v48, v1  }
0xe6: {  	v63 =	vld [tilespmem:$0x1FFE0];
	v58 =	vmpcnt.ones.xlane vm11;
	v51 =	vsel vm6, $0x0, v49;
	v1 =	vadd.s32 v3, v1  }
0xe7: {  	vm12 =	veq.s32 v0, $0xF;
	v53 =	vsel vm1, $0x0, v50;
	v1 =	vadd.s32 v51, v1  }
0xe8: {  	vm13 =	vcmask $0x3338;
	v55 =	vsel vm9, $0x0, v52;
	v1 =	vadd.s32 v53, v1  }
0xe9: {  	vm14 =	vcmask $0x373C;
	v57 =	vsel vm10, $0x0, v54;
	v59 =	vadd.s32 v55, v1  }
0xea: {  	v60 =	vsel vm13, $0x0, v56;
	v61 =	vmpcnt.ones.xlane vm12;
	v0 =	vadd.s32 v57, v59  }
0xeb: {  	v62 =	vsel vm14, $0x0, v58;
	vm15 =	vnez.u8 v63;
	v0 =	vadd.s32 v60, v0  }
0xec: {  	v1 =	vsel vm15, $0x0, v61;
	v0 =	vadd.s32 v62, v0  }
0xed: {  	v0 =	vadd.s32 v1, v0  }
0xee: {  	[tilespmem:$0x80] =	vst v0  }
0xef: {  	[hbm4b:s5+s2] =	stream.linear.scatter [tilespmem:s6], [sflag:$0x1], $0x80, $0x38;
	[tilespmem:$0x100] =	vst v63  }
0xf0: {  	_ =	swait.ge [sflag:s3], $0x80  }
0xf1: {  	[sflag:s3] =	ssyncset.done $0x0  }
0xf2: {  	[sflag:s3] =	ssyncadd.s32 $0xFFFFFF80  }
0xf3: {  	_ =	sfence.sel $0x180000  }
0xf4: {  	[bflag:$0x0] =	sbarrier.arrive $0xFFFF  }
0xf5: {  	p0 =	sne.s32 s0, $0x0;
	_ =	strace $0x90000047  }
0xf6: {  	s0 =	sadd.s32 @!p0 $0x100000, s1;
	[bflag:$0x2] =	sbarrier.arrive $0xFFFF  }
0xf7: {  	[sflag:s0] =	ssyncadd.tile.s32 @!p0 $0x1;
	_ =	shalt  }
.Lfunc_end2:
_tile_overlayer_lowered:
.L_overlay_start_2:
0xf8: {  	(tag) =	ssettag $0x2  }
0xf9: {  	s0 =	rddreg [dreg:$0x0];
	s2 =	stileid.u32  }
0xfa: {  	s1 =	rddreg [dreg:$0x1];
	p0 =	sne.s32 s2, $0x0  }
0xfb: {  	s3 =	rddreg [dreg:$0x2];
	[bflag:$0x3] =	sbarrier.arrive $0xFFFF;
	s2 =	simm.s32 @!p0 $0x1C01  }
0xfc: {  	[timem:s3], [sflag:s2] =	dma.local @!p0 [hbm:s0], s1  }
0xfd: {  	s0 =	simm.s32 @!p0 $0x1  }
0xfe: {  	_ =	swait.ge @!p0 [sflag:s0], s1  }
0xff: {  	s1 =	ssub.s32 @!p0 $0x0, s1;
	[sflag:s0] =	ssyncset.done @!p0 $0x0  }
0x100: {  	[sflag:s0] =	ssyncadd.s32 @!p0 s1  }
0x101: {  	[bflag:$0x3] =	sbarrier.arrive $0xFFFF  }
0x102: {  	_ =	shalt  }

// kernel: _run.8.cloned.1.call-start
scs
__scs_entry_jumppad:
0x0: {  	(pc) =	sbr.rel $0x88, $3  }
0x1: {  	(tag) =	ssettag $0x0;
	lr =	simm.s32 $0x1  }
0x2: {  	[smem:$0x3F9B] =	sst lr;
	_ =	strace $0xD0000000  }
0x3: {  	_ = 	snop  }
0x4: {  	_ = 	snop  }
0x5: {  	_ = 	snop  }
0x6: {  	_ = 	snop  }
0x7: {  	_ = 	snop  }
__scs_overlays_trampoline_lowered:
0x8: {  	[smem:$0x3FAA] =	sst s0  }
0x9: {  	[smem:$0x3FAB] =	sst s1  }
0xa: {  	[smem:$0x3FAC] =	sst s2  }
0xb: {  	[smem:$0x3FAD] =	sst s3  }
0xc: {  	[smem:$0x3FAE] =	sst s4  }
0xd: {  	[smem:$0x3FAF] =	sst s5  }
0xe: {  	[smem:$0x3FB0] =	sst s6  }
0xf: {  	[smem:$0x3FB1] =	sst s7  }
0x10: {  	[smem:$0x3FB2] =	sst s8  }
0x11: {  	[smem:$0x3FB3] =	sst s9;
	s0 =	simm.s32 @!p0 $0x0  }
0x12: {  	s1 =	sld [smem:$0x3F99];
	s0 =	simm.s32 @p0 $0x1  }
0x13: {  	[smem:$0x3FB4] =	sst s0;
	s0 =	simm.s32 @!p1 $0x0  }
0x14: {  	s2 =	sld [smem:$0x3F98];
	s0 =	simm.s32 @p1 $0x1  }
0x15: {  	[smem:$0x3FB5] =	sst s0;
	s0 =	simm.s32 @!p2 $0x0  }
0x16: {  	s3 =	sld [smem:$0x3FDB];
	s0 =	simm.s32 @p2 $0x1  }
0x17: {  	s4 =	simm.s32 $0x1BF5;
	[smem:$0x3FB7] =	sst s0  }
0x18: {  	s0 =	sld [smem:$0x3F9A];
	_ =	swait.ge [sflag:s4], $0x0  }
0x19: {  	s7 =	sld [smem:$0x3F9B]  }
0x1a: {  	s8 =	sadd.s32 $0xFFFFE003, lr  }
0x1b: {  	s9 =	sadd.s32 $0xFFFFFEF7, lr;
	s5 =	simm.s32 $0xFFFFFFFF;
	p2 =	slt.u32 s8, $0xFFFFF086  }
0x1c: {  	p1 =	slt.u32 s9, $0xF7A;
	s5 =	simm.s32 @!p2 $0x0  }
0x1d: {  	s5 =	simm.s32 @p1 $0x1;
	p0 =	seq.s32 s7, s2  }
0x1e: {  	s7 =	smul.u32 @!p0 $0xF7A, s2;
	p2 =	seq.s32 @!p0 s5, $0x0  }
0x1f: {  	s9 =	smul.u32 $0xF7A, s1;
	s8 =	simm.s32 @!p0 $0x1BF5;
	p2 =	por !p2, p0  }
0x20: {  	[sflag:s8] =	ssyncset.s32 @!p0 $0xFFFFF086;
	s6 =	sadd.s32 @!p0 s3, s7;
	s7 =	simm.s32 @!p0 $0x108  }
0x21: {  	s3 =	sadd.s32 s3, s9;
	s6 =	sadd.s32 @!p0 $0x88, s6;
	s7 =	simm.s32 @p2 $0x1082  }
0x22: {  	[simem:s7], [sflag:s8] =	dma.local @!p0 [hbm:s6], $0xF7A  }
0x23: {  	s9 =	sor.u32 $0xD0000000, s2;
	s6 =	simm.s32 $0x108;
	_ =	swait.ge @!p0 [sflag:s8], $0x0  }
0x24: {  	s3 =	sadd.s32 $0x88, s3;
	s6 =	simm.s32 @!p1 $0x1082;
	[sflag:s4] =	ssyncset.s32 $0xFFFFF086  }
0x25: {  	[simem:s6], [sflag:s4] =	dma.local [hbm:s3], $0xF7A  }
0x26: {  	[smem:$0x3F9B] =	sst s1;
	(tag) =	ssettag s2;
	_ =	strace s9  }
0x27: {  	s1 =	sld [smem:$0x3FAB]  }
0x28: {  	s2 =	sld [smem:$0x3FAC]  }
0x29: {  	s4 =	sld [smem:$0x3FAE]  }
0x2a: {  	p0 =	seq.s32 s5, $0x0;
	s5 =	sld [smem:$0x3FAF]  }
0x2b: {  	s6 =	sld [smem:$0x3FB0]  }
0x2c: {  	s7 =	sld [smem:$0x3FB1]  }
0x2d: {  	s3 =	simm.s32 $0x108;
	s8 =	sld [smem:$0x3FB2]  }
0x2e: {  	s3 =	simm.s32 @!p0 $0x1082;
	s9 =	sld [smem:$0x3FB3]  }
0x2f: {  	lr =	sadd.s32 s0, s3;
	s0 =	sld [smem:$0x3FAA]  }
0x30: {  	s3 =	sld [smem:$0x3FAD]  }
0x31: {  	[smem:$0x3FB6] =	sst s10  }
0x32: {  	s10 =	sld [smem:$0x3FB4];
	_ =	sdelay $0x3  }
0x33: {  	p0 =	seq.s32 s10, $0x1;
	s10 =	sld [smem:$0x3FB6];
	_ =	sdelay $0x3  }
0x34: {  	[smem:$0x3FB6] =	sst s10  }
0x35: {  	s10 =	sld [smem:$0x3FB5];
	_ =	sdelay $0x3  }
0x36: {  	p1 =	seq.s32 s10, $0x1;
	s10 =	sld [smem:$0x3FB6];
	_ =	sdelay $0x3  }
0x37: {  	[smem:$0x3FB6] =	sst s10  }
0x38: {  	s10 =	sld [smem:$0x3FB7]  }
0x39: {  	_ = 	snop;
	(pc) =	sbr.ind lr, $3  }
0x3a: {  	_ = 	snop  }
0x3b: {  	_ = 	snop  }
0x3c: {  	p2 =	seq.s32 s10, $0x1;
	s10 =	sld [smem:$0x3FB6]  }
0x3d: {  	_ =	shalt  }
0x3e: {  	_ =	shalt  }
0x3f: {  	_ =	shalt  }
0x40: {  	_ =	shalt  }
0x41: {  	_ =	shalt  }
0x42: {  	_ =	shalt  }
0x43: {  	_ =	shalt  }
0x44: {  	_ =	shalt  }
0x45: {  	_ =	shalt  }
0x46: {  	_ =	shalt  }
0x47: {  	_ =	shalt  }
0x48: {  	_ =	shalt  }
0x49: {  	_ =	shalt  }
0x4a: {  	_ =	shalt  }
0x4b: {  	_ =	shalt  }
0x4c: {  	_ =	shalt  }
0x4d: {  	_ =	shalt  }
0x4e: {  	_ =	shalt  }
0x4f: {  	_ =	shalt  }
0x50: {  	_ =	shalt  }
0x51: {  	_ =	shalt  }
0x52: {  	_ =	shalt  }
0x53: {  	_ =	shalt  }
0x54: {  	_ =	shalt  }
0x55: {  	_ =	shalt  }
0x56: {  	_ =	shalt  }
0x57: {  	_ =	shalt  }
0x58: {  	_ =	shalt  }
0x59: {  	_ =	shalt  }
0x5a: {  	_ =	shalt  }
0x5b: {  	_ =	shalt  }
0x5c: {  	_ =	shalt  }
0x5d: {  	_ =	shalt  }
0x5e: {  	_ =	shalt  }
0x5f: {  	_ =	shalt  }
0x60: {  	_ =	shalt  }
0x61: {  	_ =	shalt  }
0x62: {  	_ =	shalt  }
0x63: {  	_ =	shalt  }
0x64: {  	_ =	shalt  }
0x65: {  	_ =	shalt  }
0x66: {  	_ =	shalt  }
0x67: {  	_ =	shalt  }
0x68: {  	_ =	shalt  }
0x69: {  	_ =	shalt  }
0x6a: {  	_ =	shalt  }
0x6b: {  	_ =	shalt  }
0x6c: {  	_ =	shalt  }
0x6d: {  	_ =	shalt  }
0x6e: {  	_ =	shalt  }
0x6f: {  	_ =	shalt  }
0x70: {  	_ =	shalt  }
0x71: {  	_ =	shalt  }
0x72: {  	_ =	shalt  }
0x73: {  	_ =	shalt  }
0x74: {  	_ =	shalt  }
0x75: {  	_ =	shalt  }
0x76: {  	_ =	shalt  }
0x77: {  	_ =	shalt  }
0x78: {  	_ =	shalt  }
0x79: {  	_ =	shalt  }
0x7a: {  	_ =	shalt  }
0x7b: {  	_ =	shalt  }
0x7c: {  	_ =	shalt  }
0x7d: {  	_ =	shalt  }
0x7e: {  	_ =	shalt  }
0x7f: {  	_ =	shalt  }
0x80: {  	_ =	shalt  }
0x81: {  	_ =	shalt  }
0x82: {  	_ =	shalt  }
0x83: {  	_ =	shalt  }
0x84: {  	_ =	shalt  }
0x85: {  	_ =	shalt  }
0x86: {  	_ =	shalt  }
0x87: {  	_ =	shalt  }
.Lfunc_end0:
.L_simem_size_0:
called_computation.1_lowered:
.L_overlay_start_0:
0x88: {  	s2 =	sld [smem:$0x3FD9]  }
0x89: {  	s3 =	sld [smem:$0x3FFE];
	_ =	sdelay $0x1  }
0x8a: {  	s1 =	srdreg.scid  }
0x8b: {  	s0 =	sand.u32 $0x1, s1  }
0x8c: {  	s17 =	sshll.u32 s0, $0xA;
	s2 =	sadd.s32 s3, s2  }
0x8d: {  	s2 =	sadd.s32 s2, s17  }
0x8e: {  	[smem:$0x3FC2] =	sst s2  }
0x8f: {  	_ = 	snop  }
0x90: {  	s2 =	sld [smem:$0x3FC9]  }
0x91: {  	s18 =	sld [smem:$0x3FC8]  }
0x92: {  	s4 =	sld [smem:$0x3FD0];
	(tm) =	ssettm $0x1  }
0x93: {  	s5 =	sld [smem:$0x3FFB];
	_ =	sdelay $0x3  }
0x94: {  	_ =	strace s5  }
0x95: {  	s5 =	sld [smem:$0x3FFC];
	_ =	sdelay $0x3  }
0x96: {  	_ =	strace s5  }
0x97: {  	s5 =	sld [smem:$0x3FFD];
	_ =	sdelay $0x3  }
0x98: {  	_ =	strace s5  }
0x99: {  	_ =	strace $0x8FFFFFFF  }
0x9a: {  	s19 =	sld [smem:$0x3FDB];
	_ =	sdelay $0x1  }
0x9b: {  	s6 =	simm.s32 $_scs_section_size  }
0x9c: {  	s7 =	simm.s32 $_size__tile_overlayer_lowered;
	s8 =	simm.s32 $_tile_overlayer_lowered  }
0x9d: {  	s22 =	simm.s32 $0x1BFF;
	s21 =	sshll.u32 s8, $0x1;
	s5 =	sadd.s32 s6, s19  }
0x9e: {  	s9 =	simm.s32 $0x0;
	s20 =	sshll.u32 s7, $0x1;
	s7 =	sadd.s32 s21, s5  }
0x9f: {  	[timem:s9], [sflag:s22] =	dma.local [hbm:s7], s20  }
0xa0: {  	_ =	swait.ge [sflag:s22], s20  }
0xa1: {  	s6 =	ssub.s32 $0x0, s20;
	[sflag:s22] =	ssyncset.done $0x0  }
0xa2: {  	[sflag:s22] =	ssyncadd.s32 s6;
	_ =	sdelay $0x1  }
0xa3: {  	s23 =	simm.s32 $0x1B8B  }
0xa4: {  	_ =	swait.ge [sflag:s23], $0x1  }
0xa5: {  	[sflag:s23] =	ssyncset.done $0x0  }
0xa6: {  	s25 =	simm.s32 $0x1B8E;
	s24 =	sld [smem:$0x3FFE];
	[sflag:s23] =	ssyncadd.s32 $0xFFFFFFFF  }
0xa7: {  	s26 =	simm.s32 $execute0_lowered;
	[smem:$0x3FD2] =	sst s25  }
0xa8: {  	s7 =	sshll.u32 s26, $0x1;
	_ =	strace $0x80000049;
	[dreg:$0x1] =	wrdreg $0xFFFFFFFF  }
0xa9: {  	s28 =	simm.s32 $_size_execute0_lowered;
	s5 =	sadd.s32 s5, s7;
	[dreg:$0x0] =	wrdreg $0x0  }
0xaa: {  	s7 =	sshll.u32 s28, $0x1;
	[dreg:$0x2] =	wrdreg s5  }
0xab: {  	[dreg:$0x3] =	wrdreg s7  }
0xac: {  	[dreg:$0x4] =	wrdreg $0xC0  }
0xad: {  	_ =	task [dreg:s9], $0x5FFFF  }
0xae: {  	[dreg:$0x1] =	wrdreg $0xFFFFFFFF  }
0xaf: {  	[dreg:$0x0] =	wrdreg $0x60  }
0xb0: {  	[dreg:$0x2] =	wrdreg s2  }
0xb1: {  	[dreg:$0x3] =	wrdreg s24  }
0xb2: {  	[dreg:$0x4] =	wrdreg s18  }
0xb3: {  	[dreg:$0x5] =	wrdreg s4  }
0xb4: {  	[dreg:$0x6] =	wrdreg $0x9  }
0xb5: {  	_ =	task.clear_ibuf [dreg:s9], $0x7FFFF;
	_ =	strace $0x90000049  }
0xb6: {  	s29 =	simm.s32 $0x9;
	_ =	strace $0x8000004B  }
0xb7: {  	_ =	swait.ge [sflag:s29], $0x1  }
0xb8: {  	[sflag:s29] =	ssyncadd.s32 $0xFFFFFFFF  }
0xb9: {  	_ =	strace $0x9000004B  }
0xba: {  	_ =	sfence  }
0xbb: {  	s30 =	sld [smem:$0x0];
	_ =	sdelay $0x2  }
0xbc: {  	s31 =	sshll.u32 s1, $0xD;
	s1 =	sshrl.u32 s1, $0x2  }
0xbd: {  	s3 =	sand.u32 $0x4000, s31;
	s1 =	sadd.s32 s1, s30  }
0xbe: {  	s0 =	sor.u32 s3, s0;
	s1 =	sshll.u32 s1, $0x11  }
0xbf: {  	s0 =	sor.u32 s1, s0  }
0xc0: {  	s0 =	sadd.s32 $0x8F2B, s0  }
0xc1: {  	[sflag:s0] =	ssyncadd.remote.s32 $0x1  }
0xc2: {  	_ =	sfence.sel $0xFFFF  }
0xc3: {  	[dreg:$0x0] =	wrdreg $0xFFFFFFFF;
	(pc) =	sbr.abs _section_cstart, $3  }
0xc4: {  	[dreg:$0x1] =	wrdreg $0xFFFFFFFF  }
0xc5: {  	_ =	task.clear_ibuf [dreg:s9], $0x2FFFF;
	_ =	strace $0x9FFFFFFF  }
0xc6: {  	(tm) =	ssettm $0x7FFFFFFF  }
0xc7: {  	_ =	shalt  }
tec
execute0_lowered:
.L_overlay_start_1:
0x0: {  	(tag) =	ssettag $0x1  }
0x1: {  	v0 =	vimm.s32 $0xEDCBA987  }
0x2: {  	v1 =	vimm.s32 $0x65432101;
	v2 =	vimm.s32 $0xDCBA9876;
	v3 =	vimm.s32 $0x54321012  }
0x3: {  	vm0 =	vmmov $0xffff;
	v6 =	vimm.s32 $0x76543210;
	v7 =	vimm.s32 $0x12345678  }
0x4: {  	vm1 =	vmmov $0x3;
	v8 =	vimm.s32 $0x0;
	vm5 =	vcmask $0x3F24  }
0x5: {  	v57 =	vimm.s32 $0xCBA98765;
	v9 =	vimm.s32 $0x43210123;
	v10 =	vimm.s32 $0xA9876543  }
0x6: {  	v11 =	vimm.s32 $0x98765432;
	v12 =	vimm.s32 $0x10123456;
	v13 =	vimm.s32 $0x1234567  }
0x7: {  	v14 =	vimm.s32 $0x23456789;
	vm2 =	vcmask $0x3F1C;
	vm6 =	vcmask $0x1F00  }
0x8: {  	v34 =	vimm.s32 $0x1A191817;
	v35 =	vimm.s32 $0x16151413;
	vm7 =	vcmask $0x3F34  }
0x9: {  	vm8 =	vcmask $0x2314;
	v0 =	vunpack.c.l.s4.s8 v0;
	v1 =	vunpack.c.l.s4.s8 v1  }
0xa: {  	v3 =	vunpack.c.l.s4.s8 v3;
	v8 =	vsel vm1, $0xFFFFFFFF, v8;
	v6 =	vunpack.c.l.s4.s8 v6  }
0xb: {  	v7 =	vunpack.c.l.s4.s8 v7;
	v9 =	vunpack.c.l.s4.s8 v9;
	v10 =	vunpack.c.l.s4.s8 v10  }
0xc: {  	v11 =	vunpack.c.l.s4.s8 v11;
	v12 =	vunpack.c.l.s4.s8 v12;
	v13 =	vunpack.c.l.s4.s8 v13  }
0xd: {  	v14 =	vunpack.c.l.s4.s8 v14;
	v5 =	vunpack.c.0.s8.s32 v3;
	v3 =	vimm.s32 $0x0  }
0xe: {  	v56 =	vunpack.c.0.s8.s32 v7;
	v7 =	vunpack.c.l.s4.s8 v57;
	v59 =	vunpack.c.0.s8.s32 v9  }
0xf: {  	v9 =	vunpack.c.0.s8.s32 v10;
	v10 =	vimm.s32 $0x21012345;
	v3 =	vsel vm0, $0xFFFFFFFF, v3  }
0x10: {  	v0 =	vunpack.c.0.s8.s32 v0;
	v10 =	vunpack.c.l.s4.s8 v10;
	[tilespmem:$0x1FC00] =	vst v3;
	v3 =	vimm.s32 $0x32101234  }
0x11: {  	v58 =	vunpack.c.0.s8.s32 v7;
	v60 =	vand.u32 $0xF, v9;
	v3 =	vunpack.c.l.s4.s8 v3  }
0x12: {  	v9 =	vunpack.c.0.s8.s32 v10;
	v10 =	vunpack.c.0.s8.s32 v11;
	v11 =	vunpack.c.0.s8.s32 v12  }
0x13: {  	[tilespmem:$0x1FC10] =	vst v8;
	v12 =	vimm.s32 $0x87654321;
	v8 =	vunpack.c.0.s8.s32 v3;
	v3 =	vunpack.c.0.s8.s32 v6  }
0x14: {  	v4 =	vunpack.c.0.s8.s32 v1;
	v12 =	vunpack.c.l.s4.s8 v12;
	v6 =	vand.u32 $0xF, v56  }
0x15: {  	v10 =	vand.u32 $0xF, v10;
	v3 =	vcombine.low v6, v3;
	v6 =	vand.u32 $0xF, v58  }
0x16: {  	v62 =	vunpack.c.0.s8.s32 v12;
	v12 =	vunpack.c.0.s8.s32 v14;
	v6 =	vcombine.low v59, v6  }
0x17: {  	v0 =	vand.u32 $0xF, v0;
	v61 =	vcombine.low v11, v10;
	v10 =	vunpack.c.0.s8.s32 v13  }
0x18: {  	v13 =	vimm.s32 $0x3456789A;
	v63 =	vand.u32 $0xF, v12;
	[tilespmem:$0x1FC20] =	vst v6;
	v6 =	vcombine.low v9, v60  }
0x19: {  	v0 =	vcombine.low v4, v0;
	v13 =	vunpack.c.l.s4.s8 v13;
	v4 =	vcombine.low v63, v4  }
0x1a: {  	v2 =	vunpack.c.l.s4.s8 v2;
	v14 =	vimm.s32 $0x456789AB;
	[tilespmem:$0x1FC30] =	vst v6;
	v6 =	vand.u32 $0xF, v62  }
0x1b: {  	[tilespmem:$0x1FC60] =	vst v4;
	v4 =	vunpack.c.0.s8.s32 v13;
	v6 =	vcombine.low v10, v6;
	v10 =	vunpack.c.l.s4.s8 v14  }
0x1c: {  	vm9 =	vcmask $0x3324;
	v1 =	vunpack.c.0.s8.s32 v2;
	v2 =	vimm.s32 $0xBA987650  }
0x1d: {  	v4 =	vand.u32 $0xF, v4;
	v32 =	vunpack.c.0.s8.s32 v10;
	v10 =	vimm.s32 $0x56789ABC  }
0x1e: {  	v1 =	vand.u32 $0xF, v1;
	v4 =	vcombine.low v4, v5;
	v10 =	vunpack.c.l.s4.s8 v10  }
0x1f: {  	v2 =	vunpack.c.l.s4.s8 v2;
	v1 =	vcombine.low v5, v1;
	v12 =	vimm.s32 $0x6789ABCD  }
0x20: {  	v12 =	vunpack.c.l.s4.s8 v12;
	[tilespmem:$0x1FC70] =	vst v4;
	v4 =	vand.u32 $0xF, v32;
	v5 =	vunpack.c.0.s8.s32 v10  }
0x21: {  	v15 =	vimm.s32 $0x11121314;
	v2 =	vunpack.c.0.s8.s32 v2;
	v4 =	vnsel vm6, $0x4, v4  }
0x22: {  	v33 =	vunpack.c.0.s8.s32 v12;
	v4 =	vsel vm2, v59, v4;
	v5 =	vand.u32 $0xF, v5  }
0x23: {  	v7 =	vunpack.c.0.s8.s32 v35;
	[tilespmem:$0x1FC80] =	vst v4;
	v4 =	vimm.s32 $0x789ABCDE;
	v5 =	vcombine.low v5, v8  }
0x24: {  	v2 =	vand.u32 $0xF, v2;
	[tilespmem:$0x1FC50] =	vst v6;
	v6 =	vand.u32 $0xF, v33;
	v4 =	vunpack.c.l.s4.s8 v4  }
0x25: {  	v2 =	vsel vm5, v2, v8;
	vm5 =	vcmask $0x1F10;
	[tilespmem:$0x1FC90] =	vst v5;
	v5 =	vcombine.low v6, v9  }
0x26: {  	v12 =	vimm.s32 $0x11101112;
	v8 =	vimm.s32 $0x12111011;
	v4 =	vunpack.c.0.s8.s32 v4  }
0x27: {  	v21 =	vunpack.c.0.s8.s32 v12;
	v8 =	vunpack.c.0.s8.s32 v8;
	[tilespmem:$0x1FCA0] =	vst v5;
	v5 =	vimm.s32 $0x1E1D1C1B  }
0x28: {  	v6 =	vunpack.c.0.s8.s32 v34;
	v4 =	vand.u32 $0xF, v4;
	v5 =	vunpack.c.0.s8.s32 v5  }
0x29: {  	v12 =	vimm.s32 $0x1918171A;
	v10 =	vimm.s32 $0x15141316;
	v4 =	vcombine.low v4, v11  }
0x2a: {  	v10 =	vunpack.c.0.s8.s32 v10;
	v9 =	vsel vm5, v7, v8;
	v5 =	vsel vm5, v5, v6  }
0x2b: {  	v13 =	vimm.s32 $0x1D1C1B00;
	v12 =	vunpack.c.0.s8.s32 v12;
	[tilespmem:$0x1FCB0] =	vst v4;
	v4 =	vcombine.low v9, v5  }
0x2c: {  	v16 =	vimm.s32 $0x13121110;
	v13 =	vunpack.c.0.s8.s32 v13;
	v14 =	vsel vm8, v10, v21  }
0x2d: {  	v15 =	vunpack.c.0.s8.s32 v15;
	v11 =	vimm.s32 $0x10111213;
	[tilespmem:$0x1FCC0] =	vst v4;
	v4 =	vsel vm9, v12, v14  }
0x2e: {  	v11 =	vunpack.c.0.s8.s32 v11;
	v5 =	vimm.s32 $0x18171615;
	v4 =	vsel vm7, v13, v4  }
0x2f: {  	v5 =	vunpack.c.0.s8.s32 v5;
	v12 =	vimm.s32 $0x14131211;
	[tilespmem:$0x1FCD0] =	vst v4;
	v4 =	vimm.s32 $0x1C1B1A19  }
0x30: {  	v14 =	vimm.s32 $0x17161514;
	v12 =	vunpack.c.0.s8.s32 v12;
	v4 =	vunpack.c.0.s8.s32 v4  }
0x31: {  	v16 =	vunpack.c.0.s8.s32 v16;
	v13 =	vimm.s32 $0x1B1A1918;
	v14 =	vunpack.c.0.s8.s32 v14  }
0x32: {  	v13 =	vunpack.c.0.s8.s32 v13;
	v17 =	vsel vm5, v12, v11;
	v4 =	vsel vm5, v4, v5  }
0x33: {  	v4 =	vcombine.low v17, v4  }
0x34: {  	v18 =	vimm.s32 $0x12131415;
	v19 =	vsel vm5, v16, v15;
	v13 =	vsel vm5, v13, v14  }
0x35: {  	v18 =	vunpack.c.0.s8.s32 v18;
	[tilespmem:$0x1FCE0] =	vst v4;
	v4 =	vcombine.low v19, v13;
	_ =	sdelay $0x1  }
0x36: {  	v20 =	vimm.s32 $0x13141516;
	v36 =	vsel vm5, v8, v18;
	[tilespmem:$0x1FCF0] =	vst v4;
	v4 =	vsel vm5, v6, v7  }
0x37: {  	v13 =	vunpack.c.0.s8.s32 v20;
	v4 =	vcombine.low v36, v4  }
0x38: {  	vm10 =	vcmask $0x2310;
	v37 =	vimm.s32 $0x14151617;
	v38 =	vimm.s32 $0x19181700  }
0x39: {  	v6 =	vunpack.c.0.s8.s32 v37;
	v7 =	vunpack.c.0.s8.s32 v38;
	[tilespmem:$0x1FD00] =	vst v4;
	v4 =	vsel vm10, v21, v13  }
0x3a: {  	v5 =	vsel vm5, v5, v12;
	v4 =	vsel vm9, v10, v4;
	v10 =	vimm.s32 $0x15161718  }
0x3b: {  	v11 =	vsel vm5, v11, v6;
	v10 =	vunpack.c.0.s8.s32 v10;
	v4 =	vsel vm7, v7, v4  }
0x3c: {  	[tilespmem:$0x1FD10] =	vst v4;
	v4 =	vcombine.low v11, v5  }
0x3d: {  	v12 =	vimm.s32 $0x16171819;
	v5 =	vsel vm5, v14, v16;
	v39 =	vsel vm5, v15, v10  }
0x3e: {  	[tilespmem:$0x1FD20] =	vst v4;
	v4 =	vunpack.c.0.s8.s32 v12;
	v5 =	vcombine.low v39, v5;
	_ =	sdelay $0x1  }
0x3f: {  	[tilespmem:$0x1FD30] =	vst v5;
	v5 =	vsel vm5, v18, v4  }
0x40: {  	vm4 =	vcmask $0x3F2C;
	vm11 =	vcmask $0x1F14;
	v5 =	vcombine.low v5, v9  }
0x41: {  	vm3 =	vcmask $0xF00;
	vm12 =	vcmask $0x2F20;
	v11 =	vimm.s32 $0x15141300  }
0x42: {  	v40 =	vunpack.c.0.s8.s32 v11;
	v12 =	vimm.s32 $0x1A1B1C1D;
	[tilespmem:$0x1FD40] =	vst v5;
	v5 =	vimm.s32 $0x1718191A  }
0x43: {  	v11 =	vimm.s32 $0x191A1B1C;
	v12 =	vunpack.c.0.s8.s32 v12;
	v5 =	vunpack.c.0.s8.s32 v5  }
0x44: {  	v43 =	vimm.s32 $0x1B1C1D1E;
	v11 =	vunpack.c.0.s8.s32 v11;
	v7 =	vsel vm11, v40, v21  }
0x45: {  	[tilespmem:$0x1FD60] =	vst v13;
	v9 =	vimm.s32 $0x18191A1B;
	v42 =	vnsel vm3, $0x12, v12;
	v13 =	vsel vm5, v13, v5  }
0x46: {  	v9 =	vunpack.c.0.s8.s32 v9;
	v4 =	vsel vm5, v4, v42;
	v7 =	vcombine.low v13, v7  }
0x47: {  	v41 =	vsel vm5, v10, v11;
	v10 =	vimm.s32 $0x2A292827;
	v4 =	vsel vm12, v18, v4  }
0x48: {  	v6 =	vsel vm5, v6, v9;
	v9 =	vimm.s32 $0x2E2D2C2B;
	[tilespmem:$0x1FD70] =	vst v7;
	v7 =	vunpack.c.0.s8.s32 v43  }
0x49: {  	v10 =	vunpack.c.0.s8.s32 v10;
	v4 =	vsel vm4, v8, v4;
	v9 =	vunpack.c.0.s8.s32 v9  }
0x4a: {  	[tilespmem:$0x1FDA0] =	vst v4;
	v4 =	vsel vm5, v5, v7  }
0x4b: {  	[tilespmem:$0x1FDB0] =	vst v4;
	v4 =	vsel vm5, v9, v10  }
0x4c: {  	v5 =	vimm.s32 $0x22212021;
	[tilespmem:$0x1FDD0] =	vst v4;
	v4 =	vimm.s32 $0x26252423  }
0x4d: {  	v33 =	vunpack.c.0.s8.s32 v5;
	v32 =	vunpack.c.0.s8.s32 v4;
	v4 =	vimm.s32 $0x25242326  }
0x4e: {  	v5 =	vimm.s32 $0x2928272A;
	v34 =	vunpack.c.0.s8.s32 v4;
	v4 =	vimm.s32 $0x21202122  }
0x4f: {  	v35 =	vunpack.c.0.s8.s32 v4;
	v4 =	vunpack.c.0.s8.s32 v5  }
0x50: {  	v44 =	vimm.s32 $0x28272625;
	v45 =	vimm.s32 $0x2B2A2928  }
0x51: {  	v6 =	vcombine.low v6, v17;
	v5 =	vimm.s32 $0x2D2C2B00;
	[tilespmem:$0x1FDE0] =	vst v4;
	v4 =	vimm.s32 $0x2C2B2A29  }
0x52: {  	v8 =	vunpack.c.0.s8.s32 v44;
	v5 =	vunpack.c.0.s8.s32 v5;
	v4 =	vunpack.c.0.s8.s32 v4  }
0x53: {  	v46 =	vimm.s32 $0x27262524;
	v47 =	vimm.s32 $0x24232221;
	[tilespmem:$0x1FD80] =	vst v6  }
0x54: {  	v7 =	vunpack.c.0.s8.s32 v46;
	[tilespmem:$0x1FDF0] =	vst v5;
	v5 =	vunpack.c.0.s8.s32 v45;
	v4 =	vsel vm5, v4, v8  }
0x55: {  	v48 =	vimm.s32 $0x22232425;
	v6 =	vcombine.low v41, v19;
	[tilespmem:$0x1FE10] =	vst v4;
	v4 =	vimm.s32 $0x20212223  }
0x56: {  	v41 =	vunpack.c.0.s8.s32 v4;
	v4 =	vsel vm5, v5, v7;
	v5 =	vimm.s32 $0x23222120  }
0x57: {  	v50 =	vimm.s32 $0x2A2B2C2D;
	[tilespmem:$0x1FE30] =	vst v4;
	v4 =	vimm.s32 $0x21222324;
	v45 =	vunpack.c.0.s8.s32 v5  }
0x58: {  	[tilespmem:$0x1FC40] =	vst v61;
	v5 =	vimm.s32 $0x29282700;
	v44 =	vunpack.c.0.s8.s32 v4;
	v4 =	vimm.s32 $0x23242526  }
0x59: {  	v42 =	vunpack.c.0.s8.s32 v47;
	[tilespmem:$0x1FD90] =	vst v6;
	v47 =	vunpack.c.0.s8.s32 v4;
	v4 =	vunpack.c.0.s8.s32 v5  }
0x5a: {  	v51 =	vimm.s32 $0x26272829;
	v53 =	vimm.s32 $0x2B2C2D2E;
	v6 =	vunpack.c.0.s8.s32 v50;
	[tilespmem:$0x1FE20] =	vst v7  }
0x5b: {  	v46 =	vunpack.c.0.s8.s32 v48;
	v7 =	vunpack.c.0.s8.s32 v51;
	[tilespmem:$0x1FE40] =	vst v4;
	v4 =	vimm.s32 $0x25262728  }
0x5c: {  	[tilespmem:$0x1FD50] =	vst v21;
	v5 =	vimm.s32 $0x25242300;
	v11 =	vunpack.c.0.s8.s32 v4;
	v4 =	vimm.s32 $0x2728292A  }
0x5d: {  	[tilespmem:$0x1FDC0] =	vst v10;
	v5 =	vunpack.c.0.s8.s32 v5;
	v12 =	vunpack.c.0.s8.s32 v4;
	v4 =	vnsel vm3, $0x22, v6  }
0x5e: {  	[tilespmem:$0x1FE00] =	vst v8;
	v9 =	vimm.s32 $0x3A393837;
	v8 =	vimm.s32 $0x3E3D3C3B;
	v4 =	vsel vm5, v7, v4  }
0x5f: {  	[tilespmem:$0x1FE60] =	vst v7;
	v5 =	vsel vm11, v5, v35;
	v7 =	vunpack.c.0.s8.s32 v53;
	v4 =	vsel vm12, v46, v4  }
0x60: {  	v9 =	vunpack.c.0.s8.s32 v9;
	v8 =	vunpack.c.0.s8.s32 v8;
	[tilespmem:$0x1FE50] =	vst v5;
	v4 =	vsel vm4, v33, v4  }
0x61: {  	v49 =	vimm.s32 $0x24252627;
	[tilespmem:$0x1FEB0] =	vst v4;
	v4 =	vsel vm5, v12, v7  }
0x62: {  	v10 =	vunpack.c.0.s8.s32 v49;
	v5 =	vimm.s32 $0x28292A2B;
	[tilespmem:$0x1FED0] =	vst v4;
	v4 =	vsel vm5, v8, v9  }
0x63: {  	v52 =	vimm.s32 $0x292A2B2C;
	v5 =	vunpack.c.0.s8.s32 v5;
	[tilespmem:$0x1FEF0] =	vst v4;
	v4 =	vimm.s32 $0x36353433  }
0x64: {  	[tilespmem:$0x1FE70] =	vst v10;
	v6 =	vunpack.c.0.s8.s32 v52;
	v60 =	vunpack.c.0.s8.s32 v4;
	v4 =	vimm.s32 $0x32313031  }
0x65: {  	[tilespmem:$0x1FEE0] =	vst v9;
	v5 =	vsel vm5, v10, v5;
	v61 =	vunpack.c.0.s8.s32 v4;
	v4 =	vimm.s32 $0x31303132  }
0x66: {  	[tilespmem:$0x1FE80] =	vst v5;
	v5 =	vsel vm5, v11, v6;
	v63 =	vunpack.c.0.s8.s32 v4;
	v4 =	vimm.s32 $0x3938373A  }
0x67: {  	[tilespmem:$0x1FEA0] =	vst v5;
	v5 =	vimm.s32 $0x35343336;
	v4 =	vunpack.c.0.s8.s32 v4  }
0x68: {  	s8 =	rddreg [dreg:$0x0];
	[tilespmem:$0x1FE90] =	vst v11;
	v62 =	vunpack.c.0.s8.s32 v5;
	v5 =	vimm.s32 $0x3D3C3B00  }
0x69: {  	s4 =	srdreg.scid;
	s2 =	stileid.u32;
	v57 =	vimm.s32 $0x37363534;
	[tilespmem:$0x1FF00] =	vst v4;
	v4 =	vunpack.c.0.s8.s32 v5  }
0x6a: {  	v54 =	vimm.s32 $0x3C3B3A39;
	v55 =	vimm.s32 $0x38373635;
	s5 =	rddreg [dreg:$0x1];
	s4 =	sand.u32 $0x1, s4;
	s6 =	sshll.u32 s2, $0x1;
	[tilespmem:$0x1FEC0] =	vst v12;
	v5 =	vunpack.c.0.s8.s32 v57  }
0x6b: {  	s7 =	rddreg [dreg:$0x2];
	s20 =	sor.u32 s4, s6;
	v56 =	vimm.s32 $0x3B3A3938;
	v8 =	vunpack.c.0.s8.s32 v54;
	[tilespmem:$0x1FF10] =	vst v4;
	v4 =	vunpack.c.0.s8.s32 v55  }
0x6c: {  	s1 =	rddreg [dreg:$0x3];
	s9 =	sshll.u32 s20, $0x3;
	v11 =	vunpack.c.0.s8.s32 v56;
	[tilespmem:$0x1FF40] =	vst v5  }
0x6d: {  	s0 =	rddreg [dreg:$0x4];
	p0 =	seq.s32 s20, $0x1F;
	s10 =	sadd.s32 s9, s5;
	[tilespmem:$0x1FF20] =	vst v4;
	v4 =	vsel vm5, v8, v4  }
0x6e: {  	s3 =	simm.s32 $0x0;
	s6 =	sadd.s32 $0x1E00, s10;
	s10 =	simm.s32 @!p0 $0x0;
	[tilespmem:$0x1FF30] =	vst v4;
	v4 =	vsel vm5, v11, v5  }
0x6f: {  	[smem:$0x7FF] =	sst s3;
	s10 =	simm.s32 @p0 $0x1;
	p0 =	sgt.u32 s20, $0x1C;
	[tilespmem:$0x1FF50] =	vst v4  }
0x70: {  	_ =	strace $0x8000004A;
	[smem:$0x7E5] =	sst s10;
	s10 =	simm.s32 @!p0 $0x0  }
0x71: {  	s10 =	simm.s32 @p0 $0x1;
	p0 =	sgt.u32 s20, $0x1A  }
0x72: {  	[smem:$0x7E6] =	sst s10;
	s10 =	simm.s32 @!p0 $0x0  }
0x73: {  	s10 =	simm.s32 @p0 $0x1;
	p0 =	sgt.u32 s20, $0x18  }
0x74: {  	[smem:$0x7E7] =	sst s10;
	s10 =	simm.s32 @!p0 $0x0  }
0x75: {  	s10 =	simm.s32 @p0 $0x1;
	p0 =	sgt.u32 s20, $0x16  }
0x76: {  	[smem:$0x7E8] =	sst s10;
	s10 =	simm.s32 @!p0 $0x0  }
0x77: {  	s10 =	simm.s32 @p0 $0x1;
	p0 =	sgt.u32 s20, $0x14  }
0x78: {  	[smem:$0x7E9] =	sst s10;
	s10 =	simm.s32 @!p0 $0x0  }
0x79: {  	s10 =	simm.s32 @p0 $0x1;
	p0 =	sgt.u32 s20, $0x12  }
0x7a: {  	[smem:$0x7EA] =	sst s10;
	s10 =	simm.s32 @!p0 $0x0  }
0x7b: {  	s10 =	simm.s32 @p0 $0x1;
	p0 =	sgt.u32 s20, $0x10  }
0x7c: {  	s21 =	simm.s32 @!p0 $0x0  }
0x7d: {  	s21 =	simm.s32 @p0 $0x1;
	p0 =	sgt.u32 s20, $0xE  }
0x7e: {  	[smem:$0x7EC] =	sst s21;
	s21 =	simm.s32 @!p0 $0x0  }
0x7f: {  	s21 =	simm.s32 @p0 $0x1;
	p0 =	sgt.u32 s20, $0xC  }
0x80: {  	[smem:$0x7ED] =	sst s21;
	s21 =	simm.s32 @!p0 $0x0  }
0x81: {  	s21 =	simm.s32 @p0 $0x1;
	p0 =	sgt.u32 s20, $0xA  }
0x82: {  	[smem:$0x7EE] =	sst s21;
	s21 =	simm.s32 @!p0 $0x0  }
0x83: {  	s21 =	simm.s32 @p0 $0x1;
	p0 =	sgt.u32 s20, $0x8  }
0x84: {  	[smem:$0x7EF] =	sst s21;
	s21 =	simm.s32 @!p0 $0x0  }
0x85: {  	s21 =	simm.s32 @p0 $0x1;
	p0 =	sgt.u32 s20, $0x6  }
0x86: {  	[smem:$0x7F0] =	sst s21;
	s21 =	simm.s32 @!p0 $0x0  }
0x87: {  	s21 =	simm.s32 @p0 $0x1;
	p0 =	sgt.u32 s20, $0x4  }
0x88: {  	[smem:$0x7F1] =	sst s21;
	s21 =	simm.s32 @!p0 $0x0  }
0x89: {  	s13 =	simm.s32 $0x1080;
	s21 =	simm.s32 @p0 $0x1;
	p0 =	sgt.u32 s20, $0x2  }
0x8a: {  	s14 =	simm.s32 $0x1180;
	[smem:$0x7F2] =	sst s21;
	s21 =	simm.s32 @!p0 $0x0  }
0x8b: {  	s15 =	simm.s32 $0x1;
	s21 =	simm.s32 @p0 $0x1;
	p0 =	seq.s32 s20, $0x0  }
0x8c: {  	s16 =	simm.s32 $0x1A00;
	s12 =	sshll.u32 s20, $0xA;
	s20 =	simm.s32 @!p0 $0x0  }
0x8d: {  	s17 =	simm.s32 $0x2200;
	s20 =	simm.s32 @p0 $0x1;
	p0 =	seq.s32 s2, $0xF  }
0x8e: {  	s18 =	simm.s32 $0x2A00;
	[smem:$0x7F4] =	sst s20;
	s20 =	simm.s32 @!p0 $0x0  }
0x8f: {  	v22 =	vimm.s32 $0x393A3B3C;
	s19 =	simm.s32 $0x1100;
	v13 =	vimm.s32 $0x33323130;
	s20 =	simm.s32 @p0 $0x1;
	p0 =	sgt.u32 s2, $0xD  }
0x90: {  	v23 =	vimm.s32 $0x3738393A;
	p4 =	sgt.u32 s2, $0x5;
	v14 =	vunpack.c.0.s8.s32 v13;
	v13 =	vimm.s32 $0x32333435;
	[smem:$0x7F5] =	sst s20;
	s20 =	simm.s32 @!p0 $0x0  }
0x91: {  	p5 =	sgt.u32 s2, $0x4;
	v17 =	vimm.s32 $0x35343300;
	v15 =	vunpack.c.0.s8.s32 v13;
	v13 =	vimm.s32 $0x33343536;
	s20 =	simm.s32 @p0 $0x1;
	p0 =	sgt.u32 s2, $0xC  }
0x92: {  	p6 =	sgt.u32 s2, $0x3;
	v16 =	vunpack.c.0.s8.s32 v13;
	v13 =	vunpack.c.0.s8.s32 v17;
	v17 =	vimm.s32 $0x3A3B3C3D;
	[smem:$0x7F6] =	sst s20;
	s20 =	simm.s32 @!p0 $0x0  }
0x93: {  	v24 =	vimm.s32 $0x3B3C3D3E;
	vm13 =	vmmov $0xf;
	p1 =	sgt.u32 s2, $0x1;
	v19 =	vunpack.c.0.s8.s32 v17;
	s20 =	simm.s32 @p0 $0x1;
	p0 =	sgt.u32 s2, $0xB  }
0x94: {  	p2 =	seq.s32 s2, $0x0;
	v18 =	vimm.s32 $0x36373839;
	v17 =	vimm.s32 $0x34353637;
	v59 =	vsel vm11, v13, v63;
	[smem:$0x7F7] =	sst s20;
	s20 =	simm.s32 @!p0 $0x0  }
0x95: {  	s31 =	ssub.s32 $0x2, s4;
	v13 =	vnsel vm3, $0x32, v19;
	v19 =	vimm.s32 $0x38393A3B;
	v5 =	vunpack.c.0.s8.s32 v18;
	s20 =	simm.s32 @p0 $0x1;
	p0 =	sgt.u32 s2, $0xA  }
0x96: {  	s4 =	sadd.s32 $0x1A00, s5;
	v20 =	vimm.s32 $0x35363738;
	v19 =	vunpack.c.0.s8.s32 v19;
	v4 =	vunpack.c.0.s8.s32 v17;
	[smem:$0x7F8] =	sst s20;
	s20 =	simm.s32 @!p0 $0x0  }
0x97: {  	vm14 =	vmmov $0xff;
	v25 =	vunpack.c.0.s8.s32 v22;
	s11 =	sshrl.u32 s31, $0x1;
	v58 =	vunpack.c.0.s8.s32 v20;
	[tilespmem:$0x1FF70] =	vst v5;
	s20 =	simm.s32 @p0 $0x1;
	p0 =	sgt.u32 s2, $0x9  }
0x98: {  	v22 =	vimm.s32 $0x39383700;
	s5 =	sadd.s32 $0x1C00, s5;
	v13 =	vsel vm5, v5, v13;
	[tilespmem:$0x1FF90] =	vst v4;
	v4 =	vsel vm5, v4, v19;
	[smem:$0x7F9] =	sst s20;
	s20 =	simm.s32 @!p0 $0x0  }
0x99: {  	v23 =	vunpack.c.0.s8.s32 v23;
	s11 =	ssub.s32 s31, s11;
	v13 =	vsel vm12, v15, v13;
	[tilespmem:$0x1FFA0] =	vst v4;
	v4 =	vsel vm5, v58, v25;
	s20 =	simm.s32 @p0 $0x1;
	p0 =	sgt.u32 s2, $0x8  }
0x9a: {  	v28 =	vunpack.c.0.s8.s32 v24;
	s7 =	sadd.s32 s7, s12;
	v5 =	vunpack.c.0.s8.s32 v22;
	[tilespmem:$0x1FFB0] =	vst v4;
	v4 =	vsel vm4, v61, v13;
	[smem:$0x7FA] =	sst s20;
	s20 =	simm.s32 @!p0 $0x0  }
0x9b: {  	v30 =	vimm.s32 $0x0;
	vm15 =	vmmov $0x1;
	s8 =	sadd.s32 s8, s9;
	[tilespmem:$0x1FFC0] =	vst v4;
	v4 =	vimm.s32 $0x0;
	s20 =	simm.s32 @p0 $0x1;
	p0 =	sgt.u32 s2, $0x7  }
0x9c: {  	s12 =	simm.s32 $0x80;
	v28 =	vsel vm5, v23, v28;
	v10 =	vimm.s32 $0x34333231;
	[tilespmem:$0x1FF80] =	vst v5;
	v4 =	vsel vm13, $0xFFFFFFFF, v4;
	[smem:$0x7FB] =	sst s20;
	s20 =	simm.s32 @!p0 $0x0  }
0x9d: {  	v12 =	vimm.s32 $0x31323334;
	v5 =	vimm.s32 $0x0;
	[tilespmem:$0x1FFD0] =	vst v4;
	v4 =	vlaneseq.u32;
	[smem:$0x7EB] =	sst s10;
	s20 =	simm.s32 @p0 $0x1;
	p0 =	sgt.u32 s2, $0x6  }
0x9e: {  	s9 =	smax.u32 s11, $0x1;
	[tilespmem:$0x1FF60] =	vst v59;
	v5 =	vsel vm14, $0xFFFFFFFF, v5;
	v29 =	vmul.u32 $0xFFFFFFFF, v4;
	v4 =	vimm.s32 $0x0;
	[smem:$0x7FC] =	sst s20;
	s20 =	simm.s32 @!p0 $0x0  }
0x9f: {  	s11 =	simm.s32 $0x2;
	v10 =	vunpack.c.0.s8.s32 v10;
	v9 =	vimm.s32 $0x30313233;
	[tilespmem:$0x1FFE0] =	vst v5;
	v4 =	vsel vm15, $0xFFFFFFFF, v4;
	[smem:$0x7F3] =	sst s21;
	s20 =	simm.s32 @p0 $0x1  }
0xa0: {  	v26 =	vmovc v58;
	v12 =	vunpack.c.0.s8.s32 v12;
	v9 =	vunpack.c.0.s8.s32 v9;
	v13 =	vadd.s32 $0xF, v29;
	[tilespmem:$0x1FFF0] =	vst v4;
	s10 =	simm.s32 $0x1200;
	p0 =	sgt.u32 s2, $0x2;
	[smem:$0x7FD] =	sst s20  }
.LBB2_1:
0xa1: {  	[tilespmem:s10], [sflag:$0x1] =	stream.linear.gather [hbm4b:s7+s3], $0x2000, $0x38;
	[tilespmem:$0x3200] =	vst v63  }
0xa2: {  	_ = 	snop  }
0xa3: {  	[tilespmem:s3], [sflag:$0x2] =	stream.linear.gather [hbm4b:s8+s3], $0x40, $0x38;
	[tilespmem:$0x3200] =	vst v63  }
0xa4: {  	_ =	swait.ge [sflag:s11], $0x40  }
0xa5: {  	[sflag:s11] =	ssyncset.done $0x0  }
0xa6: {  	[sflag:s11] =	ssyncadd.s32 $0xFFFFFFC0  }
0xa7: {  	[tilespmem:s12], [sflag:$0x2] =	stream.linear.gather [hbm4b:s4+s3], $0x1000, $0x38;
	[tilespmem:$0x3200] =	vst v63  }
0xa8: {  	_ =	swait.ge [sflag:s11], $0x1000  }
0xa9: {  	[sflag:s11] =	ssyncset.done $0x0  }
0xaa: {  	[sflag:s11] =	ssyncadd.s32 $0xFFFFF000  }
0xab: {  	v19 =	vld [tilespmem:$0x80]  }
0xac: {  	v31 =	vld [tilespmem:$0x100]  }
0xad: {  	v36 =	vld [tilespmem:$0x180]  }
0xae: {  	v38 =	vld [tilespmem:$0x200]  }
0xaf: {  	v40 =	vld [tilespmem:$0x280]  }
0xb0: {  	v27 =	vld [tilespmem:$0x300]  }
0xb1: {  	v48 =	vld [tilespmem:$0x380];
	v43 =	vadd.s32 v19, v31  }
0xb2: {  	v37 =	vld [tilespmem:$0x400];
	v43 =	vadd.s32 v36, v43  }
0xb3: {  	v52 =	vld [tilespmem:$0x480];
	v43 =	vadd.s32 v38, v43  }
0xb4: {  	v39 =	vld [tilespmem:$0x500];
	v43 =	vadd.s32 v40, v43  }
0xb5: {  	v55 =	vld [tilespmem:$0x580];
	v43 =	vadd.s32 v27, v43  }
0xb6: {  	v56 =	vld [tilespmem:$0x600];
	v43 =	vadd.s32 v48, v43  }
0xb7: {  	v57 =	vld [tilespmem:$0x680];
	v43 =	vadd.s32 v37, v43  }
0xb8: {  	v58 =	vld [tilespmem:$0x700];
	v43 =	vadd.s32 v52, v43  }
0xb9: {  	v49 =	vld [tilespmem:$0x780];
	v43 =	vadd.s32 v39, v43  }
0xba: {  	v59 =	vld [tilespmem:$0x800];
	v43 =	vadd.s32 v55, v43  }
0xbb: {  	v50 =	vld [tilespmem:$0x880];
	v43 =	vadd.s32 v56, v43  }
0xbc: {  	v51 =	vld [tilespmem:$0x900];
	v43 =	vadd.s32 v57, v43  }
0xbd: {  	v53 =	vld [tilespmem:$0x980];
	v43 =	vadd.s32 v58, v43  }
0xbe: {  	v4 =	vld [tilespmem:$0xA00];
	v43 =	vadd.s32 v49, v43  }
0xbf: {  	v5 =	vld [tilespmem:$0xA80];
	v43 =	vadd.s32 v59, v43  }
0xc0: {  	v54 =	vld [tilespmem:$0xB00];
	v43 =	vadd.s32 v50, v43  }
0xc1: {  	v8 =	vld [tilespmem:$0xB80];
	v43 =	vadd.s32 v51, v43  }
0xc2: {  	v11 =	vld [tilespmem:$0xC00];
	v43 =	vadd.s32 v53, v43  }
0xc3: {  	v6 =	vld [tilespmem:$0xC80];
	v43 =	vadd.s32 v4, v43  }
0xc4: {  	v7 =	vld [tilespmem:$0xD00];
	v43 =	vadd.s32 v5, v43  }
0xc5: {  	v21 =	vld [tilespmem:$0xD80];
	v43 =	vadd.s32 v54, v43  }
0xc6: {  	v17 =	vld [tilespmem:$0xE00];
	v43 =	vadd.s32 v8, v43  }
0xc7: {  	v18 =	vld [tilespmem:$0xE80];
	v43 =	vadd.s32 v11, v43  }
0xc8: {  	v22 =	vld [tilespmem:$0xF00];
	v43 =	vadd.s32 v6, v43  }
0xc9: {  	v20 =	vld [tilespmem:$0xF80];
	v43 =	vadd.s32 v7, v43  }
0xca: {  	v24 =	vld [tilespmem:$0x1000];
	v43 =	vadd.s32 v21, v43  }
0xcb: {  	v43 =	vadd.s32 v17, v43  }
0xcc: {  	v43 =	vadd.s32 v18, v43  }
0xcd: {  	v43 =	vadd.s32 v22, v43  }
0xce: {  	v43 =	vadd.s32 v20, v43  }
0xcf: {  	v24 =	vadd.s32 v24, v43  }
0xd0: {  	[tilespmem:$0x1080] =	vst v24  }
0xd1: {  	v43 =	vld.idx.msk [tilespmem:v0+s13+$0x0], $0xffff;
	_ =	sdelay $0x2  }
0xd2: {  	v25 =	vlaneseq.u32  }
0xd3: {  	vm8 =	veq.s32 v25, $0x0  }
0xd4: {  	v43 =	vsel vm8, $0x0, v43  }
0xd5: {  	v43 =	vadd.s32 v24, v43  }
0xd6: {  	[tilespmem:$0x1080] =	vst v43  }
0xd7: {  	v25 =	vld.idx.msk [tilespmem:v1+s13+$0x0], $0xffff;
	[tilespmem:$0x1FBF0] =	vst v2  }
0xd8: {  	v2 =	vld [tilespmem:$0x1FC10];
	_ =	sdelay $0x4  }
0xd9: {  	vm14 =	vnez.u8 v2;
	v2 =	vld [tilespmem:$0x1FBF0];
	s20 =	sld [smem:$0x7F4]  }
0xda: {  	s28 =	sld [smem:$0x7F3];
	_ =	sdelay $0x1  }
0xdb: {  	s29 =	sld [smem:$0x7F2];
	p3 =	seq.s32 s20, $0x1  }
0xdc: {  	v31 =	vpsel p2, $0x0, v31;
	v19 =	vpsel p3, $0x0, v19;
	p3 =	seq.s32 s28, $0x1  }
0xdd: {  	v19 =	vadd.s32 v19, v31;
	v31 =	vpsel !p3, $0x0, v36  }
0xde: {  	v25 =	vsel vm14, $0x0, v25;
	p3 =	seq.s32 s29, $0x1;
	v19 =	vadd.s32 v31, v19;
	v31 =	vpsel !p1, $0x0, v38  }
0xdf: {  	s30 =	sld [smem:$0x7F1];
	v25 =	vadd.s32 v43, v25;
	v19 =	vadd.s32 v31, v19;
	v31 =	vpsel !p3, $0x0, v40  }
0xe0: {  	[tilespmem:$0x1080] =	vst v25;
	v19 =	vadd.s32 v31, v19;
	v31 =	vld [tilespmem:$0x1FFD0]  }
0xe1: {  	s31 =	sld [smem:$0x7F0];
	v43 =	vld.idx.msk [tilespmem:v2+s13+$0x0], $0xffff  }
0xe2: {  	v27 =	vpsel !p0, $0x0, v27;
	p3 =	seq.s32 s30, $0x1  }
0xe3: {  	s21 =	sld [smem:$0x7EF];
	v19 =	vadd.s32 v27, v19;
	v27 =	vpsel !p3, $0x0, v48  }
0xe4: {  	p3 =	seq.s32 s31, $0x1;
	v19 =	vadd.s32 v27, v19;
	v27 =	vpsel !p6, $0x0, v37  }
0xe5: {  	v19 =	vadd.s32 v27, v19;
	v27 =	vpsel !p3, $0x0, v52;
	vm1 =	vnez.u8 v31  }
0xe6: {  	p3 =	seq.s32 s21, $0x1;
	v19 =	vadd.s32 v27, v19;
	v27 =	vpsel !p5, $0x0, v39;
	v31 =	vsel vm1, $0x0, v43  }
0xe7: {  	v19 =	vadd.s32 v27, v19;
	v27 =	vpsel !p3, $0x0, v55;
	v25 =	vadd.s32 v25, v31  }
0xe8: {  	v19 =	vadd.s32 v27, v19;
	v27 =	vpsel !p4, $0x0, v56;
	v56 =	vld [tilespmem:$0x1FFE0];
	[tilespmem:$0x1080] =	vst v25  }
0xe9: {  	v31 =	vld.idx.msk [tilespmem:v3+s13+$0x0], $0xffff  }
0xea: {  	s22 =	sld [smem:$0x7EE]  }
0xeb: {  	s23 =	sld [smem:$0x7FD]  }
0xec: {  	s24 =	sld [smem:$0x7ED]  }
0xed: {  	s25 =	sld [smem:$0x7FC];
	p3 =	seq.s32 s22, $0x1;
	v19 =	vadd.s32 v27, v19;
	vm15 =	vnez.u8 v56  }
0xee: {  	s26 =	sld [smem:$0x7EC];
	v27 =	vpsel !p3, $0x0, v57;
	p3 =	seq.s32 s23, $0x1;
	v24 =	vsub.s32 v25, v24;
	v31 =	vsel vm15, $0x0, v31  }
0xef: {  	s28 =	sld [smem:$0x7FB];
	v19 =	vadd.s32 v27, v19;
	v27 =	vpsel !p3, $0x0, v58;
	p3 =	seq.s32 s24, $0x1;
	v24 =	vadd.s32 v31, v24  }
0xf0: {  	s29 =	sld [smem:$0x7EB];
	v19 =	vadd.s32 v27, v19;
	v27 =	vpsel !p3, $0x0, v49;
	p3 =	seq.s32 s25, $0x1;
	[tilespmem:$0x1180] =	vst v24  }
0xf1: {  	[hbm4b:s5+s3] =	stream.linear.scatter [tilespmem:s14], [sflag:$0x2], $0x80, $0x38;
	[tilespmem:$0x3200] =	vst v63  }
0xf2: {  	s30 =	sld [smem:$0x7FA];
	v19 =	vadd.s32 v27, v19;
	v27 =	vpsel !p3, $0x0, v59;
	p3 =	seq.s32 s26, $0x1;
	_ =	swait.ge [sflag:s11], $0x80  }
0xf3: {  	v19 =	vadd.s32 v27, v19;
	v25 =	vpsel !p3, $0x0, v50;
	p3 =	seq.s32 s28, $0x1;
	s31 =	sld [smem:$0x7EA];
	[sflag:s11] =	ssyncset.done $0x0  }
0xf4: {  	v19 =	vadd.s32 v25, v19;
	v25 =	vpsel !p3, $0x0, v51;
	p3 =	seq.s32 s29, $0x1;
	s21 =	sld [smem:$0x7F9];
	[sflag:s11] =	ssyncadd.s32 $0xFFFFFF80  }
0xf5: {  	v19 =	vadd.s32 v25, v19;
	v25 =	vpsel !p3, $0x0, v53;
	p3 =	seq.s32 s30, $0x1;
	s22 =	sld [smem:$0x7E9];
	_ =	swait.ge [sflag:s15], $0x2000  }
0xf6: {  	v19 =	vadd.s32 v25, v19;
	v4 =	vpsel !p3, $0x0, v4;
	p3 =	seq.s32 s31, $0x1;
	s23 =	sld [smem:$0x7F8]  }
0xf7: {  	v4 =	vadd.s32 v4, v19;
	s24 =	sld [smem:$0x7E8];
	v5 =	vpsel !p3, $0x0, v5;
	p3 =	seq.s32 s21, $0x1  }
0xf8: {  	s25 =	sld [smem:$0x7F7];
	v4 =	vadd.s32 v5, v4;
	v5 =	vpsel !p3, $0x0, v54;
	p3 =	seq.s32 s22, $0x1  }
0xf9: {  	s26 =	sld [smem:$0x7E7];
	v4 =	vadd.s32 v5, v4;
	v5 =	vpsel !p3, $0x0, v8;
	p3 =	seq.s32 s23, $0x1;
	v8 =	vld [tilespmem:$0x1FC20]  }
0xfa: {  	s28 =	sld [smem:$0x7F6];
	v4 =	vadd.s32 v5, v4;
	v5 =	vpsel !p3, $0x0, v11;
	p3 =	seq.s32 s24, $0x1  }
0xfb: {  	s29 =	sld [smem:$0x7E6];
	v4 =	vadd.s32 v5, v4;
	v5 =	vpsel !p3, $0x0, v6;
	p3 =	seq.s32 s25, $0x1  }
0xfc: {  	s30 =	sld [smem:$0x7F5];
	v4 =	vadd.s32 v5, v4;
	v5 =	vpsel !p3, $0x0, v7;
	p3 =	seq.s32 s26, $0x1  }
0xfd: {  	s31 =	sld [smem:$0x7E5];
	v4 =	vadd.s32 v5, v4;
	v5 =	vpsel !p3, $0x0, v21;
	p3 =	seq.s32 s28, $0x1  }
0xfe: {  	[sflag:s15] =	ssyncset.done $0x0;
	v4 =	vadd.s32 v5, v4;
	v5 =	vpsel !p3, $0x0, v17;
	p3 =	seq.s32 s29, $0x1  }
0xff: {  	v59 =	vld [tilespmem:$0x1FC40];
	[sflag:s15] =	ssyncadd.s32 $0xFFFFE000;
	v4 =	vadd.s32 v5, v4;
	v5 =	vpsel !p3, $0x0, v18;
	p3 =	seq.s32 s30, $0x1  }
0x100: {  	v31 =	vld [tilespmem:$0x0];
	v4 =	vadd.s32 v5, v4;
	v5 =	vpsel !p3, $0x0, v22;
	p3 =	seq.s32 s31, $0x1  }
0x101: {  	v8 =	vld.idx.msk [tilespmem:v8+s3+$0x0], $0xffff;
	v4 =	vadd.s32 v5, v4;
	v5 =	vpsel !p3, $0x0, v20  }
0x102: {  	v4 =	vadd.s32 v5, v4;
	v5 =	vld [tilespmem:$0x1FC30]  }
0x103: {  	v57 =	vld.idx.msk [tilespmem:v0+s3+$0x0], $0xffff  }
0x104: {  	v58 =	vld.idx.msk [tilespmem:v1+s3+$0x0], $0xffff;
	_ =	sdelay $0x1  }
0x105: {  	vm4 =	veq.s32 v8, v31;
	v8 =	vld [tilespmem:$0x1FC50];
	_ =	sdelay $0x1  }
0x106: {  	vm10 =	vcmask $0x3F04  }
0x107: {  	vm13 =	vcmask $0x3F08;
	v11 =	vld.idx.msk [tilespmem:v2+s3+$0x0], $0xffff;
	vm2 =	veq.s32 v57, v31;
	vm12 =	veq.s32 v58, v31  }
0x108: {  	vm8 =	vmand vm2, vm10;
	vm3 =	vmand vm12, vm13;
	v5 =	vld.idx.msk [tilespmem:v5+s3+$0x0], $0xffff  }
0x109: {  	v6 =	vld.idx.msk [tilespmem:v59+s3+$0x0], $0xffff;
	v36 =	vsel vm8, $0x1, v30;
	v17 =	vsel vm3, $0x1, v30  }
0x10a: {  	v7 =	vadd.s32 v36, v17;
	v17 =	vld.idx.msk [tilespmem:v3+s3+$0x0], $0xffff  }
0x10b: {  	vm11 =	vcmask $0x3F0C  }
0x10c: {  	vm5 =	vmand vm4, vm11;
	v8 =	vld.idx.msk [tilespmem:v8+s3+$0x0], $0xffff  }
0x10d: {  	vm10 =	veq.s32 v11, v31;
	v11 =	vsel vm5, $0x1, v30;
	vm5 =	veq.s32 v5, v31;
	v5 =	vld [tilespmem:$0x1FC60]  }
0x10e: {  	vm0 =	vcmask $0x3F14;
	vm15 =	vcmask $0x3F1C;
	vm3 =	vcmask $0x3F10  }
0x10f: {  	vm2 =	veq.s32 v17, v31;
	vm4 =	vmand vm10, vm3;
	vm10 =	veq.s32 v6, v31  }
0x110: {  	vm3 =	vcmask $0x3F20;
	v7 =	vadd.s32 v11, v7;
	v11 =	vsel vm4, $0x1, v30  }
0x111: {  	v37 =	vld [tilespmem:$0x1FC70];
	vm4 =	vcmask $0x3F18;
	v7 =	vadd.s32 v11, v7;
	vm8 =	vmand vm5, vm0  }
0x112: {  	vm5 =	vmand vm10, vm4;
	v11 =	vsel vm8, $0x1, v30;
	vm0 =	veq.s32 v8, v31  }
0x113: {  	v17 =	vld [tilespmem:$0x1FC90];
	v7 =	vadd.s32 v11, v7;
	v8 =	vsel vm5, $0x1, v30;
	vm1 =	vmand vm0, vm15  }
0x114: {  	vm8 =	vmand vm2, vm3;
	v11 =	vld [tilespmem:$0x1FC80];
	v7 =	vadd.s32 v8, v7;
	v8 =	vsel vm1, $0x1, v30  }
0x115: {  	v7 =	vadd.s32 v8, v7;
	v8 =	vsel vm8, $0x1, v30;
	v5 =	vld.idx.msk [tilespmem:v5+s3+$0x0], $0xffff  }
0x116: {  	v38 =	vadd.s32 v8, v7;
	v8 =	vld [tilespmem:$0x1FCB0];
	_ =	sdelay $0x2  }
0x117: {  	v6 =	vld.idx.msk [tilespmem:v37+s3+$0x0], $0xffff  }
0x118: {  	vm4 =	veq.s32 v5, v31;
	v5 =	vld [tilespmem:$0x1FCA0]  }
0x119: {  	v17 =	vld.idx.msk [tilespmem:v17+s3+$0x0], $0xffff  }
0x11a: {  	v43 =	vld.idx.msk [tilespmem:v13+s3+$0x0], $0xffff  }
0x11b: {  	vm7 =	vcmask $0xF14;
	v11 =	vld.idx.msk [tilespmem:v11+s3+$0x0], $0xffff  }
0x11c: {  	vm6 =	vcmask $0x1F24;
	vm14 =	vcmask $0x3F2C;
	v4 =	vadd.s32 v24, v4;
	v8 =	vld.idx.msk [tilespmem:v8+s3+$0x0], $0xffff  }
0x11d: {  	vm10 =	veq.s32 v6, v31;
	vm3 =	veq.s32 v31, $0x5;
	vm1 =	veq.s32 v31, $0x0  }
0x11e: {  	vm2 =	veq.s32 v17, v31;
	v51 =	vmpcnt.ones.xlane vm1;
	vm1 =	veq.s32 v31, $0x9  }
0x11f: {  	vm15 =	vcmask $0x3F24;
	vm0 =	veq.s32 v43, v31;
	v59 =	vmpcnt.ones.xlane vm1  }
0x120: {  	vm5 =	vmand vm4, vm15;
	vm4 =	vcmask $0x3F28;
	vm12 =	veq.s32 v11, v31;
	v5 =	vld.idx.msk [tilespmem:v5+s3+$0x0], $0xffff  }
0x121: {  	v39 =	vsel vm5, $0x1, v30;
	vm8 =	vmand vm12, vm14;
	vm14 =	veq.s32 v8, v31;
	v8 =	vld [tilespmem:$0x1FFF0]  }
0x122: {  	vm5 =	vmand vm10, vm4;
	vm4 =	vcmask $0x3F30;
	vm10 =	vcmask $0x3F34  }
0x123: {  	v6 =	vadd.s32 v39, v38;
	v40 =	vsel vm5, $0x1, v30;
	vm5 =	vmand vm2, vm4  }
0x124: {  	vm2 =	veq.s32 v31, $0x1;
	v6 =	vadd.s32 v40, v6;
	v48 =	vsel vm5, $0x1, v30  }
0x125: {  	vm5 =	vcmask $0x3F3C;
	v11 =	vsel vm8, $0x1, v30;
	vm9 =	veq.s32 v5, v31  }
0x126: {  	v5 =	vadd.s32 v11, v6;
	vm4 =	vnez.u8 v8;
	v8 =	vmpcnt.ones.xlane vm2  }
0x127: {  	vm2 =	vcmask $0x70C;
	vm12 =	vmand vm9, vm10;
	v5 =	vadd.s32 v48, v5  }
0x128: {  	vm9 =	vcmask $0x3F38;
	v6 =	vnsel vm4, $0x0, v51;
	vm10 =	vcmask $0x308  }
0x129: {  	[tilespmem:$0x1080] =	vst v4;
	v49 =	vsel vm12, $0x1, v30;
	vm8 =	vmand vm14, vm9;
	vm12 =	veq.s32 v31, $0x2  }
0x12a: {  	v11 =	vld.idx.msk [tilespmem:v31+s13+$0x0], $0xffff;
	v4 =	vadd.s32 v4, v6;
	vm14 =	veq.s32 v31, $0x3;
	v8 =	vsel vm10, $0x0, v8  }
0x12b: {  	vm10 =	vcmask $0x272C;
	v5 =	vadd.s32 v49, v5;
	v50 =	vsel vm8, $0x1, v30  }
0x12c: {  	vm8 =	vmand vm0, vm5;
	v53 =	vmpcnt.ones.xlane vm12;
	vm12 =	veq.s32 v31, $0x4  }
0x12d: {  	v4 =	vadd.s32 v8, v4;
	vm0 =	vcmask $0x2F34;
	v5 =	vadd.s32 v50, v5  }
0x12e: {  	v52 =	vsel vm8, $0x1, v30;
	v8 =	vmpcnt.ones.xlane vm12;
	vm12 =	veq.s32 v31, $0x6  }
0x12f: {  	v5 =	vadd.s32 v11, v5;
	v11 =	vmpcnt.ones.xlane vm14;
	v6 =	vsel vm2, $0x0, v53  }
0x130: {  	vm14 =	vcmask $0xB10;
	v57 =	vmpcnt.ones.xlane vm12;
	vm12 =	veq.s32 v31, $0x8  }
0x131: {  	vm2 =	vcmask $0x1B20;
	v55 =	vsel vm7, $0x0, v8;
	v8 =	vmpcnt.ones.xlane vm3  }
0x132: {  	v4 =	vadd.s32 v6, v4;
	v54 =	vsel vm14, $0x0, v11;
	vm14 =	vcmask $0x1318  }
0x133: {  	vm3 =	veq.s32 v31, $0x7;
	v56 =	vsel vm14, $0x0, v8;
	v8 =	vmpcnt.ones.xlane vm12  }
0x134: {  	v5 =	vadd.s32 v52, v5;
	vm7 =	vcmask $0x3338;
	v58 =	vmpcnt.ones.xlane vm3  }
0x135: {  	vm3 =	veq.s32 v31, $0xA;
	v4 =	vadd.s32 v54, v4;
	v36 =	vsel vm6, $0x0, v8;
	v8 =	vld [tilespmem:$0x1FC00]  }
0x136: {  	vm14 =	vcmask $0x171C;
	v38 =	vmpcnt.ones.xlane vm3;
	v4 =	vadd.s32 v55, v4  }
0x137: {  	vm12 =	veq.s32 v31, $0xC;
	v7 =	vsel vm14, $0x0, v57;
	v4 =	vadd.s32 v56, v4  }
0x138: {  	v6 =	vsel vm2, $0x0, v58;
	vm14 =	vcmask $0x2328;
	v4 =	vadd.s32 v7, v4  }
0x139: {  	v37 =	vsel vm14, $0x0, v59;
	vm14 =	veq.s32 v31, $0xB;
	v4 =	vadd.s32 v6, v4  }
0x13a: {  	[tilespmem:$0x1100] =	vst v5;
	v39 =	vmpcnt.ones.xlane vm14;
	v4 =	vadd.s32 v36, v4;
	vm2 =	vnez.u8 v8  }
0x13b: {  	vm14 =	veq.s32 v31, $0xD;
	v4 =	vadd.s32 v37, v4;
	[hbm4b:s1+s3] =	stream.indirect_vreg.scatter [tilespmem:s10], [sflag:$0x1], $0x80, v5, vm2, $0xb8;
	v5 =	vsel vm10, $0x0, v38;
	[tilespmem:$0x3200] =	vst v63  }
0x13c: {  	v4 =	vadd.s32 v5, v4;
	v5 =	vmpcnt.ones.xlane vm12;
	vm12 =	vcmask $0x2B30  }
0x13d: {  	v17 =	vld [tilespmem:$0x1FCE0];
	v8 =	vmpcnt.ones.xlane vm14;
	vm14 =	veq.s32 v31, $0xE;
	v6 =	vsel vm12, $0x0, v39  }
0x13e: {  	v43 =	vmpcnt.ones.xlane vm14;
	v4 =	vadd.s32 v6, v4;
	v5 =	vsel vm0, $0x0, v5  }
0x13f: {  	vm1 =	vcmask $0x373C;
	v40 =	vld [tilespmem:$0x1FCC0];
	v4 =	vadd.s32 v5, v4;
	v5 =	vsel vm7, $0x0, v8  }
0x140: {  	v11 =	vld [tilespmem:$0x1FCD0];
	v4 =	vadd.s32 v5, v4;
	v5 =	vsel vm1, $0x0, v43  }
0x141: {  	v4 =	vadd.s32 v5, v4;
	v5 =	vld [tilespmem:$0x1FCF0];
	_ =	sdelay $0x2  }
0x142: {  	v19 =	vld [tilespmem:$0x10]  }
0x143: {  	v17 =	vld.idx.msk [tilespmem:v17+s3+$0x0], $0xffff  }
0x144: {  	v49 =	vld [tilespmem:$0x1FD00]  }
0x145: {  	v7 =	vld.idx.msk [tilespmem:v40+s3+$0x0], $0xffff  }
0x146: {  	v11 =	vld.idx.msk [tilespmem:v11+s3+$0x0], $0xffff  }
0x147: {  	v5 =	vld.idx.msk [tilespmem:v5+s3+$0x0], $0xffff  }
0x148: {  	vm0 =	veq.s32 v17, v19;
	v17 =	vld [tilespmem:$0x1FD10]  }
0x149: {  	v18 =	vld [tilespmem:$0x1FD20];
	vm3 =	veq.s32 v31, $0xF  }
0x14a: {  	v48 =	vmpcnt.ones.xlane vm3;
	vm3 =	vcmask $0x3F04;
	vm10 =	veq.s32 v7, v19  }
0x14b: {  	v20 =	vld [tilespmem:$0x1FDB0];
	vm1 =	vmand vm10, vm3;
	vm10 =	veq.s32 v11, v19  }
0x14c: {  	vm12 =	vmand vm10, vm13;
	vm6 =	veq.s32 v5, v19;
	v5 =	vld [tilespmem:$0x1FD30]  }
0x14d: {  	v51 =	vld [tilespmem:$0x1FD50];
	v8 =	vsel vm1, $0x1, v30;
	vm1 =	vmand vm0, vm11;
	v11 =	vsel vm12, $0x1, v30  }
0x14e: {  	v7 =	vld.idx.msk [tilespmem:v49+s3+$0x0], $0xffff;
	v8 =	vadd.s32 v8, v11;
	v11 =	vsel vm1, $0x1, v30  }
0x14f: {  	v50 =	vadd.s32 v11, v8;
	v8 =	vld [tilespmem:$0x1FD60]  }
0x150: {  	v17 =	vld.idx.msk [tilespmem:v17+s3+$0x0], $0xffff  }
0x151: {  	v18 =	vld.idx.msk [tilespmem:v18+s3+$0x0], $0xffff  }
0x152: {  	vm8 =	vmmov $0x7fff;
	vm14 =	vcmask $0x3F1C  }
0x153: {  	v6 =	vsel vm8, $0x0, v48;
	vm7 =	vcmask $0x3F10;
	vm0 =	vcmask $0x1F10;
	v11 =	vld [tilespmem:$0x1FD40]  }
0x154: {  	v4 =	vadd.s32 v6, v4;
	vm10 =	veq.s32 v7, v19;
	v7 =	vsel vm0, v51, v8;
	v5 =	vld.idx.msk [tilespmem:v5+s3+$0x0], $0xffff  }
0x155: {  	v7 =	vcombine.low v20, v7;
	vm1 =	veq.s32 v17, v19;
	vm12 =	vmand vm6, vm7  }
0x156: {  	v17 =	vld [tilespmem:$0x1FD70];
	vm6 =	vcmask $0x3F14;
	vm7 =	veq.s32 v18, v19;
	v8 =	vsel vm12, $0x1, v30  }
0x157: {  	v20 =	vld [tilespmem:$0x1FD80];
	vm11 =	vmand vm10, vm6;
	vm10 =	vcmask $0x3F18;
	v6 =	vadd.s32 v8, v50  }
0x158: {  	v8 =	vsel vm11, $0x1, v30;
	vm12 =	vmand vm1, vm10;
	vm11 =	vmand vm7, vm14  }
0x159: {  	v6 =	vadd.s32 v8, v6;
	v8 =	vsel vm12, $0x1, v30;
	vm1 =	veq.s32 v5, v19;
	v5 =	vld [tilespmem:$0x1FD90]  }
0x15a: {  	v6 =	vadd.s32 v8, v6;
	v8 =	vsel vm11, $0x1, v30  }
0x15b: {  	v6 =	vadd.s32 v8, v6;
	v8 =	vld [tilespmem:$0x1FDA0]  }
0x15c: {  	v11 =	vld.idx.msk [tilespmem:v11+s3+$0x0], $0xffff;
	_ =	sdelay $0x1  }
0x15d: {  	v17 =	vld.idx.msk [tilespmem:v17+s3+$0x0], $0xffff  }
0x15e: {  	v20 =	vld.idx.msk [tilespmem:v20+s3+$0x0], $0xffff  }
0x15f: {  	vm11 =	vcmask $0x3F20  }
0x160: {  	v18 =	vadd.s32 $0x1F, v29;
	vm7 =	veq.s32 v11, v19;
	vm12 =	vmand vm1, vm11;
	v5 =	vld.idx.msk [tilespmem:v5+s3+$0x0], $0xffff  }
0x161: {  	vm13 =	vcmask $0x3F2C;
	vm1 =	vmand vm7, vm15;
	v11 =	vsel vm12, $0x1, v30  }
0x162: {  	v8 =	vld.idx.msk [tilespmem:v8+s3+$0x0], $0xffff;
	vm7 =	veq.s32 v17, v19;
	vm12 =	vcmask $0x3F28;
	v6 =	vadd.s32 v11, v6  }
0x163: {  	v7 =	vld.idx.msk [tilespmem:v7+s3+$0x0], $0xffff;
	v11 =	vsel vm1, $0x1, v30;
	vm1 =	vmand vm7, vm12;
	vm7 =	veq.s32 v20, v19  }
0x164: {  	v6 =	vadd.s32 v11, v6;
	v11 =	vsel vm1, $0x1, v30;
	vm12 =	vmand vm7, vm13  }
0x165: {  	v17 =	vld.idx.msk [tilespmem:v18+s3+$0x0], $0xffff;
	vm7 =	veq.s32 v5, v19;
	v5 =	vsel vm12, $0x1, v30;
	vm12 =	vcmask $0x3F30  }
0x166: {  	v6 =	vadd.s32 v11, v6;
	vm1 =	vmand vm7, vm12  }
0x167: {  	vm7 =	veq.s32 v8, v19;
	v8 =	vsel vm1, $0x1, v30;
	vm1 =	vcmask $0x3F34  }
0x168: {  	[tilespmem:$0x1080] =	vst v4;
	v5 =	vadd.s32 v5, v6;
	vm12 =	vmand vm7, vm1;
	vm7 =	veq.s32 v7, v19  }
0x169: {  	v11 =	vld.idx.msk [tilespmem:v19+s13+$0x0], $0xffff;
	v5 =	vadd.s32 v8, v5;
	vm9 =	vmand vm7, vm9  }
0x16a: {  	v52 =	vsel vm12, $0x1, v30;
	vm7 =	veq.s32 v17, v19;
	v17 =	vsel vm9, $0x1, v30  }
0x16b: {  	vm9 =	vmand vm7, vm5;
	vm5 =	veq.s32 v19, $0x0;
	v5 =	vadd.s32 v52, v5  }
0x16c: {  	vm7 =	veq.s32 v19, $0x1;
	v53 =	vsel vm9, $0x1, v30;
	v54 =	vmpcnt.ones.xlane vm5  }
0x16d: {  	v5 =	vadd.s32 v17, v5;
	v8 =	vmpcnt.ones.xlane vm7;
	vm9 =	veq.s32 v19, $0x2  }
0x16e: {  	vm13 =	vcmask $0x308;
	v5 =	vadd.s32 v11, v5;
	v11 =	vmpcnt.ones.xlane vm9  }
0x16f: {  	vm9 =	veq.s32 v19, $0x3;
	v7 =	vnsel vm4, $0x0, v54;
	v55 =	vsel vm13, $0x0, v8  }
0x170: {  	vm13 =	vcmask $0x70C;
	v8 =	vmpcnt.ones.xlane vm9;
	v5 =	vadd.s32 v53, v5  }
0x171: {  	vm9 =	veq.s32 v19, $0x4;
	v4 =	vadd.s32 v4, v7;
	v56 =	vsel vm13, $0x0, v11  }
0x172: {  	v49 =	vld [tilespmem:$0x1FDE0];
	vm13 =	vcmask $0xB10;
	v58 =	vmpcnt.ones.xlane vm9;
	vm9 =	veq.s32 v19, $0x5  }
0x173: {  	v4 =	vadd.s32 v55, v4;
	v57 =	vsel vm13, $0x0, v8;
	v8 =	vmpcnt.ones.xlane vm9  }
0x174: {  	vm9 =	veq.s32 v19, $0x8;
	vm13 =	vcmask $0xF14;
	v4 =	vadd.s32 v56, v4  }
0x175: {  	[tilespmem:$0x1110] =	vst v5;
	v7 =	vsel vm13, $0x0, v58;
	v20 =	vmpcnt.ones.xlane vm9;
	vm9 =	vcmask $0x2314  }
0x176: {  	v18 =	vld [tilespmem:$0x1FDD0];
	v4 =	vadd.s32 v57, v4;
	v22 =	vsel vm9, v34, v35;
	[hbm4b:s1+s3] =	stream.indirect_vreg.scatter [tilespmem:s16], [sflag:$0x1], $0x80, v5, vm2, $0xb8;
	vm2 =	vcmask $0x3324  }
0x177: {  	v4 =	vadd.s32 v7, v4;
	v7 =	vsel vm2, v49, v22;
	v22 =	vld [tilespmem:$0x1FDF0]  }
0x178: {  	v25 =	vld [tilespmem:$0x1FE10]  }
0x179: {  	v51 =	vld [tilespmem:$0x1FDC0]  }
0x17a: {  	v50 =	vld [tilespmem:$0x1FE30]  }
0x17b: {  	v11 =	vsel vm0, v32, v33  }
0x17c: {  	v18 =	vcombine.low v11, v18;
	v7 =	vsel vm1, v22, v7;
	v22 =	vsel vm0, v42, v41  }
0x17d: {  	v25 =	vcombine.low v22, v25  }
0x17e: {  	v36 =	vsel vm0, v45, v44  }
0x17f: {  	v39 =	vsel vm0, v51, v32;
	v38 =	vcombine.low v36, v50;
	vm5 =	veq.s32 v19, $0x6  }
0x180: {  	v52 =	vsel vm0, v33, v46;
	vm7 =	veq.s32 v19, $0x7;
	v17 =	vmpcnt.ones.xlane vm5  }
0x181: {  	v59 =	vmpcnt.ones.xlane vm7;
	vm5 =	veq.s32 v19, $0x9;
	vm13 =	vcmask $0x1318;
	v31 =	vld [tilespmem:$0x20]  }
0x182: {  	v21 =	vmpcnt.ones.xlane vm5;
	vm5 =	veq.s32 v19, $0xB;
	v8 =	vsel vm13, $0x0, v8;
	v18 =	vld.idx.msk [tilespmem:v18+s3+$0x0], $0xffff  }
0x183: {  	vm7 =	veq.s32 v19, $0xA;
	v24 =	vmpcnt.ones.xlane vm5;
	v4 =	vadd.s32 v8, v4;
	v8 =	vld.idx.msk [tilespmem:v25+s3+$0x0], $0xffff  }
0x184: {  	vm9 =	veq.s32 v19, $0xD;
	v5 =	vmpcnt.ones.xlane vm7;
	vm7 =	veq.s32 v19, $0xC;
	v25 =	vld [tilespmem:$0x1FE40]  }
0x185: {  	v37 =	vmpcnt.ones.xlane vm9;
	v27 =	vmpcnt.ones.xlane vm7;
	vm7 =	veq.s32 v19, $0xE  }
0x186: {  	v54 =	vld [tilespmem:$0x1FE70];
	vm9 =	veq.s32 v19, $0xF;
	v43 =	vmpcnt.ones.xlane vm7;
	vm7 =	vcmask $0x2310  }
0x187: {  	v19 =	vcombine.low v52, v39;
	vm5 =	veq.s32 v18, v31;
	v18 =	vsel vm7, v35, v47;
	v7 =	vld.idx.msk [tilespmem:v7+s3+$0x0], $0xffff  }
0x188: {  	v18 =	vsel vm2, v34, v18  }
0x189: {  	vm13 =	vcmask $0x171C;
	v18 =	vsel vm1, v25, v18;
	v25 =	vld [tilespmem:$0x1FE00]  }
0x18a: {  	v17 =	vsel vm13, $0x0, v17;
	v53 =	vmpcnt.ones.xlane vm9;
	vm9 =	veq.s32 v8, v31;
	v8 =	vld [tilespmem:$0x1FE60]  }
0x18b: {  	v40 =	vsel vm0, v41, v54;
	vm13 =	vcmask $0x3F10;
	v38 =	vld.idx.msk [tilespmem:v38+s3+$0x0], $0xffff;
	v4 =	vadd.s32 v17, v4  }
0x18c: {  	vm7 =	vcmask $0x3F08;
	vm12 =	vmand vm5, vm3;
	vm5 =	veq.s32 v7, v31  }
0x18d: {  	v17 =	vld.idx.msk [tilespmem:v19+s3+$0x0], $0xffff;
	v55 =	vsel vm12, $0x1, v30;
	vm12 =	vmand vm5, vm7;
	vm5 =	vcmask $0x1B20  }
0x18e: {  	vm7 =	vcmask $0x3F0C;
	v19 =	vsel vm12, $0x1, v30;
	v6 =	vsel vm5, $0x0, v59  }
0x18f: {  	v56 =	vld [tilespmem:$0x1FE20];
	vm12 =	vmand vm9, vm7;
	v25 =	vsel vm0, v25, v42;
	v8 =	vsel vm0, v46, v8  }
0x190: {  	vm9 =	veq.s32 v38, v31;
	v18 =	vld.idx.msk [tilespmem:v18+s3+$0x0], $0xffff;
	v25 =	vcombine.low v40, v25;
	v8 =	vcombine.low v8, v11  }
0x191: {  	v57 =	vld [tilespmem:$0x1FE90];
	v11 =	vsel vm12, $0x1, v30;
	vm12 =	vmand vm9, vm13;
	vm13 =	vcmask $0x1F24  }
0x192: {  	vm5 =	veq.s32 v17, v31;
	v4 =	vadd.s32 v6, v4;
	v17 =	vsel vm13, $0x0, v20  }
0x193: {  	v4 =	vadd.s32 v17, v4;
	v17 =	vld [tilespmem:$0x1FE80]  }
0x194: {  	vm9 =	vcmask $0x2328  }
0x195: {  	v58 =	vld [tilespmem:$0x1FEC0];
	vm7 =	veq.s32 v18, v31;
	v18 =	vsel vm9, $0x0, v21  }
0x196: {  	v7 =	vsel vm0, v56, v45;
	v40 =	vsel vm0, v44, v57;
	v4 =	vadd.s32 v18, v4;
	v18 =	vld [tilespmem:$0x1FEA0]  }
0x197: {  	v7 =	vcombine.low v40, v7;
	v59 =	vld.idx.msk [tilespmem:v25+s3+$0x0], $0xffff  }
0x198: {  	v25 =	vld [tilespmem:$0x1FE50];
	v17 =	vcombine.low v17, v22  }
0x199: {  	vm3 =	vcmask $0x272C  }
0x19a: {  	v5 =	vsel vm3, $0x0, v5;
	v40 =	vsel vm12, $0x1, v30;
	vm12 =	vmand vm5, vm6;
	v8 =	vld.idx.msk [tilespmem:v8+s3+$0x0], $0xffff  }
0x19b: {  	v38 =	vsel vm0, v47, v58;
	vm5 =	vcmask $0x2F34;
	v20 =	vsel vm12, $0x1, v30  }
0x19c: {  	vm12 =	vmand vm7, vm10;
	vm7 =	vcmask $0x2B30;
	v18 =	vcombine.low v18, v36  }
0x19d: {  	v4 =	vadd.s32 v5, v4;
	v5 =	vsel vm7, $0x0, v24;
	v7 =	vld.idx.msk [tilespmem:v7+s3+$0x0], $0xffff;
	v25 =	vcombine.low v38, v25  }
0x19e: {  	v21 =	vsel vm12, $0x1, v30;
	v4 =	vadd.s32 v5, v4;
	vm10 =	veq.s32 v59, v31;
	v5 =	vld.idx.msk [tilespmem:v17+s3+$0x0], $0xffff  }
0x19f: {  	vm12 =	vmand vm10, vm14;
	vm10 =	veq.s32 v8, v31;
	v8 =	vsel vm5, $0x0, v27;
	v17 =	vld [tilespmem:$0x1FED0]  }
0x1a0: {  	v50 =	vsel vm0, v35, v47;
	v4 =	vadd.s32 v8, v4;
	v8 =	vadd.s32 v55, v19;
	v19 =	vld [tilespmem:$0x1FEB0]  }
0x1a1: {  	vm2 =	vcmask $0x3F28;
	vm1 =	vcmask $0x3338;
	v8 =	vadd.s32 v11, v8  }
0x1a2: {  	v51 =	vsel vm1, $0x0, v37;
	vm6 =	veq.s32 v7, v31;
	v8 =	vadd.s32 v40, v8;
	v18 =	vld.idx.msk [tilespmem:v18+s3+$0x0], $0xffff  }
0x1a3: {  	vm14 =	vcmask $0x3F2C;
	v22 =	vsel vm12, $0x1, v30;
	v52 =	vadd.s32 v20, v8;
	v49 =	vld.idx.msk [tilespmem:v25+s3+$0x0], $0xffff  }
0x1a4: {  	vm12 =	vmand vm6, vm11;
	v6 =	vadd.s32 v21, v52;
	v7 =	vcombine.low v17, v50  }
0x1a5: {  	v17 =	vsel vm12, $0x1, v30;
	vm12 =	vmand vm10, vm15;
	v6 =	vadd.s32 v22, v6  }
0x1a6: {  	v4 =	vadd.s32 v51, v4;
	v22 =	vld [tilespmem:$0x1FEE0];
	v11 =	vsel vm12, $0x1, v30;
	v6 =	vadd.s32 v17, v6  }
0x1a7: {  	vm6 =	veq.s32 v5, v31;
	v5 =	vadd.s32 $0x2F, v29;
	v6 =	vadd.s32 v11, v6  }
0x1a8: {  	v19 =	vld.idx.msk [tilespmem:v19+s3+$0x0], $0xffff;
	vm10 =	veq.s32 v18, v31;
	v18 =	vsel vm8, $0x0, v53;
	vm11 =	veq.s32 v49, v31  }
0x1a9: {  	vm12 =	vmand vm11, vm2;
	vm11 =	vcmask $0x373C;
	vm2 =	vcmask $0x3F30  }
0x1aa: {  	v24 =	vsel vm12, $0x1, v30;
	vm12 =	vmand vm6, vm14;
	v7 =	vld.idx.msk [tilespmem:v7+s3+$0x0], $0xffff;
	v8 =	vsel vm11, $0x0, v43  }
0x1ab: {  	v22 =	vsel vm0, v22, v60;
	v20 =	vsel vm12, $0x1, v30;
	v4 =	vadd.s32 v8, v4  }
0x1ac: {  	vm12 =	vmand vm10, vm2;
	vm2 =	vcmask $0x3F34;
	v6 =	vadd.s32 v24, v6  }
0x1ad: {  	v5 =	vld.idx.msk [tilespmem:v5+s3+$0x0], $0xffff;
	v24 =	vsel vm0, v61, v15;
	v8 =	vsel vm12, $0x1, v30;
	vm10 =	veq.s32 v19, v31  }
0x1ae: {  	v4 =	vadd.s32 v18, v4;
	v6 =	vadd.s32 v20, v6;
	v22 =	vcombine.low v24, v22  }
0x1af: {  	vm12 =	vmand vm10, vm2;
	vm10 =	vcmask $0x3F38;
	vm6 =	veq.s32 v7, v31  }
0x1b0: {  	v6 =	vadd.s32 v8, v6;
	v11 =	vsel vm12, $0x1, v30;
	vm12 =	vmand vm6, vm10  }
0x1b1: {  	v6 =	vadd.s32 v11, v6;
	vm6 =	veq.s32 v31, $0x0;
	v53 =	vsel vm12, $0x1, v30  }
0x1b2: {  	v8 =	vmpcnt.ones.xlane vm6;
	vm6 =	veq.s32 v31, $0x1;
	vm12 =	veq.s32 v5, v31  }
0x1b3: {  	v11 =	vmpcnt.ones.xlane vm6;
	v5 =	vadd.s32 v53, v6;
	vm6 =	vcmask $0x3F3C  }
0x1b4: {  	vm12 =	vmand vm12, vm6;
	v54 =	vnsel vm4, $0x0, v8;
	vm4 =	vcmask $0x308  }
0x1b5: {  	v55 =	vsel vm12, $0x1, v30;
	v6 =	vadd.s32 v4, v54;
	vm12 =	veq.s32 v31, $0x2  }
0x1b6: {  	[tilespmem:$0x1080] =	vst v4;
	v4 =	vsel vm4, $0x0, v11;
	vm4 =	veq.s32 v31, $0x3;
	v8 =	vmpcnt.ones.xlane vm12  }
0x1b7: {  	v11 =	vld.idx.msk [tilespmem:v31+s13+$0x0], $0xffff;
	v56 =	vmpcnt.ones.xlane vm4;
	vm12 =	veq.s32 v31, $0x4;
	vm4 =	vcmask $0x70C  }
0x1b8: {  	v4 =	vadd.s32 v4, v6;
	v17 =	vmpcnt.ones.xlane vm12;
	v8 =	vsel vm4, $0x0, v8  }
0x1b9: {  	vm12 =	veq.s32 v31, $0x5;
	vm4 =	vcmask $0xB10;
	v4 =	vadd.s32 v8, v4  }
0x1ba: {  	v6 =	vsel vm4, $0x0, v56;
	v8 =	vmpcnt.ones.xlane vm12;
	vm12 =	vcmask $0xF14  }
0x1bb: {  	vm4 =	vcmask $0x1318;
	v4 =	vadd.s32 v6, v4;
	v57 =	vsel vm12, $0x0, v17  }
0x1bc: {  	vm12 =	veq.s32 v31, $0x6;
	v5 =	vadd.s32 v11, v5;
	v4 =	vadd.s32 v57, v4  }
0x1bd: {  	v58 =	vsel vm4, $0x0, v8;
	v8 =	vmpcnt.ones.xlane vm12;
	vm12 =	veq.s32 v31, $0x7  }
0x1be: {  	vm4 =	vcmask $0x171C;
	v5 =	vadd.s32 v55, v5;
	v4 =	vadd.s32 v58, v4  }
0x1bf: {  	v59 =	vsel vm4, $0x0, v8;
	v8 =	vmpcnt.ones.xlane vm12;
	vm4 =	veq.s32 v31, $0x8  }
0x1c0: {  	vm12 =	veq.s32 v31, $0x9;
	v36 =	vmpcnt.ones.xlane vm4;
	vm4 =	vcmask $0x1B20  }
0x1c1: {  	v18 =	vld [tilespmem:$0x1FF00];
	v4 =	vadd.s32 v59, v4;
	v11 =	vmpcnt.ones.xlane vm12;
	v8 =	vsel vm4, $0x0, v8  }
0x1c2: {  	vm4 =	veq.s32 v31, $0xA;
	v4 =	vadd.s32 v8, v4;
	v6 =	vsel vm13, $0x0, v36  }
0x1c3: {  	v8 =	vmpcnt.ones.xlane vm4;
	v37 =	vsel vm9, $0x0, v11;
	vm4 =	veq.s32 v31, $0xC  }
0x1c4: {  	v19 =	vld [tilespmem:$0x1FC00];
	vm9 =	veq.s32 v31, $0xB;
	vm13 =	vcmask $0x2314;
	v40 =	vmpcnt.ones.xlane vm4  }
0x1c5: {  	v17 =	vsel vm13, v62, v63;
	vm4 =	vcmask $0x3324;
	v38 =	vsel vm3, $0x0, v8  }
0x1c6: {  	v8 =	vmpcnt.ones.xlane vm9;
	vm9 =	veq.s32 v31, $0xD;
	v17 =	vsel vm4, v18, v17;
	v18 =	vld [tilespmem:$0x1FF10]  }
0x1c7: {  	v11 =	vld [tilespmem:$0x1FEF0];
	v4 =	vadd.s32 v6, v4;
	v43 =	vmpcnt.ones.xlane vm9;
	vm9 =	veq.s32 v31, $0xF  }
0x1c8: {  	v48 =	vld [tilespmem:$0x1FF30];
	vm13 =	vcmask $0x2310;
	v4 =	vadd.s32 v37, v4;
	v21 =	vmpcnt.ones.xlane vm9  }
0x1c9: {  	vm3 =	vnez.u8 v19;
	v24 =	vsel vm13, v63, v16;
	v4 =	vadd.s32 v38, v4  }
0x1ca: {  	v7 =	vsel vm5, $0x0, v40;
	v50 =	vsel vm8, $0x0, v21;
	v21 =	vsel vm4, v62, v24;
	v24 =	vld [tilespmem:$0x1FF80]  }
0x1cb: {  	v39 =	vsel vm7, $0x0, v8;
	v8 =	vsel vm0, v60, v61;
	v17 =	vsel vm2, v18, v17  }
0x1cc: {  	v25 =	vld [tilespmem:$0x1FF90];
	[tilespmem:$0x1120] =	vst v5;
	v11 =	vcombine.low v8, v11;
	v4 =	vadd.s32 v39, v4;
	v18 =	vsel vm0, v10, v9  }
0x1cd: {  	v20 =	vld [tilespmem:$0x1FF50];
	[hbm4b:s1+s3] =	stream.indirect_vreg.scatter [tilespmem:s17], [sflag:$0x1], $0x80, v5, vm3, $0xb8;
	v4 =	vadd.s32 v7, v4;
	v7 =	vcombine.low v18, v48  }
0x1ce: {  	v19 =	vld [tilespmem:$0x30]  }
0x1cf: {  	v21 =	vsel vm2, v24, v21;
	v24 =	vld [tilespmem:$0x1FF20]  }
0x1d0: {  	v17 =	vld.idx.msk [tilespmem:v17+s3+$0x0], $0xffff;
	_ =	sdelay $0x1  }
0x1d1: {  	v5 =	vsel vm0, v14, v12;
	vm7 =	veq.s32 v31, $0xE;
	v11 =	vld.idx.msk [tilespmem:v11+s3+$0x0], $0xffff  }
0x1d2: {  	v20 =	vcombine.low v5, v20;
	v6 =	vsel vm1, $0x0, v43;
	v49 =	vmpcnt.ones.xlane vm7;
	v7 =	vld.idx.msk [tilespmem:v7+s3+$0x0], $0xffff  }
0x1d3: {  	v25 =	vsel vm0, v9, v25;
	v4 =	vadd.s32 v6, v4;
	v52 =	vld.idx.msk [tilespmem:v21+s3+$0x0], $0xffff  }
0x1d4: {  	v6 =	vsel vm11, $0x0, v49;
	v24 =	vsel vm0, v24, v10;
	vm11 =	veq.s32 v17, v19;
	v17 =	vld [tilespmem:$0x1FF70]  }
0x1d5: {  	v24 =	vcombine.low v25, v24;
	v25 =	vld [tilespmem:$0x1FF40]  }
0x1d6: {  	vm9 =	vcmask $0x3F04;
	vm5 =	veq.s32 v11, v19;
	v21 =	vld [tilespmem:$0x1FF60]  }
0x1d7: {  	v27 =	vsel vm0, v12, v26;
	vm8 =	vmand vm5, vm9  }
0x1d8: {  	vm1 =	vcmask $0x3F08;
	vm4 =	vcmask $0x3F0C;
	v51 =	vld.idx.msk [tilespmem:v20+s3+$0x0], $0xffff;
	v20 =	vsel vm8, $0x1, v30  }
0x1d9: {  	vm5 =	vmand vm11, vm1;
	vm11 =	veq.s32 v7, v19;
	v17 =	vsel vm0, v15, v17  }
0x1da: {  	v25 =	vsel vm0, v25, v14;
	v8 =	vcombine.low v17, v8;
	v17 =	vsel vm0, v16, v23  }
0x1db: {  	v22 =	vld.idx.msk [tilespmem:v22+s3+$0x0], $0xffff;
	v17 =	vcombine.low v17, v21;
	v21 =	vsel vm5, $0x1, v30;
	vm5 =	vmand vm11, vm4  }
0x1dc: {  	v11 =	vcombine.low v27, v25;
	v25 =	vld [tilespmem:$0x1FFA0];
	v20 =	vadd.s32 v20, v21;
	v53 =	vsel vm5, $0x1, v30  }
0x1dd: {  	v4 =	vadd.s32 v6, v4;
	v6 =	vadd.s32 v53, v20;
	v20 =	vld [tilespmem:$0x1FFB0]  }
0x1de: {  	v55 =	vld [tilespmem:$0x1FFC0]  }
0x1df: {  	vm13 =	vcmask $0x3F10;
	v4 =	vadd.s32 v50, v4;
	vm11 =	veq.s32 v51, v19  }
0x1e0: {  	vm9 =	vcmask $0x3F28;
	vm4 =	veq.s32 v22, v19;
	v21 =	vld.idx.msk [tilespmem:v24+s3+$0x0], $0xffff;
	vm1 =	vmand vm11, vm13  }
0x1e1: {  	vm5 =	veq.s32 v52, v19;
	vm13 =	vcmask $0x3F14;
	v18 =	vcombine.low v25, v18  }
0x1e2: {  	vm8 =	vmand vm4, vm13;
	vm4 =	vcmask $0x3F18;
	v11 =	vld.idx.msk [tilespmem:v11+s3+$0x0], $0xffff;
	v5 =	vcombine.low v20, v5  }
0x1e3: {  	v22 =	vsel vm0, v63, v16;
	vm13 =	vcmask $0x3F20;
	vm5 =	vmand vm5, vm4;
	v54 =	vld.idx.msk [tilespmem:v8+s3+$0x0], $0xffff  }
0x1e4: {  	vm4 =	vcmask $0x3F1C;
	v8 =	vcombine.low v28, v22;
	v17 =	vld.idx.msk [tilespmem:v17+s3+$0x0], $0xffff;
	v20 =	vsel vm1, $0x1, v30  }
0x1e5: {  	vm11 =	veq.s32 v21, v19;
	v6 =	vadd.s32 v20, v6;
	v20 =	vsel vm8, $0x1, v30  }
0x1e6: {  	v7 =	vld.idx.msk [tilespmem:v55+s3+$0x0], $0xffff;
	v6 =	vadd.s32 v20, v6;
	v20 =	vsel vm5, $0x1, v30;
	vm5 =	vmand vm11, vm4  }
0x1e7: {  	v18 =	vld.idx.msk [tilespmem:v18+s3+$0x0], $0xffff;
	vm11 =	veq.s32 v11, v19;
	v11 =	vadd.s32 $0x3F, v29;
	v6 =	vadd.s32 v20, v6  }
0x1e8: {  	v20 =	vsel vm5, $0x1, v30;
	vm1 =	veq.s32 v54, v19;
	vm0 =	vmand vm11, vm13;
	v5 =	vld.idx.msk [tilespmem:v5+s3+$0x0], $0xffff  }
0x1e9: {  	v6 =	vadd.s32 v20, v6;
	vm8 =	vmand vm1, vm15;
	vm4 =	veq.s32 v17, v19  }
0x1ea: {  	v8 =	vld.idx.msk [tilespmem:v8+s3+$0x0], $0xffff;
	vm15 =	vcmask $0x3F30;
	v20 =	vsel vm0, $0x1, v30;
	v17 =	vsel vm8, $0x1, v30  }
0x1eb: {  	vm12 =	vmand vm4, vm9;
	vm4 =	veq.s32 v7, v19;
	v6 =	vadd.s32 v20, v6  }
0x1ec: {  	v6 =	vadd.s32 v17, v6;
	v17 =	vsel vm12, $0x1, v30;
	vm5 =	veq.s32 v18, v19;
	v11 =	vld.idx.msk [tilespmem:v11+s3+$0x0], $0xffff  }
0x1ed: {  	v6 =	vadd.s32 v17, v6;
	[tilespmem:$0x1080] =	vst v4;
	vm8 =	vmand vm5, vm14;
	vm11 =	veq.s32 v5, v19  }
0x1ee: {  	vm5 =	vmand vm4, vm2;
	v4 =	vsel vm8, $0x1, v30;
	v5 =	vld.idx.msk [tilespmem:v19+s13+$0x0], $0xffff;
	vm1 =	vmand vm11, vm15  }
0x1ef: {  	v4 =	vadd.s32 v4, v6;
	vm11 =	veq.s32 v8, v19;
	v56 =	vsel vm1, $0x1, v30  }
0x1f0: {  	v57 =	vsel vm5, $0x1, v30;
	vm14 =	vmand vm11, vm10;
	v4 =	vadd.s32 v56, v4  }
0x1f1: {  	vm15 =	veq.s32 v11, v19;
	v58 =	vsel vm14, $0x1, v30;
	v4 =	vadd.s32 v57, v4  }
0x1f2: {  	vm8 =	vmand vm15, vm6;
	v4 =	vadd.s32 v58, v4  }
0x1f3: {  	v59 =	vsel vm8, $0x1, v30;
	v4 =	vadd.s32 v5, v4  }
0x1f4: {  	v4 =	vadd.s32 v59, v4;
	_ =	sdelay $0x3  }
0x1f5: {  	[tilespmem:$0x1130] =	vst v4  }
0x1f6: {  	[hbm4b:s1+s3] =	stream.indirect_vreg.scatter [tilespmem:s18], [sflag:$0x1], $0x80, v4, vm3, $0xb8;
	[tilespmem:$0x3200] =	vst v63  }
0x1f7: {  	_ = 	snop  }
0x1f8: {  	[hbm4b:s6+s3] =	stream.linear.scatter [tilespmem:s19], [sflag:$0x2], $0x40, $0x38;
	[tilespmem:$0x3200] =	vst v63  }
0x1f9: {  	_ =	swait.ge [sflag:s11], $0x40  }
0x1fa: {  	[sflag:s11] =	ssyncset.done $0x0  }
0x1fb: {  	[sflag:s11] =	ssyncadd.s32 $0xFFFFFFC0  }
0x1fc: {  	_ =	swait.ge [sflag:s15], $0x800  }
0x1fd: {  	[sflag:s15] =	ssyncset.done $0x0  }
0x1fe: {  	[sflag:s15] =	ssyncadd.s32 $0xFFFFF800  }
0x1ff: {  	_ =	swait.ge [sflag:s15], $0x800  }
0x200: {  	[sflag:s15] =	ssyncset.done $0x0  }
0x201: {  	[sflag:s15] =	ssyncadd.s32 $0xFFFFF800  }
0x202: {  	p3 =	sne.s32 s9, $0x1;
	_ =	swait.ge [sflag:s15], $0x800  }
.Ltmp0:
0x203: {  	[sflag:s15] =	ssyncset.done $0x0;
	(pc) =	sbr.rel @p3 .LBB2_1-.Ltmp0, $4  }
0x204: {  	[sflag:s15] =	ssyncadd.s32 $0xFFFFF800  }
0x205: {  	_ =	swait.ge [sflag:s15], $0x800  }
0x206: {  	[sflag:s15] =	ssyncset.done $0x0  }
0x207: {  	s9 =	sadd.s32 $0xFFFFFFFF, s9;
	[sflag:s15] =	ssyncadd.s32 $0xFFFFF800  }
0x208: {  	_ =	sfence.sel $0x180000  }
0x209: {  	[bflag:$0x0] =	sbarrier.arrive $0xFFFF  }
0x20a: {  	p0 =	sne.s32 s2, $0x0;
	_ =	strace $0x9000004A  }
0x20b: {  	s0 =	sadd.s32 @!p0 $0x100000, s0;
	[bflag:$0x2] =	sbarrier.arrive $0xFFFF  }
0x20c: {  	[sflag:s0] =	ssyncadd.tile.s32 @!p0 $0x1;
	_ =	shalt  }
.Lfunc_end2:
_tile_overlayer_lowered:
.L_overlay_start_2:
0x20d: {  	(tag) =	ssettag $0x2  }
0x20e: {  	s0 =	rddreg [dreg:$0x0];
	s2 =	stileid.u32  }
0x20f: {  	s1 =	rddreg [dreg:$0x1];
	p0 =	sne.s32 s2, $0x0  }
0x210: {  	s3 =	rddreg [dreg:$0x2];
	[bflag:$0x3] =	sbarrier.arrive $0xFFFF;
	s2 =	simm.s32 @!p0 $0x1C02  }
0x211: {  	[timem:s3], [sflag:s2] =	dma.local @!p0 [hbm:s0], s1  }
0x212: {  	s0 =	simm.s32 @!p0 $0x2  }
0x213: {  	_ =	swait.ge @!p0 [sflag:s0], s1  }
0x214: {  	s1 =	ssub.s32 @!p0 $0x0, s1;
	[sflag:s0] =	ssyncset.done @!p0 $0x0  }
0x215: {  	[sflag:s0] =	ssyncadd.s32 @!p0 s1  }
0x216: {  	[bflag:$0x3] =	sbarrier.arrive $0xFFFF  }
0x217: {  	_ =	shalt  }

</sc_bundles>
